<compile_context>
chip_gen: v7x
topology: tpu7x:2x2x1
jax: 0.10.2.dev20260603
libtpu: 0.0.44.dev20260713+nightly
codegen_flags: <defaults>
</compile_context>

<pallas_src>
import functools

import jax
import jax.numpy as jnp
from jax import lax
from jax.experimental import pallas as pl
from jax.experimental.pallas import tpu as pltpu
from jax.experimental.pallas import tpu_sc as plsc

NC = 2
NS = 16
NW = NC * NS
LANES = 16

N = 256
GROUPS = N // LANES
NIDX = 8 * N
NSTREAM = 128
NDMA = NIDX // NSTREAM

DPAD = 32
DOUT = 28

CORNERS = [(dx, dy, dz) for dx in (0, 1) for dy in (0, 1) for dz in (0, 1)]


def _sc_body(RX, RY, RZ, CHUNKS, px_hbm, py_hbm, pz_hbm, links_hbm, data_hbm,
             out_hbm, px_v, py_v, pz_v, lidx_v, lvals_v, rows_v, w_v, outb_v,
             sem):
    wid = lax.axis_index("s") * NC + lax.axis_index("c")
    pw = CHUNKS * N

    def chunk_body(t, carry):
        base = wid * pw + t * N

        pltpu.sync_copy(px_hbm.at[pl.ds(base, N)], px_v)
        pltpu.sync_copy(py_hbm.at[pl.ds(base, N)], py_v)
        pltpu.sync_copy(pz_hbm.at[pl.ds(base, N)], pz_v)

        def grp_idx(i, c2):
            s = i * LANES
            fx = px_v[pl.ds(s, LANES)] * RX
            fy = py_v[pl.ds(s, LANES)] * RY
            fz = pz_v[pl.ds(s, LANES)] * RZ
            fx = jnp.minimum(jnp.maximum(fx, 0.0), RX)
            fy = jnp.minimum(jnp.maximum(fy, 0.0), RY)
            fz = jnp.minimum(jnp.maximum(fz, 0.0), RZ)
            lx = jnp.minimum(fx.astype(jnp.int32), int(RX) - 1)
            ly = jnp.minimum(fy.astype(jnp.int32), int(RY) - 1)
            lz = jnp.minimum(fz.astype(jnp.int32), int(RZ) - 1)
            wx = fx - lx.astype(jnp.float32)
            wy = fy - ly.astype(jnp.float32)
            wz = fz - lz.astype(jnp.float32)
            b3 = lx * ((int(RY) + 1) * (int(RZ) + 1)) \
                + ly * (int(RZ) + 1) + lz
            wx0 = 1.0 - wx
            wy0 = 1.0 - wy
            wz0 = 1.0 - wz
            for c, (dx, dy, dz) in enumerate(CORNERS):
                off = dx * ((int(RY) + 1) * (int(RZ) + 1)) \
                    + dy * (int(RZ) + 1) + dz
                lidx_v[pl.ds(c * N + s, LANES)] = b3 + off
                wprod = (wx if dx else wx0) * (wy if dy else wy0) \
                    * (wz if dz else wz0)
                w_v[pl.ds(c * N + s, LANES)] = wprod
            return c2

        lax.fori_loop(0, GROUPS, grp_idx, 0)

        cps = [
            pltpu.async_copy(
                links_hbm.at[lidx_v.at[pl.ds(r * NSTREAM, NSTREAM)]],
                lvals_v.at[pl.ds(r * NSTREAM, NSTREAM)], sem)
            for r in range(NDMA)
        ]
        for cp in cps:
            cp.wait()

        cps = [
            pltpu.async_copy(
                data_hbm.at[lvals_v.at[pl.ds(r * NSTREAM, NSTREAM)]],
                rows_v.at[pl.ds(r * NSTREAM, NSTREAM), :], sem)
            for r in range(NDMA)
        ]
        for cp in cps:
            cp.wait()

        def grp_acc(i, c2):
            s = i * LANES
            wvecs = [w_v[pl.ds(c * N + s, LANES)] for c in range(8)]
            for kk in range(LANES):
                k = s + kk
                acc0 = jnp.zeros((LANES,), jnp.float32)
                acc1 = jnp.zeros((LANES,), jnp.float32)
                for c in range(8):
                    ws = wvecs[c][kk]
                    acc0 = acc0 + ws * rows_v[c * N + k, pl.ds(0, LANES)]
                    acc1 = acc1 + ws * rows_v[c * N + k,
                                              pl.ds(DOUT - LANES, LANES)]
                outb_v[k, pl.ds(0, LANES)] = acc0
                outb_v[k, pl.ds(DOUT - LANES, LANES)] = acc1
            return c2

        lax.fori_loop(0, GROUPS, grp_acc, 0)

        pltpu.sync_copy(outb_v, out_hbm.at[pl.ds(base, N)])
        return carry

    lax.fori_loop(0, CHUNKS, chunk_body, 0)


def kernel(points, links, density_data, sh_data):
    B = points.shape[0]
    M = density_data.shape[0]
    rx, ry, rz = links.shape
    chunks = B // (NW * N)

    px = points[:, 0]
    py = points[:, 1]
    pz = points[:, 2]
    links_flat = links.reshape(-1)
    data = jnp.concatenate(
        [density_data, sh_data,
         jnp.zeros((M, DPAD - 1 - sh_data.shape[1]), jnp.float32)], axis=1)

    mesh = plsc.VectorSubcoreMesh(
        core_axis_name="c", subcore_axis_name="s",
        num_cores=NC, num_subcores=NS)
    body = functools.partial(
        _sc_body, float(rx - 1), float(ry - 1), float(rz - 1), chunks)
    f = pl.kernel(
        body,
        out_type=jax.ShapeDtypeStruct((B, DOUT), jnp.float32),
        mesh=mesh,
        compiler_params=pltpu.CompilerParams(use_tc_tiling_on_sc=False),
        scratch_types=[
            pltpu.VMEM((N,), jnp.float32),
            pltpu.VMEM((N,), jnp.float32),
            pltpu.VMEM((N,), jnp.float32),
            pltpu.VMEM((NIDX,), jnp.int32),
            pltpu.VMEM((NIDX,), jnp.int32),
            pltpu.VMEM((NIDX, DPAD), jnp.float32),
            pltpu.VMEM((NIDX,), jnp.float32),
            pltpu.VMEM((N, DOUT), jnp.float32),
            pltpu.SemaphoreType.DMA,
        ],
    )
    return f(px, py, pz, links_flat, data)

# --- scband reference (transcript-rebuilt; emitter-appended) ---
"""Pipeline reference for scband-sparse-grid-58935541236550 (READ-ONLY COPY).

The authoritative reference and input builder live on the scoring server;
editing this copy changes nothing except your own understanding.
"""

import jax, jax.numpy as jnp
import numpy as np


def _trilerp(points, links, density_data, sh_data):
    # Faithful jax translation of SparseGrid sample / _SampleGridAutogradFunction forward:
    # trilinear interpolation of sparse voxel data addressed through an int link grid.
    reso_f = jnp.asarray(links.shape, dtype=jnp.float32)
    reso_i = jnp.asarray(links.shape, dtype=jnp.int32)
    p = points * (reso_f - 1.0)
    p = jnp.clip(p, 0.0, reso_f - 1.0)
    l = jnp.floor(p).astype(jnp.int32)
    l = jnp.minimum(l, reso_i - 2)
    w = p - l.astype(jnp.float32)
    data = jnp.concatenate([density_data, sh_data], axis=1)  # [M, 1+27]
    lx, ly, lz = l[:, 0], l[:, 1], l[:, 2]
    wx, wy, wz = w[:, 0:1], w[:, 1:2], w[:, 2:3]
    out = jnp.zeros((points.shape[0], data.shape[1]), dtype=data.dtype)
    for dx in (0, 1):
        fx = wx if dx == 1 else (1.0 - wx)
        for dy in (0, 1):
            fy = wy if dy == 1 else (1.0 - wy)
            for dz in (0, 1):
                fz = wz if dz == 1 else (1.0 - wz)
                idx = links[lx + dx, ly + dy, lz + dz]
                valid = (idx >= 0)[:, None]
                vals = jnp.take(data, jnp.maximum(idx, 0), axis=0)
                out = out + (fx * fy * fz) * jnp.where(valid, vals, 0.0)
    return out  # [B, 28]: col 0 = density, cols 1..27 = SH coeffs


def setup_inputs(seed: int = 0) -> dict:
    key = jax.random.key(seed)
    k1, k2, k3, k4 = jax.random.split(key, 4)
    B = 1048576
    M = 1000000
    reso = (256, 256, 256)
    points = jax.random.uniform(k1, (B, 3), dtype=jnp.float32)
    links = jax.random.randint(k2, reso, 0, M, dtype=jnp.int32)
    density_data = jax.random.normal(k3, (M, 1), dtype=jnp.float32)
    sh_data = jax.random.normal(k4, (M, 27), dtype=jnp.float32) * 0.1
    return {"points": points, "links": links, "density_data": density_data, "sh_data": sh_data}


def reference(points, links, density_data, sh_data):
    return _trilerp(points, links, density_data, sh_data)

if __name__ == "__main__":
    import jax
    _d = setup_inputs()
    print(jax.jit(kernel)(*tuple(_d.values())))

</pallas_src>

<mosaic_0001>
#map = affine_map<(d0, d1) -> (0)>
#map1 = affine_map<(d0, d1) -> (0, 0)>
module attributes {stable_mosaic.version = 14 : i64} {
  func.func @_sc_body(%arg0: i32, %arg1: i32, %arg2: memref<1048576xf32, #tpu.memory_space<hbm>>, %arg3: memref<1048576xf32, #tpu.memory_space<hbm>>, %arg4: memref<1048576xf32, #tpu.memory_space<hbm>>, %arg5: memref<16777216xi32, #tpu.memory_space<hbm>>, %arg6: memref<1000000x32xf32, #tpu.memory_space<hbm>>, %arg7: memref<1048576x28xf32, #tpu.memory_space<hbm>>, %arg8: memref<256xf32, #tpu.memory_space<vmem>>, %arg9: memref<256xf32, #tpu.memory_space<vmem>>, %arg10: memref<256xf32, #tpu.memory_space<vmem>>, %arg11: memref<2048xi32, #tpu.memory_space<vmem>>, %arg12: memref<2048xi32, #tpu.memory_space<vmem>>, %arg13: memref<2048x32xf32, #tpu.memory_space<vmem>>, %arg14: memref<2048xf32, #tpu.memory_space<vmem>>, %arg15: memref<256x28xf32, #tpu.memory_space<vmem>>, %arg16: memref<!tpu.dma_semaphore, #tpu.memory_space<semaphore_mem>>) attributes {dimension_semantics = [#tpu.dimension_semantics<core_parallel>, #tpu.dimension_semantics<subcore_parallel>], iteration_bounds = array<i64: 2, 16>, scalar_prefetch = 0 : i64, scratch_operands = 9 : i64, tpu.core_type = #tpu.core_type<sc_vector_subcore>, window_params = [{transform_indices = #map}, {transform_indices = #map}, {transform_indices = #map}, {transform_indices = #map}, {transform_indices = #map1}, {transform_indices = #map1}]} {
    %mul3A = arith.constant 2 : i32
    %mul3A_0 = arith.muli %arg1, %mul3A : i32
    %add3A = arith.addi %mul3A_0, %arg0 : i32
    %scan3A = arith.constant 0 : i32
    %scan3A_1 = arith.constant 0 : i32
    %scan3A_2 = arith.constant 128 : i32
    %scan3A_3 = arith.addi %scan3A_1, %scan3A_2 : i32
    %scan3A_4 = arith.constant 1 : i32
    scf.for %scan3A_6 = %scan3A_1 to %scan3A_3 step %scan3A_4  : i32 {
      %mul3A_7 = arith.constant 32768 : i32
      %mul3A_8 = arith.muli %add3A, %mul3A_7 : i32
      %mul3A_9 = arith.constant 256 : i32
      %mul3A_10 = arith.muli %scan3A_6, %mul3A_9 : i32
      %add3A_11 = arith.addi %mul3A_8, %mul3A_10 : i32
      "tpu.region"() ({
        %run_scoped3A = tpu.sem_alloc : memref<!tpu.dma_semaphore, #tpu.memory_space<semaphore_mem>>
        %dma_start3A_470 = tpu.memref_slice %arg2[%add3A_11] : memref<1048576xf32, #tpu.memory_space<hbm>> -> memref<256xf32, #tpu.memory_space<hbm>>
        %dma_start3A_471 = tpu.memref_slice %arg2[%add3A_11] : memref<1048576xf32, #tpu.memory_space<hbm>> -> memref<256xf32, #tpu.memory_space<hbm>>
        tpu.enqueue_dma source(%dma_start3A_471 : memref<256xf32, #tpu.memory_space<hbm>>) target(%arg8 : memref<256xf32, #tpu.memory_space<vmem>>) target_semaphore(%run_scoped3A : memref<!tpu.dma_semaphore, #tpu.memory_space<semaphore_mem>>)
        %dma_wait3A_472 = tpu.memref_slice %arg2[%add3A_11] : memref<1048576xf32, #tpu.memory_space<hbm>> -> memref<256xf32, #tpu.memory_space<hbm>>
        %dma_wait3A_473 = tpu.memref_slice %arg2[%add3A_11] : memref<1048576xf32, #tpu.memory_space<hbm>> -> memref<256xf32, #tpu.memory_space<hbm>>
        tpu.wait_dma2 semaphore(%run_scoped3A : memref<!tpu.dma_semaphore, #tpu.memory_space<semaphore_mem>>) src(%dma_wait3A_473 : memref<256xf32, #tpu.memory_space<hbm>>) dst(%arg8 : memref<256xf32, #tpu.memory_space<vmem>>)
        tpu.yield
      }) : () -> ()
      "tpu.region"() ({
        %run_scoped3A = tpu.sem_alloc : memref<!tpu.dma_semaphore, #tpu.memory_space<semaphore_mem>>
        %dma_start3A_470 = tpu.memref_slice %arg3[%add3A_11] : memref<1048576xf32, #tpu.memory_space<hbm>> -> memref<256xf32, #tpu.memory_space<hbm>>
        %dma_start3A_471 = tpu.memref_slice %arg3[%add3A_11] : memref<1048576xf32, #tpu.memory_space<hbm>> -> memref<256xf32, #tpu.memory_space<hbm>>
        tpu.enqueue_dma source(%dma_start3A_471 : memref<256xf32, #tpu.memory_space<hbm>>) target(%arg9 : memref<256xf32, #tpu.memory_space<vmem>>) target_semaphore(%run_scoped3A : memref<!tpu.dma_semaphore, #tpu.memory_space<semaphore_mem>>)
        %dma_wait3A_472 = tpu.memref_slice %arg3[%add3A_11] : memref<1048576xf32, #tpu.memory_space<hbm>> -> memref<256xf32, #tpu.memory_space<hbm>>
        %dma_wait3A_473 = tpu.memref_slice %arg3[%add3A_11] : memref<1048576xf32, #tpu.memory_space<hbm>> -> memref<256xf32, #tpu.memory_space<hbm>>
        tpu.wait_dma2 semaphore(%run_scoped3A : memref<!tpu.dma_semaphore, #tpu.memory_space<semaphore_mem>>) src(%dma_wait3A_473 : memref<256xf32, #tpu.memory_space<hbm>>) dst(%arg9 : memref<256xf32, #tpu.memory_space<vmem>>)
        tpu.yield
      }) : () -> ()
      "tpu.region"() ({
        %run_scoped3A = tpu.sem_alloc : memref<!tpu.dma_semaphore, #tpu.memory_space<semaphore_mem>>
        %dma_start3A_470 = tpu.memref_slice %arg4[%add3A_11] : memref<1048576xf32, #tpu.memory_space<hbm>> -> memref<256xf32, #tpu.memory_space<hbm>>
        %dma_start3A_471 = tpu.memref_slice %arg4[%add3A_11] : memref<1048576xf32, #tpu.memory_space<hbm>> -> memref<256xf32, #tpu.memory_space<hbm>>
        tpu.enqueue_dma source(%dma_start3A_471 : memref<256xf32, #tpu.memory_space<hbm>>) target(%arg10 : memref<256xf32, #tpu.memory_space<vmem>>) target_semaphore(%run_scoped3A : memref<!tpu.dma_semaphore, #tpu.memory_space<semaphore_mem>>)
        %dma_wait3A_472 = tpu.memref_slice %arg4[%add3A_11] : memref<1048576xf32, #tpu.memory_space<hbm>> -> memref<256xf32, #tpu.memory_space<hbm>>
        %dma_wait3A_473 = tpu.memref_slice %arg4[%add3A_11] : memref<1048576xf32, #tpu.memory_space<hbm>> -> memref<256xf32, #tpu.memory_space<hbm>>
        tpu.wait_dma2 semaphore(%run_scoped3A : memref<!tpu.dma_semaphore, #tpu.memory_space<semaphore_mem>>) src(%dma_wait3A_473 : memref<256xf32, #tpu.memory_space<hbm>>) dst(%arg10 : memref<256xf32, #tpu.memory_space<vmem>>)
        tpu.yield
      }) : () -> ()
      %scan3A_12 = arith.constant 0 : i32
      %scan3A_13 = arith.constant 0 : i32
      %scan3A_14 = arith.constant 16 : i32
      %scan3A_15 = arith.addi %scan3A_13, %scan3A_14 : i32
      %scan3A_16 = arith.constant 1 : i32
      scf.for %scan3A_470 = %scan3A_13 to %scan3A_15 step %scan3A_16  : i32 {
        %mul3A_471 = arith.constant 16 : i32
        %mul3A_472 = arith.muli %scan3A_470, %mul3A_471 : i32
        %get3A = arith.index_cast %mul3A_472 : i32 to index
        %get3A_473 = tpu.vector_load %arg8[%get3A] {strides = array<i32>} : memref<256xf32, #tpu.memory_space<vmem>>, vector<16xf32>,
        %get3A_474 = vector.shape_cast %get3A_473 : vector<16xf32> to vector<16xf32>
        %mul3A_475 = arith.constant 2.550000e+02 : f32
        %mul3A_476 = vector.broadcast %mul3A_475 : f32 to vector<16xf32>
        %mul3A_477 = arith.mulf %get3A_474, %mul3A_476 : vector<16xf32>
        %get3A_478 = arith.index_cast %mul3A_472 : i32 to index
        %get3A_479 = tpu.vector_load %arg9[%get3A_478] {strides = array<i32>} : memref<256xf32, #tpu.memory_space<vmem>>, vector<16xf32>,
        %get3A_480 = vector.shape_cast %get3A_479 : vector<16xf32> to vector<16xf32>
        %mul3A_481 = arith.constant 2.550000e+02 : f32
        %mul3A_482 = vector.broadcast %mul3A_481 : f32 to vector<16xf32>
        %mul3A_483 = arith.mulf %get3A_480, %mul3A_482 : vector<16xf32>
        %get3A_484 = arith.index_cast %mul3A_472 : i32 to index
        %get3A_485 = tpu.vector_load %arg10[%get3A_484] {strides = array<i32>} : memref<256xf32, #tpu.memory_space<vmem>>, vector<16xf32>,
        %get3A_486 = vector.shape_cast %get3A_485 : vector<16xf32> to vector<16xf32>
        %mul3A_487 = arith.constant 2.550000e+02 : f32
        %mul3A_488 = vector.broadcast %mul3A_487 : f32 to vector<16xf32>
        %mul3A_489 = arith.mulf %get3A_486, %mul3A_488 : vector<16xf32>
        %max3A = arith.constant 0.000000e+00 : f32
        %max3A_490 = vector.broadcast %max3A : f32 to vector<16xf32>
        %max3A_491 = arith.maximumf %mul3A_477, %max3A_490 : vector<16xf32>
        %min3A = arith.constant 2.550000e+02 : f32
        %min3A_492 = vector.broadcast %min3A : f32 to vector<16xf32>
        %min3A_493 = arith.minimumf %max3A_491, %min3A_492 : vector<16xf32>
        %max3A_494 = arith.constant 0.000000e+00 : f32
        %max3A_495 = vector.broadcast %max3A_494 : f32 to vector<16xf32>
        %max3A_496 = arith.maximumf %mul3A_483, %max3A_495 : vector<16xf32>
        %min3A_497 = arith.constant 2.550000e+02 : f32
        %min3A_498 = vector.broadcast %min3A_497 : f32 to vector<16xf32>
        %min3A_499 = arith.minimumf %max3A_496, %min3A_498 : vector<16xf32>
        %max3A_500 = arith.constant 0.000000e+00 : f32
        %max3A_501 = vector.broadcast %max3A_500 : f32 to vector<16xf32>
        %max3A_502 = arith.maximumf %mul3A_489, %max3A_501 : vector<16xf32>
        %min3A_503 = arith.constant 2.550000e+02 : f32
        %min3A_504 = vector.broadcast %min3A_503 : f32 to vector<16xf32>
        %min3A_505 = arith.minimumf %max3A_502, %min3A_504 : vector<16xf32>
        %convert_element_type3A = arith.fptosi %min3A_493 : vector<16xf32> to vector<16xi32>
        %min3A_506 = arith.constant 254 : i32
        %min3A_507 = vector.broadcast %min3A_506 : i32 to vector<16xi32>
        %min3A_508 = arith.minsi %convert_element_type3A, %min3A_507 : vector<16xi32>
        %convert_element_type3A_509 = arith.fptosi %min3A_499 : vector<16xf32> to vector<16xi32>
        %min3A_510 = arith.constant 254 : i32
        %min3A_511 = vector.broadcast %min3A_510 : i32 to vector<16xi32>
        %min3A_512 = arith.minsi %convert_element_type3A_509, %min3A_511 : vector<16xi32>
        %convert_element_type3A_513 = arith.fptosi %min3A_505 : vector<16xf32> to vector<16xi32>
        %min3A_514 = arith.constant 254 : i32
        %min3A_515 = vector.broadcast %min3A_514 : i32 to vector<16xi32>
        %min3A_516 = arith.minsi %convert_element_type3A_513, %min3A_515 : vector<16xi32>
        %convert_element_type3A_517 = arith.sitofp %min3A_508 : vector<16xi32> to vector<16xf32>
        %sub3A = arith.subf %min3A_493, %convert_element_type3A_517 : vector<16xf32>
        %convert_element_type3A_518 = arith.sitofp %min3A_512 : vector<16xi32> to vector<16xf32>
        %sub3A_519 = arith.subf %min3A_499, %convert_element_type3A_518 : vector<16xf32>
        %convert_element_type3A_520 = arith.sitofp %min3A_516 : vector<16xi32> to vector<16xf32>
        %sub3A_521 = arith.subf %min3A_505, %convert_element_type3A_520 : vector<16xf32>
        %mul3A_522 = arith.constant 65536 : i32
        %mul3A_523 = vector.broadcast %mul3A_522 : i32 to vector<16xi32>
        %mul3A_524 = arith.muli %min3A_508, %mul3A_523 : vector<16xi32>
        %mul3A_525 = arith.constant 256 : i32
        %mul3A_526 = vector.broadcast %mul3A_525 : i32 to vector<16xi32>
        %mul3A_527 = arith.muli %min3A_512, %mul3A_526 : vector<16xi32>
        %add3A_528 = arith.addi %mul3A_524, %mul3A_527 : vector<16xi32>
        %add3A_529 = arith.addi %add3A_528, %min3A_516 : vector<16xi32>
        %sub3A_530 = arith.constant 1.000000e+00 : f32
        %sub3A_531 = vector.broadcast %sub3A_530 : f32 to vector<16xf32>
        %sub3A_532 = arith.subf %sub3A_531, %sub3A : vector<16xf32>
        %sub3A_533 = arith.constant 1.000000e+00 : f32
        %sub3A_534 = vector.broadcast %sub3A_533 : f32 to vector<16xf32>
        %sub3A_535 = arith.subf %sub3A_534, %sub3A_519 : vector<16xf32>
        %sub3A_536 = arith.constant 1.000000e+00 : f32
        %sub3A_537 = vector.broadcast %sub3A_536 : f32 to vector<16xf32>
        %sub3A_538 = arith.subf %sub3A_537, %sub3A_521 : vector<16xf32>
        %add3A_539 = arith.constant 0 : i32
        %add3A_540 = vector.broadcast %add3A_539 : i32 to vector<16xi32>
        %add3A_541 = arith.addi %add3A_529, %add3A_540 : vector<16xi32>
        %add3A_542 = arith.constant 0 : i32
        %add3A_543 = arith.addi %add3A_542, %mul3A_472 : i32
        %swap3A = arith.index_cast %add3A_543 : i32 to index
        %swap3A_544 = tpu.vector_load %arg11[%swap3A] {strides = array<i32>} : memref<2048xi32, #tpu.memory_space<vmem>>, vector<16xi32>,
        %swap3A_545 = vector.shape_cast %swap3A_544 : vector<16xi32> to vector<16xi32>
        %swap3A_546 = vector.shape_cast %add3A_541 : vector<16xi32> to vector<16xi32>
        tpu.vector_store %arg11[%swap3A], %swap3A_546 {strides = array<i32>} : memref<2048xi32, #tpu.memory_space<vmem>>, vector<16xi32>,
        %mul3A_547 = arith.mulf %sub3A_532, %sub3A_535 : vector<16xf32>
        %mul3A_548 = arith.mulf %mul3A_547, %sub3A_538 : vector<16xf32>
        %add3A_549 = arith.constant 0 : i32
        %add3A_550 = arith.addi %add3A_549, %mul3A_472 : i32
        %swap3A_551 = arith.index_cast %add3A_550 : i32 to index
        %swap3A_552 = tpu.vector_load %arg14[%swap3A_551] {strides = array<i32>} : memref<2048xf32, #tpu.memory_space<vmem>>, vector<16xf32>,
        %swap3A_553 = vector.shape_cast %swap3A_552 : vector<16xf32> to vector<16xf32>
        %swap3A_554 = vector.shape_cast %mul3A_548 : vector<16xf32> to vector<16xf32>
        tpu.vector_store %arg14[%swap3A_551], %swap3A_554 {strides = array<i32>} : memref<2048xf32, #tpu.memory_space<vmem>>, vector<16xf32>,
        %add3A_555 = arith.constant 1 : i32
        %add3A_556 = vector.broadcast %add3A_555 : i32 to vector<16xi32>
        %add3A_557 = arith.addi %add3A_529, %add3A_556 : vector<16xi32>
        %add3A_558 = arith.constant 256 : i32
        %add3A_559 = arith.addi %add3A_558, %mul3A_472 : i32
        %swap3A_560 = arith.index_cast %add3A_559 : i32 to index
        %swap3A_561 = tpu.vector_load %arg11[%swap3A_560] {strides = array<i32>} : memref<2048xi32, #tpu.memory_space<vmem>>, vector<16xi32>,
        %swap3A_562 = vector.shape_cast %swap3A_561 : vector<16xi32> to vector<16xi32>
        %swap3A_563 = vector.shape_cast %add3A_557 : vector<16xi32> to vector<16xi32>
        tpu.vector_store %arg11[%swap3A_560], %swap3A_563 {strides = array<i32>} : memref<2048xi32, #tpu.memory_space<vmem>>, vector<16xi32>,
        %mul3A_564 = arith.mulf %sub3A_532, %sub3A_535 : vector<16xf32>
        %mul3A_565 = arith.mulf %mul3A_564, %sub3A_521 : vector<16xf32>
        %add3A_566 = arith.constant 256 : i32
        %add3A_567 = arith.addi %add3A_566, %mul3A_472 : i32
        %swap3A_568 = arith.index_cast %add3A_567 : i32 to index
        %swap3A_569 = tpu.vector_load %arg14[%swap3A_568] {strides = array<i32>} : memref<2048xf32, #tpu.memory_space<vmem>>, vector<16xf32>,
        %swap3A_570 = vector.shape_cast %swap3A_569 : vector<16xf32> to vector<16xf32>
        %swap3A_571 = vector.shape_cast %mul3A_565 : vector<16xf32> to vector<16xf32>
        tpu.vector_store %arg14[%swap3A_568], %swap3A_571 {strides = array<i32>} : memref<2048xf32, #tpu.memory_space<vmem>>, vector<16xf32>,
        %add3A_572 = arith.constant 256 : i32
        %add3A_573 = vector.broadcast %add3A_572 : i32 to vector<16xi32>
        %add3A_574 = arith.addi %add3A_529, %add3A_573 : vector<16xi32>
        %add3A_575 = arith.constant 512 : i32
        %add3A_576 = arith.addi %add3A_575, %mul3A_472 : i32
        %swap3A_577 = arith.index_cast %add3A_576 : i32 to index
        %swap3A_578 = tpu.vector_load %arg11[%swap3A_577] {strides = array<i32>} : memref<2048xi32, #tpu.memory_space<vmem>>, vector<16xi32>,
        %swap3A_579 = vector.shape_cast %swap3A_578 : vector<16xi32> to vector<16xi32>
        %swap3A_580 = vector.shape_cast %add3A_574 : vector<16xi32> to vector<16xi32>
        tpu.vector_store %arg11[%swap3A_577], %swap3A_580 {strides = array<i32>} : memref<2048xi32, #tpu.memory_space<vmem>>, vector<16xi32>,
        %mul3A_581 = arith.mulf %sub3A_532, %sub3A_519 : vector<16xf32>
        %mul3A_582 = arith.mulf %mul3A_581, %sub3A_538 : vector<16xf32>
        %add3A_583 = arith.constant 512 : i32
        %add3A_584 = arith.addi %add3A_583, %mul3A_472 : i32
        %swap3A_585 = arith.index_cast %add3A_584 : i32 to index
        %swap3A_586 = tpu.vector_load %arg14[%swap3A_585] {strides = array<i32>} : memref<2048xf32, #tpu.memory_space<vmem>>, vector<16xf32>,
        %swap3A_587 = vector.shape_cast %swap3A_586 : vector<16xf32> to vector<16xf32>
        %swap3A_588 = vector.shape_cast %mul3A_582 : vector<16xf32> to vector<16xf32>
        tpu.vector_store %arg14[%swap3A_585], %swap3A_588 {strides = array<i32>} : memref<2048xf32, #tpu.memory_space<vmem>>, vector<16xf32>,
        %add3A_589 = arith.constant 257 : i32
        %add3A_590 = vector.broadcast %add3A_589 : i32 to vector<16xi32>
        %add3A_591 = arith.addi %add3A_529, %add3A_590 : vector<16xi32>
        %add3A_592 = arith.constant 768 : i32
        %add3A_593 = arith.addi %add3A_592, %mul3A_472 : i32
        %swap3A_594 = arith.index_cast %add3A_593 : i32 to index
        %swap3A_595 = tpu.vector_load %arg11[%swap3A_594] {strides = array<i32>} : memref<2048xi32, #tpu.memory_space<vmem>>, vector<16xi32>,
        %swap3A_596 = vector.shape_cast %swap3A_595 : vector<16xi32> to vector<16xi32>
        %swap3A_597 = vector.shape_cast %add3A_591 : vector<16xi32> to vector<16xi32>
        tpu.vector_store %arg11[%swap3A_594], %swap3A_597 {strides = array<i32>} : memref<2048xi32, #tpu.memory_space<vmem>>, vector<16xi32>,
        %mul3A_598 = arith.mulf %sub3A_532, %sub3A_519 : vector<16xf32>
        %mul3A_599 = arith.mulf %mul3A_598, %sub3A_521 : vector<16xf32>
        %add3A_600 = arith.constant 768 : i32
        %add3A_601 = arith.addi %add3A_600, %mul3A_472 : i32
        %swap3A_602 = arith.index_cast %add3A_601 : i32 to index
        %swap3A_603 = tpu.vector_load %arg14[%swap3A_602] {strides = array<i32>} : memref<2048xf32, #tpu.memory_space<vmem>>, vector<16xf32>,
        %swap3A_604 = vector.shape_cast %swap3A_603 : vector<16xf32> to vector<16xf32>
        %swap3A_605 = vector.shape_cast %mul3A_599 : vector<16xf32> to vector<16xf32>
        tpu.vector_store %arg14[%swap3A_602], %swap3A_605 {strides = array<i32>} : memref<2048xf32, #tpu.memory_space<vmem>>, vector<16xf32>,
        %add3A_606 = arith.constant 65536 : i32
        %add3A_607 = vector.broadcast %add3A_606 : i32 to vector<16xi32>
        %add3A_608 = arith.addi %add3A_529, %add3A_607 : vector<16xi32>
        %add3A_609 = arith.constant 1024 : i32
        %add3A_610 = arith.addi %add3A_609, %mul3A_472 : i32
        %swap3A_611 = arith.index_cast %add3A_610 : i32 to index
        %swap3A_612 = tpu.vector_load %arg11[%swap3A_611] {strides = array<i32>} : memref<2048xi32, #tpu.memory_space<vmem>>, vector<16xi32>,
        %swap3A_613 = vector.shape_cast %swap3A_612 : vector<16xi32> to vector<16xi32>
        %swap3A_614 = vector.shape_cast %add3A_608 : vector<16xi32> to vector<16xi32>
        tpu.vector_store %arg11[%swap3A_611], %swap3A_614 {strides = array<i32>} : memref<2048xi32, #tpu.memory_space<vmem>>, vector<16xi32>,
        %mul3A_615 = arith.mulf %sub3A, %sub3A_535 : vector<16xf32>
        %mul3A_616 = arith.mulf %mul3A_615, %sub3A_538 : vector<16xf32>
        %add3A_617 = arith.constant 1024 : i32
        %add3A_618 = arith.addi %add3A_617, %mul3A_472 : i32
        %swap3A_619 = arith.index_cast %add3A_618 : i32 to index
        %swap3A_620 = tpu.vector_load %arg14[%swap3A_619] {strides = array<i32>} : memref<2048xf32, #tpu.memory_space<vmem>>, vector<16xf32>,
        %swap3A_621 = vector.shape_cast %swap3A_620 : vector<16xf32> to vector<16xf32>
        %swap3A_622 = vector.shape_cast %mul3A_616 : vector<16xf32> to vector<16xf32>
        tpu.vector_store %arg14[%swap3A_619], %swap3A_622 {strides = array<i32>} : memref<2048xf32, #tpu.memory_space<vmem>>, vector<16xf32>,
        %add3A_623 = arith.constant 65537 : i32
        %add3A_624 = vector.broadcast %add3A_623 : i32 to vector<16xi32>
        %add3A_625 = arith.addi %add3A_529, %add3A_624 : vector<16xi32>
        %add3A_626 = arith.constant 1280 : i32
        %add3A_627 = arith.addi %add3A_626, %mul3A_472 : i32
        %swap3A_628 = arith.index_cast %add3A_627 : i32 to index
        %swap3A_629 = tpu.vector_load %arg11[%swap3A_628] {strides = array<i32>} : memref<2048xi32, #tpu.memory_space<vmem>>, vector<16xi32>,
        %swap3A_630 = vector.shape_cast %swap3A_629 : vector<16xi32> to vector<16xi32>
        %swap3A_631 = vector.shape_cast %add3A_625 : vector<16xi32> to vector<16xi32>
        tpu.vector_store %arg11[%swap3A_628], %swap3A_631 {strides = array<i32>} : memref<2048xi32, #tpu.memory_space<vmem>>, vector<16xi32>,
        %mul3A_632 = arith.mulf %sub3A, %sub3A_535 : vector<16xf32>
        %mul3A_633 = arith.mulf %mul3A_632, %sub3A_521 : vector<16xf32>
        %add3A_634 = arith.constant 1280 : i32
        %add3A_635 = arith.addi %add3A_634, %mul3A_472 : i32
        %swap3A_636 = arith.index_cast %add3A_635 : i32 to index
        %swap3A_637 = tpu.vector_load %arg14[%swap3A_636] {strides = array<i32>} : memref<2048xf32, #tpu.memory_space<vmem>>, vector<16xf32>,
        %swap3A_638 = vector.shape_cast %swap3A_637 : vector<16xf32> to vector<16xf32>
        %swap3A_639 = vector.shape_cast %mul3A_633 : vector<16xf32> to vector<16xf32>
        tpu.vector_store %arg14[%swap3A_636], %swap3A_639 {strides = array<i32>} : memref<2048xf32, #tpu.memory_space<vmem>>, vector<16xf32>,
        %add3A_640 = arith.constant 65792 : i32
        %add3A_641 = vector.broadcast %add3A_640 : i32 to vector<16xi32>
        %add3A_642 = arith.addi %add3A_529, %add3A_641 : vector<16xi32>
        %add3A_643 = arith.constant 1536 : i32
        %add3A_644 = arith.addi %add3A_643, %mul3A_472 : i32
        %swap3A_645 = arith.index_cast %add3A_644 : i32 to index
        %swap3A_646 = tpu.vector_load %arg11[%swap3A_645] {strides = array<i32>} : memref<2048xi32, #tpu.memory_space<vmem>>, vector<16xi32>,
        %swap3A_647 = vector.shape_cast %swap3A_646 : vector<16xi32> to vector<16xi32>
        %swap3A_648 = vector.shape_cast %add3A_642 : vector<16xi32> to vector<16xi32>
        tpu.vector_store %arg11[%swap3A_645], %swap3A_648 {strides = array<i32>} : memref<2048xi32, #tpu.memory_space<vmem>>, vector<16xi32>,
        %mul3A_649 = arith.mulf %sub3A, %sub3A_519 : vector<16xf32>
        %mul3A_650 = arith.mulf %mul3A_649, %sub3A_538 : vector<16xf32>
        %add3A_651 = arith.constant 1536 : i32
        %add3A_652 = arith.addi %add3A_651, %mul3A_472 : i32
        %swap3A_653 = arith.index_cast %add3A_652 : i32 to index
        %swap3A_654 = tpu.vector_load %arg14[%swap3A_653] {strides = array<i32>} : memref<2048xf32, #tpu.memory_space<vmem>>, vector<16xf32>,
        %swap3A_655 = vector.shape_cast %swap3A_654 : vector<16xf32> to vector<16xf32>
        %swap3A_656 = vector.shape_cast %mul3A_650 : vector<16xf32> to vector<16xf32>
        tpu.vector_store %arg14[%swap3A_653], %swap3A_656 {strides = array<i32>} : memref<2048xf32, #tpu.memory_space<vmem>>, vector<16xf32>,
        %add3A_657 = arith.constant 65793 : i32
        %add3A_658 = vector.broadcast %add3A_657 : i32 to vector<16xi32>
        %add3A_659 = arith.addi %add3A_529, %add3A_658 : vector<16xi32>
        %add3A_660 = arith.constant 1792 : i32
        %add3A_661 = arith.addi %add3A_660, %mul3A_472 : i32
        %swap3A_662 = arith.index_cast %add3A_661 : i32 to index
        %swap3A_663 = tpu.vector_load %arg11[%swap3A_662] {strides = array<i32>} : memref<2048xi32, #tpu.memory_space<vmem>>, vector<16xi32>,
        %swap3A_664 = vector.shape_cast %swap3A_663 : vector<16xi32> to vector<16xi32>
        %swap3A_665 = vector.shape_cast %add3A_659 : vector<16xi32> to vector<16xi32>
        tpu.vector_store %arg11[%swap3A_662], %swap3A_665 {strides = array<i32>} : memref<2048xi32, #tpu.memory_space<vmem>>, vector<16xi32>,
        %mul3A_666 = arith.mulf %sub3A, %sub3A_519 : vector<16xf32>
        %mul3A_667 = arith.mulf %mul3A_666, %sub3A_521 : vector<16xf32>
        %add3A_668 = arith.constant 1792 : i32
        %add3A_669 = arith.addi %add3A_668, %mul3A_472 : i32
        %swap3A_670 = arith.index_cast %add3A_669 : i32 to index
        %swap3A_671 = tpu.vector_load %arg14[%swap3A_670] {strides = array<i32>} : memref<2048xf32, #tpu.memory_space<vmem>>, vector<16xf32>,
        %swap3A_672 = vector.shape_cast %swap3A_671 : vector<16xf32> to vector<16xf32>
        %swap3A_673 = vector.shape_cast %mul3A_667 : vector<16xf32> to vector<16xf32>
        tpu.vector_store %arg14[%swap3A_670], %swap3A_673 {strides = array<i32>} : memref<2048xf32, #tpu.memory_space<vmem>>, vector<16xf32>,
      }
      %scan3A_17 = arith.constant 16 : i32
      %dma_start3A = arith.constant 0 : i32
      %dma_start3A_18 = tpu.memref_slice %arg12[%dma_start3A] : memref<2048xi32, #tpu.memory_space<vmem>> -> memref<128xi32, #tpu.memory_space<vmem>>
      %dma_start3A_19 = arith.constant 0 : i32
      %dma_start3A_20 = tpu.memref_slice %arg11[%dma_start3A_19] : memref<2048xi32, #tpu.memory_space<vmem>> -> memref<128xi32, #tpu.memory_space<vmem>>
      %dma_start3A_21 = arith.constant 0 : i32
      %dma_start3A_22 = tpu.memref_slice %arg5[%dma_start3A_21] : memref<16777216xi32, #tpu.memory_space<hbm>> -> memref<16777216xi32, #tpu.memory_space<hbm>>
      tpu.enqueue_indirect_dma source(%dma_start3A_22 : memref<16777216xi32, #tpu.memory_space<hbm>>) target(%dma_start3A_18 : memref<128xi32, #tpu.memory_space<vmem>>) offsets(%dma_start3A_20 : memref<128xi32, #tpu.memory_space<vmem>>) semaphore(%arg16 : memref<!tpu.dma_semaphore, #tpu.memory_space<semaphore_mem>>)
      %dma_start3A_23 = arith.constant 128 : i32
      %dma_start3A_24 = tpu.memref_slice %arg12[%dma_start3A_23] : memref<2048xi32, #tpu.memory_space<vmem>> -> memref<128xi32, #tpu.memory_space<vmem>>
      %dma_start3A_25 = arith.constant 128 : i32
      %dma_start3A_26 = tpu.memref_slice %arg11[%dma_start3A_25] : memref<2048xi32, #tpu.memory_space<vmem>> -> memref<128xi32, #tpu.memory_space<vmem>>
      %dma_start3A_27 = arith.constant 0 : i32
      %dma_start3A_28 = tpu.memref_slice %arg5[%dma_start3A_27] : memref<16777216xi32, #tpu.memory_space<hbm>> -> memref<16777216xi32, #tpu.memory_space<hbm>>
      tpu.enqueue_indirect_dma source(%dma_start3A_28 : memref<16777216xi32, #tpu.memory_space<hbm>>) target(%dma_start3A_24 : memref<128xi32, #tpu.memory_space<vmem>>) offsets(%dma_start3A_26 : memref<128xi32, #tpu.memory_space<vmem>>) semaphore(%arg16 : memref<!tpu.dma_semaphore, #tpu.memory_space<semaphore_mem>>)
      %dma_start3A_29 = arith.constant 256 : i32
      %dma_start3A_30 = tpu.memref_slice %arg12[%dma_start3A_29] : memref<2048xi32, #tpu.memory_space<vmem>> -> memref<128xi32, #tpu.memory_space<vmem>>
      %dma_start3A_31 = arith.constant 256 : i32
      %dma_start3A_32 = tpu.memref_slice %arg11[%dma_start3A_31] : memref<2048xi32, #tpu.memory_space<vmem>> -> memref<128xi32, #tpu.memory_space<vmem>>
      %dma_start3A_33 = arith.constant 0 : i32
      %dma_start3A_34 = tpu.memref_slice %arg5[%dma_start3A_33] : memref<16777216xi32, #tpu.memory_space<hbm>> -> memref<16777216xi32, #tpu.memory_space<hbm>>
      tpu.enqueue_indirect_dma source(%dma_start3A_34 : memref<16777216xi32, #tpu.memory_space<hbm>>) target(%dma_start3A_30 : memref<128xi32, #tpu.memory_space<vmem>>) offsets(%dma_start3A_32 : memref<128xi32, #tpu.memory_space<vmem>>) semaphore(%arg16 : memref<!tpu.dma_semaphore, #tpu.memory_space<semaphore_mem>>)
      %dma_start3A_35 = arith.constant 384 : i32
      %dma_start3A_36 = tpu.memref_slice %arg12[%dma_start3A_35] : memref<2048xi32, #tpu.memory_space<vmem>> -> memref<128xi32, #tpu.memory_space<vmem>>
      %dma_start3A_37 = arith.constant 384 : i32
      %dma_start3A_38 = tpu.memref_slice %arg11[%dma_start3A_37] : memref<2048xi32, #tpu.memory_space<vmem>> -> memref<128xi32, #tpu.memory_space<vmem>>
      %dma_start3A_39 = arith.constant 0 : i32
      %dma_start3A_40 = tpu.memref_slice %arg5[%dma_start3A_39] : memref<16777216xi32, #tpu.memory_space<hbm>> -> memref<16777216xi32, #tpu.memory_space<hbm>>
      tpu.enqueue_indirect_dma source(%dma_start3A_40 : memref<16777216xi32, #tpu.memory_space<hbm>>) target(%dma_start3A_36 : memref<128xi32, #tpu.memory_space<vmem>>) offsets(%dma_start3A_38 : memref<128xi32, #tpu.memory_space<vmem>>) semaphore(%arg16 : memref<!tpu.dma_semaphore, #tpu.memory_space<semaphore_mem>>)
      %dma_start3A_41 = arith.constant 512 : i32
      %dma_start3A_42 = tpu.memref_slice %arg12[%dma_start3A_41] : memref<2048xi32, #tpu.memory_space<vmem>> -> memref<128xi32, #tpu.memory_space<vmem>>
      %dma_start3A_43 = arith.constant 512 : i32
      %dma_start3A_44 = tpu.memref_slice %arg11[%dma_start3A_43] : memref<2048xi32, #tpu.memory_space<vmem>> -> memref<128xi32, #tpu.memory_space<vmem>>
      %dma_start3A_45 = arith.constant 0 : i32
      %dma_start3A_46 = tpu.memref_slice %arg5[%dma_start3A_45] : memref<16777216xi32, #tpu.memory_space<hbm>> -> memref<16777216xi32, #tpu.memory_space<hbm>>
      tpu.enqueue_indirect_dma source(%dma_start3A_46 : memref<16777216xi32, #tpu.memory_space<hbm>>) target(%dma_start3A_42 : memref<128xi32, #tpu.memory_space<vmem>>) offsets(%dma_start3A_44 : memref<128xi32, #tpu.memory_space<vmem>>) semaphore(%arg16 : memref<!tpu.dma_semaphore, #tpu.memory_space<semaphore_mem>>)
      %dma_start3A_47 = arith.constant 640 : i32
      %dma_start3A_48 = tpu.memref_slice %arg12[%dma_start3A_47] : memref<2048xi32, #tpu.memory_space<vmem>> -> memref<128xi32, #tpu.memory_space<vmem>>
      %dma_start3A_49 = arith.constant 640 : i32
      %dma_start3A_50 = tpu.memref_slice %arg11[%dma_start3A_49] : memref<2048xi32, #tpu.memory_space<vmem>> -> memref<128xi32, #tpu.memory_space<vmem>>
      %dma_start3A_51 = arith.constant 0 : i32
      %dma_start3A_52 = tpu.memref_slice %arg5[%dma_start3A_51] : memref<16777216xi32, #tpu.memory_space<hbm>> -> memref<16777216xi32, #tpu.memory_space<hbm>>
      tpu.enqueue_indirect_dma source(%dma_start3A_52 : memref<16777216xi32, #tpu.memory_space<hbm>>) target(%dma_start3A_48 : memref<128xi32, #tpu.memory_space<vmem>>) offsets(%dma_start3A_50 : memref<128xi32, #tpu.memory_space<vmem>>) semaphore(%arg16 : memref<!tpu.dma_semaphore, #tpu.memory_space<semaphore_mem>>)
      %dma_start3A_53 = arith.constant 768 : i32
      %dma_start3A_54 = tpu.memref_slice %arg12[%dma_start3A_53] : memref<2048xi32, #tpu.memory_space<vmem>> -> memref<128xi32, #tpu.memory_space<vmem>>
      %dma_start3A_55 = arith.constant 768 : i32
      %dma_start3A_56 = tpu.memref_slice %arg11[%dma_start3A_55] : memref<2048xi32, #tpu.memory_space<vmem>> -> memref<128xi32, #tpu.memory_space<vmem>>
      %dma_start3A_57 = arith.constant 0 : i32
      %dma_start3A_58 = tpu.memref_slice %arg5[%dma_start3A_57] : memref<16777216xi32, #tpu.memory_space<hbm>> -> memref<16777216xi32, #tpu.memory_space<hbm>>
      tpu.enqueue_indirect_dma source(%dma_start3A_58 : memref<16777216xi32, #tpu.memory_space<hbm>>) target(%dma_start3A_54 : memref<128xi32, #tpu.memory_space<vmem>>) offsets(%dma_start3A_56 : memref<128xi32, #tpu.memory_space<vmem>>) semaphore(%arg16 : memref<!tpu.dma_semaphore, #tpu.memory_space<semaphore_mem>>)
      %dma_start3A_59 = arith.constant 896 : i32
      %dma_start3A_60 = tpu.memref_slice %arg12[%dma_start3A_59] : memref<2048xi32, #tpu.memory_space<vmem>> -> memref<128xi32, #tpu.memory_space<vmem>>
      %dma_start3A_61 = arith.constant 896 : i32
      %dma_start3A_62 = tpu.memref_slice %arg11[%dma_start3A_61] : memref<2048xi32, #tpu.memory_space<vmem>> -> memref<128xi32, #tpu.memory_space<vmem>>
      %dma_start3A_63 = arith.constant 0 : i32
      %dma_start3A_64 = tpu.memref_slice %arg5[%dma_start3A_63] : memref<16777216xi32, #tpu.memory_space<hbm>> -> memref<16777216xi32, #tpu.memory_space<hbm>>
      tpu.enqueue_indirect_dma source(%dma_start3A_64 : memref<16777216xi32, #tpu.memory_space<hbm>>) target(%dma_start3A_60 : memref<128xi32, #tpu.memory_space<vmem>>) offsets(%dma_start3A_62 : memref<128xi32, #tpu.memory_space<vmem>>) semaphore(%arg16 : memref<!tpu.dma_semaphore, #tpu.memory_space<semaphore_mem>>)
      %dma_start3A_65 = arith.constant 1024 : i32
      %dma_start3A_66 = tpu.memref_slice %arg12[%dma_start3A_65] : memref<2048xi32, #tpu.memory_space<vmem>> -> memref<128xi32, #tpu.memory_space<vmem>>
      %dma_start3A_67 = arith.constant 1024 : i32
      %dma_start3A_68 = tpu.memref_slice %arg11[%dma_start3A_67] : memref<2048xi32, #tpu.memory_space<vmem>> -> memref<128xi32, #tpu.memory_space<vmem>>
      %dma_start3A_69 = arith.constant 0 : i32
      %dma_start3A_70 = tpu.memref_slice %arg5[%dma_start3A_69] : memref<16777216xi32, #tpu.memory_space<hbm>> -> memref<16777216xi32, #tpu.memory_space<hbm>>
      tpu.enqueue_indirect_dma source(%dma_start3A_70 : memref<16777216xi32, #tpu.memory_space<hbm>>) target(%dma_start3A_66 : memref<128xi32, #tpu.memory_space<vmem>>) offsets(%dma_start3A_68 : memref<128xi32, #tpu.memory_space<vmem>>) semaphore(%arg16 : memref<!tpu.dma_semaphore, #tpu.memory_space<semaphore_mem>>)
      %dma_start3A_71 = arith.constant 1152 : i32
      %dma_start3A_72 = tpu.memref_slice %arg12[%dma_start3A_71] : memref<2048xi32, #tpu.memory_space<vmem>> -> memref<128xi32, #tpu.memory_space<vmem>>
      %dma_start3A_73 = arith.constant 1152 : i32
      %dma_start3A_74 = tpu.memref_slice %arg11[%dma_start3A_73] : memref<2048xi32, #tpu.memory_space<vmem>> -> memref<128xi32, #tpu.memory_space<vmem>>
      %dma_start3A_75 = arith.constant 0 : i32
      %dma_start3A_76 = tpu.memref_slice %arg5[%dma_start3A_75] : memref<16777216xi32, #tpu.memory_space<hbm>> -> memref<16777216xi32, #tpu.memory_space<hbm>>
      tpu.enqueue_indirect_dma source(%dma_start3A_76 : memref<16777216xi32, #tpu.memory_space<hbm>>) target(%dma_start3A_72 : memref<128xi32, #tpu.memory_space<vmem>>) offsets(%dma_start3A_74 : memref<128xi32, #tpu.memory_space<vmem>>) semaphore(%arg16 : memref<!tpu.dma_semaphore, #tpu.memory_space<semaphore_mem>>)
      %dma_start3A_77 = arith.constant 1280 : i32
      %dma_start3A_78 = tpu.memref_slice %arg12[%dma_start3A_77] : memref<2048xi32, #tpu.memory_space<vmem>> -> memref<128xi32, #tpu.memory_space<vmem>>
      %dma_start3A_79 = arith.constant 1280 : i32
      %dma_start3A_80 = tpu.memref_slice %arg11[%dma_start3A_79] : memref<2048xi32, #tpu.memory_space<vmem>> -> memref<128xi32, #tpu.memory_space<vmem>>
      %dma_start3A_81 = arith.constant 0 : i32
      %dma_start3A_82 = tpu.memref_slice %arg5[%dma_start3A_81] : memref<16777216xi32, #tpu.memory_space<hbm>> -> memref<16777216xi32, #tpu.memory_space<hbm>>
      tpu.enqueue_indirect_dma source(%dma_start3A_82 : memref<16777216xi32, #tpu.memory_space<hbm>>) target(%dma_start3A_78 : memref<128xi32, #tpu.memory_space<vmem>>) offsets(%dma_start3A_80 : memref<128xi32, #tpu.memory_space<vmem>>) semaphore(%arg16 : memref<!tpu.dma_semaphore, #tpu.memory_space<semaphore_mem>>)
      %dma_start3A_83 = arith.constant 1408 : i32
      %dma_start3A_84 = tpu.memref_slice %arg12[%dma_start3A_83] : memref<2048xi32, #tpu.memory_space<vmem>> -> memref<128xi32, #tpu.memory_space<vmem>>
      %dma_start3A_85 = arith.constant 1408 : i32
      %dma_start3A_86 = tpu.memref_slice %arg11[%dma_start3A_85] : memref<2048xi32, #tpu.memory_space<vmem>> -> memref<128xi32, #tpu.memory_space<vmem>>
      %dma_start3A_87 = arith.constant 0 : i32
      %dma_start3A_88 = tpu.memref_slice %arg5[%dma_start3A_87] : memref<16777216xi32, #tpu.memory_space<hbm>> -> memref<16777216xi32, #tpu.memory_space<hbm>>
      tpu.enqueue_indirect_dma source(%dma_start3A_88 : memref<16777216xi32, #tpu.memory_space<hbm>>) target(%dma_start3A_84 : memref<128xi32, #tpu.memory_space<vmem>>) offsets(%dma_start3A_86 : memref<128xi32, #tpu.memory_space<vmem>>) semaphore(%arg16 : memref<!tpu.dma_semaphore, #tpu.memory_space<semaphore_mem>>)
      %dma_start3A_89 = arith.constant 1536 : i32
      %dma_start3A_90 = tpu.memref_slice %arg12[%dma_start3A_89] : memref<2048xi32, #tpu.memory_space<vmem>> -> memref<128xi32, #tpu.memory_space<vmem>>
      %dma_start3A_91 = arith.constant 1536 : i32
      %dma_start3A_92 = tpu.memref_slice %arg11[%dma_start3A_91] : memref<2048xi32, #tpu.memory_space<vmem>> -> memref<128xi32, #tpu.memory_space<vmem>>
      %dma_start3A_93 = arith.constant 0 : i32
      %dma_start3A_94 = tpu.memref_slice %arg5[%dma_start3A_93] : memref<16777216xi32, #tpu.memory_space<hbm>> -> memref<16777216xi32, #tpu.memory_space<hbm>>
      tpu.enqueue_indirect_dma source(%dma_start3A_94 : memref<16777216xi32, #tpu.memory_space<hbm>>) target(%dma_start3A_90 : memref<128xi32, #tpu.memory_space<vmem>>) offsets(%dma_start3A_92 : memref<128xi32, #tpu.memory_space<vmem>>) semaphore(%arg16 : memref<!tpu.dma_semaphore, #tpu.memory_space<semaphore_mem>>)
      %dma_start3A_95 = arith.constant 1664 : i32
      %dma_start3A_96 = tpu.memref_slice %arg12[%dma_start3A_95] : memref<2048xi32, #tpu.memory_space<vmem>> -> memref<128xi32, #tpu.memory_space<vmem>>
      %dma_start3A_97 = arith.constant 1664 : i32
      %dma_start3A_98 = tpu.memref_slice %arg11[%dma_start3A_97] : memref<2048xi32, #tpu.memory_space<vmem>> -> memref<128xi32, #tpu.memory_space<vmem>>
      %dma_start3A_99 = arith.constant 0 : i32
      %dma_start3A_100 = tpu.memref_slice %arg5[%dma_start3A_99] : memref<16777216xi32, #tpu.memory_space<hbm>> -> memref<16777216xi32, #tpu.memory_space<hbm>>
      tpu.enqueue_indirect_dma source(%dma_start3A_100 : memref<16777216xi32, #tpu.memory_space<hbm>>) target(%dma_start3A_96 : memref<128xi32, #tpu.memory_space<vmem>>) offsets(%dma_start3A_98 : memref<128xi32, #tpu.memory_space<vmem>>) semaphore(%arg16 : memref<!tpu.dma_semaphore, #tpu.memory_space<semaphore_mem>>)
      %dma_start3A_101 = arith.constant 1792 : i32
      %dma_start3A_102 = tpu.memref_slice %arg12[%dma_start3A_101] : memref<2048xi32, #tpu.memory_space<vmem>> -> memref<128xi32, #tpu.memory_space<vmem>>
      %dma_start3A_103 = arith.constant 1792 : i32
      %dma_start3A_104 = tpu.memref_slice %arg11[%dma_start3A_103] : memref<2048xi32, #tpu.memory_space<vmem>> -> memref<128xi32, #tpu.memory_space<vmem>>
      %dma_start3A_105 = arith.constant 0 : i32
      %dma_start3A_106 = tpu.memref_slice %arg5[%dma_start3A_105] : memref<16777216xi32, #tpu.memory_space<hbm>> -> memref<16777216xi32, #tpu.memory_space<hbm>>
      tpu.enqueue_indirect_dma source(%dma_start3A_106 : memref<16777216xi32, #tpu.memory_space<hbm>>) target(%dma_start3A_102 : memref<128xi32, #tpu.memory_space<vmem>>) offsets(%dma_start3A_104 : memref<128xi32, #tpu.memory_space<vmem>>) semaphore(%arg16 : memref<!tpu.dma_semaphore, #tpu.memory_space<semaphore_mem>>)
      %dma_start3A_107 = arith.constant 1920 : i32
      %dma_start3A_108 = tpu.memref_slice %arg12[%dma_start3A_107] : memref<2048xi32, #tpu.memory_space<vmem>> -> memref<128xi32, #tpu.memory_space<vmem>>
      %dma_start3A_109 = arith.constant 1920 : i32
      %dma_start3A_110 = tpu.memref_slice %arg11[%dma_start3A_109] : memref<2048xi32, #tpu.memory_space<vmem>> -> memref<128xi32, #tpu.memory_space<vmem>>
      %dma_start3A_111 = arith.constant 0 : i32
      %dma_start3A_112 = tpu.memref_slice %arg5[%dma_start3A_111] : memref<16777216xi32, #tpu.memory_space<hbm>> -> memref<16777216xi32, #tpu.memory_space<hbm>>
      tpu.enqueue_indirect_dma source(%dma_start3A_112 : memref<16777216xi32, #tpu.memory_space<hbm>>) target(%dma_start3A_108 : memref<128xi32, #tpu.memory_space<vmem>>) offsets(%dma_start3A_110 : memref<128xi32, #tpu.memory_space<vmem>>) semaphore(%arg16 : memref<!tpu.dma_semaphore, #tpu.memory_space<semaphore_mem>>)
      %dma_wait3A = arith.constant 0 : i32
      %dma_wait3A_113 = tpu.memref_slice %arg12[%dma_wait3A] : memref<2048xi32, #tpu.memory_space<vmem>> -> memref<128xi32, #tpu.memory_space<vmem>>
      %dma_wait3A_114 = arith.constant 0 : i32
      %dma_wait3A_115 = tpu.memref_slice %arg11[%dma_wait3A_114] : memref<2048xi32, #tpu.memory_space<vmem>> -> memref<128xi32, #tpu.memory_space<vmem>>
      %dma_wait3A_116 = arith.constant 0 : i32
      %dma_wait3A_117 = tpu.memref_slice %arg5[%dma_wait3A_116] : memref<16777216xi32, #tpu.memory_space<hbm>> -> memref<16777216xi32, #tpu.memory_space<hbm>>
      tpu.wait_indirect_dma semaphore(%arg16 : memref<!tpu.dma_semaphore, #tpu.memory_space<semaphore_mem>>) src(%dma_wait3A_117 : memref<16777216xi32, #tpu.memory_space<hbm>>) dst(%dma_wait3A_113 : memref<128xi32, #tpu.memory_space<vmem>>)
      %dma_wait3A_118 = arith.constant 128 : i32
      %dma_wait3A_119 = tpu.memref_slice %arg12[%dma_wait3A_118] : memref<2048xi32, #tpu.memory_space<vmem>> -> memref<128xi32, #tpu.memory_space<vmem>>
      %dma_wait3A_120 = arith.constant 128 : i32
      %dma_wait3A_121 = tpu.memref_slice %arg11[%dma_wait3A_120] : memref<2048xi32, #tpu.memory_space<vmem>> -> memref<128xi32, #tpu.memory_space<vmem>>
      %dma_wait3A_122 = arith.constant 0 : i32
      %dma_wait3A_123 = tpu.memref_slice %arg5[%dma_wait3A_122] : memref<16777216xi32, #tpu.memory_space<hbm>> -> memref<16777216xi32, #tpu.memory_space<hbm>>
      tpu.wait_indirect_dma semaphore(%arg16 : memref<!tpu.dma_semaphore, #tpu.memory_space<semaphore_mem>>) src(%dma_wait3A_123 : memref<16777216xi32, #tpu.memory_space<hbm>>) dst(%dma_wait3A_119 : memref<128xi32, #tpu.memory_space<vmem>>)
      %dma_wait3A_124 = arith.constant 256 : i32
      %dma_wait3A_125 = tpu.memref_slice %arg12[%dma_wait3A_124] : memref<2048xi32, #tpu.memory_space<vmem>> -> memref<128xi32, #tpu.memory_space<vmem>>
      %dma_wait3A_126 = arith.constant 256 : i32
      %dma_wait3A_127 = tpu.memref_slice %arg11[%dma_wait3A_126] : memref<2048xi32, #tpu.memory_space<vmem>> -> memref<128xi32, #tpu.memory_space<vmem>>
      %dma_wait3A_128 = arith.constant 0 : i32
      %dma_wait3A_129 = tpu.memref_slice %arg5[%dma_wait3A_128] : memref<16777216xi32, #tpu.memory_space<hbm>> -> memref<16777216xi32, #tpu.memory_space<hbm>>
      tpu.wait_indirect_dma semaphore(%arg16 : memref<!tpu.dma_semaphore, #tpu.memory_space<semaphore_mem>>) src(%dma_wait3A_129 : memref<16777216xi32, #tpu.memory_space<hbm>>) dst(%dma_wait3A_125 : memref<128xi32, #tpu.memory_space<vmem>>)
      %dma_wait3A_130 = arith.constant 384 : i32
      %dma_wait3A_131 = tpu.memref_slice %arg12[%dma_wait3A_130] : memref<2048xi32, #tpu.memory_space<vmem>> -> memref<128xi32, #tpu.memory_space<vmem>>
      %dma_wait3A_132 = arith.constant 384 : i32
      %dma_wait3A_133 = tpu.memref_slice %arg11[%dma_wait3A_132] : memref<2048xi32, #tpu.memory_space<vmem>> -> memref<128xi32, #tpu.memory_space<vmem>>
      %dma_wait3A_134 = arith.constant 0 : i32
      %dma_wait3A_135 = tpu.memref_slice %arg5[%dma_wait3A_134] : memref<16777216xi32, #tpu.memory_space<hbm>> -> memref<16777216xi32, #tpu.memory_space<hbm>>
      tpu.wait_indirect_dma semaphore(%arg16 : memref<!tpu.dma_semaphore, #tpu.memory_space<semaphore_mem>>) src(%dma_wait3A_135 : memref<16777216xi32, #tpu.memory_space<hbm>>) dst(%dma_wait3A_131 : memref<128xi32, #tpu.memory_space<vmem>>)
      %dma_wait3A_136 = arith.constant 512 : i32
      %dma_wait3A_137 = tpu.memref_slice %arg12[%dma_wait3A_136] : memref<2048xi32, #tpu.memory_space<vmem>> -> memref<128xi32, #tpu.memory_space<vmem>>
      %dma_wait3A_138 = arith.constant 512 : i32
      %dma_wait3A_139 = tpu.memref_slice %arg11[%dma_wait3A_138] : memref<2048xi32, #tpu.memory_space<vmem>> -> memref<128xi32, #tpu.memory_space<vmem>>
      %dma_wait3A_140 = arith.constant 0 : i32
      %dma_wait3A_141 = tpu.memref_slice %arg5[%dma_wait3A_140] : memref<16777216xi32, #tpu.memory_space<hbm>> -> memref<16777216xi32, #tpu.memory_space<hbm>>
      tpu.wait_indirect_dma semaphore(%arg16 : memref<!tpu.dma_semaphore, #tpu.memory_space<semaphore_mem>>) src(%dma_wait3A_141 : memref<16777216xi32, #tpu.memory_space<hbm>>) dst(%dma_wait3A_137 : memref<128xi32, #tpu.memory_space<vmem>>)
      %dma_wait3A_142 = arith.constant 640 : i32
      %dma_wait3A_143 = tpu.memref_slice %arg12[%dma_wait3A_142] : memref<2048xi32, #tpu.memory_space<vmem>> -> memref<128xi32, #tpu.memory_space<vmem>>
      %dma_wait3A_144 = arith.constant 640 : i32
      %dma_wait3A_145 = tpu.memref_slice %arg11[%dma_wait3A_144] : memref<2048xi32, #tpu.memory_space<vmem>> -> memref<128xi32, #tpu.memory_space<vmem>>
      %dma_wait3A_146 = arith.constant 0 : i32
      %dma_wait3A_147 = tpu.memref_slice %arg5[%dma_wait3A_146] : memref<16777216xi32, #tpu.memory_space<hbm>> -> memref<16777216xi32, #tpu.memory_space<hbm>>
      tpu.wait_indirect_dma semaphore(%arg16 : memref<!tpu.dma_semaphore, #tpu.memory_space<semaphore_mem>>) src(%dma_wait3A_147 : memref<16777216xi32, #tpu.memory_space<hbm>>) dst(%dma_wait3A_143 : memref<128xi32, #tpu.memory_space<vmem>>)
      %dma_wait3A_148 = arith.constant 768 : i32
      %dma_wait3A_149 = tpu.memref_slice %arg12[%dma_wait3A_148] : memref<2048xi32, #tpu.memory_space<vmem>> -> memref<128xi32, #tpu.memory_space<vmem>>
      %dma_wait3A_150 = arith.constant 768 : i32
      %dma_wait3A_151 = tpu.memref_slice %arg11[%dma_wait3A_150] : memref<2048xi32, #tpu.memory_space<vmem>> -> memref<128xi32, #tpu.memory_space<vmem>>
      %dma_wait3A_152 = arith.constant 0 : i32
      %dma_wait3A_153 = tpu.memref_slice %arg5[%dma_wait3A_152] : memref<16777216xi32, #tpu.memory_space<hbm>> -> memref<16777216xi32, #tpu.memory_space<hbm>>
      tpu.wait_indirect_dma semaphore(%arg16 : memref<!tpu.dma_semaphore, #tpu.memory_space<semaphore_mem>>) src(%dma_wait3A_153 : memref<16777216xi32, #tpu.memory_space<hbm>>) dst(%dma_wait3A_149 : memref<128xi32, #tpu.memory_space<vmem>>)
      %dma_wait3A_154 = arith.constant 896 : i32
      %dma_wait3A_155 = tpu.memref_slice %arg12[%dma_wait3A_154] : memref<2048xi32, #tpu.memory_space<vmem>> -> memref<128xi32, #tpu.memory_space<vmem>>
      %dma_wait3A_156 = arith.constant 896 : i32
      %dma_wait3A_157 = tpu.memref_slice %arg11[%dma_wait3A_156] : memref<2048xi32, #tpu.memory_space<vmem>> -> memref<128xi32, #tpu.memory_space<vmem>>
      %dma_wait3A_158 = arith.constant 0 : i32
      %dma_wait3A_159 = tpu.memref_slice %arg5[%dma_wait3A_158] : memref<16777216xi32, #tpu.memory_space<hbm>> -> memref<16777216xi32, #tpu.memory_space<hbm>>
      tpu.wait_indirect_dma semaphore(%arg16 : memref<!tpu.dma_semaphore, #tpu.memory_space<semaphore_mem>>) src(%dma_wait3A_159 : memref<16777216xi32, #tpu.memory_space<hbm>>) dst(%dma_wait3A_155 : memref<128xi32, #tpu.memory_space<vmem>>)
      %dma_wait3A_160 = arith.constant 1024 : i32
      %dma_wait3A_161 = tpu.memref_slice %arg12[%dma_wait3A_160] : memref<2048xi32, #tpu.memory_space<vmem>> -> memref<128xi32, #tpu.memory_space<vmem>>
      %dma_wait3A_162 = arith.constant 1024 : i32
      %dma_wait3A_163 = tpu.memref_slice %arg11[%dma_wait3A_162] : memref<2048xi32, #tpu.memory_space<vmem>> -> memref<128xi32, #tpu.memory_space<vmem>>
      %dma_wait3A_164 = arith.constant 0 : i32
      %dma_wait3A_165 = tpu.memref_slice %arg5[%dma_wait3A_164] : memref<16777216xi32, #tpu.memory_space<hbm>> -> memref<16777216xi32, #tpu.memory_space<hbm>>
      tpu.wait_indirect_dma semaphore(%arg16 : memref<!tpu.dma_semaphore, #tpu.memory_space<semaphore_mem>>) src(%dma_wait3A_165 : memref<16777216xi32, #tpu.memory_space<hbm>>) dst(%dma_wait3A_161 : memref<128xi32, #tpu.memory_space<vmem>>)
      %dma_wait3A_166 = arith.constant 1152 : i32
      %dma_wait3A_167 = tpu.memref_slice %arg12[%dma_wait3A_166] : memref<2048xi32, #tpu.memory_space<vmem>> -> memref<128xi32, #tpu.memory_space<vmem>>
      %dma_wait3A_168 = arith.constant 1152 : i32
      %dma_wait3A_169 = tpu.memref_slice %arg11[%dma_wait3A_168] : memref<2048xi32, #tpu.memory_space<vmem>> -> memref<128xi32, #tpu.memory_space<vmem>>
      %dma_wait3A_170 = arith.constant 0 : i32
      %dma_wait3A_171 = tpu.memref_slice %arg5[%dma_wait3A_170] : memref<16777216xi32, #tpu.memory_space<hbm>> -> memref<16777216xi32, #tpu.memory_space<hbm>>
      tpu.wait_indirect_dma semaphore(%arg16 : memref<!tpu.dma_semaphore, #tpu.memory_space<semaphore_mem>>) src(%dma_wait3A_171 : memref<16777216xi32, #tpu.memory_space<hbm>>) dst(%dma_wait3A_167 : memref<128xi32, #tpu.memory_space<vmem>>)
      %dma_wait3A_172 = arith.constant 1280 : i32
      %dma_wait3A_173 = tpu.memref_slice %arg12[%dma_wait3A_172] : memref<2048xi32, #tpu.memory_space<vmem>> -> memref<128xi32, #tpu.memory_space<vmem>>
      %dma_wait3A_174 = arith.constant 1280 : i32
      %dma_wait3A_175 = tpu.memref_slice %arg11[%dma_wait3A_174] : memref<2048xi32, #tpu.memory_space<vmem>> -> memref<128xi32, #tpu.memory_space<vmem>>
      %dma_wait3A_176 = arith.constant 0 : i32
      %dma_wait3A_177 = tpu.memref_slice %arg5[%dma_wait3A_176] : memref<16777216xi32, #tpu.memory_space<hbm>> -> memref<16777216xi32, #tpu.memory_space<hbm>>
      tpu.wait_indirect_dma semaphore(%arg16 : memref<!tpu.dma_semaphore, #tpu.memory_space<semaphore_mem>>) src(%dma_wait3A_177 : memref<16777216xi32, #tpu.memory_space<hbm>>) dst(%dma_wait3A_173 : memref<128xi32, #tpu.memory_space<vmem>>)
      %dma_wait3A_178 = arith.constant 1408 : i32
      %dma_wait3A_179 = tpu.memref_slice %arg12[%dma_wait3A_178] : memref<2048xi32, #tpu.memory_space<vmem>> -> memref<128xi32, #tpu.memory_space<vmem>>
      %dma_wait3A_180 = arith.constant 1408 : i32
      %dma_wait3A_181 = tpu.memref_slice %arg11[%dma_wait3A_180] : memref<2048xi32, #tpu.memory_space<vmem>> -> memref<128xi32, #tpu.memory_space<vmem>>
      %dma_wait3A_182 = arith.constant 0 : i32
      %dma_wait3A_183 = tpu.memref_slice %arg5[%dma_wait3A_182] : memref<16777216xi32, #tpu.memory_space<hbm>> -> memref<16777216xi32, #tpu.memory_space<hbm>>
      tpu.wait_indirect_dma semaphore(%arg16 : memref<!tpu.dma_semaphore, #tpu.memory_space<semaphore_mem>>) src(%dma_wait3A_183 : memref<16777216xi32, #tpu.memory_space<hbm>>) dst(%dma_wait3A_179 : memref<128xi32, #tpu.memory_space<vmem>>)
      %dma_wait3A_184 = arith.constant 1536 : i32
      %dma_wait3A_185 = tpu.memref_slice %arg12[%dma_wait3A_184] : memref<2048xi32, #tpu.memory_space<vmem>> -> memref<128xi32, #tpu.memory_space<vmem>>
      %dma_wait3A_186 = arith.constant 1536 : i32
      %dma_wait3A_187 = tpu.memref_slice %arg11[%dma_wait3A_186] : memref<2048xi32, #tpu.memory_space<vmem>> -> memref<128xi32, #tpu.memory_space<vmem>>
      %dma_wait3A_188 = arith.constant 0 : i32
      %dma_wait3A_189 = tpu.memref_slice %arg5[%dma_wait3A_188] : memref<16777216xi32, #tpu.memory_space<hbm>> -> memref<16777216xi32, #tpu.memory_space<hbm>>
      tpu.wait_indirect_dma semaphore(%arg16 : memref<!tpu.dma_semaphore, #tpu.memory_space<semaphore_mem>>) src(%dma_wait3A_189 : memref<16777216xi32, #tpu.memory_space<hbm>>) dst(%dma_wait3A_185 : memref<128xi32, #tpu.memory_space<vmem>>)
      %dma_wait3A_190 = arith.constant 1664 : i32
      %dma_wait3A_191 = tpu.memref_slice %arg12[%dma_wait3A_190] : memref<2048xi32, #tpu.memory_space<vmem>> -> memref<128xi32, #tpu.memory_space<vmem>>
      %dma_wait3A_192 = arith.constant 1664 : i32
      %dma_wait3A_193 = tpu.memref_slice %arg11[%dma_wait3A_192] : memref<2048xi32, #tpu.memory_space<vmem>> -> memref<128xi32, #tpu.memory_space<vmem>>
      %dma_wait3A_194 = arith.constant 0 : i32
      %dma_wait3A_195 = tpu.memref_slice %arg5[%dma_wait3A_194] : memref<16777216xi32, #tpu.memory_space<hbm>> -> memref<16777216xi32, #tpu.memory_space<hbm>>
      tpu.wait_indirect_dma semaphore(%arg16 : memref<!tpu.dma_semaphore, #tpu.memory_space<semaphore_mem>>) src(%dma_wait3A_195 : memref<16777216xi32, #tpu.memory_space<hbm>>) dst(%dma_wait3A_191 : memref<128xi32, #tpu.memory_space<vmem>>)
      %dma_wait3A_196 = arith.constant 1792 : i32
      %dma_wait3A_197 = tpu.memref_slice %arg12[%dma_wait3A_196] : memref<2048xi32, #tpu.memory_space<vmem>> -> memref<128xi32, #tpu.memory_space<vmem>>
      %dma_wait3A_198 = arith.constant 1792 : i32
      %dma_wait3A_199 = tpu.memref_slice %arg11[%dma_wait3A_198] : memref<2048xi32, #tpu.memory_space<vmem>> -> memref<128xi32, #tpu.memory_space<vmem>>
      %dma_wait3A_200 = arith.constant 0 : i32
      %dma_wait3A_201 = tpu.memref_slice %arg5[%dma_wait3A_200] : memref<16777216xi32, #tpu.memory_space<hbm>> -> memref<16777216xi32, #tpu.memory_space<hbm>>
      tpu.wait_indirect_dma semaphore(%arg16 : memref<!tpu.dma_semaphore, #tpu.memory_space<semaphore_mem>>) src(%dma_wait3A_201 : memref<16777216xi32, #tpu.memory_space<hbm>>) dst(%dma_wait3A_197 : memref<128xi32, #tpu.memory_space<vmem>>)
      %dma_wait3A_202 = arith.constant 1920 : i32
      %dma_wait3A_203 = tpu.memref_slice %arg12[%dma_wait3A_202] : memref<2048xi32, #tpu.memory_space<vmem>> -> memref<128xi32, #tpu.memory_space<vmem>>
      %dma_wait3A_204 = arith.constant 1920 : i32
      %dma_wait3A_205 = tpu.memref_slice %arg11[%dma_wait3A_204] : memref<2048xi32, #tpu.memory_space<vmem>> -> memref<128xi32, #tpu.memory_space<vmem>>
      %dma_wait3A_206 = arith.constant 0 : i32
      %dma_wait3A_207 = tpu.memref_slice %arg5[%dma_wait3A_206] : memref<16777216xi32, #tpu.memory_space<hbm>> -> memref<16777216xi32, #tpu.memory_space<hbm>>
      tpu.wait_indirect_dma semaphore(%arg16 : memref<!tpu.dma_semaphore, #tpu.memory_space<semaphore_mem>>) src(%dma_wait3A_207 : memref<16777216xi32, #tpu.memory_space<hbm>>) dst(%dma_wait3A_203 : memref<128xi32, #tpu.memory_space<vmem>>)
      %dma_start3A_208 = arith.constant 0 : i32
      %dma_start3A_209 = arith.constant 0 : i32
      %dma_start3A_210 = tpu.memref_slice %arg13[%dma_start3A_208, %dma_start3A_209] : memref<2048x32xf32, #tpu.memory_space<vmem>> -> memref<128x32xf32, #tpu.memory_space<vmem>>
      %dma_start3A_211 = arith.constant 0 : i32
      %dma_start3A_212 = tpu.memref_slice %arg12[%dma_start3A_211] : memref<2048xi32, #tpu.memory_space<vmem>> -> memref<128xi32, #tpu.memory_space<vmem>>
      %dma_start3A_213 = arith.constant 0 : i32
      %dma_start3A_214 = arith.constant 0 : i32
      %dma_start3A_215 = tpu.memref_slice %arg6[%dma_start3A_213, %dma_start3A_214] : memref<1000000x32xf32, #tpu.memory_space<hbm>> -> memref<1000000x32xf32, #tpu.memory_space<hbm>>
      tpu.enqueue_indirect_dma source(%dma_start3A_215 : memref<1000000x32xf32, #tpu.memory_space<hbm>>) target(%dma_start3A_210 : memref<128x32xf32, #tpu.memory_space<vmem>>) offsets(%dma_start3A_212 : memref<128xi32, #tpu.memory_space<vmem>>) semaphore(%arg16 : memref<!tpu.dma_semaphore, #tpu.memory_space<semaphore_mem>>)
      %dma_start3A_216 = arith.constant 128 : i32
      %dma_start3A_217 = arith.constant 0 : i32
      %dma_start3A_218 = tpu.memref_slice %arg13[%dma_start3A_216, %dma_start3A_217] : memref<2048x32xf32, #tpu.memory_space<vmem>> -> memref<128x32xf32, #tpu.memory_space<vmem>>
      %dma_start3A_219 = arith.constant 128 : i32
      %dma_start3A_220 = tpu.memref_slice %arg12[%dma_start3A_219] : memref<2048xi32, #tpu.memory_space<vmem>> -> memref<128xi32, #tpu.memory_space<vmem>>
      %dma_start3A_221 = arith.constant 0 : i32
      %dma_start3A_222 = arith.constant 0 : i32
      %dma_start3A_223 = tpu.memref_slice %arg6[%dma_start3A_221, %dma_start3A_222] : memref<1000000x32xf32, #tpu.memory_space<hbm>> -> memref<1000000x32xf32, #tpu.memory_space<hbm>>
      tpu.enqueue_indirect_dma source(%dma_start3A_223 : memref<1000000x32xf32, #tpu.memory_space<hbm>>) target(%dma_start3A_218 : memref<128x32xf32, #tpu.memory_space<vmem>>) offsets(%dma_start3A_220 : memref<128xi32, #tpu.memory_space<vmem>>) semaphore(%arg16 : memref<!tpu.dma_semaphore, #tpu.memory_space<semaphore_mem>>)
      %dma_start3A_224 = arith.constant 256 : i32
      %dma_start3A_225 = arith.constant 0 : i32
      %dma_start3A_226 = tpu.memref_slice %arg13[%dma_start3A_224, %dma_start3A_225] : memref<2048x32xf32, #tpu.memory_space<vmem>> -> memref<128x32xf32, #tpu.memory_space<vmem>>
      %dma_start3A_227 = arith.constant 256 : i32
      %dma_start3A_228 = tpu.memref_slice %arg12[%dma_start3A_227] : memref<2048xi32, #tpu.memory_space<vmem>> -> memref<128xi32, #tpu.memory_space<vmem>>
      %dma_start3A_229 = arith.constant 0 : i32
      %dma_start3A_230 = arith.constant 0 : i32
      %dma_start3A_231 = tpu.memref_slice %arg6[%dma_start3A_229, %dma_start3A_230] : memref<1000000x32xf32, #tpu.memory_space<hbm>> -> memref<1000000x32xf32, #tpu.memory_space<hbm>>
      tpu.enqueue_indirect_dma source(%dma_start3A_231 : memref<1000000x32xf32, #tpu.memory_space<hbm>>) target(%dma_start3A_226 : memref<128x32xf32, #tpu.memory_space<vmem>>) offsets(%dma_start3A_228 : memref<128xi32, #tpu.memory_space<vmem>>) semaphore(%arg16 : memref<!tpu.dma_semaphore, #tpu.memory_space<semaphore_mem>>)
      %dma_start3A_232 = arith.constant 384 : i32
      %dma_start3A_233 = arith.constant 0 : i32
      %dma_start3A_234 = tpu.memref_slice %arg13[%dma_start3A_232, %dma_start3A_233] : memref<2048x32xf32, #tpu.memory_space<vmem>> -> memref<128x32xf32, #tpu.memory_space<vmem>>
      %dma_start3A_235 = arith.constant 384 : i32
      %dma_start3A_236 = tpu.memref_slice %arg12[%dma_start3A_235] : memref<2048xi32, #tpu.memory_space<vmem>> -> memref<128xi32, #tpu.memory_space<vmem>>
      %dma_start3A_237 = arith.constant 0 : i32
      %dma_start3A_238 = arith.constant 0 : i32
      %dma_start3A_239 = tpu.memref_slice %arg6[%dma_start3A_237, %dma_start3A_238] : memref<1000000x32xf32, #tpu.memory_space<hbm>> -> memref<1000000x32xf32, #tpu.memory_space<hbm>>
      tpu.enqueue_indirect_dma source(%dma_start3A_239 : memref<1000000x32xf32, #tpu.memory_space<hbm>>) target(%dma_start3A_234 : memref<128x32xf32, #tpu.memory_space<vmem>>) offsets(%dma_start3A_236 : memref<128xi32, #tpu.memory_space<vmem>>) semaphore(%arg16 : memref<!tpu.dma_semaphore, #tpu.memory_space<semaphore_mem>>)
      %dma_start3A_240 = arith.constant 512 : i32
      %dma_start3A_241 = arith.constant 0 : i32
      %dma_start3A_242 = tpu.memref_slice %arg13[%dma_start3A_240, %dma_start3A_241] : memref<2048x32xf32, #tpu.memory_space<vmem>> -> memref<128x32xf32, #tpu.memory_space<vmem>>
      %dma_start3A_243 = arith.constant 512 : i32
      %dma_start3A_244 = tpu.memref_slice %arg12[%dma_start3A_243] : memref<2048xi32, #tpu.memory_space<vmem>> -> memref<128xi32, #tpu.memory_space<vmem>>
      %dma_start3A_245 = arith.constant 0 : i32
      %dma_start3A_246 = arith.constant 0 : i32
      %dma_start3A_247 = tpu.memref_slice %arg6[%dma_start3A_245, %dma_start3A_246] : memref<1000000x32xf32, #tpu.memory_space<hbm>> -> memref<1000000x32xf32, #tpu.memory_space<hbm>>
      tpu.enqueue_indirect_dma source(%dma_start3A_247 : memref<1000000x32xf32, #tpu.memory_space<hbm>>) target(%dma_start3A_242 : memref<128x32xf32, #tpu.memory_space<vmem>>) offsets(%dma_start3A_244 : memref<128xi32, #tpu.memory_space<vmem>>) semaphore(%arg16 : memref<!tpu.dma_semaphore, #tpu.memory_space<semaphore_mem>>)
      %dma_start3A_248 = arith.constant 640 : i32
      %dma_start3A_249 = arith.constant 0 : i32
      %dma_start3A_250 = tpu.memref_slice %arg13[%dma_start3A_248, %dma_start3A_249] : memref<2048x32xf32, #tpu.memory_space<vmem>> -> memref<128x32xf32, #tpu.memory_space<vmem>>
      %dma_start3A_251 = arith.constant 640 : i32
      %dma_start3A_252 = tpu.memref_slice %arg12[%dma_start3A_251] : memref<2048xi32, #tpu.memory_space<vmem>> -> memref<128xi32, #tpu.memory_space<vmem>>
      %dma_start3A_253 = arith.constant 0 : i32
      %dma_start3A_254 = arith.constant 0 : i32
      %dma_start3A_255 = tpu.memref_slice %arg6[%dma_start3A_253, %dma_start3A_254] : memref<1000000x32xf32, #tpu.memory_space<hbm>> -> memref<1000000x32xf32, #tpu.memory_space<hbm>>
      tpu.enqueue_indirect_dma source(%dma_start3A_255 : memref<1000000x32xf32, #tpu.memory_space<hbm>>) target(%dma_start3A_250 : memref<128x32xf32, #tpu.memory_space<vmem>>) offsets(%dma_start3A_252 : memref<128xi32, #tpu.memory_space<vmem>>) semaphore(%arg16 : memref<!tpu.dma_semaphore, #tpu.memory_space<semaphore_mem>>)
      %dma_start3A_256 = arith.constant 768 : i32
      %dma_start3A_257 = arith.constant 0 : i32
      %dma_start3A_258 = tpu.memref_slice %arg13[%dma_start3A_256, %dma_start3A_257] : memref<2048x32xf32, #tpu.memory_space<vmem>> -> memref<128x32xf32, #tpu.memory_space<vmem>>
      %dma_start3A_259 = arith.constant 768 : i32
      %dma_start3A_260 = tpu.memref_slice %arg12[%dma_start3A_259] : memref<2048xi32, #tpu.memory_space<vmem>> -> memref<128xi32, #tpu.memory_space<vmem>>
      %dma_start3A_261 = arith.constant 0 : i32
      %dma_start3A_262 = arith.constant 0 : i32
      %dma_start3A_263 = tpu.memref_slice %arg6[%dma_start3A_261, %dma_start3A_262] : memref<1000000x32xf32, #tpu.memory_space<hbm>> -> memref<1000000x32xf32, #tpu.memory_space<hbm>>
      tpu.enqueue_indirect_dma source(%dma_start3A_263 : memref<1000000x32xf32, #tpu.memory_space<hbm>>) target(%dma_start3A_258 : memref<128x32xf32, #tpu.memory_space<vmem>>) offsets(%dma_start3A_260 : memref<128xi32, #tpu.memory_space<vmem>>) semaphore(%arg16 : memref<!tpu.dma_semaphore, #tpu.memory_space<semaphore_mem>>)
      %dma_start3A_264 = arith.constant 896 : i32
      %dma_start3A_265 = arith.constant 0 : i32
      %dma_start3A_266 = tpu.memref_slice %arg13[%dma_start3A_264, %dma_start3A_265] : memref<2048x32xf32, #tpu.memory_space<vmem>> -> memref<128x32xf32, #tpu.memory_space<vmem>>
      %dma_start3A_267 = arith.constant 896 : i32
      %dma_start3A_268 = tpu.memref_slice %arg12[%dma_start3A_267] : memref<2048xi32, #tpu.memory_space<vmem>> -> memref<128xi32, #tpu.memory_space<vmem>>
      %dma_start3A_269 = arith.constant 0 : i32
      %dma_start3A_270 = arith.constant 0 : i32
      %dma_start3A_271 = tpu.memref_slice %arg6[%dma_start3A_269, %dma_start3A_270] : memref<1000000x32xf32, #tpu.memory_space<hbm>> -> memref<1000000x32xf32, #tpu.memory_space<hbm>>
      tpu.enqueue_indirect_dma source(%dma_start3A_271 : memref<1000000x32xf32, #tpu.memory_space<hbm>>) target(%dma_start3A_266 : memref<128x32xf32, #tpu.memory_space<vmem>>) offsets(%dma_start3A_268 : memref<128xi32, #tpu.memory_space<vmem>>) semaphore(%arg16 : memref<!tpu.dma_semaphore, #tpu.memory_space<semaphore_mem>>)
      %dma_start3A_272 = arith.constant 1024 : i32
      %dma_start3A_273 = arith.constant 0 : i32
      %dma_start3A_274 = tpu.memref_slice %arg13[%dma_start3A_272, %dma_start3A_273] : memref<2048x32xf32, #tpu.memory_space<vmem>> -> memref<128x32xf32, #tpu.memory_space<vmem>>
      %dma_start3A_275 = arith.constant 1024 : i32
      %dma_start3A_276 = tpu.memref_slice %arg12[%dma_start3A_275] : memref<2048xi32, #tpu.memory_space<vmem>> -> memref<128xi32, #tpu.memory_space<vmem>>
      %dma_start3A_277 = arith.constant 0 : i32
      %dma_start3A_278 = arith.constant 0 : i32
      %dma_start3A_279 = tpu.memref_slice %arg6[%dma_start3A_277, %dma_start3A_278] : memref<1000000x32xf32, #tpu.memory_space<hbm>> -> memref<1000000x32xf32, #tpu.memory_space<hbm>>
      tpu.enqueue_indirect_dma source(%dma_start3A_279 : memref<1000000x32xf32, #tpu.memory_space<hbm>>) target(%dma_start3A_274 : memref<128x32xf32, #tpu.memory_space<vmem>>) offsets(%dma_start3A_276 : memref<128xi32, #tpu.memory_space<vmem>>) semaphore(%arg16 : memref<!tpu.dma_semaphore, #tpu.memory_space<semaphore_mem>>)
      %dma_start3A_280 = arith.constant 1152 : i32
      %dma_start3A_281 = arith.constant 0 : i32
      %dma_start3A_282 = tpu.memref_slice %arg13[%dma_start3A_280, %dma_start3A_281] : memref<2048x32xf32, #tpu.memory_space<vmem>> -> memref<128x32xf32, #tpu.memory_space<vmem>>
      %dma_start3A_283 = arith.constant 1152 : i32
      %dma_start3A_284 = tpu.memref_slice %arg12[%dma_start3A_283] : memref<2048xi32, #tpu.memory_space<vmem>> -> memref<128xi32, #tpu.memory_space<vmem>>
      %dma_start3A_285 = arith.constant 0 : i32
      %dma_start3A_286 = arith.constant 0 : i32
      %dma_start3A_287 = tpu.memref_slice %arg6[%dma_start3A_285, %dma_start3A_286] : memref<1000000x32xf32, #tpu.memory_space<hbm>> -> memref<1000000x32xf32, #tpu.memory_space<hbm>>
      tpu.enqueue_indirect_dma source(%dma_start3A_287 : memref<1000000x32xf32, #tpu.memory_space<hbm>>) target(%dma_start3A_282 : memref<128x32xf32, #tpu.memory_space<vmem>>) offsets(%dma_start3A_284 : memref<128xi32, #tpu.memory_space<vmem>>) semaphore(%arg16 : memref<!tpu.dma_semaphore, #tpu.memory_space<semaphore_mem>>)
      %dma_start3A_288 = arith.constant 1280 : i32
      %dma_start3A_289 = arith.constant 0 : i32
      %dma_start3A_290 = tpu.memref_slice %arg13[%dma_start3A_288, %dma_start3A_289] : memref<2048x32xf32, #tpu.memory_space<vmem>> -> memref<128x32xf32, #tpu.memory_space<vmem>>
      %dma_start3A_291 = arith.constant 1280 : i32
      %dma_start3A_292 = tpu.memref_slice %arg12[%dma_start3A_291] : memref<2048xi32, #tpu.memory_space<vmem>> -> memref<128xi32, #tpu.memory_space<vmem>>
      %dma_start3A_293 = arith.constant 0 : i32
      %dma_start3A_294 = arith.constant 0 : i32
      %dma_start3A_295 = tpu.memref_slice %arg6[%dma_start3A_293, %dma_start3A_294] : memref<1000000x32xf32, #tpu.memory_space<hbm>> -> memref<1000000x32xf32, #tpu.memory_space<hbm>>
      tpu.enqueue_indirect_dma source(%dma_start3A_295 : memref<1000000x32xf32, #tpu.memory_space<hbm>>) target(%dma_start3A_290 : memref<128x32xf32, #tpu.memory_space<vmem>>) offsets(%dma_start3A_292 : memref<128xi32, #tpu.memory_space<vmem>>) semaphore(%arg16 : memref<!tpu.dma_semaphore, #tpu.memory_space<semaphore_mem>>)
      %dma_start3A_296 = arith.constant 1408 : i32
      %dma_start3A_297 = arith.constant 0 : i32
      %dma_start3A_298 = tpu.memref_slice %arg13[%dma_start3A_296, %dma_start3A_297] : memref<2048x32xf32, #tpu.memory_space<vmem>> -> memref<128x32xf32, #tpu.memory_space<vmem>>
      %dma_start3A_299 = arith.constant 1408 : i32
      %dma_start3A_300 = tpu.memref_slice %arg12[%dma_start3A_299] : memref<2048xi32, #tpu.memory_space<vmem>> -> memref<128xi32, #tpu.memory_space<vmem>>
      %dma_start3A_301 = arith.constant 0 : i32
      %dma_start3A_302 = arith.constant 0 : i32
      %dma_start3A_303 = tpu.memref_slice %arg6[%dma_start3A_301, %dma_start3A_302] : memref<1000000x32xf32, #tpu.memory_space<hbm>> -> memref<1000000x32xf32, #tpu.memory_space<hbm>>
      tpu.enqueue_indirect_dma source(%dma_start3A_303 : memref<1000000x32xf32, #tpu.memory_space<hbm>>) target(%dma_start3A_298 : memref<128x32xf32, #tpu.memory_space<vmem>>) offsets(%dma_start3A_300 : memref<128xi32, #tpu.memory_space<vmem>>) semaphore(%arg16 : memref<!tpu.dma_semaphore, #tpu.memory_space<semaphore_mem>>)
      %dma_start3A_304 = arith.constant 1536 : i32
      %dma_start3A_305 = arith.constant 0 : i32
      %dma_start3A_306 = tpu.memref_slice %arg13[%dma_start3A_304, %dma_start3A_305] : memref<2048x32xf32, #tpu.memory_space<vmem>> -> memref<128x32xf32, #tpu.memory_space<vmem>>
      %dma_start3A_307 = arith.constant 1536 : i32
      %dma_start3A_308 = tpu.memref_slice %arg12[%dma_start3A_307] : memref<2048xi32, #tpu.memory_space<vmem>> -> memref<128xi32, #tpu.memory_space<vmem>>
      %dma_start3A_309 = arith.constant 0 : i32
      %dma_start3A_310 = arith.constant 0 : i32
      %dma_start3A_311 = tpu.memref_slice %arg6[%dma_start3A_309, %dma_start3A_310] : memref<1000000x32xf32, #tpu.memory_space<hbm>> -> memref<1000000x32xf32, #tpu.memory_space<hbm>>
      tpu.enqueue_indirect_dma source(%dma_start3A_311 : memref<1000000x32xf32, #tpu.memory_space<hbm>>) target(%dma_start3A_306 : memref<128x32xf32, #tpu.memory_space<vmem>>) offsets(%dma_start3A_308 : memref<128xi32, #tpu.memory_space<vmem>>) semaphore(%arg16 : memref<!tpu.dma_semaphore, #tpu.memory_space<semaphore_mem>>)
      %dma_start3A_312 = arith.constant 1664 : i32
      %dma_start3A_313 = arith.constant 0 : i32
      %dma_start3A_314 = tpu.memref_slice %arg13[%dma_start3A_312, %dma_start3A_313] : memref<2048x32xf32, #tpu.memory_space<vmem>> -> memref<128x32xf32, #tpu.memory_space<vmem>>
      %dma_start3A_315 = arith.constant 1664 : i32
      %dma_start3A_316 = tpu.memref_slice %arg12[%dma_start3A_315] : memref<2048xi32, #tpu.memory_space<vmem>> -> memref<128xi32, #tpu.memory_space<vmem>>
      %dma_start3A_317 = arith.constant 0 : i32
      %dma_start3A_318 = arith.constant 0 : i32
      %dma_start3A_319 = tpu.memref_slice %arg6[%dma_start3A_317, %dma_start3A_318] : memref<1000000x32xf32, #tpu.memory_space<hbm>> -> memref<1000000x32xf32, #tpu.memory_space<hbm>>
      tpu.enqueue_indirect_dma source(%dma_start3A_319 : memref<1000000x32xf32, #tpu.memory_space<hbm>>) target(%dma_start3A_314 : memref<128x32xf32, #tpu.memory_space<vmem>>) offsets(%dma_start3A_316 : memref<128xi32, #tpu.memory_space<vmem>>) semaphore(%arg16 : memref<!tpu.dma_semaphore, #tpu.memory_space<semaphore_mem>>)
      %dma_start3A_320 = arith.constant 1792 : i32
      %dma_start3A_321 = arith.constant 0 : i32
      %dma_start3A_322 = tpu.memref_slice %arg13[%dma_start3A_320, %dma_start3A_321] : memref<2048x32xf32, #tpu.memory_space<vmem>> -> memref<128x32xf32, #tpu.memory_space<vmem>>
      %dma_start3A_323 = arith.constant 1792 : i32
      %dma_start3A_324 = tpu.memref_slice %arg12[%dma_start3A_323] : memref<2048xi32, #tpu.memory_space<vmem>> -> memref<128xi32, #tpu.memory_space<vmem>>
      %dma_start3A_325 = arith.constant 0 : i32
      %dma_start3A_326 = arith.constant 0 : i32
      %dma_start3A_327 = tpu.memref_slice %arg6[%dma_start3A_325, %dma_start3A_326] : memref<1000000x32xf32, #tpu.memory_space<hbm>> -> memref<1000000x32xf32, #tpu.memory_space<hbm>>
      tpu.enqueue_indirect_dma source(%dma_start3A_327 : memref<1000000x32xf32, #tpu.memory_space<hbm>>) target(%dma_start3A_322 : memref<128x32xf32, #tpu.memory_space<vmem>>) offsets(%dma_start3A_324 : memref<128xi32, #tpu.memory_space<vmem>>) semaphore(%arg16 : memref<!tpu.dma_semaphore, #tpu.memory_space<semaphore_mem>>)
      %dma_start3A_328 = arith.constant 1920 : i32
      %dma_start3A_329 = arith.constant 0 : i32
      %dma_start3A_330 = tpu.memref_slice %arg13[%dma_start3A_328, %dma_start3A_329] : memref<2048x32xf32, #tpu.memory_space<vmem>> -> memref<128x32xf32, #tpu.memory_space<vmem>>
      %dma_start3A_331 = arith.constant 1920 : i32
      %dma_start3A_332 = tpu.memref_slice %arg12[%dma_start3A_331] : memref<2048xi32, #tpu.memory_space<vmem>> -> memref<128xi32, #tpu.memory_space<vmem>>
      %dma_start3A_333 = arith.constant 0 : i32
      %dma_start3A_334 = arith.constant 0 : i32
      %dma_start3A_335 = tpu.memref_slice %arg6[%dma_start3A_333, %dma_start3A_334] : memref<1000000x32xf32, #tpu.memory_space<hbm>> -> memref<1000000x32xf32, #tpu.memory_space<hbm>>
      tpu.enqueue_indirect_dma source(%dma_start3A_335 : memref<1000000x32xf32, #tpu.memory_space<hbm>>) target(%dma_start3A_330 : memref<128x32xf32, #tpu.memory_space<vmem>>) offsets(%dma_start3A_332 : memref<128xi32, #tpu.memory_space<vmem>>) semaphore(%arg16 : memref<!tpu.dma_semaphore, #tpu.memory_space<semaphore_mem>>)
      %dma_wait3A_336 = arith.constant 0 : i32
      %dma_wait3A_337 = arith.constant 0 : i32
      %dma_wait3A_338 = tpu.memref_slice %arg13[%dma_wait3A_336, %dma_wait3A_337] : memref<2048x32xf32, #tpu.memory_space<vmem>> -> memref<128x32xf32, #tpu.memory_space<vmem>>
      %dma_wait3A_339 = arith.constant 0 : i32
      %dma_wait3A_340 = tpu.memref_slice %arg12[%dma_wait3A_339] : memref<2048xi32, #tpu.memory_space<vmem>> -> memref<128xi32, #tpu.memory_space<vmem>>
      %dma_wait3A_341 = arith.constant 0 : i32
      %dma_wait3A_342 = arith.constant 0 : i32
      %dma_wait3A_343 = tpu.memref_slice %arg6[%dma_wait3A_341, %dma_wait3A_342] : memref<1000000x32xf32, #tpu.memory_space<hbm>> -> memref<1000000x32xf32, #tpu.memory_space<hbm>>
      tpu.wait_indirect_dma semaphore(%arg16 : memref<!tpu.dma_semaphore, #tpu.memory_space<semaphore_mem>>) src(%dma_wait3A_343 : memref<1000000x32xf32, #tpu.memory_space<hbm>>) dst(%dma_wait3A_338 : memref<128x32xf32, #tpu.memory_space<vmem>>)
      %dma_wait3A_344 = arith.constant 128 : i32
      %dma_wait3A_345 = arith.constant 0 : i32
      %dma_wait3A_346 = tpu.memref_slice %arg13[%dma_wait3A_344, %dma_wait3A_345] : memref<2048x32xf32, #tpu.memory_space<vmem>> -> memref<128x32xf32, #tpu.memory_space<vmem>>
      %dma_wait3A_347 = arith.constant 128 : i32
      %dma_wait3A_348 = tpu.memref_slice %arg12[%dma_wait3A_347] : memref<2048xi32, #tpu.memory_space<vmem>> -> memref<128xi32, #tpu.memory_space<vmem>>
      %dma_wait3A_349 = arith.constant 0 : i32
      %dma_wait3A_350 = arith.constant 0 : i32
      %dma_wait3A_351 = tpu.memref_slice %arg6[%dma_wait3A_349, %dma_wait3A_350] : memref<1000000x32xf32, #tpu.memory_space<hbm>> -> memref<1000000x32xf32, #tpu.memory_space<hbm>>
      tpu.wait_indirect_dma semaphore(%arg16 : memref<!tpu.dma_semaphore, #tpu.memory_space<semaphore_mem>>) src(%dma_wait3A_351 : memref<1000000x32xf32, #tpu.memory_space<hbm>>) dst(%dma_wait3A_346 : memref<128x32xf32, #tpu.memory_space<vmem>>)
      %dma_wait3A_352 = arith.constant 256 : i32
      %dma_wait3A_353 = arith.constant 0 : i32
      %dma_wait3A_354 = tpu.memref_slice %arg13[%dma_wait3A_352, %dma_wait3A_353] : memref<2048x32xf32, #tpu.memory_space<vmem>> -> memref<128x32xf32, #tpu.memory_space<vmem>>
      %dma_wait3A_355 = arith.constant 256 : i32
      %dma_wait3A_356 = tpu.memref_slice %arg12[%dma_wait3A_355] : memref<2048xi32, #tpu.memory_space<vmem>> -> memref<128xi32, #tpu.memory_space<vmem>>
      %dma_wait3A_357 = arith.constant 0 : i32
      %dma_wait3A_358 = arith.constant 0 : i32
      %dma_wait3A_359 = tpu.memref_slice %arg6[%dma_wait3A_357, %dma_wait3A_358] : memref<1000000x32xf32, #tpu.memory_space<hbm>> -> memref<1000000x32xf32, #tpu.memory_space<hbm>>
      tpu.wait_indirect_dma semaphore(%arg16 : memref<!tpu.dma_semaphore, #tpu.memory_space<semaphore_mem>>) src(%dma_wait3A_359 : memref<1000000x32xf32, #tpu.memory_space<hbm>>) dst(%dma_wait3A_354 : memref<128x32xf32, #tpu.memory_space<vmem>>)
      %dma_wait3A_360 = arith.constant 384 : i32
      %dma_wait3A_361 = arith.constant 0 : i32
      %dma_wait3A_362 = tpu.memref_slice %arg13[%dma_wait3A_360, %dma_wait3A_361] : memref<2048x32xf32, #tpu.memory_space<vmem>> -> memref<128x32xf32, #tpu.memory_space<vmem>>
      %dma_wait3A_363 = arith.constant 384 : i32
      %dma_wait3A_364 = tpu.memref_slice %arg12[%dma_wait3A_363] : memref<2048xi32, #tpu.memory_space<vmem>> -> memref<128xi32, #tpu.memory_space<vmem>>
      %dma_wait3A_365 = arith.constant 0 : i32
      %dma_wait3A_366 = arith.constant 0 : i32
      %dma_wait3A_367 = tpu.memref_slice %arg6[%dma_wait3A_365, %dma_wait3A_366] : memref<1000000x32xf32, #tpu.memory_space<hbm>> -> memref<1000000x32xf32, #tpu.memory_space<hbm>>
      tpu.wait_indirect_dma semaphore(%arg16 : memref<!tpu.dma_semaphore, #tpu.memory_space<semaphore_mem>>) src(%dma_wait3A_367 : memref<1000000x32xf32, #tpu.memory_space<hbm>>) dst(%dma_wait3A_362 : memref<128x32xf32, #tpu.memory_space<vmem>>)
      %dma_wait3A_368 = arith.constant 512 : i32
      %dma_wait3A_369 = arith.constant 0 : i32
      %dma_wait3A_370 = tpu.memref_slice %arg13[%dma_wait3A_368, %dma_wait3A_369] : memref<2048x32xf32, #tpu.memory_space<vmem>> -> memref<128x32xf32, #tpu.memory_space<vmem>>
      %dma_wait3A_371 = arith.constant 512 : i32
      %dma_wait3A_372 = tpu.memref_slice %arg12[%dma_wait3A_371] : memref<2048xi32, #tpu.memory_space<vmem>> -> memref<128xi32, #tpu.memory_space<vmem>>
      %dma_wait3A_373 = arith.constant 0 : i32
      %dma_wait3A_374 = arith.constant 0 : i32
      %dma_wait3A_375 = tpu.memref_slice %arg6[%dma_wait3A_373, %dma_wait3A_374] : memref<1000000x32xf32, #tpu.memory_space<hbm>> -> memref<1000000x32xf32, #tpu.memory_space<hbm>>
      tpu.wait_indirect_dma semaphore(%arg16 : memref<!tpu.dma_semaphore, #tpu.memory_space<semaphore_mem>>) src(%dma_wait3A_375 : memref<1000000x32xf32, #tpu.memory_space<hbm>>) dst(%dma_wait3A_370 : memref<128x32xf32, #tpu.memory_space<vmem>>)
      %dma_wait3A_376 = arith.constant 640 : i32
      %dma_wait3A_377 = arith.constant 0 : i32
      %dma_wait3A_378 = tpu.memref_slice %arg13[%dma_wait3A_376, %dma_wait3A_377] : memref<2048x32xf32, #tpu.memory_space<vmem>> -> memref<128x32xf32, #tpu.memory_space<vmem>>
      %dma_wait3A_379 = arith.constant 640 : i32
      %dma_wait3A_380 = tpu.memref_slice %arg12[%dma_wait3A_379] : memref<2048xi32, #tpu.memory_space<vmem>> -> memref<128xi32, #tpu.memory_space<vmem>>
      %dma_wait3A_381 = arith.constant 0 : i32
      %dma_wait3A_382 = arith.constant 0 : i32
      %dma_wait3A_383 = tpu.memref_slice %arg6[%dma_wait3A_381, %dma_wait3A_382] : memref<1000000x32xf32, #tpu.memory_space<hbm>> -> memref<1000000x32xf32, #tpu.memory_space<hbm>>
      tpu.wait_indirect_dma semaphore(%arg16 : memref<!tpu.dma_semaphore, #tpu.memory_space<semaphore_mem>>) src(%dma_wait3A_383 : memref<1000000x32xf32, #tpu.memory_space<hbm>>) dst(%dma_wait3A_378 : memref<128x32xf32, #tpu.memory_space<vmem>>)
      %dma_wait3A_384 = arith.constant 768 : i32
      %dma_wait3A_385 = arith.constant 0 : i32
      %dma_wait3A_386 = tpu.memref_slice %arg13[%dma_wait3A_384, %dma_wait3A_385] : memref<2048x32xf32, #tpu.memory_space<vmem>> -> memref<128x32xf32, #tpu.memory_space<vmem>>
      %dma_wait3A_387 = arith.constant 768 : i32
      %dma_wait3A_388 = tpu.memref_slice %arg12[%dma_wait3A_387] : memref<2048xi32, #tpu.memory_space<vmem>> -> memref<128xi32, #tpu.memory_space<vmem>>
      %dma_wait3A_389 = arith.constant 0 : i32
      %dma_wait3A_390 = arith.constant 0 : i32
      %dma_wait3A_391 = tpu.memref_slice %arg6[%dma_wait3A_389, %dma_wait3A_390] : memref<1000000x32xf32, #tpu.memory_space<hbm>> -> memref<1000000x32xf32, #tpu.memory_space<hbm>>
      tpu.wait_indirect_dma semaphore(%arg16 : memref<!tpu.dma_semaphore, #tpu.memory_space<semaphore_mem>>) src(%dma_wait3A_391 : memref<1000000x32xf32, #tpu.memory_space<hbm>>) dst(%dma_wait3A_386 : memref<128x32xf32, #tpu.memory_space<vmem>>)
      %dma_wait3A_392 = arith.constant 896 : i32
      %dma_wait3A_393 = arith.constant 0 : i32
      %dma_wait3A_394 = tpu.memref_slice %arg13[%dma_wait3A_392, %dma_wait3A_393] : memref<2048x32xf32, #tpu.memory_space<vmem>> -> memref<128x32xf32, #tpu.memory_space<vmem>>
      %dma_wait3A_395 = arith.constant 896 : i32
      %dma_wait3A_396 = tpu.memref_slice %arg12[%dma_wait3A_395] : memref<2048xi32, #tpu.memory_space<vmem>> -> memref<128xi32, #tpu.memory_space<vmem>>
      %dma_wait3A_397 = arith.constant 0 : i32
      %dma_wait3A_398 = arith.constant 0 : i32
      %dma_wait3A_399 = tpu.memref_slice %arg6[%dma_wait3A_397, %dma_wait3A_398] : memref<1000000x32xf32, #tpu.memory_space<hbm>> -> memref<1000000x32xf32, #tpu.memory_space<hbm>>
      tpu.wait_indirect_dma semaphore(%arg16 : memref<!tpu.dma_semaphore, #tpu.memory_space<semaphore_mem>>) src(%dma_wait3A_399 : memref<1000000x32xf32, #tpu.memory_space<hbm>>) dst(%dma_wait3A_394 : memref<128x32xf32, #tpu.memory_space<vmem>>)
      %dma_wait3A_400 = arith.constant 1024 : i32
      %dma_wait3A_401 = arith.constant 0 : i32
      %dma_wait3A_402 = tpu.memref_slice %arg13[%dma_wait3A_400, %dma_wait3A_401] : memref<2048x32xf32, #tpu.memory_space<vmem>> -> memref<128x32xf32, #tpu.memory_space<vmem>>
      %dma_wait3A_403 = arith.constant 1024 : i32
      %dma_wait3A_404 = tpu.memref_slice %arg12[%dma_wait3A_403] : memref<2048xi32, #tpu.memory_space<vmem>> -> memref<128xi32, #tpu.memory_space<vmem>>
      %dma_wait3A_405 = arith.constant 0 : i32
      %dma_wait3A_406 = arith.constant 0 : i32
      %dma_wait3A_407 = tpu.memref_slice %arg6[%dma_wait3A_405, %dma_wait3A_406] : memref<1000000x32xf32, #tpu.memory_space<hbm>> -> memref<1000000x32xf32, #tpu.memory_space<hbm>>
      tpu.wait_indirect_dma semaphore(%arg16 : memref<!tpu.dma_semaphore, #tpu.memory_space<semaphore_mem>>) src(%dma_wait3A_407 : memref<1000000x32xf32, #tpu.memory_space<hbm>>) dst(%dma_wait3A_402 : memref<128x32xf32, #tpu.memory_space<vmem>>)
      %dma_wait3A_408 = arith.constant 1152 : i32
      %dma_wait3A_409 = arith.constant 0 : i32
      %dma_wait3A_410 = tpu.memref_slice %arg13[%dma_wait3A_408, %dma_wait3A_409] : memref<2048x32xf32, #tpu.memory_space<vmem>> -> memref<128x32xf32, #tpu.memory_space<vmem>>
      %dma_wait3A_411 = arith.constant 1152 : i32
      %dma_wait3A_412 = tpu.memref_slice %arg12[%dma_wait3A_411] : memref<2048xi32, #tpu.memory_space<vmem>> -> memref<128xi32, #tpu.memory_space<vmem>>
      %dma_wait3A_413 = arith.constant 0 : i32
      %dma_wait3A_414 = arith.constant 0 : i32
      %dma_wait3A_415 = tpu.memref_slice %arg6[%dma_wait3A_413, %dma_wait3A_414] : memref<1000000x32xf32, #tpu.memory_space<hbm>> -> memref<1000000x32xf32, #tpu.memory_space<hbm>>
      tpu.wait_indirect_dma semaphore(%arg16 : memref<!tpu.dma_semaphore, #tpu.memory_space<semaphore_mem>>) src(%dma_wait3A_415 : memref<1000000x32xf32, #tpu.memory_space<hbm>>) dst(%dma_wait3A_410 : memref<128x32xf32, #tpu.memory_space<vmem>>)
      %dma_wait3A_416 = arith.constant 1280 : i32
      %dma_wait3A_417 = arith.constant 0 : i32
      %dma_wait3A_418 = tpu.memref_slice %arg13[%dma_wait3A_416, %dma_wait3A_417] : memref<2048x32xf32, #tpu.memory_space<vmem>> -> memref<128x32xf32, #tpu.memory_space<vmem>>
      %dma_wait3A_419 = arith.constant 1280 : i32
      %dma_wait3A_420 = tpu.memref_slice %arg12[%dma_wait3A_419] : memref<2048xi32, #tpu.memory_space<vmem>> -> memref<128xi32, #tpu.memory_space<vmem>>
      %dma_wait3A_421 = arith.constant 0 : i32
      %dma_wait3A_422 = arith.constant 0 : i32
      %dma_wait3A_423 = tpu.memref_slice %arg6[%dma_wait3A_421, %dma_wait3A_422] : memref<1000000x32xf32, #tpu.memory_space<hbm>> -> memref<1000000x32xf32, #tpu.memory_space<hbm>>
      tpu.wait_indirect_dma semaphore(%arg16 : memref<!tpu.dma_semaphore, #tpu.memory_space<semaphore_mem>>) src(%dma_wait3A_423 : memref<1000000x32xf32, #tpu.memory_space<hbm>>) dst(%dma_wait3A_418 : memref<128x32xf32, #tpu.memory_space<vmem>>)
      %dma_wait3A_424 = arith.constant 1408 : i32
      %dma_wait3A_425 = arith.constant 0 : i32
      %dma_wait3A_426 = tpu.memref_slice %arg13[%dma_wait3A_424, %dma_wait3A_425] : memref<2048x32xf32, #tpu.memory_space<vmem>> -> memref<128x32xf32, #tpu.memory_space<vmem>>
      %dma_wait3A_427 = arith.constant 1408 : i32
      %dma_wait3A_428 = tpu.memref_slice %arg12[%dma_wait3A_427] : memref<2048xi32, #tpu.memory_space<vmem>> -> memref<128xi32, #tpu.memory_space<vmem>>
      %dma_wait3A_429 = arith.constant 0 : i32
      %dma_wait3A_430 = arith.constant 0 : i32
      %dma_wait3A_431 = tpu.memref_slice %arg6[%dma_wait3A_429, %dma_wait3A_430] : memref<1000000x32xf32, #tpu.memory_space<hbm>> -> memref<1000000x32xf32, #tpu.memory_space<hbm>>
      tpu.wait_indirect_dma semaphore(%arg16 : memref<!tpu.dma_semaphore, #tpu.memory_space<semaphore_mem>>) src(%dma_wait3A_431 : memref<1000000x32xf32, #tpu.memory_space<hbm>>) dst(%dma_wait3A_426 : memref<128x32xf32, #tpu.memory_space<vmem>>)
      %dma_wait3A_432 = arith.constant 1536 : i32
      %dma_wait3A_433 = arith.constant 0 : i32
      %dma_wait3A_434 = tpu.memref_slice %arg13[%dma_wait3A_432, %dma_wait3A_433] : memref<2048x32xf32, #tpu.memory_space<vmem>> -> memref<128x32xf32, #tpu.memory_space<vmem>>
      %dma_wait3A_435 = arith.constant 1536 : i32
      %dma_wait3A_436 = tpu.memref_slice %arg12[%dma_wait3A_435] : memref<2048xi32, #tpu.memory_space<vmem>> -> memref<128xi32, #tpu.memory_space<vmem>>
      %dma_wait3A_437 = arith.constant 0 : i32
      %dma_wait3A_438 = arith.constant 0 : i32
      %dma_wait3A_439 = tpu.memref_slice %arg6[%dma_wait3A_437, %dma_wait3A_438] : memref<1000000x32xf32, #tpu.memory_space<hbm>> -> memref<1000000x32xf32, #tpu.memory_space<hbm>>
      tpu.wait_indirect_dma semaphore(%arg16 : memref<!tpu.dma_semaphore, #tpu.memory_space<semaphore_mem>>) src(%dma_wait3A_439 : memref<1000000x32xf32, #tpu.memory_space<hbm>>) dst(%dma_wait3A_434 : memref<128x32xf32, #tpu.memory_space<vmem>>)
      %dma_wait3A_440 = arith.constant 1664 : i32
      %dma_wait3A_441 = arith.constant 0 : i32
      %dma_wait3A_442 = tpu.memref_slice %arg13[%dma_wait3A_440, %dma_wait3A_441] : memref<2048x32xf32, #tpu.memory_space<vmem>> -> memref<128x32xf32, #tpu.memory_space<vmem>>
      %dma_wait3A_443 = arith.constant 1664 : i32
      %dma_wait3A_444 = tpu.memref_slice %arg12[%dma_wait3A_443] : memref<2048xi32, #tpu.memory_space<vmem>> -> memref<128xi32, #tpu.memory_space<vmem>>
      %dma_wait3A_445 = arith.constant 0 : i32
      %dma_wait3A_446 = arith.constant 0 : i32
      %dma_wait3A_447 = tpu.memref_slice %arg6[%dma_wait3A_445, %dma_wait3A_446] : memref<1000000x32xf32, #tpu.memory_space<hbm>> -> memref<1000000x32xf32, #tpu.memory_space<hbm>>
      tpu.wait_indirect_dma semaphore(%arg16 : memref<!tpu.dma_semaphore, #tpu.memory_space<semaphore_mem>>) src(%dma_wait3A_447 : memref<1000000x32xf32, #tpu.memory_space<hbm>>) dst(%dma_wait3A_442 : memref<128x32xf32, #tpu.memory_space<vmem>>)
      %dma_wait3A_448 = arith.constant 1792 : i32
      %dma_wait3A_449 = arith.constant 0 : i32
      %dma_wait3A_450 = tpu.memref_slice %arg13[%dma_wait3A_448, %dma_wait3A_449] : memref<2048x32xf32, #tpu.memory_space<vmem>> -> memref<128x32xf32, #tpu.memory_space<vmem>>
      %dma_wait3A_451 = arith.constant 1792 : i32
      %dma_wait3A_452 = tpu.memref_slice %arg12[%dma_wait3A_451] : memref<2048xi32, #tpu.memory_space<vmem>> -> memref<128xi32, #tpu.memory_space<vmem>>
      %dma_wait3A_453 = arith.constant 0 : i32
      %dma_wait3A_454 = arith.constant 0 : i32
      %dma_wait3A_455 = tpu.memref_slice %arg6[%dma_wait3A_453, %dma_wait3A_454] : memref<1000000x32xf32, #tpu.memory_space<hbm>> -> memref<1000000x32xf32, #tpu.memory_space<hbm>>
      tpu.wait_indirect_dma semaphore(%arg16 : memref<!tpu.dma_semaphore, #tpu.memory_space<semaphore_mem>>) src(%dma_wait3A_455 : memref<1000000x32xf32, #tpu.memory_space<hbm>>) dst(%dma_wait3A_450 : memref<128x32xf32, #tpu.memory_space<vmem>>)
      %dma_wait3A_456 = arith.constant 1920 : i32
      %dma_wait3A_457 = arith.constant 0 : i32
      %dma_wait3A_458 = tpu.memref_slice %arg13[%dma_wait3A_456, %dma_wait3A_457] : memref<2048x32xf32, #tpu.memory_space<vmem>> -> memref<128x32xf32, #tpu.memory_space<vmem>>
      %dma_wait3A_459 = arith.constant 1920 : i32
      %dma_wait3A_460 = tpu.memref_slice %arg12[%dma_wait3A_459] : memref<2048xi32, #tpu.memory_space<vmem>> -> memref<128xi32, #tpu.memory_space<vmem>>
      %dma_wait3A_461 = arith.constant 0 : i32
      %dma_wait3A_462 = arith.constant 0 : i32
      %dma_wait3A_463 = tpu.memref_slice %arg6[%dma_wait3A_461, %dma_wait3A_462] : memref<1000000x32xf32, #tpu.memory_space<hbm>> -> memref<1000000x32xf32, #tpu.memory_space<hbm>>
      tpu.wait_indirect_dma semaphore(%arg16 : memref<!tpu.dma_semaphore, #tpu.memory_space<semaphore_mem>>) src(%dma_wait3A_463 : memref<1000000x32xf32, #tpu.memory_space<hbm>>) dst(%dma_wait3A_458 : memref<128x32xf32, #tpu.memory_space<vmem>>)
      %scan3A_464 = arith.constant 0 : i32
      %scan3A_465 = arith.constant 0 : i32
      %scan3A_466 = arith.constant 16 : i32
      %scan3A_467 = arith.addi %scan3A_465, %scan3A_466 : i32
      %scan3A_468 = arith.constant 1 : i32
      scf.for %scan3A_470 = %scan3A_465 to %scan3A_467 step %scan3A_468  : i32 {
        %mul3A_471 = arith.constant 16 : i32
        %mul3A_472 = arith.muli %scan3A_470, %mul3A_471 : i32
        %add3A_473 = arith.constant 0 : i32
        %add3A_474 = arith.addi %add3A_473, %mul3A_472 : i32
        %get3A = arith.index_cast %add3A_474 : i32 to index
        %get3A_475 = tpu.vector_load %arg14[%get3A] {strides = array<i32>} : memref<2048xf32, #tpu.memory_space<vmem>>, vector<16xf32>,
        %get3A_476 = vector.shape_cast %get3A_475 : vector<16xf32> to vector<16xf32>
        %add3A_477 = arith.constant 256 : i32
        %add3A_478 = arith.addi %add3A_477, %mul3A_472 : i32
        %get3A_479 = arith.index_cast %add3A_478 : i32 to index
        %get3A_480 = tpu.vector_load %arg14[%get3A_479] {strides = array<i32>} : memref<2048xf32, #tpu.memory_space<vmem>>, vector<16xf32>,
        %get3A_481 = vector.shape_cast %get3A_480 : vector<16xf32> to vector<16xf32>
        %add3A_482 = arith.constant 512 : i32
        %add3A_483 = arith.addi %add3A_482, %mul3A_472 : i32
        %get3A_484 = arith.index_cast %add3A_483 : i32 to index
        %get3A_485 = tpu.vector_load %arg14[%get3A_484] {strides = array<i32>} : memref<2048xf32, #tpu.memory_space<vmem>>, vector<16xf32>,
        %get3A_486 = vector.shape_cast %get3A_485 : vector<16xf32> to vector<16xf32>
        %add3A_487 = arith.constant 768 : i32
        %add3A_488 = arith.addi %add3A_487, %mul3A_472 : i32
        %get3A_489 = arith.index_cast %add3A_488 : i32 to index
        %get3A_490 = tpu.vector_load %arg14[%get3A_489] {strides = array<i32>} : memref<2048xf32, #tpu.memory_space<vmem>>, vector<16xf32>,
        %get3A_491 = vector.shape_cast %get3A_490 : vector<16xf32> to vector<16xf32>
        %add3A_492 = arith.constant 1024 : i32
        %add3A_493 = arith.addi %add3A_492, %mul3A_472 : i32
        %get3A_494 = arith.index_cast %add3A_493 : i32 to index
        %get3A_495 = tpu.vector_load %arg14[%get3A_494] {strides = array<i32>} : memref<2048xf32, #tpu.memory_space<vmem>>, vector<16xf32>,
        %get3A_496 = vector.shape_cast %get3A_495 : vector<16xf32> to vector<16xf32>
        %add3A_497 = arith.constant 1280 : i32
        %add3A_498 = arith.addi %add3A_497, %mul3A_472 : i32
        %get3A_499 = arith.index_cast %add3A_498 : i32 to index
        %get3A_500 = tpu.vector_load %arg14[%get3A_499] {strides = array<i32>} : memref<2048xf32, #tpu.memory_space<vmem>>, vector<16xf32>,
        %get3A_501 = vector.shape_cast %get3A_500 : vector<16xf32> to vector<16xf32>
        %add3A_502 = arith.constant 1536 : i32
        %add3A_503 = arith.addi %add3A_502, %mul3A_472 : i32
        %get3A_504 = arith.index_cast %add3A_503 : i32 to index
        %get3A_505 = tpu.vector_load %arg14[%get3A_504] {strides = array<i32>} : memref<2048xf32, #tpu.memory_space<vmem>>, vector<16xf32>,
        %get3A_506 = vector.shape_cast %get3A_505 : vector<16xf32> to vector<16xf32>
        %add3A_507 = arith.constant 1792 : i32
        %add3A_508 = arith.addi %add3A_507, %mul3A_472 : i32
        %get3A_509 = arith.index_cast %add3A_508 : i32 to index
        %get3A_510 = tpu.vector_load %arg14[%get3A_509] {strides = array<i32>} : memref<2048xf32, #tpu.memory_space<vmem>>, vector<16xf32>,
        %get3A_511 = vector.shape_cast %get3A_510 : vector<16xf32> to vector<16xf32>
        %add3A_512 = arith.constant 0 : i32
        %add3A_513 = arith.addi %mul3A_472, %add3A_512 : i32
        %broadcast_in_dim3A = arith.constant 0.000000e+00 : f32
        %broadcast_in_dim3A_514 = vector.broadcast %broadcast_in_dim3A : f32 to vector<16xf32>
        %broadcast_in_dim3A_515 = arith.constant 0.000000e+00 : f32
        %broadcast_in_dim3A_516 = vector.broadcast %broadcast_in_dim3A_515 : f32 to vector<16xf32>
        %slice3A = vector.extract_strided_slice %get3A_476 {offsets = [0], sizes = [1], strides = [1]} : vector<16xf32> to vector<1xf32>
        %squeeze3A = vector.extract %slice3A[0] : f32 from vector<1xf32>
        %add3A_517 = arith.constant 0 : i32
        %add3A_518 = arith.addi %add3A_517, %add3A_513 : i32
        %get3A_519 = arith.index_cast %add3A_518 : i32 to index
        %get3A_520 = arith.constant 0 : index
        %get3A_521 = tpu.vector_load %arg13[%get3A_519, %get3A_520] {strides = array<i32>} : memref<2048x32xf32, #tpu.memory_space<vmem>>, vector<1x16xf32>,
        %get3A_522 = vector.shape_cast %get3A_521 : vector<1x16xf32> to vector<16xf32>
        %mul3A_523 = vector.broadcast %squeeze3A : f32 to vector<16xf32>
        %mul3A_524 = arith.mulf %mul3A_523, %get3A_522 : vector<16xf32>
        %add3A_525 = arith.addf %broadcast_in_dim3A_514, %mul3A_524 : vector<16xf32>
        %add3A_526 = arith.constant 0 : i32
        %add3A_527 = arith.addi %add3A_526, %add3A_513 : i32
        %get3A_528 = arith.index_cast %add3A_527 : i32 to index
        %get3A_529 = arith.constant 12 : index
        %get3A_530 = tpu.vector_load %arg13[%get3A_528, %get3A_529] {strides = array<i32>} : memref<2048x32xf32, #tpu.memory_space<vmem>>, vector<1x16xf32>,
        %get3A_531 = vector.shape_cast %get3A_530 : vector<1x16xf32> to vector<16xf32>
        %mul3A_532 = vector.broadcast %squeeze3A : f32 to vector<16xf32>
        %mul3A_533 = arith.mulf %mul3A_532, %get3A_531 : vector<16xf32>
        %add3A_534 = arith.addf %broadcast_in_dim3A_516, %mul3A_533 : vector<16xf32>
        %slice3A_535 = vector.extract_strided_slice %get3A_481 {offsets = [0], sizes = [1], strides = [1]} : vector<16xf32> to vector<1xf32>
        %squeeze3A_536 = vector.extract %slice3A_535[0] : f32 from vector<1xf32>
        %add3A_537 = arith.constant 256 : i32
        %add3A_538 = arith.addi %add3A_537, %add3A_513 : i32
        %get3A_539 = arith.index_cast %add3A_538 : i32 to index
        %get3A_540 = arith.constant 0 : index
        %get3A_541 = tpu.vector_load %arg13[%get3A_539, %get3A_540] {strides = array<i32>} : memref<2048x32xf32, #tpu.memory_space<vmem>>, vector<1x16xf32>,
        %get3A_542 = vector.shape_cast %get3A_541 : vector<1x16xf32> to vector<16xf32>
        %mul3A_543 = vector.broadcast %squeeze3A_536 : f32 to vector<16xf32>
        %mul3A_544 = arith.mulf %mul3A_543, %get3A_542 : vector<16xf32>
        %add3A_545 = arith.addf %add3A_525, %mul3A_544 : vector<16xf32>
        %add3A_546 = arith.constant 256 : i32
        %add3A_547 = arith.addi %add3A_546, %add3A_513 : i32
        %get3A_548 = arith.index_cast %add3A_547 : i32 to index
        %get3A_549 = arith.constant 12 : index
        %get3A_550 = tpu.vector_load %arg13[%get3A_548, %get3A_549] {strides = array<i32>} : memref<2048x32xf32, #tpu.memory_space<vmem>>, vector<1x16xf32>,
        %get3A_551 = vector.shape_cast %get3A_550 : vector<1x16xf32> to vector<16xf32>
        %mul3A_552 = vector.broadcast %squeeze3A_536 : f32 to vector<16xf32>
        %mul3A_553 = arith.mulf %mul3A_552, %get3A_551 : vector<16xf32>
        %add3A_554 = arith.addf %add3A_534, %mul3A_553 : vector<16xf32>
        %slice3A_555 = vector.extract_strided_slice %get3A_486 {offsets = [0], sizes = [1], strides = [1]} : vector<16xf32> to vector<1xf32>
        %squeeze3A_556 = vector.extract %slice3A_555[0] : f32 from vector<1xf32>
        %add3A_557 = arith.constant 512 : i32
        %add3A_558 = arith.addi %add3A_557, %add3A_513 : i32
        %get3A_559 = arith.index_cast %add3A_558 : i32 to index
        %get3A_560 = arith.constant 0 : index
        %get3A_561 = tpu.vector_load %arg13[%get3A_559, %get3A_560] {strides = array<i32>} : memref<2048x32xf32, #tpu.memory_space<vmem>>, vector<1x16xf32>,
        %get3A_562 = vector.shape_cast %get3A_561 : vector<1x16xf32> to vector<16xf32>
        %mul3A_563 = vector.broadcast %squeeze3A_556 : f32 to vector<16xf32>
        %mul3A_564 = arith.mulf %mul3A_563, %get3A_562 : vector<16xf32>
        %add3A_565 = arith.addf %add3A_545, %mul3A_564 : vector<16xf32>
        %add3A_566 = arith.constant 512 : i32
        %add3A_567 = arith.addi %add3A_566, %add3A_513 : i32
        %get3A_568 = arith.index_cast %add3A_567 : i32 to index
        %get3A_569 = arith.constant 12 : index
        %get3A_570 = tpu.vector_load %arg13[%get3A_568, %get3A_569] {strides = array<i32>} : memref<2048x32xf32, #tpu.memory_space<vmem>>, vector<1x16xf32>,
        %get3A_571 = vector.shape_cast %get3A_570 : vector<1x16xf32> to vector<16xf32>
        %mul3A_572 = vector.broadcast %squeeze3A_556 : f32 to vector<16xf32>
        %mul3A_573 = arith.mulf %mul3A_572, %get3A_571 : vector<16xf32>
        %add3A_574 = arith.addf %add3A_554, %mul3A_573 : vector<16xf32>
        %slice3A_575 = vector.extract_strided_slice %get3A_491 {offsets = [0], sizes = [1], strides = [1]} : vector<16xf32> to vector<1xf32>
        %squeeze3A_576 = vector.extract %slice3A_575[0] : f32 from vector<1xf32>
        %add3A_577 = arith.constant 768 : i32
        %add3A_578 = arith.addi %add3A_577, %add3A_513 : i32
        %get3A_579 = arith.index_cast %add3A_578 : i32 to index
        %get3A_580 = arith.constant 0 : index
        %get3A_581 = tpu.vector_load %arg13[%get3A_579, %get3A_580] {strides = array<i32>} : memref<2048x32xf32, #tpu.memory_space<vmem>>, vector<1x16xf32>,
        %get3A_582 = vector.shape_cast %get3A_581 : vector<1x16xf32> to vector<16xf32>
        %mul3A_583 = vector.broadcast %squeeze3A_576 : f32 to vector<16xf32>
        %mul3A_584 = arith.mulf %mul3A_583, %get3A_582 : vector<16xf32>
        %add3A_585 = arith.addf %add3A_565, %mul3A_584 : vector<16xf32>
        %add3A_586 = arith.constant 768 : i32
        %add3A_587 = arith.addi %add3A_586, %add3A_513 : i32
        %get3A_588 = arith.index_cast %add3A_587 : i32 to index
        %get3A_589 = arith.constant 12 : index
        %get3A_590 = tpu.vector_load %arg13[%get3A_588, %get3A_589] {strides = array<i32>} : memref<2048x32xf32, #tpu.memory_space<vmem>>, vector<1x16xf32>,
        %get3A_591 = vector.shape_cast %get3A_590 : vector<1x16xf32> to vector<16xf32>
        %mul3A_592 = vector.broadcast %squeeze3A_576 : f32 to vector<16xf32>
        %mul3A_593 = arith.mulf %mul3A_592, %get3A_591 : vector<16xf32>
        %add3A_594 = arith.addf %add3A_574, %mul3A_593 : vector<16xf32>
        %slice3A_595 = vector.extract_strided_slice %get3A_496 {offsets = [0], sizes = [1], strides = [1]} : vector<16xf32> to vector<1xf32>
        %squeeze3A_596 = vector.extract %slice3A_595[0] : f32 from vector<1xf32>
        %add3A_597 = arith.constant 1024 : i32
        %add3A_598 = arith.addi %add3A_597, %add3A_513 : i32
        %get3A_599 = arith.index_cast %add3A_598 : i32 to index
        %get3A_600 = arith.constant 0 : index
        %get3A_601 = tpu.vector_load %arg13[%get3A_599, %get3A_600] {strides = array<i32>} : memref<2048x32xf32, #tpu.memory_space<vmem>>, vector<1x16xf32>,
        %get3A_602 = vector.shape_cast %get3A_601 : vector<1x16xf32> to vector<16xf32>
        %mul3A_603 = vector.broadcast %squeeze3A_596 : f32 to vector<16xf32>
        %mul3A_604 = arith.mulf %mul3A_603, %get3A_602 : vector<16xf32>
        %add3A_605 = arith.addf %add3A_585, %mul3A_604 : vector<16xf32>
        %add3A_606 = arith.constant 1024 : i32
        %add3A_607 = arith.addi %add3A_606, %add3A_513 : i32
        %get3A_608 = arith.index_cast %add3A_607 : i32 to index
        %get3A_609 = arith.constant 12 : index
        %get3A_610 = tpu.vector_load %arg13[%get3A_608, %get3A_609] {strides = array<i32>} : memref<2048x32xf32, #tpu.memory_space<vmem>>, vector<1x16xf32>,
        %get3A_611 = vector.shape_cast %get3A_610 : vector<1x16xf32> to vector<16xf32>
        %mul3A_612 = vector.broadcast %squeeze3A_596 : f32 to vector<16xf32>
        %mul3A_613 = arith.mulf %mul3A_612, %get3A_611 : vector<16xf32>
        %add3A_614 = arith.addf %add3A_594, %mul3A_613 : vector<16xf32>
        %slice3A_615 = vector.extract_strided_slice %get3A_501 {offsets = [0], sizes = [1], strides = [1]} : vector<16xf32> to vector<1xf32>
        %squeeze3A_616 = vector.extract %slice3A_615[0] : f32 from vector<1xf32>
        %add3A_617 = arith.constant 1280 : i32
        %add3A_618 = arith.addi %add3A_617, %add3A_513 : i32
        %get3A_619 = arith.index_cast %add3A_618 : i32 to index
        %get3A_620 = arith.constant 0 : index
        %get3A_621 = tpu.vector_load %arg13[%get3A_619, %get3A_620] {strides = array<i32>} : memref<2048x32xf32, #tpu.memory_space<vmem>>, vector<1x16xf32>,
        %get3A_622 = vector.shape_cast %get3A_621 : vector<1x16xf32> to vector<16xf32>
        %mul3A_623 = vector.broadcast %squeeze3A_616 : f32 to vector<16xf32>
        %mul3A_624 = arith.mulf %mul3A_623, %get3A_622 : vector<16xf32>
        %add3A_625 = arith.addf %add3A_605, %mul3A_624 : vector<16xf32>
        %add3A_626 = arith.constant 1280 : i32
        %add3A_627 = arith.addi %add3A_626, %add3A_513 : i32
        %get3A_628 = arith.index_cast %add3A_627 : i32 to index
        %get3A_629 = arith.constant 12 : index
        %get3A_630 = tpu.vector_load %arg13[%get3A_628, %get3A_629] {strides = array<i32>} : memref<2048x32xf32, #tpu.memory_space<vmem>>, vector<1x16xf32>,
        %get3A_631 = vector.shape_cast %get3A_630 : vector<1x16xf32> to vector<16xf32>
        %mul3A_632 = vector.broadcast %squeeze3A_616 : f32 to vector<16xf32>
        %mul3A_633 = arith.mulf %mul3A_632, %get3A_631 : vector<16xf32>
        %add3A_634 = arith.addf %add3A_614, %mul3A_633 : vector<16xf32>
        %slice3A_635 = vector.extract_strided_slice %get3A_506 {offsets = [0], sizes = [1], strides = [1]} : vector<16xf32> to vector<1xf32>
        %squeeze3A_636 = vector.extract %slice3A_635[0] : f32 from vector<1xf32>
        %add3A_637 = arith.constant 1536 : i32
        %add3A_638 = arith.addi %add3A_637, %add3A_513 : i32
        %get3A_639 = arith.index_cast %add3A_638 : i32 to index
        %get3A_640 = arith.constant 0 : index
        %get3A_641 = tpu.vector_load %arg13[%get3A_639, %get3A_640] {strides = array<i32>} : memref<2048x32xf32, #tpu.memory_space<vmem>>, vector<1x16xf32>,
        %get3A_642 = vector.shape_cast %get3A_641 : vector<1x16xf32> to vector<16xf32>
        %mul3A_643 = vector.broadcast %squeeze3A_636 : f32 to vector<16xf32>
        %mul3A_644 = arith.mulf %mul3A_643, %get3A_642 : vector<16xf32>
        %add3A_645 = arith.addf %add3A_625, %mul3A_644 : vector<16xf32>
        %add3A_646 = arith.constant 1536 : i32
        %add3A_647 = arith.addi %add3A_646, %add3A_513 : i32
        %get3A_648 = arith.index_cast %add3A_647 : i32 to index
        %get3A_649 = arith.constant 12 : index
        %get3A_650 = tpu.vector_load %arg13[%get3A_648, %get3A_649] {strides = array<i32>} : memref<2048x32xf32, #tpu.memory_space<vmem>>, vector<1x16xf32>,
        %get3A_651 = vector.shape_cast %get3A_650 : vector<1x16xf32> to vector<16xf32>
        %mul3A_652 = vector.broadcast %squeeze3A_636 : f32 to vector<16xf32>
        %mul3A_653 = arith.mulf %mul3A_652, %get3A_651 : vector<16xf32>
        %add3A_654 = arith.addf %add3A_634, %mul3A_653 : vector<16xf32>
        %slice3A_655 = vector.extract_strided_slice %get3A_511 {offsets = [0], sizes = [1], strides = [1]} : vector<16xf32> to vector<1xf32>
        %squeeze3A_656 = vector.extract %slice3A_655[0] : f32 from vector<1xf32>
        %add3A_657 = arith.constant 1792 : i32
        %add3A_658 = arith.addi %add3A_657, %add3A_513 : i32
        %get3A_659 = arith.index_cast %add3A_658 : i32 to index
        %get3A_660 = arith.constant 0 : index
        %get3A_661 = tpu.vector_load %arg13[%get3A_659, %get3A_660] {strides = array<i32>} : memref<2048x32xf32, #tpu.memory_space<vmem>>, vector<1x16xf32>,
        %get3A_662 = vector.shape_cast %get3A_661 : vector<1x16xf32> to vector<16xf32>
        %mul3A_663 = vector.broadcast %squeeze3A_656 : f32 to vector<16xf32>
        %mul3A_664 = arith.mulf %mul3A_663, %get3A_662 : vector<16xf32>
        %add3A_665 = arith.addf %add3A_645, %mul3A_664 : vector<16xf32>
        %add3A_666 = arith.constant 1792 : i32
        %add3A_667 = arith.addi %add3A_666, %add3A_513 : i32
        %get3A_668 = arith.index_cast %add3A_667 : i32 to index
        %get3A_669 = arith.constant 12 : index
        %get3A_670 = tpu.vector_load %arg13[%get3A_668, %get3A_669] {strides = array<i32>} : memref<2048x32xf32, #tpu.memory_space<vmem>>, vector<1x16xf32>,
        %get3A_671 = vector.shape_cast %get3A_670 : vector<1x16xf32> to vector<16xf32>
        %mul3A_672 = vector.broadcast %squeeze3A_656 : f32 to vector<16xf32>
        %mul3A_673 = arith.mulf %mul3A_672, %get3A_671 : vector<16xf32>
        %add3A_674 = arith.addf %add3A_654, %mul3A_673 : vector<16xf32>
        %swap3A = arith.index_cast %add3A_513 : i32 to index
        %swap3A_675 = arith.constant 0 : index
        %swap3A_676 = tpu.vector_load %arg15[%swap3A, %swap3A_675] {strides = array<i32>} : memref<256x28xf32, #tpu.memory_space<vmem>>, vector<1x16xf32>,
        %swap3A_677 = vector.shape_cast %swap3A_676 : vector<1x16xf32> to vector<16xf32>
        %swap3A_678 = vector.shape_cast %add3A_665 : vector<16xf32> to vector<1x16xf32>
        tpu.vector_store %arg15[%swap3A, %swap3A_675], %swap3A_678 {strides = array<i32>} : memref<256x28xf32, #tpu.memory_space<vmem>>, vector<1x16xf32>,
        %swap3A_679 = arith.index_cast %add3A_513 : i32 to index
        %swap3A_680 = arith.constant 12 : index
        %swap3A_681 = tpu.vector_load %arg15[%swap3A_679, %swap3A_680] {strides = array<i32>} : memref<256x28xf32, #tpu.memory_space<vmem>>, vector<1x16xf32>,
        %swap3A_682 = vector.shape_cast %swap3A_681 : vector<1x16xf32> to vector<16xf32>
        %swap3A_683 = vector.shape_cast %add3A_674 : vector<16xf32> to vector<1x16xf32>
        tpu.vector_store %arg15[%swap3A_679, %swap3A_680], %swap3A_683 {strides = array<i32>} : memref<256x28xf32, #tpu.memory_space<vmem>>, vector<1x16xf32>,
        %add3A_684 = arith.constant 1 : i32
        %add3A_685 = arith.addi %mul3A_472, %add3A_684 : i32
        %broadcast_in_dim3A_686 = arith.constant 0.000000e+00 : f32
        %broadcast_in_dim3A_687 = vector.broadcast %broadcast_in_dim3A_686 : f32 to vector<16xf32>
        %broadcast_in_dim3A_688 = arith.constant 0.000000e+00 : f32
        %broadcast_in_dim3A_689 = vector.broadcast %broadcast_in_dim3A_688 : f32 to vector<16xf32>
        %slice3A_690 = vector.extract_strided_slice %get3A_476 {offsets = [1], sizes = [1], strides = [1]} : vector<16xf32> to vector<1xf32>
        %squeeze3A_691 = vector.extract %slice3A_690[0] : f32 from vector<1xf32>
        %add3A_692 = arith.constant 0 : i32
        %add3A_693 = arith.addi %add3A_692, %add3A_685 : i32
        %get3A_694 = arith.index_cast %add3A_693 : i32 to index
        %get3A_695 = arith.constant 0 : index
        %get3A_696 = tpu.vector_load %arg13[%get3A_694, %get3A_695] {strides = array<i32>} : memref<2048x32xf32, #tpu.memory_space<vmem>>, vector<1x16xf32>,
        %get3A_697 = vector.shape_cast %get3A_696 : vector<1x16xf32> to vector<16xf32>
        %mul3A_698 = vector.broadcast %squeeze3A_691 : f32 to vector<16xf32>
        %mul3A_699 = arith.mulf %mul3A_698, %get3A_697 : vector<16xf32>
        %add3A_700 = arith.addf %broadcast_in_dim3A_687, %mul3A_699 : vector<16xf32>
        %add3A_701 = arith.constant 0 : i32
        %add3A_702 = arith.addi %add3A_701, %add3A_685 : i32
        %get3A_703 = arith.index_cast %add3A_702 : i32 to index
        %get3A_704 = arith.constant 12 : index
        %get3A_705 = tpu.vector_load %arg13[%get3A_703, %get3A_704] {strides = array<i32>} : memref<2048x32xf32, #tpu.memory_space<vmem>>, vector<1x16xf32>,
        %get3A_706 = vector.shape_cast %get3A_705 : vector<1x16xf32> to vector<16xf32>
        %mul3A_707 = vector.broadcast %squeeze3A_691 : f32 to vector<16xf32>
        %mul3A_708 = arith.mulf %mul3A_707, %get3A_706 : vector<16xf32>
        %add3A_709 = arith.addf %broadcast_in_dim3A_689, %mul3A_708 : vector<16xf32>
        %slice3A_710 = vector.extract_strided_slice %get3A_481 {offsets = [1], sizes = [1], strides = [1]} : vector<16xf32> to vector<1xf32>
        %squeeze3A_711 = vector.extract %slice3A_710[0] : f32 from vector<1xf32>
        %add3A_712 = arith.constant 256 : i32
        %add3A_713 = arith.addi %add3A_712, %add3A_685 : i32
        %get3A_714 = arith.index_cast %add3A_713 : i32 to index
        %get3A_715 = arith.constant 0 : index
        %get3A_716 = tpu.vector_load %arg13[%get3A_714, %get3A_715] {strides = array<i32>} : memref<2048x32xf32, #tpu.memory_space<vmem>>, vector<1x16xf32>,
        %get3A_717 = vector.shape_cast %get3A_716 : vector<1x16xf32> to vector<16xf32>
        %mul3A_718 = vector.broadcast %squeeze3A_711 : f32 to vector<16xf32>
        %mul3A_719 = arith.mulf %mul3A_718, %get3A_717 : vector<16xf32>
        %add3A_720 = arith.addf %add3A_700, %mul3A_719 : vector<16xf32>
        %add3A_721 = arith.constant 256 : i32
        %add3A_722 = arith.addi %add3A_721, %add3A_685 : i32
        %get3A_723 = arith.index_cast %add3A_722 : i32 to index
        %get3A_724 = arith.constant 12 : index
        %get3A_725 = tpu.vector_load %arg13[%get3A_723, %get3A_724] {strides = array<i32>} : memref<2048x32xf32, #tpu.memory_space<vmem>>, vector<1x16xf32>,
        %get3A_726 = vector.shape_cast %get3A_725 : vector<1x16xf32> to vector<16xf32>
        %mul3A_727 = vector.broadcast %squeeze3A_711 : f32 to vector<16xf32>
        %mul3A_728 = arith.mulf %mul3A_727, %get3A_726 : vector<16xf32>
        %add3A_729 = arith.addf %add3A_709, %mul3A_728 : vector<16xf32>
        %slice3A_730 = vector.extract_strided_slice %get3A_486 {offsets = [1], sizes = [1], strides = [1]} : vector<16xf32> to vector<1xf32>
        %squeeze3A_731 = vector.extract %slice3A_730[0] : f32 from vector<1xf32>
        %add3A_732 = arith.constant 512 : i32
        %add3A_733 = arith.addi %add3A_732, %add3A_685 : i32
        %get3A_734 = arith.index_cast %add3A_733 : i32 to index
        %get3A_735 = arith.constant 0 : index
        %get3A_736 = tpu.vector_load %arg13[%get3A_734, %get3A_735] {strides = array<i32>} : memref<2048x32xf32, #tpu.memory_space<vmem>>, vector<1x16xf32>,
        %get3A_737 = vector.shape_cast %get3A_736 : vector<1x16xf32> to vector<16xf32>
        %mul3A_738 = vector.broadcast %squeeze3A_731 : f32 to vector<16xf32>
        %mul3A_739 = arith.mulf %mul3A_738, %get3A_737 : vector<16xf32>
        %add3A_740 = arith.addf %add3A_720, %mul3A_739 : vector<16xf32>
        %add3A_741 = arith.constant 512 : i32
        %add3A_742 = arith.addi %add3A_741, %add3A_685 : i32
        %get3A_743 = arith.index_cast %add3A_742 : i32 to index
        %get3A_744 = arith.constant 12 : index
        %get3A_745 = tpu.vector_load %arg13[%get3A_743, %get3A_744] {strides = array<i32>} : memref<2048x32xf32, #tpu.memory_space<vmem>>, vector<1x16xf32>,
        %get3A_746 = vector.shape_cast %get3A_745 : vector<1x16xf32> to vector<16xf32>
        %mul3A_747 = vector.broadcast %squeeze3A_731 : f32 to vector<16xf32>
        %mul3A_748 = arith.mulf %mul3A_747, %get3A_746 : vector<16xf32>
        %add3A_749 = arith.addf %add3A_729, %mul3A_748 : vector<16xf32>
        %slice3A_750 = vector.extract_strided_slice %get3A_491 {offsets = [1], sizes = [1], strides = [1]} : vector<16xf32> to vector<1xf32>
        %squeeze3A_751 = vector.extract %slice3A_750[0] : f32 from vector<1xf32>
        %add3A_752 = arith.constant 768 : i32
        %add3A_753 = arith.addi %add3A_752, %add3A_685 : i32
        %get3A_754 = arith.index_cast %add3A_753 : i32 to index
        %get3A_755 = arith.constant 0 : index
        %get3A_756 = tpu.vector_load %arg13[%get3A_754, %get3A_755] {strides = array<i32>} : memref<2048x32xf32, #tpu.memory_space<vmem>>, vector<1x16xf32>,
        %get3A_757 = vector.shape_cast %get3A_756 : vector<1x16xf32> to vector<16xf32>
        %mul3A_758 = vector.broadcast %squeeze3A_751 : f32 to vector<16xf32>
        %mul3A_759 = arith.mulf %mul3A_758, %get3A_757 : vector<16xf32>
        %add3A_760 = arith.addf %add3A_740, %mul3A_759 : vector<16xf32>
        %add3A_761 = arith.constant 768 : i32
        %add3A_762 = arith.addi %add3A_761, %add3A_685 : i32
        %get3A_763 = arith.index_cast %add3A_762 : i32 to index
        %get3A_764 = arith.constant 12 : index
        %get3A_765 = tpu.vector_load %arg13[%get3A_763, %get3A_764] {strides = array<i32>} : memref<2048x32xf32, #tpu.memory_space<vmem>>, vector<1x16xf32>,
        %get3A_766 = vector.shape_cast %get3A_765 : vector<1x16xf32> to vector<16xf32>
        %mul3A_767 = vector.broadcast %squeeze3A_751 : f32 to vector<16xf32>
        %mul3A_768 = arith.mulf %mul3A_767, %get3A_766 : vector<16xf32>
        %add3A_769 = arith.addf %add3A_749, %mul3A_768 : vector<16xf32>
        %slice3A_770 = vector.extract_strided_slice %get3A_496 {offsets = [1], sizes = [1], strides = [1]} : vector<16xf32> to vector<1xf32>
        %squeeze3A_771 = vector.extract %slice3A_770[0] : f32 from vector<1xf32>
        %add3A_772 = arith.constant 1024 : i32
        %add3A_773 = arith.addi %add3A_772, %add3A_685 : i32
        %get3A_774 = arith.index_cast %add3A_773 : i32 to index
        %get3A_775 = arith.constant 0 : index
        %get3A_776 = tpu.vector_load %arg13[%get3A_774, %get3A_775] {strides = array<i32>} : memref<2048x32xf32, #tpu.memory_space<vmem>>, vector<1x16xf32>,
        %get3A_777 = vector.shape_cast %get3A_776 : vector<1x16xf32> to vector<16xf32>
        %mul3A_778 = vector.broadcast %squeeze3A_771 : f32 to vector<16xf32>
        %mul3A_779 = arith.mulf %mul3A_778, %get3A_777 : vector<16xf32>
        %add3A_780 = arith.addf %add3A_760, %mul3A_779 : vector<16xf32>
        %add3A_781 = arith.constant 1024 : i32
        %add3A_782 = arith.addi %add3A_781, %add3A_685 : i32
        %get3A_783 = arith.index_cast %add3A_782 : i32 to index
        %get3A_784 = arith.constant 12 : index
        %get3A_785 = tpu.vector_load %arg13[%get3A_783, %get3A_784] {strides = array<i32>} : memref<2048x32xf32, #tpu.memory_space<vmem>>, vector<1x16xf32>,
        %get3A_786 = vector.shape_cast %get3A_785 : vector<1x16xf32> to vector<16xf32>
        %mul3A_787 = vector.broadcast %squeeze3A_771 : f32 to vector<16xf32>
        %mul3A_788 = arith.mulf %mul3A_787, %get3A_786 : vector<16xf32>
        %add3A_789 = arith.addf %add3A_769, %mul3A_788 : vector<16xf32>
        %slice3A_790 = vector.extract_strided_slice %get3A_501 {offsets = [1], sizes = [1], strides = [1]} : vector<16xf32> to vector<1xf32>
        %squeeze3A_791 = vector.extract %slice3A_790[0] : f32 from vector<1xf32>
        %add3A_792 = arith.constant 1280 : i32
        %add3A_793 = arith.addi %add3A_792, %add3A_685 : i32
        %get3A_794 = arith.index_cast %add3A_793 : i32 to index
        %get3A_795 = arith.constant 0 : index
        %get3A_796 = tpu.vector_load %arg13[%get3A_794, %get3A_795] {strides = array<i32>} : memref<2048x32xf32, #tpu.memory_space<vmem>>, vector<1x16xf32>,
        %get3A_797 = vector.shape_cast %get3A_796 : vector<1x16xf32> to vector<16xf32>
        %mul3A_798 = vector.broadcast %squeeze3A_791 : f32 to vector<16xf32>
        %mul3A_799 = arith.mulf %mul3A_798, %get3A_797 : vector<16xf32>
        %add3A_800 = arith.addf %add3A_780, %mul3A_799 : vector<16xf32>
        %add3A_801 = arith.constant 1280 : i32
        %add3A_802 = arith.addi %add3A_801, %add3A_685 : i32
        %get3A_803 = arith.index_cast %add3A_802 : i32 to index
        %get3A_804 = arith.constant 12 : index
        %get3A_805 = tpu.vector_load %arg13[%get3A_803, %get3A_804] {strides = array<i32>} : memref<2048x32xf32, #tpu.memory_space<vmem>>, vector<1x16xf32>,
        %get3A_806 = vector.shape_cast %get3A_805 : vector<1x16xf32> to vector<16xf32>
        %mul3A_807 = vector.broadcast %squeeze3A_791 : f32 to vector<16xf32>
        %mul3A_808 = arith.mulf %mul3A_807, %get3A_806 : vector<16xf32>
        %add3A_809 = arith.addf %add3A_789, %mul3A_808 : vector<16xf32>
        %slice3A_810 = vector.extract_strided_slice %get3A_506 {offsets = [1], sizes = [1], strides = [1]} : vector<16xf32> to vector<1xf32>
        %squeeze3A_811 = vector.extract %slice3A_810[0] : f32 from vector<1xf32>
        %add3A_812 = arith.constant 1536 : i32
        %add3A_813 = arith.addi %add3A_812, %add3A_685 : i32
        %get3A_814 = arith.index_cast %add3A_813 : i32 to index
        %get3A_815 = arith.constant 0 : index
        %get3A_816 = tpu.vector_load %arg13[%get3A_814, %get3A_815] {strides = array<i32>} : memref<2048x32xf32, #tpu.memory_space<vmem>>, vector<1x16xf32>,
        %get3A_817 = vector.shape_cast %get3A_816 : vector<1x16xf32> to vector<16xf32>
        %mul3A_818 = vector.broadcast %squeeze3A_811 : f32 to vector<16xf32>
        %mul3A_819 = arith.mulf %mul3A_818, %get3A_817 : vector<16xf32>
        %add3A_820 = arith.addf %add3A_800, %mul3A_819 : vector<16xf32>
        %add3A_821 = arith.constant 1536 : i32
        %add3A_822 = arith.addi %add3A_821, %add3A_685 : i32
        %get3A_823 = arith.index_cast %add3A_822 : i32 to index
        %get3A_824 = arith.constant 12 : index
        %get3A_825 = tpu.vector_load %arg13[%get3A_823, %get3A_824] {strides = array<i32>} : memref<2048x32xf32, #tpu.memory_space<vmem>>, vector<1x16xf32>,
        %get3A_826 = vector.shape_cast %get3A_825 : vector<1x16xf32> to vector<16xf32>
        %mul3A_827 = vector.broadcast %squeeze3A_811 : f32 to vector<16xf32>
        %mul3A_828 = arith.mulf %mul3A_827, %get3A_826 : vector<16xf32>
        %add3A_829 = arith.addf %add3A_809, %mul3A_828 : vector<16xf32>
        %slice3A_830 = vector.extract_strided_slice %get3A_511 {offsets = [1], sizes = [1], strides = [1]} : vector<16xf32> to vector<1xf32>
        %squeeze3A_831 = vector.extract %slice3A_830[0] : f32 from vector<1xf32>
        %add3A_832 = arith.constant 1792 : i32
        %add3A_833 = arith.addi %add3A_832, %add3A_685 : i32
        %get3A_834 = arith.index_cast %add3A_833 : i32 to index
        %get3A_835 = arith.constant 0 : index
        %get3A_836 = tpu.vector_load %arg13[%get3A_834, %get3A_835] {strides = array<i32>} : memref<2048x32xf32, #tpu.memory_space<vmem>>, vector<1x16xf32>,
        %get3A_837 = vector.shape_cast %get3A_836 : vector<1x16xf32> to vector<16xf32>
        %mul3A_838 = vector.broadcast %squeeze3A_831 : f32 to vector<16xf32>
        %mul3A_839 = arith.mulf %mul3A_838, %get3A_837 : vector<16xf32>
        %add3A_840 = arith.addf %add3A_820, %mul3A_839 : vector<16xf32>
        %add3A_841 = arith.constant 1792 : i32
        %add3A_842 = arith.addi %add3A_841, %add3A_685 : i32
        %get3A_843 = arith.index_cast %add3A_842 : i32 to index
        %get3A_844 = arith.constant 12 : index
        %get3A_845 = tpu.vector_load %arg13[%get3A_843, %get3A_844] {strides = array<i32>} : memref<2048x32xf32, #tpu.memory_space<vmem>>, vector<1x16xf32>,
        %get3A_846 = vector.shape_cast %get3A_845 : vector<1x16xf32> to vector<16xf32>
        %mul3A_847 = vector.broadcast %squeeze3A_831 : f32 to vector<16xf32>
        %mul3A_848 = arith.mulf %mul3A_847, %get3A_846 : vector<16xf32>
        %add3A_849 = arith.addf %add3A_829, %mul3A_848 : vector<16xf32>
        %swap3A_850 = arith.index_cast %add3A_685 : i32 to index
        %swap3A_851 = arith.constant 0 : index
        %swap3A_852 = tpu.vector_load %arg15[%swap3A_850, %swap3A_851] {strides = array<i32>} : memref<256x28xf32, #tpu.memory_space<vmem>>, vector<1x16xf32>,
        %swap3A_853 = vector.shape_cast %swap3A_852 : vector<1x16xf32> to vector<16xf32>
        %swap3A_854 = vector.shape_cast %add3A_840 : vector<16xf32> to vector<1x16xf32>
        tpu.vector_store %arg15[%swap3A_850, %swap3A_851], %swap3A_854 {strides = array<i32>} : memref<256x28xf32, #tpu.memory_space<vmem>>, vector<1x16xf32>,
        %swap3A_855 = arith.index_cast %add3A_685 : i32 to index
        %swap3A_856 = arith.constant 12 : index
        %swap3A_857 = tpu.vector_load %arg15[%swap3A_855, %swap3A_856] {strides = array<i32>} : memref<256x28xf32, #tpu.memory_space<vmem>>, vector<1x16xf32>,
        %swap3A_858 = vector.shape_cast %swap3A_857 : vector<1x16xf32> to vector<16xf32>
        %swap3A_859 = vector.shape_cast %add3A_849 : vector<16xf32> to vector<1x16xf32>
        tpu.vector_store %arg15[%swap3A_855, %swap3A_856], %swap3A_859 {strides = array<i32>} : memref<256x28xf32, #tpu.memory_space<vmem>>, vector<1x16xf32>,
        %add3A_860 = arith.constant 2 : i32
        %add3A_861 = arith.addi %mul3A_472, %add3A_860 : i32
        %broadcast_in_dim3A_862 = arith.constant 0.000000e+00 : f32
        %broadcast_in_dim3A_863 = vector.broadcast %broadcast_in_dim3A_862 : f32 to vector<16xf32>
        %broadcast_in_dim3A_864 = arith.constant 0.000000e+00 : f32
        %broadcast_in_dim3A_865 = vector.broadcast %broadcast_in_dim3A_864 : f32 to vector<16xf32>
        %slice3A_866 = vector.extract_strided_slice %get3A_476 {offsets = [2], sizes = [1], strides = [1]} : vector<16xf32> to vector<1xf32>
        %squeeze3A_867 = vector.extract %slice3A_866[0] : f32 from vector<1xf32>
        %add3A_868 = arith.constant 0 : i32
        %add3A_869 = arith.addi %add3A_868, %add3A_861 : i32
        %get3A_870 = arith.index_cast %add3A_869 : i32 to index
        %get3A_871 = arith.constant 0 : index
        %get3A_872 = tpu.vector_load %arg13[%get3A_870, %get3A_871] {strides = array<i32>} : memref<2048x32xf32, #tpu.memory_space<vmem>>, vector<1x16xf32>,
        %get3A_873 = vector.shape_cast %get3A_872 : vector<1x16xf32> to vector<16xf32>
        %mul3A_874 = vector.broadcast %squeeze3A_867 : f32 to vector<16xf32>
        %mul3A_875 = arith.mulf %mul3A_874, %get3A_873 : vector<16xf32>
        %add3A_876 = arith.addf %broadcast_in_dim3A_863, %mul3A_875 : vector<16xf32>
        %add3A_877 = arith.constant 0 : i32
        %add3A_878 = arith.addi %add3A_877, %add3A_861 : i32
        %get3A_879 = arith.index_cast %add3A_878 : i32 to index
        %get3A_880 = arith.constant 12 : index
        %get3A_881 = tpu.vector_load %arg13[%get3A_879, %get3A_880] {strides = array<i32>} : memref<2048x32xf32, #tpu.memory_space<vmem>>, vector<1x16xf32>,
        %get3A_882 = vector.shape_cast %get3A_881 : vector<1x16xf32> to vector<16xf32>
        %mul3A_883 = vector.broadcast %squeeze3A_867 : f32 to vector<16xf32>
        %mul3A_884 = arith.mulf %mul3A_883, %get3A_882 : vector<16xf32>
        %add3A_885 = arith.addf %broadcast_in_dim3A_865, %mul3A_884 : vector<16xf32>
        %slice3A_886 = vector.extract_strided_slice %get3A_481 {offsets = [2], sizes = [1], strides = [1]} : vector<16xf32> to vector<1xf32>
        %squeeze3A_887 = vector.extract %slice3A_886[0] : f32 from vector<1xf32>
        %add3A_888 = arith.constant 256 : i32
        %add3A_889 = arith.addi %add3A_888, %add3A_861 : i32
        %get3A_890 = arith.index_cast %add3A_889 : i32 to index
        %get3A_891 = arith.constant 0 : index
        %get3A_892 = tpu.vector_load %arg13[%get3A_890, %get3A_891] {strides = array<i32>} : memref<2048x32xf32, #tpu.memory_space<vmem>>, vector<1x16xf32>,
        %get3A_893 = vector.shape_cast %get3A_892 : vector<1x16xf32> to vector<16xf32>
        %mul3A_894 = vector.broadcast %squeeze3A_887 : f32 to vector<16xf32>
        %mul3A_895 = arith.mulf %mul3A_894, %get3A_893 : vector<16xf32>
        %add3A_896 = arith.addf %add3A_876, %mul3A_895 : vector<16xf32>
        %add3A_897 = arith.constant 256 : i32
        %add3A_898 = arith.addi %add3A_897, %add3A_861 : i32
        %get3A_899 = arith.index_cast %add3A_898 : i32 to index
        %get3A_900 = arith.constant 12 : index
        %get3A_901 = tpu.vector_load %arg13[%get3A_899, %get3A_900] {strides = array<i32>} : memref<2048x32xf32, #tpu.memory_space<vmem>>, vector<1x16xf32>,
        %get3A_902 = vector.shape_cast %get3A_901 : vector<1x16xf32> to vector<16xf32>
        %mul3A_903 = vector.broadcast %squeeze3A_887 : f32 to vector<16xf32>
        %mul3A_904 = arith.mulf %mul3A_903, %get3A_902 : vector<16xf32>
        %add3A_905 = arith.addf %add3A_885, %mul3A_904 : vector<16xf32>
        %slice3A_906 = vector.extract_strided_slice %get3A_486 {offsets = [2], sizes = [1], strides = [1]} : vector<16xf32> to vector<1xf32>
        %squeeze3A_907 = vector.extract %slice3A_906[0] : f32 from vector<1xf32>
        %add3A_908 = arith.constant 512 : i32
        %add3A_909 = arith.addi %add3A_908, %add3A_861 : i32
        %get3A_910 = arith.index_cast %add3A_909 : i32 to index
        %get3A_911 = arith.constant 0 : index
        %get3A_912 = tpu.vector_load %arg13[%get3A_910, %get3A_911] {strides = array<i32>} : memref<2048x32xf32, #tpu.memory_space<vmem>>, vector<1x16xf32>,
        %get3A_913 = vector.shape_cast %get3A_912 : vector<1x16xf32> to vector<16xf32>
        %mul3A_914 = vector.broadcast %squeeze3A_907 : f32 to vector<16xf32>
        %mul3A_915 = arith.mulf %mul3A_914, %get3A_913 : vector<16xf32>
        %add3A_916 = arith.addf %add3A_896, %mul3A_915 : vector<16xf32>
        %add3A_917 = arith.constant 512 : i32
        %add3A_918 = arith.addi %add3A_917, %add3A_861 : i32
        %get3A_919 = arith.index_cast %add3A_918 : i32 to index
        %get3A_920 = arith.constant 12 : index
        %get3A_921 = tpu.vector_load %arg13[%get3A_919, %get3A_920] {strides = array<i32>} : memref<2048x32xf32, #tpu.memory_space<vmem>>, vector<1x16xf32>,
        %get3A_922 = vector.shape_cast %get3A_921 : vector<1x16xf32> to vector<16xf32>
        %mul3A_923 = vector.broadcast %squeeze3A_907 : f32 to vector<16xf32>
        %mul3A_924 = arith.mulf %mul3A_923, %get3A_922 : vector<16xf32>
        %add3A_925 = arith.addf %add3A_905, %mul3A_924 : vector<16xf32>
        %slice3A_926 = vector.extract_strided_slice %get3A_491 {offsets = [2], sizes = [1], strides = [1]} : vector<16xf32> to vector<1xf32>
        %squeeze3A_927 = vector.extract %slice3A_926[0] : f32 from vector<1xf32>
        %add3A_928 = arith.constant 768 : i32
        %add3A_929 = arith.addi %add3A_928, %add3A_861 : i32
        %get3A_930 = arith.index_cast %add3A_929 : i32 to index
        %get3A_931 = arith.constant 0 : index
        %get3A_932 = tpu.vector_load %arg13[%get3A_930, %get3A_931] {strides = array<i32>} : memref<2048x32xf32, #tpu.memory_space<vmem>>, vector<1x16xf32>,
        %get3A_933 = vector.shape_cast %get3A_932 : vector<1x16xf32> to vector<16xf32>
        %mul3A_934 = vector.broadcast %squeeze3A_927 : f32 to vector<16xf32>
        %mul3A_935 = arith.mulf %mul3A_934, %get3A_933 : vector<16xf32>
        %add3A_936 = arith.addf %add3A_916, %mul3A_935 : vector<16xf32>
        %add3A_937 = arith.constant 768 : i32
        %add3A_938 = arith.addi %add3A_937, %add3A_861 : i32
        %get3A_939 = arith.index_cast %add3A_938 : i32 to index
        %get3A_940 = arith.constant 12 : index
        %get3A_941 = tpu.vector_load %arg13[%get3A_939, %get3A_940] {strides = array<i32>} : memref<2048x32xf32, #tpu.memory_space<vmem>>, vector<1x16xf32>,
        %get3A_942 = vector.shape_cast %get3A_941 : vector<1x16xf32> to vector<16xf32>
        %mul3A_943 = vector.broadcast %squeeze3A_927 : f32 to vector<16xf32>
        %mul3A_944 = arith.mulf %mul3A_943, %get3A_942 : vector<16xf32>
        %add3A_945 = arith.addf %add3A_925, %mul3A_944 : vector<16xf32>
        %slice3A_946 = vector.extract_strided_slice %get3A_496 {offsets = [2], sizes = [1], strides = [1]} : vector<16xf32> to vector<1xf32>
        %squeeze3A_947 = vector.extract %slice3A_946[0] : f32 from vector<1xf32>
        %add3A_948 = arith.constant 1024 : i32
        %add3A_949 = arith.addi %add3A_948, %add3A_861 : i32
        %get3A_950 = arith.index_cast %add3A_949 : i32 to index
        %get3A_951 = arith.constant 0 : index
        %get3A_952 = tpu.vector_load %arg13[%get3A_950, %get3A_951] {strides = array<i32>} : memref<2048x32xf32, #tpu.memory_space<vmem>>, vector<1x16xf32>,
        %get3A_953 = vector.shape_cast %get3A_952 : vector<1x16xf32> to vector<16xf32>
        %mul3A_954 = vector.broadcast %squeeze3A_947 : f32 to vector<16xf32>
        %mul3A_955 = arith.mulf %mul3A_954, %get3A_953 : vector<16xf32>
        %add3A_956 = arith.addf %add3A_936, %mul3A_955 : vector<16xf32>
        %add3A_957 = arith.constant 1024 : i32
        %add3A_958 = arith.addi %add3A_957, %add3A_861 : i32
        %get3A_959 = arith.index_cast %add3A_958 : i32 to index
        %get3A_960 = arith.constant 12 : index
        %get3A_961 = tpu.vector_load %arg13[%get3A_959, %get3A_960] {strides = array<i32>} : memref<2048x32xf32, #tpu.memory_space<vmem>>, vector<1x16xf32>,
        %get3A_962 = vector.shape_cast %get3A_961 : vector<1x16xf32> to vector<16xf32>
        %mul3A_963 = vector.broadcast %squeeze3A_947 : f32 to vector<16xf32>
        %mul3A_964 = arith.mulf %mul3A_963, %get3A_962 : vector<16xf32>
        %add3A_965 = arith.addf %add3A_945, %mul3A_964 : vector<16xf32>
        %slice3A_966 = vector.extract_strided_slice %get3A_501 {offsets = [2], sizes = [1], strides = [1]} : vector<16xf32> to vector<1xf32>
        %squeeze3A_967 = vector.extract %slice3A_966[0] : f32 from vector<1xf32>
        %add3A_968 = arith.constant 1280 : i32
        %add3A_969 = arith.addi %add3A_968, %add3A_861 : i32
        %get3A_970 = arith.index_cast %add3A_969 : i32 to index
        %get3A_971 = arith.constant 0 : index
        %get3A_972 = tpu.vector_load %arg13[%get3A_970, %get3A_971] {strides = array<i32>} : memref<2048x32xf32, #tpu.memory_space<vmem>>, vector<1x16xf32>,
        %get3A_973 = vector.shape_cast %get3A_972 : vector<1x16xf32> to vector<16xf32>
        %mul3A_974 = vector.broadcast %squeeze3A_967 : f32 to vector<16xf32>
        %mul3A_975 = arith.mulf %mul3A_974, %get3A_973 : vector<16xf32>
        %add3A_976 = arith.addf %add3A_956, %mul3A_975 : vector<16xf32>
        %add3A_977 = arith.constant 1280 : i32
        %add3A_978 = arith.addi %add3A_977, %add3A_861 : i32
        %get3A_979 = arith.index_cast %add3A_978 : i32 to index
        %get3A_980 = arith.constant 12 : index
        %get3A_981 = tpu.vector_load %arg13[%get3A_979, %get3A_980] {strides = array<i32>} : memref<2048x32xf32, #tpu.memory_space<vmem>>, vector<1x16xf32>,
        %get3A_982 = vector.shape_cast %get3A_981 : vector<1x16xf32> to vector<16xf32>
        %mul3A_983 = vector.broadcast %squeeze3A_967 : f32 to vector<16xf32>
        %mul3A_984 = arith.mulf %mul3A_983, %get3A_982 : vector<16xf32>
        %add3A_985 = arith.addf %add3A_965, %mul3A_984 : vector<16xf32>
        %slice3A_986 = vector.extract_strided_slice %get3A_506 {offsets = [2], sizes = [1], strides = [1]} : vector<16xf32> to vector<1xf32>
        %squeeze3A_987 = vector.extract %slice3A_986[0] : f32 from vector<1xf32>
        %add3A_988 = arith.constant 1536 : i32
        %add3A_989 = arith.addi %add3A_988, %add3A_861 : i32
        %get3A_990 = arith.index_cast %add3A_989 : i32 to index
        %get3A_991 = arith.constant 0 : index
        %get3A_992 = tpu.vector_load %arg13[%get3A_990, %get3A_991] {strides = array<i32>} : memref<2048x32xf32, #tpu.memory_space<vmem>>, vector<1x16xf32>,
        %get3A_993 = vector.shape_cast %get3A_992 : vector<1x16xf32> to vector<16xf32>
        %mul3A_994 = vector.broadcast %squeeze3A_987 : f32 to vector<16xf32>
        %mul3A_995 = arith.mulf %mul3A_994, %get3A_993 : vector<16xf32>
        %add3A_996 = arith.addf %add3A_976, %mul3A_995 : vector<16xf32>
        %add3A_997 = arith.constant 1536 : i32
        %add3A_998 = arith.addi %add3A_997, %add3A_861 : i32
        %get3A_999 = arith.index_cast %add3A_998 : i32 to index
        %get3A_1000 = arith.constant 12 : index
        %get3A_1001 = tpu.vector_load %arg13[%get3A_999, %get3A_1000] {strides = array<i32>} : memref<2048x32xf32, #tpu.memory_space<vmem>>, vector<1x16xf32>,
        %get3A_1002 = vector.shape_cast %get3A_1001 : vector<1x16xf32> to vector<16xf32>
        %mul3A_1003 = vector.broadcast %squeeze3A_987 : f32 to vector<16xf32>
        %mul3A_1004 = arith.mulf %mul3A_1003, %get3A_1002 : vector<16xf32>
        %add3A_1005 = arith.addf %add3A_985, %mul3A_1004 : vector<16xf32>
        %slice3A_1006 = vector.extract_strided_slice %get3A_511 {offsets = [2], sizes = [1], strides = [1]} : vector<16xf32> to vector<1xf32>
        %squeeze3A_1007 = vector.extract %slice3A_1006[0] : f32 from vector<1xf32>
        %add3A_1008 = arith.constant 1792 : i32
        %add3A_1009 = arith.addi %add3A_1008, %add3A_861 : i32
        %get3A_1010 = arith.index_cast %add3A_1009 : i32 to index
        %get3A_1011 = arith.constant 0 : index
        %get3A_1012 = tpu.vector_load %arg13[%get3A_1010, %get3A_1011] {strides = array<i32>} : memref<2048x32xf32, #tpu.memory_space<vmem>>, vector<1x16xf32>,
        %get3A_1013 = vector.shape_cast %get3A_1012 : vector<1x16xf32> to vector<16xf32>
        %mul3A_1014 = vector.broadcast %squeeze3A_1007 : f32 to vector<16xf32>
        %mul3A_1015 = arith.mulf %mul3A_1014, %get3A_1013 : vector<16xf32>
        %add3A_1016 = arith.addf %add3A_996, %mul3A_1015 : vector<16xf32>
        %add3A_1017 = arith.constant 1792 : i32
        %add3A_1018 = arith.addi %add3A_1017, %add3A_861 : i32
        %get3A_1019 = arith.index_cast %add3A_1018 : i32 to index
        %get3A_1020 = arith.constant 12 : index
        %get3A_1021 = tpu.vector_load %arg13[%get3A_1019, %get3A_1020] {strides = array<i32>} : memref<2048x32xf32, #tpu.memory_space<vmem>>, vector<1x16xf32>,
        %get3A_1022 = vector.shape_cast %get3A_1021 : vector<1x16xf32> to vector<16xf32>
        %mul3A_1023 = vector.broadcast %squeeze3A_1007 : f32 to vector<16xf32>
        %mul3A_1024 = arith.mulf %mul3A_1023, %get3A_1022 : vector<16xf32>
        %add3A_1025 = arith.addf %add3A_1005, %mul3A_1024 : vector<16xf32>
        %swap3A_1026 = arith.index_cast %add3A_861 : i32 to index
        %swap3A_1027 = arith.constant 0 : index
        %swap3A_1028 = tpu.vector_load %arg15[%swap3A_1026, %swap3A_1027] {strides = array<i32>} : memref<256x28xf32, #tpu.memory_space<vmem>>, vector<1x16xf32>,
        %swap3A_1029 = vector.shape_cast %swap3A_1028 : vector<1x16xf32> to vector<16xf32>
        %swap3A_1030 = vector.shape_cast %add3A_1016 : vector<16xf32> to vector<1x16xf32>
        tpu.vector_store %arg15[%swap3A_1026, %swap3A_1027], %swap3A_1030 {strides = array<i32>} : memref<256x28xf32, #tpu.memory_space<vmem>>, vector<1x16xf32>,
        %swap3A_1031 = arith.index_cast %add3A_861 : i32 to index
        %swap3A_1032 = arith.constant 12 : index
        %swap3A_1033 = tpu.vector_load %arg15[%swap3A_1031, %swap3A_1032] {strides = array<i32>} : memref<256x28xf32, #tpu.memory_space<vmem>>, vector<1x16xf32>,
        %swap3A_1034 = vector.shape_cast %swap3A_1033 : vector<1x16xf32> to vector<16xf32>
        %swap3A_1035 = vector.shape_cast %add3A_1025 : vector<16xf32> to vector<1x16xf32>
        tpu.vector_store %arg15[%swap3A_1031, %swap3A_1032], %swap3A_1035 {strides = array<i32>} : memref<256x28xf32, #tpu.memory_space<vmem>>, vector<1x16xf32>,
        %add3A_1036 = arith.constant 3 : i32
        %add3A_1037 = arith.addi %mul3A_472, %add3A_1036 : i32
        %broadcast_in_dim3A_1038 = arith.constant 0.000000e+00 : f32
        %broadcast_in_dim3A_1039 = vector.broadcast %broadcast_in_dim3A_1038 : f32 to vector<16xf32>
        %broadcast_in_dim3A_1040 = arith.constant 0.000000e+00 : f32
        %broadcast_in_dim3A_1041 = vector.broadcast %broadcast_in_dim3A_1040 : f32 to vector<16xf32>
        %slice3A_1042 = vector.extract_strided_slice %get3A_476 {offsets = [3], sizes = [1], strides = [1]} : vector<16xf32> to vector<1xf32>
        %squeeze3A_1043 = vector.extract %slice3A_1042[0] : f32 from vector<1xf32>
        %add3A_1044 = arith.constant 0 : i32
        %add3A_1045 = arith.addi %add3A_1044, %add3A_1037 : i32
        %get3A_1046 = arith.index_cast %add3A_1045 : i32 to index
        %get3A_1047 = arith.constant 0 : index
        %get3A_1048 = tpu.vector_load %arg13[%get3A_1046, %get3A_1047] {strides = array<i32>} : memref<2048x32xf32, #tpu.memory_space<vmem>>, vector<1x16xf32>,
        %get3A_1049 = vector.shape_cast %get3A_1048 : vector<1x16xf32> to vector<16xf32>
        %mul3A_1050 = vector.broadcast %squeeze3A_1043 : f32 to vector<16xf32>
        %mul3A_1051 = arith.mulf %mul3A_1050, %get3A_1049 : vector<16xf32>
        %add3A_1052 = arith.addf %broadcast_in_dim3A_1039, %mul3A_1051 : vector<16xf32>
        %add3A_1053 = arith.constant 0 : i32
        %add3A_1054 = arith.addi %add3A_1053, %add3A_1037 : i32
        %get3A_1055 = arith.index_cast %add3A_1054 : i32 to index
        %get3A_1056 = arith.constant 12 : index
        %get3A_1057 = tpu.vector_load %arg13[%get3A_1055, %get3A_1056] {strides = array<i32>} : memref<2048x32xf32, #tpu.memory_space<vmem>>, vector<1x16xf32>,
        %get3A_1058 = vector.shape_cast %get3A_1057 : vector<1x16xf32> to vector<16xf32>
        %mul3A_1059 = vector.broadcast %squeeze3A_1043 : f32 to vector<16xf32>
        %mul3A_1060 = arith.mulf %mul3A_1059, %get3A_1058 : vector<16xf32>
        %add3A_1061 = arith.addf %broadcast_in_dim3A_1041, %mul3A_1060 : vector<16xf32>
        %slice3A_1062 = vector.extract_strided_slice %get3A_481 {offsets = [3], sizes = [1], strides = [1]} : vector<16xf32> to vector<1xf32>
        %squeeze3A_1063 = vector.extract %slice3A_1062[0] : f32 from vector<1xf32>
        %add3A_1064 = arith.constant 256 : i32
        %add3A_1065 = arith.addi %add3A_1064, %add3A_1037 : i32
        %get3A_1066 = arith.index_cast %add3A_1065 : i32 to index
        %get3A_1067 = arith.constant 0 : index
        %get3A_1068 = tpu.vector_load %arg13[%get3A_1066, %get3A_1067] {strides = array<i32>} : memref<2048x32xf32, #tpu.memory_space<vmem>>, vector<1x16xf32>,
        %get3A_1069 = vector.shape_cast %get3A_1068 : vector<1x16xf32> to vector<16xf32>
        %mul3A_1070 = vector.broadcast %squeeze3A_1063 : f32 to vector<16xf32>
        %mul3A_1071 = arith.mulf %mul3A_1070, %get3A_1069 : vector<16xf32>
        %add3A_1072 = arith.addf %add3A_1052, %mul3A_1071 : vector<16xf32>
        %add3A_1073 = arith.constant 256 : i32
        %add3A_1074 = arith.addi %add3A_1073, %add3A_1037 : i32
        %get3A_1075 = arith.index_cast %add3A_1074 : i32 to index
        %get3A_1076 = arith.constant 12 : index
        %get3A_1077 = tpu.vector_load %arg13[%get3A_1075, %get3A_1076] {strides = array<i32>} : memref<2048x32xf32, #tpu.memory_space<vmem>>, vector<1x16xf32>,
        %get3A_1078 = vector.shape_cast %get3A_1077 : vector<1x16xf32> to vector<16xf32>
        %mul3A_1079 = vector.broadcast %squeeze3A_1063 : f32 to vector<16xf32>
        %mul3A_1080 = arith.mulf %mul3A_1079, %get3A_1078 : vector<16xf32>
        %add3A_1081 = arith.addf %add3A_1061, %mul3A_1080 : vector<16xf32>
        %slice3A_1082 = vector.extract_strided_slice %get3A_486 {offsets = [3], sizes = [1], strides = [1]} : vector<16xf32> to vector<1xf32>
        %squeeze3A_1083 = vector.extract %slice3A_1082[0] : f32 from vector<1xf32>
        %add3A_1084 = arith.constant 512 : i32
        %add3A_1085 = arith.addi %add3A_1084, %add3A_1037 : i32
        %get3A_1086 = arith.index_cast %add3A_1085 : i32 to index
        %get3A_1087 = arith.constant 0 : index
        %get3A_1088 = tpu.vector_load %arg13[%get3A_1086, %get3A_1087] {strides = array<i32>} : memref<2048x32xf32, #tpu.memory_space<vmem>>, vector<1x16xf32>,
        %get3A_1089 = vector.shape_cast %get3A_1088 : vector<1x16xf32> to vector<16xf32>
        %mul3A_1090 = vector.broadcast %squeeze3A_1083 : f32 to vector<16xf32>
        %mul3A_1091 = arith.mulf %mul3A_1090, %get3A_1089 : vector<16xf32>
        %add3A_1092 = arith.addf %add3A_1072, %mul3A_1091 : vector<16xf32>
        %add3A_1093 = arith.constant 512 : i32
        %add3A_1094 = arith.addi %add3A_1093, %add3A_1037 : i32
        %get3A_1095 = arith.index_cast %add3A_1094 : i32 to index
        %get3A_1096 = arith.constant 12 : index
        %get3A_1097 = tpu.vector_load %arg13[%get3A_1095, %get3A_1096] {strides = array<i32>} : memref<2048x32xf32, #tpu.memory_space<vmem>>, vector<1x16xf32>,
        %get3A_1098 = vector.shape_cast %get3A_1097 : vector<1x16xf32> to vector<16xf32>
        %mul3A_1099 = vector.broadcast %squeeze3A_1083 : f32 to vector<16xf32>
        %mul3A_1100 = arith.mulf %mul3A_1099, %get3A_1098 : vector<16xf32>
        %add3A_1101 = arith.addf %add3A_1081, %mul3A_1100 : vector<16xf32>
        %slice3A_1102 = vector.extract_strided_slice %get3A_491 {offsets = [3], sizes = [1], strides = [1]} : vector<16xf32> to vector<1xf32>
        %squeeze3A_1103 = vector.extract %slice3A_1102[0] : f32 from vector<1xf32>
        %add3A_1104 = arith.constant 768 : i32
        %add3A_1105 = arith.addi %add3A_1104, %add3A_1037 : i32
        %get3A_1106 = arith.index_cast %add3A_1105 : i32 to index
        %get3A_1107 = arith.constant 0 : index
        %get3A_1108 = tpu.vector_load %arg13[%get3A_1106, %get3A_1107] {strides = array<i32>} : memref<2048x32xf32, #tpu.memory_space<vmem>>, vector<1x16xf32>,
        %get3A_1109 = vector.shape_cast %get3A_1108 : vector<1x16xf32> to vector<16xf32>
        %mul3A_1110 = vector.broadcast %squeeze3A_1103 : f32 to vector<16xf32>
        %mul3A_1111 = arith.mulf %mul3A_1110, %get3A_1109 : vector<16xf32>
        %add3A_1112 = arith.addf %add3A_1092, %mul3A_1111 : vector<16xf32>
        %add3A_1113 = arith.constant 768 : i32
        %add3A_1114 = arith.addi %add3A_1113, %add3A_1037 : i32
        %get3A_1115 = arith.index_cast %add3A_1114 : i32 to index
        %get3A_1116 = arith.constant 12 : index
        %get3A_1117 = tpu.vector_load %arg13[%get3A_1115, %get3A_1116] {strides = array<i32>} : memref<2048x32xf32, #tpu.memory_space<vmem>>, vector<1x16xf32>,
        %get3A_1118 = vector.shape_cast %get3A_1117 : vector<1x16xf32> to vector<16xf32>
        %mul3A_1119 = vector.broadcast %squeeze3A_1103 : f32 to vector<16xf32>
        %mul3A_1120 = arith.mulf %mul3A_1119, %get3A_1118 : vector<16xf32>
        %add3A_1121 = arith.addf %add3A_1101, %mul3A_1120 : vector<16xf32>
        %slice3A_1122 = vector.extract_strided_slice %get3A_496 {offsets = [3], sizes = [1], strides = [1]} : vector<16xf32> to vector<1xf32>
        %squeeze3A_1123 = vector.extract %slice3A_1122[0] : f32 from vector<1xf32>
        %add3A_1124 = arith.constant 1024 : i32
        %add3A_1125 = arith.addi %add3A_1124, %add3A_1037 : i32
        %get3A_1126 = arith.index_cast %add3A_1125 : i32 to index
        %get3A_1127 = arith.constant 0 : index
        %get3A_1128 = tpu.vector_load %arg13[%get3A_1126, %get3A_1127] {strides = array<i32>} : memref<2048x32xf32, #tpu.memory_space<vmem>>, vector<1x16xf32>,
        %get3A_1129 = vector.shape_cast %get3A_1128 : vector<1x16xf32> to vector<16xf32>
        %mul3A_1130 = vector.broadcast %squeeze3A_1123 : f32 to vector<16xf32>
        %mul3A_1131 = arith.mulf %mul3A_1130, %get3A_1129 : vector<16xf32>
        %add3A_1132 = arith.addf %add3A_1112, %mul3A_1131 : vector<16xf32>
        %add3A_1133 = arith.constant 1024 : i32
        %add3A_1134 = arith.addi %add3A_1133, %add3A_1037 : i32
        %get3A_1135 = arith.index_cast %add3A_1134 : i32 to index
        %get3A_1136 = arith.constant 12 : index
        %get3A_1137 = tpu.vector_load %arg13[%get3A_1135, %get3A_1136] {strides = array<i32>} : memref<2048x32xf32, #tpu.memory_space<vmem>>, vector<1x16xf32>,
        %get3A_1138 = vector.shape_cast %get3A_1137 : vector<1x16xf32> to vector<16xf32>
        %mul3A_1139 = vector.broadcast %squeeze3A_1123 : f32 to vector<16xf32>
        %mul3A_1140 = arith.mulf %mul3A_1139, %get3A_1138 : vector<16xf32>
        %add3A_1141 = arith.addf %add3A_1121, %mul3A_1140 : vector<16xf32>
        %slice3A_1142 = vector.extract_strided_slice %get3A_501 {offsets = [3], sizes = [1], strides = [1]} : vector<16xf32> to vector<1xf32>
        %squeeze3A_1143 = vector.extract %slice3A_1142[0] : f32 from vector<1xf32>
        %add3A_1144 = arith.constant 1280 : i32
        %add3A_1145 = arith.addi %add3A_1144, %add3A_1037 : i32
        %get3A_1146 = arith.index_cast %add3A_1145 : i32 to index
        %get3A_1147 = arith.constant 0 : index
        %get3A_1148 = tpu.vector_load %arg13[%get3A_1146, %get3A_1147] {strides = array<i32>} : memref<2048x32xf32, #tpu.memory_space<vmem>>, vector<1x16xf32>,
        %get3A_1149 = vector.shape_cast %get3A_1148 : vector<1x16xf32> to vector<16xf32>
        %mul3A_1150 = vector.broadcast %squeeze3A_1143 : f32 to vector<16xf32>
        %mul3A_1151 = arith.mulf %mul3A_1150, %get3A_1149 : vector<16xf32>
        %add3A_1152 = arith.addf %add3A_1132, %mul3A_1151 : vector<16xf32>
        %add3A_1153 = arith.constant 1280 : i32
        %add3A_1154 = arith.addi %add3A_1153, %add3A_1037 : i32
        %get3A_1155 = arith.index_cast %add3A_1154 : i32 to index
        %get3A_1156 = arith.constant 12 : index
        %get3A_1157 = tpu.vector_load %arg13[%get3A_1155, %get3A_1156] {strides = array<i32>} : memref<2048x32xf32, #tpu.memory_space<vmem>>, vector<1x16xf32>,
        %get3A_1158 = vector.shape_cast %get3A_1157 : vector<1x16xf32> to vector<16xf32>
        %mul3A_1159 = vector.broadcast %squeeze3A_1143 : f32 to vector<16xf32>
        %mul3A_1160 = arith.mulf %mul3A_1159, %get3A_1158 : vector<16xf32>
        %add3A_1161 = arith.addf %add3A_1141, %mul3A_1160 : vector<16xf32>
        %slice3A_1162 = vector.extract_strided_slice %get3A_506 {offsets = [3], sizes = [1], strides = [1]} : vector<16xf32> to vector<1xf32>
        %squeeze3A_1163 = vector.extract %slice3A_1162[0] : f32 from vector<1xf32>
        %add3A_1164 = arith.constant 1536 : i32
        %add3A_1165 = arith.addi %add3A_1164, %add3A_1037 : i32
        %get3A_1166 = arith.index_cast %add3A_1165 : i32 to index
        %get3A_1167 = arith.constant 0 : index
        %get3A_1168 = tpu.vector_load %arg13[%get3A_1166, %get3A_1167] {strides = array<i32>} : memref<2048x32xf32, #tpu.memory_space<vmem>>, vector<1x16xf32>,
        %get3A_1169 = vector.shape_cast %get3A_1168 : vector<1x16xf32> to vector<16xf32>
        %mul3A_1170 = vector.broadcast %squeeze3A_1163 : f32 to vector<16xf32>
        %mul3A_1171 = arith.mulf %mul3A_1170, %get3A_1169 : vector<16xf32>
        %add3A_1172 = arith.addf %add3A_1152, %mul3A_1171 : vector<16xf32>
        %add3A_1173 = arith.constant 1536 : i32
        %add3A_1174 = arith.addi %add3A_1173, %add3A_1037 : i32
        %get3A_1175 = arith.index_cast %add3A_1174 : i32 to index
        %get3A_1176 = arith.constant 12 : index
        %get3A_1177 = tpu.vector_load %arg13[%get3A_1175, %get3A_1176] {strides = array<i32>} : memref<2048x32xf32, #tpu.memory_space<vmem>>, vector<1x16xf32>,
        %get3A_1178 = vector.shape_cast %get3A_1177 : vector<1x16xf32> to vector<16xf32>
        %mul3A_1179 = vector.broadcast %squeeze3A_1163 : f32 to vector<16xf32>
        %mul3A_1180 = arith.mulf %mul3A_1179, %get3A_1178 : vector<16xf32>
        %add3A_1181 = arith.addf %add3A_1161, %mul3A_1180 : vector<16xf32>
        %slice3A_1182 = vector.extract_strided_slice %get3A_511 {offsets = [3], sizes = [1], strides = [1]} : vector<16xf32> to vector<1xf32>
        %squeeze3A_1183 = vector.extract %slice3A_1182[0] : f32 from vector<1xf32>
        %add3A_1184 = arith.constant 1792 : i32
        %add3A_1185 = arith.addi %add3A_1184, %add3A_1037 : i32
        %get3A_1186 = arith.index_cast %add3A_1185 : i32 to index
        %get3A_1187 = arith.constant 0 : index
        %get3A_1188 = tpu.vector_load %arg13[%get3A_1186, %get3A_1187] {strides = array<i32>} : memref<2048x32xf32, #tpu.memory_space<vmem>>, vector<1x16xf32>,
        %get3A_1189 = vector.shape_cast %get3A_1188 : vector<1x16xf32> to vector<16xf32>
        %mul3A_1190 = vector.broadcast %squeeze3A_1183 : f32 to vector<16xf32>
        %mul3A_1191 = arith.mulf %mul3A_1190, %get3A_1189 : vector<16xf32>
        %add3A_1192 = arith.addf %add3A_1172, %mul3A_1191 : vector<16xf32>
        %add3A_1193 = arith.constant 1792 : i32
        %add3A_1194 = arith.addi %add3A_1193, %add3A_1037 : i32
        %get3A_1195 = arith.index_cast %add3A_1194 : i32 to index
        %get3A_1196 = arith.constant 12 : index
        %get3A_1197 = tpu.vector_load %arg13[%get3A_1195, %get3A_1196] {strides = array<i32>} : memref<2048x32xf32, #tpu.memory_space<vmem>>, vector<1x16xf32>,
        %get3A_1198 = vector.shape_cast %get3A_1197 : vector<1x16xf32> to vector<16xf32>
        %mul3A_1199 = vector.broadcast %squeeze3A_1183 : f32 to vector<16xf32>
        %mul3A_1200 = arith.mulf %mul3A_1199, %get3A_1198 : vector<16xf32>
        %add3A_1201 = arith.addf %add3A_1181, %mul3A_1200 : vector<16xf32>
        %swap3A_1202 = arith.index_cast %add3A_1037 : i32 to index
        %swap3A_1203 = arith.constant 0 : index
        %swap3A_1204 = tpu.vector_load %arg15[%swap3A_1202, %swap3A_1203] {strides = array<i32>} : memref<256x28xf32, #tpu.memory_space<vmem>>, vector<1x16xf32>,
        %swap3A_1205 = vector.shape_cast %swap3A_1204 : vector<1x16xf32> to vector<16xf32>
        %swap3A_1206 = vector.shape_cast %add3A_1192 : vector<16xf32> to vector<1x16xf32>
        tpu.vector_store %arg15[%swap3A_1202, %swap3A_1203], %swap3A_1206 {strides = array<i32>} : memref<256x28xf32, #tpu.memory_space<vmem>>, vector<1x16xf32>,
        %swap3A_1207 = arith.index_cast %add3A_1037 : i32 to index
        %swap3A_1208 = arith.constant 12 : index
        %swap3A_1209 = tpu.vector_load %arg15[%swap3A_1207, %swap3A_1208] {strides = array<i32>} : memref<256x28xf32, #tpu.memory_space<vmem>>, vector<1x16xf32>,
        %swap3A_1210 = vector.shape_cast %swap3A_1209 : vector<1x16xf32> to vector<16xf32>
        %swap3A_1211 = vector.shape_cast %add3A_1201 : vector<16xf32> to vector<1x16xf32>
        tpu.vector_store %arg15[%swap3A_1207, %swap3A_1208], %swap3A_1211 {strides = array<i32>} : memref<256x28xf32, #tpu.memory_space<vmem>>, vector<1x16xf32>,
        %add3A_1212 = arith.constant 4 : i32
        %add3A_1213 = arith.addi %mul3A_472, %add3A_1212 : i32
        %broadcast_in_dim3A_1214 = arith.constant 0.000000e+00 : f32
        %broadcast_in_dim3A_1215 = vector.broadcast %broadcast_in_dim3A_1214 : f32 to vector<16xf32>
        %broadcast_in_dim3A_1216 = arith.constant 0.000000e+00 : f32
        %broadcast_in_dim3A_1217 = vector.broadcast %broadcast_in_dim3A_1216 : f32 to vector<16xf32>
        %slice3A_1218 = vector.extract_strided_slice %get3A_476 {offsets = [4], sizes = [1], strides = [1]} : vector<16xf32> to vector<1xf32>
        %squeeze3A_1219 = vector.extract %slice3A_1218[0] : f32 from vector<1xf32>
        %add3A_1220 = arith.constant 0 : i32
        %add3A_1221 = arith.addi %add3A_1220, %add3A_1213 : i32
        %get3A_1222 = arith.index_cast %add3A_1221 : i32 to index
        %get3A_1223 = arith.constant 0 : index
        %get3A_1224 = tpu.vector_load %arg13[%get3A_1222, %get3A_1223] {strides = array<i32>} : memref<2048x32xf32, #tpu.memory_space<vmem>>, vector<1x16xf32>,
        %get3A_1225 = vector.shape_cast %get3A_1224 : vector<1x16xf32> to vector<16xf32>
        %mul3A_1226 = vector.broadcast %squeeze3A_1219 : f32 to vector<16xf32>
        %mul3A_1227 = arith.mulf %mul3A_1226, %get3A_1225 : vector<16xf32>
        %add3A_1228 = arith.addf %broadcast_in_dim3A_1215, %mul3A_1227 : vector<16xf32>
        %add3A_1229 = arith.constant 0 : i32
        %add3A_1230 = arith.addi %add3A_1229, %add3A_1213 : i32
        %get3A_1231 = arith.index_cast %add3A_1230 : i32 to index
        %get3A_1232 = arith.constant 12 : index
        %get3A_1233 = tpu.vector_load %arg13[%get3A_1231, %get3A_1232] {strides = array<i32>} : memref<2048x32xf32, #tpu.memory_space<vmem>>, vector<1x16xf32>,
        %get3A_1234 = vector.shape_cast %get3A_1233 : vector<1x16xf32> to vector<16xf32>
        %mul3A_1235 = vector.broadcast %squeeze3A_1219 : f32 to vector<16xf32>
        %mul3A_1236 = arith.mulf %mul3A_1235, %get3A_1234 : vector<16xf32>
        %add3A_1237 = arith.addf %broadcast_in_dim3A_1217, %mul3A_1236 : vector<16xf32>
        %slice3A_1238 = vector.extract_strided_slice %get3A_481 {offsets = [4], sizes = [1], strides = [1]} : vector<16xf32> to vector<1xf32>
        %squeeze3A_1239 = vector.extract %slice3A_1238[0] : f32 from vector<1xf32>
        %add3A_1240 = arith.constant 256 : i32
        %add3A_1241 = arith.addi %add3A_1240, %add3A_1213 : i32
        %get3A_1242 = arith.index_cast %add3A_1241 : i32 to index
        %get3A_1243 = arith.constant 0 : index
        %get3A_1244 = tpu.vector_load %arg13[%get3A_1242, %get3A_1243] {strides = array<i32>} : memref<2048x32xf32, #tpu.memory_space<vmem>>, vector<1x16xf32>,
        %get3A_1245 = vector.shape_cast %get3A_1244 : vector<1x16xf32> to vector<16xf32>
        %mul3A_1246 = vector.broadcast %squeeze3A_1239 : f32 to vector<16xf32>
        %mul3A_1247 = arith.mulf %mul3A_1246, %get3A_1245 : vector<16xf32>
        %add3A_1248 = arith.addf %add3A_1228, %mul3A_1247 : vector<16xf32>
        %add3A_1249 = arith.constant 256 : i32
        %add3A_1250 = arith.addi %add3A_1249, %add3A_1213 : i32
        %get3A_1251 = arith.index_cast %add3A_1250 : i32 to index
        %get3A_1252 = arith.constant 12 : index
        %get3A_1253 = tpu.vector_load %arg13[%get3A_1251, %get3A_1252] {strides = array<i32>} : memref<2048x32xf32, #tpu.memory_space<vmem>>, vector<1x16xf32>,
        %get3A_1254 = vector.shape_cast %get3A_1253 : vector<1x16xf32> to vector<16xf32>
        %mul3A_1255 = vector.broadcast %squeeze3A_1239 : f32 to vector<16xf32>
        %mul3A_1256 = arith.mulf %mul3A_1255, %get3A_1254 : vector<16xf32>
        %add3A_1257 = arith.addf %add3A_1237, %mul3A_1256 : vector<16xf32>
        %slice3A_1258 = vector.extract_strided_slice %get3A_486 {offsets = [4], sizes = [1], strides = [1]} : vector<16xf32> to vector<1xf32>
        %squeeze3A_1259 = vector.extract %slice3A_1258[0] : f32 from vector<1xf32>
        %add3A_1260 = arith.constant 512 : i32
        %add3A_1261 = arith.addi %add3A_1260, %add3A_1213 : i32
        %get3A_1262 = arith.index_cast %add3A_1261 : i32 to index
        %get3A_1263 = arith.constant 0 : index
        %get3A_1264 = tpu.vector_load %arg13[%get3A_1262, %get3A_1263] {strides = array<i32>} : memref<2048x32xf32, #tpu.memory_space<vmem>>, vector<1x16xf32>,
        %get3A_1265 = vector.shape_cast %get3A_1264 : vector<1x16xf32> to vector<16xf32>
        %mul3A_1266 = vector.broadcast %squeeze3A_1259 : f32 to vector<16xf32>
        %mul3A_1267 = arith.mulf %mul3A_1266, %get3A_1265 : vector<16xf32>
        %add3A_1268 = arith.addf %add3A_1248, %mul3A_1267 : vector<16xf32>
        %add3A_1269 = arith.constant 512 : i32
        %add3A_1270 = arith.addi %add3A_1269, %add3A_1213 : i32
        %get3A_1271 = arith.index_cast %add3A_1270 : i32 to index
        %get3A_1272 = arith.constant 12 : index
        %get3A_1273 = tpu.vector_load %arg13[%get3A_1271, %get3A_1272] {strides = array<i32>} : memref<2048x32xf32, #tpu.memory_space<vmem>>, vector<1x16xf32>,
        %get3A_1274 = vector.shape_cast %get3A_1273 : vector<1x16xf32> to vector<16xf32>
        %mul3A_1275 = vector.broadcast %squeeze3A_1259 : f32 to vector<16xf32>
        %mul3A_1276 = arith.mulf %mul3A_1275, %get3A_1274 : vector<16xf32>
        %add3A_1277 = arith.addf %add3A_1257, %mul3A_1276 : vector<16xf32>
        %slice3A_1278 = vector.extract_strided_slice %get3A_491 {offsets = [4], sizes = [1], strides = [1]} : vector<16xf32> to vector<1xf32>
        %squeeze3A_1279 = vector.extract %slice3A_1278[0] : f32 from vector<1xf32>
        %add3A_1280 = arith.constant 768 : i32
        %add3A_1281 = arith.addi %add3A_1280, %add3A_1213 : i32
        %get3A_1282 = arith.index_cast %add3A_1281 : i32 to index
        %get3A_1283 = arith.constant 0 : index
        %get3A_1284 = tpu.vector_load %arg13[%get3A_1282, %get3A_1283] {strides = array<i32>} : memref<2048x32xf32, #tpu.memory_space<vmem>>, vector<1x16xf32>,
        %get3A_1285 = vector.shape_cast %get3A_1284 : vector<1x16xf32> to vector<16xf32>
        %mul3A_1286 = vector.broadcast %squeeze3A_1279 : f32 to vector<16xf32>
        %mul3A_1287 = arith.mulf %mul3A_1286, %get3A_1285 : vector<16xf32>
        %add3A_1288 = arith.addf %add3A_1268, %mul3A_1287 : vector<16xf32>
        %add3A_1289 = arith.constant 768 : i32
        %add3A_1290 = arith.addi %add3A_1289, %add3A_1213 : i32
        %get3A_1291 = arith.index_cast %add3A_1290 : i32 to index
        %get3A_1292 = arith.constant 12 : index
        %get3A_1293 = tpu.vector_load %arg13[%get3A_1291, %get3A_1292] {strides = array<i32>} : memref<2048x32xf32, #tpu.memory_space<vmem>>, vector<1x16xf32>,
        %get3A_1294 = vector.shape_cast %get3A_1293 : vector<1x16xf32> to vector<16xf32>
        %mul3A_1295 = vector.broadcast %squeeze3A_1279 : f32 to vector<16xf32>
        %mul3A_1296 = arith.mulf %mul3A_1295, %get3A_1294 : vector<16xf32>
        %add3A_1297 = arith.addf %add3A_1277, %mul3A_1296 : vector<16xf32>
        %slice3A_1298 = vector.extract_strided_slice %get3A_496 {offsets = [4], sizes = [1], strides = [1]} : vector<16xf32> to vector<1xf32>
        %squeeze3A_1299 = vector.extract %slice3A_1298[0] : f32 from vector<1xf32>
        %add3A_1300 = arith.constant 1024 : i32
        %add3A_1301 = arith.addi %add3A_1300, %add3A_1213 : i32
        %get3A_1302 = arith.index_cast %add3A_1301 : i32 to index
        %get3A_1303 = arith.constant 0 : index
        %get3A_1304 = tpu.vector_load %arg13[%get3A_1302, %get3A_1303] {strides = array<i32>} : memref<2048x32xf32, #tpu.memory_space<vmem>>, vector<1x16xf32>,
        %get3A_1305 = vector.shape_cast %get3A_1304 : vector<1x16xf32> to vector<16xf32>
        %mul3A_1306 = vector.broadcast %squeeze3A_1299 : f32 to vector<16xf32>
        %mul3A_1307 = arith.mulf %mul3A_1306, %get3A_1305 : vector<16xf32>
        %add3A_1308 = arith.addf %add3A_1288, %mul3A_1307 : vector<16xf32>
        %add3A_1309 = arith.constant 1024 : i32
        %add3A_1310 = arith.addi %add3A_1309, %add3A_1213 : i32
        %get3A_1311 = arith.index_cast %add3A_1310 : i32 to index
        %get3A_1312 = arith.constant 12 : index
        %get3A_1313 = tpu.vector_load %arg13[%get3A_1311, %get3A_1312] {strides = array<i32>} : memref<2048x32xf32, #tpu.memory_space<vmem>>, vector<1x16xf32>,
        %get3A_1314 = vector.shape_cast %get3A_1313 : vector<1x16xf32> to vector<16xf32>
        %mul3A_1315 = vector.broadcast %squeeze3A_1299 : f32 to vector<16xf32>
        %mul3A_1316 = arith.mulf %mul3A_1315, %get3A_1314 : vector<16xf32>
        %add3A_1317 = arith.addf %add3A_1297, %mul3A_1316 : vector<16xf32>
        %slice3A_1318 = vector.extract_strided_slice %get3A_501 {offsets = [4], sizes = [1], strides = [1]} : vector<16xf32> to vector<1xf32>
        %squeeze3A_1319 = vector.extract %slice3A_1318[0] : f32 from vector<1xf32>
        %add3A_1320 = arith.constant 1280 : i32
        %add3A_1321 = arith.addi %add3A_1320, %add3A_1213 : i32
        %get3A_1322 = arith.index_cast %add3A_1321 : i32 to index
        %get3A_1323 = arith.constant 0 : index
        %get3A_1324 = tpu.vector_load %arg13[%get3A_1322, %get3A_1323] {strides = array<i32>} : memref<2048x32xf32, #tpu.memory_space<vmem>>, vector<1x16xf32>,
        %get3A_1325 = vector.shape_cast %get3A_1324 : vector<1x16xf32> to vector<16xf32>
        %mul3A_1326 = vector.broadcast %squeeze3A_1319 : f32 to vector<16xf32>
        %mul3A_1327 = arith.mulf %mul3A_1326, %get3A_1325 : vector<16xf32>
        %add3A_1328 = arith.addf %add3A_1308, %mul3A_1327 : vector<16xf32>
        %add3A_1329 = arith.constant 1280 : i32
        %add3A_1330 = arith.addi %add3A_1329, %add3A_1213 : i32
        %get3A_1331 = arith.index_cast %add3A_1330 : i32 to index
        %get3A_1332 = arith.constant 12 : index
        %get3A_1333 = tpu.vector_load %arg13[%get3A_1331, %get3A_1332] {strides = array<i32>} : memref<2048x32xf32, #tpu.memory_space<vmem>>, vector<1x16xf32>,
        %get3A_1334 = vector.shape_cast %get3A_1333 : vector<1x16xf32> to vector<16xf32>
        %mul3A_1335 = vector.broadcast %squeeze3A_1319 : f32 to vector<16xf32>
        %mul3A_1336 = arith.mulf %mul3A_1335, %get3A_1334 : vector<16xf32>
        %add3A_1337 = arith.addf %add3A_1317, %mul3A_1336 : vector<16xf32>
        %slice3A_1338 = vector.extract_strided_slice %get3A_506 {offsets = [4], sizes = [1], strides = [1]} : vector<16xf32> to vector<1xf32>
        %squeeze3A_1339 = vector.extract %slice3A_1338[0] : f32 from vector<1xf32>
        %add3A_1340 = arith.constant 1536 : i32
        %add3A_1341 = arith.addi %add3A_1340, %add3A_1213 : i32
        %get3A_1342 = arith.index_cast %add3A_1341 : i32 to index
        %get3A_1343 = arith.constant 0 : index
        %get3A_1344 = tpu.vector_load %arg13[%get3A_1342, %get3A_1343] {strides = array<i32>} : memref<2048x32xf32, #tpu.memory_space<vmem>>, vector<1x16xf32>,
        %get3A_1345 = vector.shape_cast %get3A_1344 : vector<1x16xf32> to vector<16xf32>
        %mul3A_1346 = vector.broadcast %squeeze3A_1339 : f32 to vector<16xf32>
        %mul3A_1347 = arith.mulf %mul3A_1346, %get3A_1345 : vector<16xf32>
        %add3A_1348 = arith.addf %add3A_1328, %mul3A_1347 : vector<16xf32>
        %add3A_1349 = arith.constant 1536 : i32
        %add3A_1350 = arith.addi %add3A_1349, %add3A_1213 : i32
        %get3A_1351 = arith.index_cast %add3A_1350 : i32 to index
        %get3A_1352 = arith.constant 12 : index
        %get3A_1353 = tpu.vector_load %arg13[%get3A_1351, %get3A_1352] {strides = array<i32>} : memref<2048x32xf32, #tpu.memory_space<vmem>>, vector<1x16xf32>,
        %get3A_1354 = vector.shape_cast %get3A_1353 : vector<1x16xf32> to vector<16xf32>
        %mul3A_1355 = vector.broadcast %squeeze3A_1339 : f32 to vector<16xf32>
        %mul3A_1356 = arith.mulf %mul3A_1355, %get3A_1354 : vector<16xf32>
        %add3A_1357 = arith.addf %add3A_1337, %mul3A_1356 : vector<16xf32>
        %slice3A_1358 = vector.extract_strided_slice %get3A_511 {offsets = [4], sizes = [1], strides = [1]} : vector<16xf32> to vector<1xf32>
        %squeeze3A_1359 = vector.extract %slice3A_1358[0] : f32 from vector<1xf32>
        %add3A_1360 = arith.constant 1792 : i32
        %add3A_1361 = arith.addi %add3A_1360, %add3A_1213 : i32
        %get3A_1362 = arith.index_cast %add3A_1361 : i32 to index
        %get3A_1363 = arith.constant 0 : index
        %get3A_1364 = tpu.vector_load %arg13[%get3A_1362, %get3A_1363] {strides = array<i32>} : memref<2048x32xf32, #tpu.memory_space<vmem>>, vector<1x16xf32>,
        %get3A_1365 = vector.shape_cast %get3A_1364 : vector<1x16xf32> to vector<16xf32>
        %mul3A_1366 = vector.broadcast %squeeze3A_1359 : f32 to vector<16xf32>
        %mul3A_1367 = arith.mulf %mul3A_1366, %get3A_1365 : vector<16xf32>
        %add3A_1368 = arith.addf %add3A_1348, %mul3A_1367 : vector<16xf32>
        %add3A_1369 = arith.constant 1792 : i32
        %add3A_1370 = arith.addi %add3A_1369, %add3A_1213 : i32
        %get3A_1371 = arith.index_cast %add3A_1370 : i32 to index
        %get3A_1372 = arith.constant 12 : index
        %get3A_1373 = tpu.vector_load %arg13[%get3A_1371, %get3A_1372] {strides = array<i32>} : memref<2048x32xf32, #tpu.memory_space<vmem>>, vector<1x16xf32>,
        %get3A_1374 = vector.shape_cast %get3A_1373 : vector<1x16xf32> to vector<16xf32>
        %mul3A_1375 = vector.broadcast %squeeze3A_1359 : f32 to vector<16xf32>
        %mul3A_1376 = arith.mulf %mul3A_1375, %get3A_1374 : vector<16xf32>
        %add3A_1377 = arith.addf %add3A_1357, %mul3A_1376 : vector<16xf32>
        %swap3A_1378 = arith.index_cast %add3A_1213 : i32 to index
        %swap3A_1379 = arith.constant 0 : index
        %swap3A_1380 = tpu.vector_load %arg15[%swap3A_1378, %swap3A_1379] {strides = array<i32>} : memref<256x28xf32, #tpu.memory_space<vmem>>, vector<1x16xf32>,
        %swap3A_1381 = vector.shape_cast %swap3A_1380 : vector<1x16xf32> to vector<16xf32>
        %swap3A_1382 = vector.shape_cast %add3A_1368 : vector<16xf32> to vector<1x16xf32>
        tpu.vector_store %arg15[%swap3A_1378, %swap3A_1379], %swap3A_1382 {strides = array<i32>} : memref<256x28xf32, #tpu.memory_space<vmem>>, vector<1x16xf32>,
        %swap3A_1383 = arith.index_cast %add3A_1213 : i32 to index
        %swap3A_1384 = arith.constant 12 : index
        %swap3A_1385 = tpu.vector_load %arg15[%swap3A_1383, %swap3A_1384] {strides = array<i32>} : memref<256x28xf32, #tpu.memory_space<vmem>>, vector<1x16xf32>,
        %swap3A_1386 = vector.shape_cast %swap3A_1385 : vector<1x16xf32> to vector<16xf32>
        %swap3A_1387 = vector.shape_cast %add3A_1377 : vector<16xf32> to vector<1x16xf32>
        tpu.vector_store %arg15[%swap3A_1383, %swap3A_1384], %swap3A_1387 {strides = array<i32>} : memref<256x28xf32, #tpu.memory_space<vmem>>, vector<1x16xf32>,
        %add3A_1388 = arith.constant 5 : i32
        %add3A_1389 = arith.addi %mul3A_472, %add3A_1388 : i32
        %broadcast_in_dim3A_1390 = arith.constant 0.000000e+00 : f32
        %broadcast_in_dim3A_1391 = vector.broadcast %broadcast_in_dim3A_1390 : f32 to vector<16xf32>
        %broadcast_in_dim3A_1392 = arith.constant 0.000000e+00 : f32
        %broadcast_in_dim3A_1393 = vector.broadcast %broadcast_in_dim3A_1392 : f32 to vector<16xf32>
        %slice3A_1394 = vector.extract_strided_slice %get3A_476 {offsets = [5], sizes = [1], strides = [1]} : vector<16xf32> to vector<1xf32>
        %squeeze3A_1395 = vector.extract %slice3A_1394[0] : f32 from vector<1xf32>
        %add3A_1396 = arith.constant 0 : i32
        %add3A_1397 = arith.addi %add3A_1396, %add3A_1389 : i32
        %get3A_1398 = arith.index_cast %add3A_1397 : i32 to index
        %get3A_1399 = arith.constant 0 : index
        %get3A_1400 = tpu.vector_load %arg13[%get3A_1398, %get3A_1399] {strides = array<i32>} : memref<2048x32xf32, #tpu.memory_space<vmem>>, vector<1x16xf32>,
        %get3A_1401 = vector.shape_cast %get3A_1400 : vector<1x16xf32> to vector<16xf32>
        %mul3A_1402 = vector.broadcast %squeeze3A_1395 : f32 to vector<16xf32>
        %mul3A_1403 = arith.mulf %mul3A_1402, %get3A_1401 : vector<16xf32>
        %add3A_1404 = arith.addf %broadcast_in_dim3A_1391, %mul3A_1403 : vector<16xf32>
        %add3A_1405 = arith.constant 0 : i32
        %add3A_1406 = arith.addi %add3A_1405, %add3A_1389 : i32
        %get3A_1407 = arith.index_cast %add3A_1406 : i32 to index
        %get3A_1408 = arith.constant 12 : index
        %get3A_1409 = tpu.vector_load %arg13[%get3A_1407, %get3A_1408] {strides = array<i32>} : memref<2048x32xf32, #tpu.memory_space<vmem>>, vector<1x16xf32>,
        %get3A_1410 = vector.shape_cast %get3A_1409 : vector<1x16xf32> to vector<16xf32>
        %mul3A_1411 = vector.broadcast %squeeze3A_1395 : f32 to vector<16xf32>
        %mul3A_1412 = arith.mulf %mul3A_1411, %get3A_1410 : vector<16xf32>
        %add3A_1413 = arith.addf %broadcast_in_dim3A_1393, %mul3A_1412 : vector<16xf32>
        %slice3A_1414 = vector.extract_strided_slice %get3A_481 {offsets = [5], sizes = [1], strides = [1]} : vector<16xf32> to vector<1xf32>
        %squeeze3A_1415 = vector.extract %slice3A_1414[0] : f32 from vector<1xf32>
        %add3A_1416 = arith.constant 256 : i32
        %add3A_1417 = arith.addi %add3A_1416, %add3A_1389 : i32
        %get3A_1418 = arith.index_cast %add3A_1417 : i32 to index
        %get3A_1419 = arith.constant 0 : index
        %get3A_1420 = tpu.vector_load %arg13[%get3A_1418, %get3A_1419] {strides = array<i32>} : memref<2048x32xf32, #tpu.memory_space<vmem>>, vector<1x16xf32>,
        %get3A_1421 = vector.shape_cast %get3A_1420 : vector<1x16xf32> to vector<16xf32>
        %mul3A_1422 = vector.broadcast %squeeze3A_1415 : f32 to vector<16xf32>
        %mul3A_1423 = arith.mulf %mul3A_1422, %get3A_1421 : vector<16xf32>
        %add3A_1424 = arith.addf %add3A_1404, %mul3A_1423 : vector<16xf32>
        %add3A_1425 = arith.constant 256 : i32
        %add3A_1426 = arith.addi %add3A_1425, %add3A_1389 : i32
        %get3A_1427 = arith.index_cast %add3A_1426 : i32 to index
        %get3A_1428 = arith.constant 12 : index
        %get3A_1429 = tpu.vector_load %arg13[%get3A_1427, %get3A_1428] {strides = array<i32>} : memref<2048x32xf32, #tpu.memory_space<vmem>>, vector<1x16xf32>,
        %get3A_1430 = vector.shape_cast %get3A_1429 : vector<1x16xf32> to vector<16xf32>
        %mul3A_1431 = vector.broadcast %squeeze3A_1415 : f32 to vector<16xf32>
        %mul3A_1432 = arith.mulf %mul3A_1431, %get3A_1430 : vector<16xf32>
        %add3A_1433 = arith.addf %add3A_1413, %mul3A_1432 : vector<16xf32>
        %slice3A_1434 = vector.extract_strided_slice %get3A_486 {offsets = [5], sizes = [1], strides = [1]} : vector<16xf32> to vector<1xf32>
        %squeeze3A_1435 = vector.extract %slice3A_1434[0] : f32 from vector<1xf32>
        %add3A_1436 = arith.constant 512 : i32
        %add3A_1437 = arith.addi %add3A_1436, %add3A_1389 : i32
        %get3A_1438 = arith.index_cast %add3A_1437 : i32 to index
        %get3A_1439 = arith.constant 0 : index
        %get3A_1440 = tpu.vector_load %arg13[%get3A_1438, %get3A_1439] {strides = array<i32>} : memref<2048x32xf32, #tpu.memory_space<vmem>>, vector<1x16xf32>,
        %get3A_1441 = vector.shape_cast %get3A_1440 : vector<1x16xf32> to vector<16xf32>
        %mul3A_1442 = vector.broadcast %squeeze3A_1435 : f32 to vector<16xf32>
        %mul3A_1443 = arith.mulf %mul3A_1442, %get3A_1441 : vector<16xf32>
        %add3A_1444 = arith.addf %add3A_1424, %mul3A_1443 : vector<16xf32>
        %add3A_1445 = arith.constant 512 : i32
        %add3A_1446 = arith.addi %add3A_1445, %add3A_1389 : i32
        %get3A_1447 = arith.index_cast %add3A_1446 : i32 to index
        %get3A_1448 = arith.constant 12 : index
        %get3A_1449 = tpu.vector_load %arg13[%get3A_1447, %get3A_1448] {strides = array<i32>} : memref<2048x32xf32, #tpu.memory_space<vmem>>, vector<1x16xf32>,
        %get3A_1450 = vector.shape_cast %get3A_1449 : vector<1x16xf32> to vector<16xf32>
        %mul3A_1451 = vector.broadcast %squeeze3A_1435 : f32 to vector<16xf32>
        %mul3A_1452 = arith.mulf %mul3A_1451, %get3A_1450 : vector<16xf32>
        %add3A_1453 = arith.addf %add3A_1433, %mul3A_1452 : vector<16xf32>
        %slice3A_1454 = vector.extract_strided_slice %get3A_491 {offsets = [5], sizes = [1], strides = [1]} : vector<16xf32> to vector<1xf32>
        %squeeze3A_1455 = vector.extract %slice3A_1454[0] : f32 from vector<1xf32>
        %add3A_1456 = arith.constant 768 : i32
        %add3A_1457 = arith.addi %add3A_1456, %add3A_1389 : i32
        %get3A_1458 = arith.index_cast %add3A_1457 : i32 to index
        %get3A_1459 = arith.constant 0 : index
        %get3A_1460 = tpu.vector_load %arg13[%get3A_1458, %get3A_1459] {strides = array<i32>} : memref<2048x32xf32, #tpu.memory_space<vmem>>, vector<1x16xf32>,
        %get3A_1461 = vector.shape_cast %get3A_1460 : vector<1x16xf32> to vector<16xf32>
        %mul3A_1462 = vector.broadcast %squeeze3A_1455 : f32 to vector<16xf32>
        %mul3A_1463 = arith.mulf %mul3A_1462, %get3A_1461 : vector<16xf32>
        %add3A_1464 = arith.addf %add3A_1444, %mul3A_1463 : vector<16xf32>
        %add3A_1465 = arith.constant 768 : i32
        %add3A_1466 = arith.addi %add3A_1465, %add3A_1389 : i32
        %get3A_1467 = arith.index_cast %add3A_1466 : i32 to index
        %get3A_1468 = arith.constant 12 : index
        %get3A_1469 = tpu.vector_load %arg13[%get3A_1467, %get3A_1468] {strides = array<i32>} : memref<2048x32xf32, #tpu.memory_space<vmem>>, vector<1x16xf32>,
        %get3A_1470 = vector.shape_cast %get3A_1469 : vector<1x16xf32> to vector<16xf32>
        %mul3A_1471 = vector.broadcast %squeeze3A_1455 : f32 to vector<16xf32>
        %mul3A_1472 = arith.mulf %mul3A_1471, %get3A_1470 : vector<16xf32>
        %add3A_1473 = arith.addf %add3A_1453, %mul3A_1472 : vector<16xf32>
        %slice3A_1474 = vector.extract_strided_slice %get3A_496 {offsets = [5], sizes = [1], strides = [1]} : vector<16xf32> to vector<1xf32>
        %squeeze3A_1475 = vector.extract %slice3A_1474[0] : f32 from vector<1xf32>
        %add3A_1476 = arith.constant 1024 : i32
        %add3A_1477 = arith.addi %add3A_1476, %add3A_1389 : i32
        %get3A_1478 = arith.index_cast %add3A_1477 : i32 to index
        %get3A_1479 = arith.constant 0 : index
        %get3A_1480 = tpu.vector_load %arg13[%get3A_1478, %get3A_1479] {strides = array<i32>} : memref<2048x32xf32, #tpu.memory_space<vmem>>, vector<1x16xf32>,
        %get3A_1481 = vector.shape_cast %get3A_1480 : vector<1x16xf32> to vector<16xf32>
        %mul3A_1482 = vector.broadcast %squeeze3A_1475 : f32 to vector<16xf32>
        %mul3A_1483 = arith.mulf %mul3A_1482, %get3A_1481 : vector<16xf32>
        %add3A_1484 = arith.addf %add3A_1464, %mul3A_1483 : vector<16xf32>
        %add3A_1485 = arith.constant 1024 : i32
        %add3A_1486 = arith.addi %add3A_1485, %add3A_1389 : i32
        %get3A_1487 = arith.index_cast %add3A_1486 : i32 to index
        %get3A_1488 = arith.constant 12 : index
        %get3A_1489 = tpu.vector_load %arg13[%get3A_1487, %get3A_1488] {strides = array<i32>} : memref<2048x32xf32, #tpu.memory_space<vmem>>, vector<1x16xf32>,
        %get3A_1490 = vector.shape_cast %get3A_1489 : vector<1x16xf32> to vector<16xf32>
        %mul3A_1491 = vector.broadcast %squeeze3A_1475 : f32 to vector<16xf32>
        %mul3A_1492 = arith.mulf %mul3A_1491, %get3A_1490 : vector<16xf32>
        %add3A_1493 = arith.addf %add3A_1473, %mul3A_1492 : vector<16xf32>
        %slice3A_1494 = vector.extract_strided_slice %get3A_501 {offsets = [5], sizes = [1], strides = [1]} : vector<16xf32> to vector<1xf32>
        %squeeze3A_1495 = vector.extract %slice3A_1494[0] : f32 from vector<1xf32>
        %add3A_1496 = arith.constant 1280 : i32
        %add3A_1497 = arith.addi %add3A_1496, %add3A_1389 : i32
        %get3A_1498 = arith.index_cast %add3A_1497 : i32 to index
        %get3A_1499 = arith.constant 0 : index
        %get3A_1500 = tpu.vector_load %arg13[%get3A_1498, %get3A_1499] {strides = array<i32>} : memref<2048x32xf32, #tpu.memory_space<vmem>>, vector<1x16xf32>,
        %get3A_1501 = vector.shape_cast %get3A_1500 : vector<1x16xf32> to vector<16xf32>
        %mul3A_1502 = vector.broadcast %squeeze3A_1495 : f32 to vector<16xf32>
        %mul3A_1503 = arith.mulf %mul3A_1502, %get3A_1501 : vector<16xf32>
        %add3A_1504 = arith.addf %add3A_1484, %mul3A_1503 : vector<16xf32>
        %add3A_1505 = arith.constant 1280 : i32
        %add3A_1506 = arith.addi %add3A_1505, %add3A_1389 : i32
        %get3A_1507 = arith.index_cast %add3A_1506 : i32 to index
        %get3A_1508 = arith.constant 12 : index
        %get3A_1509 = tpu.vector_load %arg13[%get3A_1507, %get3A_1508] {strides = array<i32>} : memref<2048x32xf32, #tpu.memory_space<vmem>>, vector<1x16xf32>,
        %get3A_1510 = vector.shape_cast %get3A_1509 : vector<1x16xf32> to vector<16xf32>
        %mul3A_1511 = vector.broadcast %squeeze3A_1495 : f32 to vector<16xf32>
        %mul3A_1512 = arith.mulf %mul3A_1511, %get3A_1510 : vector<16xf32>
        %add3A_1513 = arith.addf %add3A_1493, %mul3A_1512 : vector<16xf32>
        %slice3A_1514 = vector.extract_strided_slice %get3A_506 {offsets = [5], sizes = [1], strides = [1]} : vector<16xf32> to vector<1xf32>
        %squeeze3A_1515 = vector.extract %slice3A_1514[0] : f32 from vector<1xf32>
        %add3A_1516 = arith.constant 1536 : i32
        %add3A_1517 = arith.addi %add3A_1516, %add3A_1389 : i32
        %get3A_1518 = arith.index_cast %add3A_1517 : i32 to index
        %get3A_1519 = arith.constant 0 : index
        %get3A_1520 = tpu.vector_load %arg13[%get3A_1518, %get3A_1519] {strides = array<i32>} : memref<2048x32xf32, #tpu.memory_space<vmem>>, vector<1x16xf32>,
        %get3A_1521 = vector.shape_cast %get3A_1520 : vector<1x16xf32> to vector<16xf32>
        %mul3A_1522 = vector.broadcast %squeeze3A_1515 : f32 to vector<16xf32>
        %mul3A_1523 = arith.mulf %mul3A_1522, %get3A_1521 : vector<16xf32>
        %add3A_1524 = arith.addf %add3A_1504, %mul3A_1523 : vector<16xf32>
        %add3A_1525 = arith.constant 1536 : i32
        %add3A_1526 = arith.addi %add3A_1525, %add3A_1389 : i32
        %get3A_1527 = arith.index_cast %add3A_1526 : i32 to index
        %get3A_1528 = arith.constant 12 : index
        %get3A_1529 = tpu.vector_load %arg13[%get3A_1527, %get3A_1528] {strides = array<i32>} : memref<2048x32xf32, #tpu.memory_space<vmem>>, vector<1x16xf32>,
        %get3A_1530 = vector.shape_cast %get3A_1529 : vector<1x16xf32> to vector<16xf32>
        %mul3A_1531 = vector.broadcast %squeeze3A_1515 : f32 to vector<16xf32>
        %mul3A_1532 = arith.mulf %mul3A_1531, %get3A_1530 : vector<16xf32>
        %add3A_1533 = arith.addf %add3A_1513, %mul3A_1532 : vector<16xf32>
        %slice3A_1534 = vector.extract_strided_slice %get3A_511 {offsets = [5], sizes = [1], strides = [1]} : vector<16xf32> to vector<1xf32>
        %squeeze3A_1535 = vector.extract %slice3A_1534[0] : f32 from vector<1xf32>
        %add3A_1536 = arith.constant 1792 : i32
        %add3A_1537 = arith.addi %add3A_1536, %add3A_1389 : i32
        %get3A_1538 = arith.index_cast %add3A_1537 : i32 to index
        %get3A_1539 = arith.constant 0 : index
        %get3A_1540 = tpu.vector_load %arg13[%get3A_1538, %get3A_1539] {strides = array<i32>} : memref<2048x32xf32, #tpu.memory_space<vmem>>, vector<1x16xf32>,
        %get3A_1541 = vector.shape_cast %get3A_1540 : vector<1x16xf32> to vector<16xf32>
        %mul3A_1542 = vector.broadcast %squeeze3A_1535 : f32 to vector<16xf32>
        %mul3A_1543 = arith.mulf %mul3A_1542, %get3A_1541 : vector<16xf32>
        %add3A_1544 = arith.addf %add3A_1524, %mul3A_1543 : vector<16xf32>
        %add3A_1545 = arith.constant 1792 : i32
        %add3A_1546 = arith.addi %add3A_1545, %add3A_1389 : i32
        %get3A_1547 = arith.index_cast %add3A_1546 : i32 to index
        %get3A_1548 = arith.constant 12 : index
        %get3A_1549 = tpu.vector_load %arg13[%get3A_1547, %get3A_1548] {strides = array<i32>} : memref<2048x32xf32, #tpu.memory_space<vmem>>, vector<1x16xf32>,
        %get3A_1550 = vector.shape_cast %get3A_1549 : vector<1x16xf32> to vector<16xf32>
        %mul3A_1551 = vector.broadcast %squeeze3A_1535 : f32 to vector<16xf32>
        %mul3A_1552 = arith.mulf %mul3A_1551, %get3A_1550 : vector<16xf32>
        %add3A_1553 = arith.addf %add3A_1533, %mul3A_1552 : vector<16xf32>
        %swap3A_1554 = arith.index_cast %add3A_1389 : i32 to index
        %swap3A_1555 = arith.constant 0 : index
        %swap3A_1556 = tpu.vector_load %arg15[%swap3A_1554, %swap3A_1555] {strides = array<i32>} : memref<256x28xf32, #tpu.memory_space<vmem>>, vector<1x16xf32>,
        %swap3A_1557 = vector.shape_cast %swap3A_1556 : vector<1x16xf32> to vector<16xf32>
        %swap3A_1558 = vector.shape_cast %add3A_1544 : vector<16xf32> to vector<1x16xf32>
        tpu.vector_store %arg15[%swap3A_1554, %swap3A_1555], %swap3A_1558 {strides = array<i32>} : memref<256x28xf32, #tpu.memory_space<vmem>>, vector<1x16xf32>,
        %swap3A_1559 = arith.index_cast %add3A_1389 : i32 to index
        %swap3A_1560 = arith.constant 12 : index
        %swap3A_1561 = tpu.vector_load %arg15[%swap3A_1559, %swap3A_1560] {strides = array<i32>} : memref<256x28xf32, #tpu.memory_space<vmem>>, vector<1x16xf32>,
        %swap3A_1562 = vector.shape_cast %swap3A_1561 : vector<1x16xf32> to vector<16xf32>
        %swap3A_1563 = vector.shape_cast %add3A_1553 : vector<16xf32> to vector<1x16xf32>
        tpu.vector_store %arg15[%swap3A_1559, %swap3A_1560], %swap3A_1563 {strides = array<i32>} : memref<256x28xf32, #tpu.memory_space<vmem>>, vector<1x16xf32>,
        %add3A_1564 = arith.constant 6 : i32
        %add3A_1565 = arith.addi %mul3A_472, %add3A_1564 : i32
        %broadcast_in_dim3A_1566 = arith.constant 0.000000e+00 : f32
        %broadcast_in_dim3A_1567 = vector.broadcast %broadcast_in_dim3A_1566 : f32 to vector<16xf32>
        %broadcast_in_dim3A_1568 = arith.constant 0.000000e+00 : f32
        %broadcast_in_dim3A_1569 = vector.broadcast %broadcast_in_dim3A_1568 : f32 to vector<16xf32>
        %slice3A_1570 = vector.extract_strided_slice %get3A_476 {offsets = [6], sizes = [1], strides = [1]} : vector<16xf32> to vector<1xf32>
        %squeeze3A_1571 = vector.extract %slice3A_1570[0] : f32 from vector<1xf32>
        %add3A_1572 = arith.constant 0 : i32
        %add3A_1573 = arith.addi %add3A_1572, %add3A_1565 : i32
        %get3A_1574 = arith.index_cast %add3A_1573 : i32 to index
        %get3A_1575 = arith.constant 0 : index
        %get3A_1576 = tpu.vector_load %arg13[%get3A_1574, %get3A_1575] {strides = array<i32>} : memref<2048x32xf32, #tpu.memory_space<vmem>>, vector<1x16xf32>,
        %get3A_1577 = vector.shape_cast %get3A_1576 : vector<1x16xf32> to vector<16xf32>
        %mul3A_1578 = vector.broadcast %squeeze3A_1571 : f32 to vector<16xf32>
        %mul3A_1579 = arith.mulf %mul3A_1578, %get3A_1577 : vector<16xf32>
        %add3A_1580 = arith.addf %broadcast_in_dim3A_1567, %mul3A_1579 : vector<16xf32>
        %add3A_1581 = arith.constant 0 : i32
        %add3A_1582 = arith.addi %add3A_1581, %add3A_1565 : i32
        %get3A_1583 = arith.index_cast %add3A_1582 : i32 to index
        %get3A_1584 = arith.constant 12 : index
        %get3A_1585 = tpu.vector_load %arg13[%get3A_1583, %get3A_1584] {strides = array<i32>} : memref<2048x32xf32, #tpu.memory_space<vmem>>, vector<1x16xf32>,
        %get3A_1586 = vector.shape_cast %get3A_1585 : vector<1x16xf32> to vector<16xf32>
        %mul3A_1587 = vector.broadcast %squeeze3A_1571 : f32 to vector<16xf32>
        %mul3A_1588 = arith.mulf %mul3A_1587, %get3A_1586 : vector<16xf32>
        %add3A_1589 = arith.addf %broadcast_in_dim3A_1569, %mul3A_1588 : vector<16xf32>
        %slice3A_1590 = vector.extract_strided_slice %get3A_481 {offsets = [6], sizes = [1], strides = [1]} : vector<16xf32> to vector<1xf32>
        %squeeze3A_1591 = vector.extract %slice3A_1590[0] : f32 from vector<1xf32>
        %add3A_1592 = arith.constant 256 : i32
        %add3A_1593 = arith.addi %add3A_1592, %add3A_1565 : i32
        %get3A_1594 = arith.index_cast %add3A_1593 : i32 to index
        %get3A_1595 = arith.constant 0 : index
        %get3A_1596 = tpu.vector_load %arg13[%get3A_1594, %get3A_1595] {strides = array<i32>} : memref<2048x32xf32, #tpu.memory_space<vmem>>, vector<1x16xf32>,
        %get3A_1597 = vector.shape_cast %get3A_1596 : vector<1x16xf32> to vector<16xf32>
        %mul3A_1598 = vector.broadcast %squeeze3A_1591 : f32 to vector<16xf32>
        %mul3A_1599 = arith.mulf %mul3A_1598, %get3A_1597 : vector<16xf32>
        %add3A_1600 = arith.addf %add3A_1580, %mul3A_1599 : vector<16xf32>
        %add3A_1601 = arith.constant 256 : i32
        %add3A_1602 = arith.addi %add3A_1601, %add3A_1565 : i32
        %get3A_1603 = arith.index_cast %add3A_1602 : i32 to index
        %get3A_1604 = arith.constant 12 : index
        %get3A_1605 = tpu.vector_load %arg13[%get3A_1603, %get3A_1604] {strides = array<i32>} : memref<2048x32xf32, #tpu.memory_space<vmem>>, vector<1x16xf32>,
        %get3A_1606 = vector.shape_cast %get3A_1605 : vector<1x16xf32> to vector<16xf32>
        %mul3A_1607 = vector.broadcast %squeeze3A_1591 : f32 to vector<16xf32>
        %mul3A_1608 = arith.mulf %mul3A_1607, %get3A_1606 : vector<16xf32>
        %add3A_1609 = arith.addf %add3A_1589, %mul3A_1608 : vector<16xf32>
        %slice3A_1610 = vector.extract_strided_slice %get3A_486 {offsets = [6], sizes = [1], strides = [1]} : vector<16xf32> to vector<1xf32>
        %squeeze3A_1611 = vector.extract %slice3A_1610[0] : f32 from vector<1xf32>
        %add3A_1612 = arith.constant 512 : i32
        %add3A_1613 = arith.addi %add3A_1612, %add3A_1565 : i32
        %get3A_1614 = arith.index_cast %add3A_1613 : i32 to index
        %get3A_1615 = arith.constant 0 : index
        %get3A_1616 = tpu.vector_load %arg13[%get3A_1614, %get3A_1615] {strides = array<i32>} : memref<2048x32xf32, #tpu.memory_space<vmem>>, vector<1x16xf32>,
        %get3A_1617 = vector.shape_cast %get3A_1616 : vector<1x16xf32> to vector<16xf32>
        %mul3A_1618 = vector.broadcast %squeeze3A_1611 : f32 to vector<16xf32>
        %mul3A_1619 = arith.mulf %mul3A_1618, %get3A_1617 : vector<16xf32>
        %add3A_1620 = arith.addf %add3A_1600, %mul3A_1619 : vector<16xf32>
        %add3A_1621 = arith.constant 512 : i32
        %add3A_1622 = arith.addi %add3A_1621, %add3A_1565 : i32
        %get3A_1623 = arith.index_cast %add3A_1622 : i32 to index
        %get3A_1624 = arith.constant 12 : index
        %get3A_1625 = tpu.vector_load %arg13[%get3A_1623, %get3A_1624] {strides = array<i32>} : memref<2048x32xf32, #tpu.memory_space<vmem>>, vector<1x16xf32>,
        %get3A_1626 = vector.shape_cast %get3A_1625 : vector<1x16xf32> to vector<16xf32>
        %mul3A_1627 = vector.broadcast %squeeze3A_1611 : f32 to vector<16xf32>
        %mul3A_1628 = arith.mulf %mul3A_1627, %get3A_1626 : vector<16xf32>
        %add3A_1629 = arith.addf %add3A_1609, %mul3A_1628 : vector<16xf32>
        %slice3A_1630 = vector.extract_strided_slice %get3A_491 {offsets = [6], sizes = [1], strides = [1]} : vector<16xf32> to vector<1xf32>
        %squeeze3A_1631 = vector.extract %slice3A_1630[0] : f32 from vector<1xf32>
        %add3A_1632 = arith.constant 768 : i32
        %add3A_1633 = arith.addi %add3A_1632, %add3A_1565 : i32
        %get3A_1634 = arith.index_cast %add3A_1633 : i32 to index
        %get3A_1635 = arith.constant 0 : index
        %get3A_1636 = tpu.vector_load %arg13[%get3A_1634, %get3A_1635] {strides = array<i32>} : memref<2048x32xf32, #tpu.memory_space<vmem>>, vector<1x16xf32>,
        %get3A_1637 = vector.shape_cast %get3A_1636 : vector<1x16xf32> to vector<16xf32>
        %mul3A_1638 = vector.broadcast %squeeze3A_1631 : f32 to vector<16xf32>
        %mul3A_1639 = arith.mulf %mul3A_1638, %get3A_1637 : vector<16xf32>
        %add3A_1640 = arith.addf %add3A_1620, %mul3A_1639 : vector<16xf32>
        %add3A_1641 = arith.constant 768 : i32
        %add3A_1642 = arith.addi %add3A_1641, %add3A_1565 : i32
        %get3A_1643 = arith.index_cast %add3A_1642 : i32 to index
        %get3A_1644 = arith.constant 12 : index
        %get3A_1645 = tpu.vector_load %arg13[%get3A_1643, %get3A_1644] {strides = array<i32>} : memref<2048x32xf32, #tpu.memory_space<vmem>>, vector<1x16xf32>,
        %get3A_1646 = vector.shape_cast %get3A_1645 : vector<1x16xf32> to vector<16xf32>
        %mul3A_1647 = vector.broadcast %squeeze3A_1631 : f32 to vector<16xf32>
        %mul3A_1648 = arith.mulf %mul3A_1647, %get3A_1646 : vector<16xf32>
        %add3A_1649 = arith.addf %add3A_1629, %mul3A_1648 : vector<16xf32>
        %slice3A_1650 = vector.extract_strided_slice %get3A_496 {offsets = [6], sizes = [1], strides = [1]} : vector<16xf32> to vector<1xf32>
        %squeeze3A_1651 = vector.extract %slice3A_1650[0] : f32 from vector<1xf32>
        %add3A_1652 = arith.constant 1024 : i32
        %add3A_1653 = arith.addi %add3A_1652, %add3A_1565 : i32
        %get3A_1654 = arith.index_cast %add3A_1653 : i32 to index
        %get3A_1655 = arith.constant 0 : index
        %get3A_1656 = tpu.vector_load %arg13[%get3A_1654, %get3A_1655] {strides = array<i32>} : memref<2048x32xf32, #tpu.memory_space<vmem>>, vector<1x16xf32>,
        %get3A_1657 = vector.shape_cast %get3A_1656 : vector<1x16xf32> to vector<16xf32>
        %mul3A_1658 = vector.broadcast %squeeze3A_1651 : f32 to vector<16xf32>
        %mul3A_1659 = arith.mulf %mul3A_1658, %get3A_1657 : vector<16xf32>
        %add3A_1660 = arith.addf %add3A_1640, %mul3A_1659 : vector<16xf32>
        %add3A_1661 = arith.constant 1024 : i32
        %add3A_1662 = arith.addi %add3A_1661, %add3A_1565 : i32
        %get3A_1663 = arith.index_cast %add3A_1662 : i32 to index
        %get3A_1664 = arith.constant 12 : index
        %get3A_1665 = tpu.vector_load %arg13[%get3A_1663, %get3A_1664] {strides = array<i32>} : memref<2048x32xf32, #tpu.memory_space<vmem>>, vector<1x16xf32>,
        %get3A_1666 = vector.shape_cast %get3A_1665 : vector<1x16xf32> to vector<16xf32>
        %mul3A_1667 = vector.broadcast %squeeze3A_1651 : f32 to vector<16xf32>
        %mul3A_1668 = arith.mulf %mul3A_1667, %get3A_1666 : vector<16xf32>
        %add3A_1669 = arith.addf %add3A_1649, %mul3A_1668 : vector<16xf32>
        %slice3A_1670 = vector.extract_strided_slice %get3A_501 {offsets = [6], sizes = [1], strides = [1]} : vector<16xf32> to vector<1xf32>
        %squeeze3A_1671 = vector.extract %slice3A_1670[0] : f32 from vector<1xf32>
        %add3A_1672 = arith.constant 1280 : i32
        %add3A_1673 = arith.addi %add3A_1672, %add3A_1565 : i32
        %get3A_1674 = arith.index_cast %add3A_1673 : i32 to index
        %get3A_1675 = arith.constant 0 : index
        %get3A_1676 = tpu.vector_load %arg13[%get3A_1674, %get3A_1675] {strides = array<i32>} : memref<2048x32xf32, #tpu.memory_space<vmem>>, vector<1x16xf32>,
        %get3A_1677 = vector.shape_cast %get3A_1676 : vector<1x16xf32> to vector<16xf32>
        %mul3A_1678 = vector.broadcast %squeeze3A_1671 : f32 to vector<16xf32>
        %mul3A_1679 = arith.mulf %mul3A_1678, %get3A_1677 : vector<16xf32>
        %add3A_1680 = arith.addf %add3A_1660, %mul3A_1679 : vector<16xf32>
        %add3A_1681 = arith.constant 1280 : i32
        %add3A_1682 = arith.addi %add3A_1681, %add3A_1565 : i32
        %get3A_1683 = arith.index_cast %add3A_1682 : i32 to index
        %get3A_1684 = arith.constant 12 : index
        %get3A_1685 = tpu.vector_load %arg13[%get3A_1683, %get3A_1684] {strides = array<i32>} : memref<2048x32xf32, #tpu.memory_space<vmem>>, vector<1x16xf32>,
        %get3A_1686 = vector.shape_cast %get3A_1685 : vector<1x16xf32> to vector<16xf32>
        %mul3A_1687 = vector.broadcast %squeeze3A_1671 : f32 to vector<16xf32>
        %mul3A_1688 = arith.mulf %mul3A_1687, %get3A_1686 : vector<16xf32>
        %add3A_1689 = arith.addf %add3A_1669, %mul3A_1688 : vector<16xf32>
        %slice3A_1690 = vector.extract_strided_slice %get3A_506 {offsets = [6], sizes = [1], strides = [1]} : vector<16xf32> to vector<1xf32>
        %squeeze3A_1691 = vector.extract %slice3A_1690[0] : f32 from vector<1xf32>
        %add3A_1692 = arith.constant 1536 : i32
        %add3A_1693 = arith.addi %add3A_1692, %add3A_1565 : i32
        %get3A_1694 = arith.index_cast %add3A_1693 : i32 to index
        %get3A_1695 = arith.constant 0 : index
        %get3A_1696 = tpu.vector_load %arg13[%get3A_1694, %get3A_1695] {strides = array<i32>} : memref<2048x32xf32, #tpu.memory_space<vmem>>, vector<1x16xf32>,
        %get3A_1697 = vector.shape_cast %get3A_1696 : vector<1x16xf32> to vector<16xf32>
        %mul3A_1698 = vector.broadcast %squeeze3A_1691 : f32 to vector<16xf32>
        %mul3A_1699 = arith.mulf %mul3A_1698, %get3A_1697 : vector<16xf32>
        %add3A_1700 = arith.addf %add3A_1680, %mul3A_1699 : vector<16xf32>
        %add3A_1701 = arith.constant 1536 : i32
        %add3A_1702 = arith.addi %add3A_1701, %add3A_1565 : i32
        %get3A_1703 = arith.index_cast %add3A_1702 : i32 to index
        %get3A_1704 = arith.constant 12 : index
        %get3A_1705 = tpu.vector_load %arg13[%get3A_1703, %get3A_1704] {strides = array<i32>} : memref<2048x32xf32, #tpu.memory_space<vmem>>, vector<1x16xf32>,
        %get3A_1706 = vector.shape_cast %get3A_1705 : vector<1x16xf32> to vector<16xf32>
        %mul3A_1707 = vector.broadcast %squeeze3A_1691 : f32 to vector<16xf32>
        %mul3A_1708 = arith.mulf %mul3A_1707, %get3A_1706 : vector<16xf32>
        %add3A_1709 = arith.addf %add3A_1689, %mul3A_1708 : vector<16xf32>
        %slice3A_1710 = vector.extract_strided_slice %get3A_511 {offsets = [6], sizes = [1], strides = [1]} : vector<16xf32> to vector<1xf32>
        %squeeze3A_1711 = vector.extract %slice3A_1710[0] : f32 from vector<1xf32>
        %add3A_1712 = arith.constant 1792 : i32
        %add3A_1713 = arith.addi %add3A_1712, %add3A_1565 : i32
        %get3A_1714 = arith.index_cast %add3A_1713 : i32 to index
        %get3A_1715 = arith.constant 0 : index
        %get3A_1716 = tpu.vector_load %arg13[%get3A_1714, %get3A_1715] {strides = array<i32>} : memref<2048x32xf32, #tpu.memory_space<vmem>>, vector<1x16xf32>,
        %get3A_1717 = vector.shape_cast %get3A_1716 : vector<1x16xf32> to vector<16xf32>
        %mul3A_1718 = vector.broadcast %squeeze3A_1711 : f32 to vector<16xf32>
        %mul3A_1719 = arith.mulf %mul3A_1718, %get3A_1717 : vector<16xf32>
        %add3A_1720 = arith.addf %add3A_1700, %mul3A_1719 : vector<16xf32>
        %add3A_1721 = arith.constant 1792 : i32
        %add3A_1722 = arith.addi %add3A_1721, %add3A_1565 : i32
        %get3A_1723 = arith.index_cast %add3A_1722 : i32 to index
        %get3A_1724 = arith.constant 12 : index
        %get3A_1725 = tpu.vector_load %arg13[%get3A_1723, %get3A_1724] {strides = array<i32>} : memref<2048x32xf32, #tpu.memory_space<vmem>>, vector<1x16xf32>,
        %get3A_1726 = vector.shape_cast %get3A_1725 : vector<1x16xf32> to vector<16xf32>
        %mul3A_1727 = vector.broadcast %squeeze3A_1711 : f32 to vector<16xf32>
        %mul3A_1728 = arith.mulf %mul3A_1727, %get3A_1726 : vector<16xf32>
        %add3A_1729 = arith.addf %add3A_1709, %mul3A_1728 : vector<16xf32>
        %swap3A_1730 = arith.index_cast %add3A_1565 : i32 to index
        %swap3A_1731 = arith.constant 0 : index
        %swap3A_1732 = tpu.vector_load %arg15[%swap3A_1730, %swap3A_1731] {strides = array<i32>} : memref<256x28xf32, #tpu.memory_space<vmem>>, vector<1x16xf32>,
        %swap3A_1733 = vector.shape_cast %swap3A_1732 : vector<1x16xf32> to vector<16xf32>
        %swap3A_1734 = vector.shape_cast %add3A_1720 : vector<16xf32> to vector<1x16xf32>
        tpu.vector_store %arg15[%swap3A_1730, %swap3A_1731], %swap3A_1734 {strides = array<i32>} : memref<256x28xf32, #tpu.memory_space<vmem>>, vector<1x16xf32>,
        %swap3A_1735 = arith.index_cast %add3A_1565 : i32 to index
        %swap3A_1736 = arith.constant 12 : index
        %swap3A_1737 = tpu.vector_load %arg15[%swap3A_1735, %swap3A_1736] {strides = array<i32>} : memref<256x28xf32, #tpu.memory_space<vmem>>, vector<1x16xf32>,
        %swap3A_1738 = vector.shape_cast %swap3A_1737 : vector<1x16xf32> to vector<16xf32>
        %swap3A_1739 = vector.shape_cast %add3A_1729 : vector<16xf32> to vector<1x16xf32>
        tpu.vector_store %arg15[%swap3A_1735, %swap3A_1736], %swap3A_1739 {strides = array<i32>} : memref<256x28xf32, #tpu.memory_space<vmem>>, vector<1x16xf32>,
        %add3A_1740 = arith.constant 7 : i32
        %add3A_1741 = arith.addi %mul3A_472, %add3A_1740 : i32
        %broadcast_in_dim3A_1742 = arith.constant 0.000000e+00 : f32
        %broadcast_in_dim3A_1743 = vector.broadcast %broadcast_in_dim3A_1742 : f32 to vector<16xf32>
        %broadcast_in_dim3A_1744 = arith.constant 0.000000e+00 : f32
        %broadcast_in_dim3A_1745 = vector.broadcast %broadcast_in_dim3A_1744 : f32 to vector<16xf32>
        %slice3A_1746 = vector.extract_strided_slice %get3A_476 {offsets = [7], sizes = [1], strides = [1]} : vector<16xf32> to vector<1xf32>
        %squeeze3A_1747 = vector.extract %slice3A_1746[0] : f32 from vector<1xf32>
        %add3A_1748 = arith.constant 0 : i32
        %add3A_1749 = arith.addi %add3A_1748, %add3A_1741 : i32
        %get3A_1750 = arith.index_cast %add3A_1749 : i32 to index
        %get3A_1751 = arith.constant 0 : index
        %get3A_1752 = tpu.vector_load %arg13[%get3A_1750, %get3A_1751] {strides = array<i32>} : memref<2048x32xf32, #tpu.memory_space<vmem>>, vector<1x16xf32>,
        %get3A_1753 = vector.shape_cast %get3A_1752 : vector<1x16xf32> to vector<16xf32>
        %mul3A_1754 = vector.broadcast %squeeze3A_1747 : f32 to vector<16xf32>
        %mul3A_1755 = arith.mulf %mul3A_1754, %get3A_1753 : vector<16xf32>
        %add3A_1756 = arith.addf %broadcast_in_dim3A_1743, %mul3A_1755 : vector<16xf32>
        %add3A_1757 = arith.constant 0 : i32
        %add3A_1758 = arith.addi %add3A_1757, %add3A_1741 : i32
        %get3A_1759 = arith.index_cast %add3A_1758 : i32 to index
        %get3A_1760 = arith.constant 12 : index
        %get3A_1761 = tpu.vector_load %arg13[%get3A_1759, %get3A_1760] {strides = array<i32>} : memref<2048x32xf32, #tpu.memory_space<vmem>>, vector<1x16xf32>,
        %get3A_1762 = vector.shape_cast %get3A_1761 : vector<1x16xf32> to vector<16xf32>
        %mul3A_1763 = vector.broadcast %squeeze3A_1747 : f32 to vector<16xf32>
        %mul3A_1764 = arith.mulf %mul3A_1763, %get3A_1762 : vector<16xf32>
        %add3A_1765 = arith.addf %broadcast_in_dim3A_1745, %mul3A_1764 : vector<16xf32>
        %slice3A_1766 = vector.extract_strided_slice %get3A_481 {offsets = [7], sizes = [1], strides = [1]} : vector<16xf32> to vector<1xf32>
        %squeeze3A_1767 = vector.extract %slice3A_1766[0] : f32 from vector<1xf32>
        %add3A_1768 = arith.constant 256 : i32
        %add3A_1769 = arith.addi %add3A_1768, %add3A_1741 : i32
        %get3A_1770 = arith.index_cast %add3A_1769 : i32 to index
        %get3A_1771 = arith.constant 0 : index
        %get3A_1772 = tpu.vector_load %arg13[%get3A_1770, %get3A_1771] {strides = array<i32>} : memref<2048x32xf32, #tpu.memory_space<vmem>>, vector<1x16xf32>,
        %get3A_1773 = vector.shape_cast %get3A_1772 : vector<1x16xf32> to vector<16xf32>
        %mul3A_1774 = vector.broadcast %squeeze3A_1767 : f32 to vector<16xf32>
        %mul3A_1775 = arith.mulf %mul3A_1774, %get3A_1773 : vector<16xf32>
        %add3A_1776 = arith.addf %add3A_1756, %mul3A_1775 : vector<16xf32>
        %add3A_1777 = arith.constant 256 : i32
        %add3A_1778 = arith.addi %add3A_1777, %add3A_1741 : i32
        %get3A_1779 = arith.index_cast %add3A_1778 : i32 to index
        %get3A_1780 = arith.constant 12 : index
        %get3A_1781 = tpu.vector_load %arg13[%get3A_1779, %get3A_1780] {strides = array<i32>} : memref<2048x32xf32, #tpu.memory_space<vmem>>, vector<1x16xf32>,
        %get3A_1782 = vector.shape_cast %get3A_1781 : vector<1x16xf32> to vector<16xf32>
        %mul3A_1783 = vector.broadcast %squeeze3A_1767 : f32 to vector<16xf32>
        %mul3A_1784 = arith.mulf %mul3A_1783, %get3A_1782 : vector<16xf32>
        %add3A_1785 = arith.addf %add3A_1765, %mul3A_1784 : vector<16xf32>
        %slice3A_1786 = vector.extract_strided_slice %get3A_486 {offsets = [7], sizes = [1], strides = [1]} : vector<16xf32> to vector<1xf32>
        %squeeze3A_1787 = vector.extract %slice3A_1786[0] : f32 from vector<1xf32>
        %add3A_1788 = arith.constant 512 : i32
        %add3A_1789 = arith.addi %add3A_1788, %add3A_1741 : i32
        %get3A_1790 = arith.index_cast %add3A_1789 : i32 to index
        %get3A_1791 = arith.constant 0 : index
        %get3A_1792 = tpu.vector_load %arg13[%get3A_1790, %get3A_1791] {strides = array<i32>} : memref<2048x32xf32, #tpu.memory_space<vmem>>, vector<1x16xf32>,
        %get3A_1793 = vector.shape_cast %get3A_1792 : vector<1x16xf32> to vector<16xf32>
        %mul3A_1794 = vector.broadcast %squeeze3A_1787 : f32 to vector<16xf32>
        %mul3A_1795 = arith.mulf %mul3A_1794, %get3A_1793 : vector<16xf32>
        %add3A_1796 = arith.addf %add3A_1776, %mul3A_1795 : vector<16xf32>
        %add3A_1797 = arith.constant 512 : i32
        %add3A_1798 = arith.addi %add3A_1797, %add3A_1741 : i32
        %get3A_1799 = arith.index_cast %add3A_1798 : i32 to index
        %get3A_1800 = arith.constant 12 : index
        %get3A_1801 = tpu.vector_load %arg13[%get3A_1799, %get3A_1800] {strides = array<i32>} : memref<2048x32xf32, #tpu.memory_space<vmem>>, vector<1x16xf32>,
        %get3A_1802 = vector.shape_cast %get3A_1801 : vector<1x16xf32> to vector<16xf32>
        %mul3A_1803 = vector.broadcast %squeeze3A_1787 : f32 to vector<16xf32>
        %mul3A_1804 = arith.mulf %mul3A_1803, %get3A_1802 : vector<16xf32>
        %add3A_1805 = arith.addf %add3A_1785, %mul3A_1804 : vector<16xf32>
        %slice3A_1806 = vector.extract_strided_slice %get3A_491 {offsets = [7], sizes = [1], strides = [1]} : vector<16xf32> to vector<1xf32>
        %squeeze3A_1807 = vector.extract %slice3A_1806[0] : f32 from vector<1xf32>
        %add3A_1808 = arith.constant 768 : i32
        %add3A_1809 = arith.addi %add3A_1808, %add3A_1741 : i32
        %get3A_1810 = arith.index_cast %add3A_1809 : i32 to index
        %get3A_1811 = arith.constant 0 : index
        %get3A_1812 = tpu.vector_load %arg13[%get3A_1810, %get3A_1811] {strides = array<i32>} : memref<2048x32xf32, #tpu.memory_space<vmem>>, vector<1x16xf32>,
        %get3A_1813 = vector.shape_cast %get3A_1812 : vector<1x16xf32> to vector<16xf32>
        %mul3A_1814 = vector.broadcast %squeeze3A_1807 : f32 to vector<16xf32>
        %mul3A_1815 = arith.mulf %mul3A_1814, %get3A_1813 : vector<16xf32>
        %add3A_1816 = arith.addf %add3A_1796, %mul3A_1815 : vector<16xf32>
        %add3A_1817 = arith.constant 768 : i32
        %add3A_1818 = arith.addi %add3A_1817, %add3A_1741 : i32
        %get3A_1819 = arith.index_cast %add3A_1818 : i32 to index
        %get3A_1820 = arith.constant 12 : index
        %get3A_1821 = tpu.vector_load %arg13[%get3A_1819, %get3A_1820] {strides = array<i32>} : memref<2048x32xf32, #tpu.memory_space<vmem>>, vector<1x16xf32>,
        %get3A_1822 = vector.shape_cast %get3A_1821 : vector<1x16xf32> to vector<16xf32>
        %mul3A_1823 = vector.broadcast %squeeze3A_1807 : f32 to vector<16xf32>
        %mul3A_1824 = arith.mulf %mul3A_1823, %get3A_1822 : vector<16xf32>
        %add3A_1825 = arith.addf %add3A_1805, %mul3A_1824 : vector<16xf32>
        %slice3A_1826 = vector.extract_strided_slice %get3A_496 {offsets = [7], sizes = [1], strides = [1]} : vector<16xf32> to vector<1xf32>
        %squeeze3A_1827 = vector.extract %slice3A_1826[0] : f32 from vector<1xf32>
        %add3A_1828 = arith.constant 1024 : i32
        %add3A_1829 = arith.addi %add3A_1828, %add3A_1741 : i32
        %get3A_1830 = arith.index_cast %add3A_1829 : i32 to index
        %get3A_1831 = arith.constant 0 : index
        %get3A_1832 = tpu.vector_load %arg13[%get3A_1830, %get3A_1831] {strides = array<i32>} : memref<2048x32xf32, #tpu.memory_space<vmem>>, vector<1x16xf32>,
        %get3A_1833 = vector.shape_cast %get3A_1832 : vector<1x16xf32> to vector<16xf32>
        %mul3A_1834 = vector.broadcast %squeeze3A_1827 : f32 to vector<16xf32>
        %mul3A_1835 = arith.mulf %mul3A_1834, %get3A_1833 : vector<16xf32>
        %add3A_1836 = arith.addf %add3A_1816, %mul3A_1835 : vector<16xf32>
        %add3A_1837 = arith.constant 1024 : i32
        %add3A_1838 = arith.addi %add3A_1837, %add3A_1741 : i32
        %get3A_1839 = arith.index_cast %add3A_1838 : i32 to index
        %get3A_1840 = arith.constant 12 : index
        %get3A_1841 = tpu.vector_load %arg13[%get3A_1839, %get3A_1840] {strides = array<i32>} : memref<2048x32xf32, #tpu.memory_space<vmem>>, vector<1x16xf32>,
        %get3A_1842 = vector.shape_cast %get3A_1841 : vector<1x16xf32> to vector<16xf32>
        %mul3A_1843 = vector.broadcast %squeeze3A_1827 : f32 to vector<16xf32>
        %mul3A_1844 = arith.mulf %mul3A_1843, %get3A_1842 : vector<16xf32>
        %add3A_1845 = arith.addf %add3A_1825, %mul3A_1844 : vector<16xf32>
        %slice3A_1846 = vector.extract_strided_slice %get3A_501 {offsets = [7], sizes = [1], strides = [1]} : vector<16xf32> to vector<1xf32>
        %squeeze3A_1847 = vector.extract %slice3A_1846[0] : f32 from vector<1xf32>
        %add3A_1848 = arith.constant 1280 : i32
        %add3A_1849 = arith.addi %add3A_1848, %add3A_1741 : i32
        %get3A_1850 = arith.index_cast %add3A_1849 : i32 to index
        %get3A_1851 = arith.constant 0 : index
        %get3A_1852 = tpu.vector_load %arg13[%get3A_1850, %get3A_1851] {strides = array<i32>} : memref<2048x32xf32, #tpu.memory_space<vmem>>, vector<1x16xf32>,
        %get3A_1853 = vector.shape_cast %get3A_1852 : vector<1x16xf32> to vector<16xf32>
        %mul3A_1854 = vector.broadcast %squeeze3A_1847 : f32 to vector<16xf32>
        %mul3A_1855 = arith.mulf %mul3A_1854, %get3A_1853 : vector<16xf32>
        %add3A_1856 = arith.addf %add3A_1836, %mul3A_1855 : vector<16xf32>
        %add3A_1857 = arith.constant 1280 : i32
        %add3A_1858 = arith.addi %add3A_1857, %add3A_1741 : i32
        %get3A_1859 = arith.index_cast %add3A_1858 : i32 to index
        %get3A_1860 = arith.constant 12 : index
        %get3A_1861 = tpu.vector_load %arg13[%get3A_1859, %get3A_1860] {strides = array<i32>} : memref<2048x32xf32, #tpu.memory_space<vmem>>, vector<1x16xf32>,
        %get3A_1862 = vector.shape_cast %get3A_1861 : vector<1x16xf32> to vector<16xf32>
        %mul3A_1863 = vector.broadcast %squeeze3A_1847 : f32 to vector<16xf32>
        %mul3A_1864 = arith.mulf %mul3A_1863, %get3A_1862 : vector<16xf32>
        %add3A_1865 = arith.addf %add3A_1845, %mul3A_1864 : vector<16xf32>
        %slice3A_1866 = vector.extract_strided_slice %get3A_506 {offsets = [7], sizes = [1], strides = [1]} : vector<16xf32> to vector<1xf32>
        %squeeze3A_1867 = vector.extract %slice3A_1866[0] : f32 from vector<1xf32>
        %add3A_1868 = arith.constant 1536 : i32
        %add3A_1869 = arith.addi %add3A_1868, %add3A_1741 : i32
        %get3A_1870 = arith.index_cast %add3A_1869 : i32 to index
        %get3A_1871 = arith.constant 0 : index
        %get3A_1872 = tpu.vector_load %arg13[%get3A_1870, %get3A_1871] {strides = array<i32>} : memref<2048x32xf32, #tpu.memory_space<vmem>>, vector<1x16xf32>,
        %get3A_1873 = vector.shape_cast %get3A_1872 : vector<1x16xf32> to vector<16xf32>
        %mul3A_1874 = vector.broadcast %squeeze3A_1867 : f32 to vector<16xf32>
        %mul3A_1875 = arith.mulf %mul3A_1874, %get3A_1873 : vector<16xf32>
        %add3A_1876 = arith.addf %add3A_1856, %mul3A_1875 : vector<16xf32>
        %add3A_1877 = arith.constant 1536 : i32
        %add3A_1878 = arith.addi %add3A_1877, %add3A_1741 : i32
        %get3A_1879 = arith.index_cast %add3A_1878 : i32 to index
        %get3A_1880 = arith.constant 12 : index
        %get3A_1881 = tpu.vector_load %arg13[%get3A_1879, %get3A_1880] {strides = array<i32>} : memref<2048x32xf32, #tpu.memory_space<vmem>>, vector<1x16xf32>,
        %get3A_1882 = vector.shape_cast %get3A_1881 : vector<1x16xf32> to vector<16xf32>
        %mul3A_1883 = vector.broadcast %squeeze3A_1867 : f32 to vector<16xf32>
        %mul3A_1884 = arith.mulf %mul3A_1883, %get3A_1882 : vector<16xf32>
        %add3A_1885 = arith.addf %add3A_1865, %mul3A_1884 : vector<16xf32>
        %slice3A_1886 = vector.extract_strided_slice %get3A_511 {offsets = [7], sizes = [1], strides = [1]} : vector<16xf32> to vector<1xf32>
        %squeeze3A_1887 = vector.extract %slice3A_1886[0] : f32 from vector<1xf32>
        %add3A_1888 = arith.constant 1792 : i32
        %add3A_1889 = arith.addi %add3A_1888, %add3A_1741 : i32
        %get3A_1890 = arith.index_cast %add3A_1889 : i32 to index
        %get3A_1891 = arith.constant 0 : index
        %get3A_1892 = tpu.vector_load %arg13[%get3A_1890, %get3A_1891] {strides = array<i32>} : memref<2048x32xf32, #tpu.memory_space<vmem>>, vector<1x16xf32>,
        %get3A_1893 = vector.shape_cast %get3A_1892 : vector<1x16xf32> to vector<16xf32>
        %mul3A_1894 = vector.broadcast %squeeze3A_1887 : f32 to vector<16xf32>
        %mul3A_1895 = arith.mulf %mul3A_1894, %get3A_1893 : vector<16xf32>
        %add3A_1896 = arith.addf %add3A_1876, %mul3A_1895 : vector<16xf32>
        %add3A_1897 = arith.constant 1792 : i32
        %add3A_1898 = arith.addi %add3A_1897, %add3A_1741 : i32
        %get3A_1899 = arith.index_cast %add3A_1898 : i32 to index
        %get3A_1900 = arith.constant 12 : index
        %get3A_1901 = tpu.vector_load %arg13[%get3A_1899, %get3A_1900] {strides = array<i32>} : memref<2048x32xf32, #tpu.memory_space<vmem>>, vector<1x16xf32>,
        %get3A_1902 = vector.shape_cast %get3A_1901 : vector<1x16xf32> to vector<16xf32>
        %mul3A_1903 = vector.broadcast %squeeze3A_1887 : f32 to vector<16xf32>
        %mul3A_1904 = arith.mulf %mul3A_1903, %get3A_1902 : vector<16xf32>
        %add3A_1905 = arith.addf %add3A_1885, %mul3A_1904 : vector<16xf32>
        %swap3A_1906 = arith.index_cast %add3A_1741 : i32 to index
        %swap3A_1907 = arith.constant 0 : index
        %swap3A_1908 = tpu.vector_load %arg15[%swap3A_1906, %swap3A_1907] {strides = array<i32>} : memref<256x28xf32, #tpu.memory_space<vmem>>, vector<1x16xf32>,
        %swap3A_1909 = vector.shape_cast %swap3A_1908 : vector<1x16xf32> to vector<16xf32>
        %swap3A_1910 = vector.shape_cast %add3A_1896 : vector<16xf32> to vector<1x16xf32>
        tpu.vector_store %arg15[%swap3A_1906, %swap3A_1907], %swap3A_1910 {strides = array<i32>} : memref<256x28xf32, #tpu.memory_space<vmem>>, vector<1x16xf32>,
        %swap3A_1911 = arith.index_cast %add3A_1741 : i32 to index
        %swap3A_1912 = arith.constant 12 : index
        %swap3A_1913 = tpu.vector_load %arg15[%swap3A_1911, %swap3A_1912] {strides = array<i32>} : memref<256x28xf32, #tpu.memory_space<vmem>>, vector<1x16xf32>,
        %swap3A_1914 = vector.shape_cast %swap3A_1913 : vector<1x16xf32> to vector<16xf32>
        %swap3A_1915 = vector.shape_cast %add3A_1905 : vector<16xf32> to vector<1x16xf32>
        tpu.vector_store %arg15[%swap3A_1911, %swap3A_1912], %swap3A_1915 {strides = array<i32>} : memref<256x28xf32, #tpu.memory_space<vmem>>, vector<1x16xf32>,
        %add3A_1916 = arith.constant 8 : i32
        %add3A_1917 = arith.addi %mul3A_472, %add3A_1916 : i32
        %broadcast_in_dim3A_1918 = arith.constant 0.000000e+00 : f32
        %broadcast_in_dim3A_1919 = vector.broadcast %broadcast_in_dim3A_1918 : f32 to vector<16xf32>
        %broadcast_in_dim3A_1920 = arith.constant 0.000000e+00 : f32
        %broadcast_in_dim3A_1921 = vector.broadcast %broadcast_in_dim3A_1920 : f32 to vector<16xf32>
        %slice3A_1922 = vector.extract_strided_slice %get3A_476 {offsets = [8], sizes = [1], strides = [1]} : vector<16xf32> to vector<1xf32>
        %squeeze3A_1923 = vector.extract %slice3A_1922[0] : f32 from vector<1xf32>
        %add3A_1924 = arith.constant 0 : i32
        %add3A_1925 = arith.addi %add3A_1924, %add3A_1917 : i32
        %get3A_1926 = arith.index_cast %add3A_1925 : i32 to index
        %get3A_1927 = arith.constant 0 : index
        %get3A_1928 = tpu.vector_load %arg13[%get3A_1926, %get3A_1927] {strides = array<i32>} : memref<2048x32xf32, #tpu.memory_space<vmem>>, vector<1x16xf32>,
        %get3A_1929 = vector.shape_cast %get3A_1928 : vector<1x16xf32> to vector<16xf32>
        %mul3A_1930 = vector.broadcast %squeeze3A_1923 : f32 to vector<16xf32>
        %mul3A_1931 = arith.mulf %mul3A_1930, %get3A_1929 : vector<16xf32>
        %add3A_1932 = arith.addf %broadcast_in_dim3A_1919, %mul3A_1931 : vector<16xf32>
        %add3A_1933 = arith.constant 0 : i32
        %add3A_1934 = arith.addi %add3A_1933, %add3A_1917 : i32
        %get3A_1935 = arith.index_cast %add3A_1934 : i32 to index
        %get3A_1936 = arith.constant 12 : index
        %get3A_1937 = tpu.vector_load %arg13[%get3A_1935, %get3A_1936] {strides = array<i32>} : memref<2048x32xf32, #tpu.memory_space<vmem>>, vector<1x16xf32>,
        %get3A_1938 = vector.shape_cast %get3A_1937 : vector<1x16xf32> to vector<16xf32>
        %mul3A_1939 = vector.broadcast %squeeze3A_1923 : f32 to vector<16xf32>
        %mul3A_1940 = arith.mulf %mul3A_1939, %get3A_1938 : vector<16xf32>
        %add3A_1941 = arith.addf %broadcast_in_dim3A_1921, %mul3A_1940 : vector<16xf32>
        %slice3A_1942 = vector.extract_strided_slice %get3A_481 {offsets = [8], sizes = [1], strides = [1]} : vector<16xf32> to vector<1xf32>
        %squeeze3A_1943 = vector.extract %slice3A_1942[0] : f32 from vector<1xf32>
        %add3A_1944 = arith.constant 256 : i32
        %add3A_1945 = arith.addi %add3A_1944, %add3A_1917 : i32
        %get3A_1946 = arith.index_cast %add3A_1945 : i32 to index
        %get3A_1947 = arith.constant 0 : index
        %get3A_1948 = tpu.vector_load %arg13[%get3A_1946, %get3A_1947] {strides = array<i32>} : memref<2048x32xf32, #tpu.memory_space<vmem>>, vector<1x16xf32>,
        %get3A_1949 = vector.shape_cast %get3A_1948 : vector<1x16xf32> to vector<16xf32>
        %mul3A_1950 = vector.broadcast %squeeze3A_1943 : f32 to vector<16xf32>
        %mul3A_1951 = arith.mulf %mul3A_1950, %get3A_1949 : vector<16xf32>
        %add3A_1952 = arith.addf %add3A_1932, %mul3A_1951 : vector<16xf32>
        %add3A_1953 = arith.constant 256 : i32
        %add3A_1954 = arith.addi %add3A_1953, %add3A_1917 : i32
        %get3A_1955 = arith.index_cast %add3A_1954 : i32 to index
        %get3A_1956 = arith.constant 12 : index
        %get3A_1957 = tpu.vector_load %arg13[%get3A_1955, %get3A_1956] {strides = array<i32>} : memref<2048x32xf32, #tpu.memory_space<vmem>>, vector<1x16xf32>,
        %get3A_1958 = vector.shape_cast %get3A_1957 : vector<1x16xf32> to vector<16xf32>
        %mul3A_1959 = vector.broadcast %squeeze3A_1943 : f32 to vector<16xf32>
        %mul3A_1960 = arith.mulf %mul3A_1959, %get3A_1958 : vector<16xf32>
        %add3A_1961 = arith.addf %add3A_1941, %mul3A_1960 : vector<16xf32>
        %slice3A_1962 = vector.extract_strided_slice %get3A_486 {offsets = [8], sizes = [1], strides = [1]} : vector<16xf32> to vector<1xf32>
        %squeeze3A_1963 = vector.extract %slice3A_1962[0] : f32 from vector<1xf32>
        %add3A_1964 = arith.constant 512 : i32
        %add3A_1965 = arith.addi %add3A_1964, %add3A_1917 : i32
        %get3A_1966 = arith.index_cast %add3A_1965 : i32 to index
        %get3A_1967 = arith.constant 0 : index
        %get3A_1968 = tpu.vector_load %arg13[%get3A_1966, %get3A_1967] {strides = array<i32>} : memref<2048x32xf32, #tpu.memory_space<vmem>>, vector<1x16xf32>,
        %get3A_1969 = vector.shape_cast %get3A_1968 : vector<1x16xf32> to vector<16xf32>
        %mul3A_1970 = vector.broadcast %squeeze3A_1963 : f32 to vector<16xf32>
        %mul3A_1971 = arith.mulf %mul3A_1970, %get3A_1969 : vector<16xf32>
        %add3A_1972 = arith.addf %add3A_1952, %mul3A_1971 : vector<16xf32>
        %add3A_1973 = arith.constant 512 : i32
        %add3A_1974 = arith.addi %add3A_1973, %add3A_1917 : i32
        %get3A_1975 = arith.index_cast %add3A_1974 : i32 to index
        %get3A_1976 = arith.constant 12 : index
        %get3A_1977 = tpu.vector_load %arg13[%get3A_1975, %get3A_1976] {strides = array<i32>} : memref<2048x32xf32, #tpu.memory_space<vmem>>, vector<1x16xf32>,
        %get3A_1978 = vector.shape_cast %get3A_1977 : vector<1x16xf32> to vector<16xf32>
        %mul3A_1979 = vector.broadcast %squeeze3A_1963 : f32 to vector<16xf32>
        %mul3A_1980 = arith.mulf %mul3A_1979, %get3A_1978 : vector<16xf32>
        %add3A_1981 = arith.addf %add3A_1961, %mul3A_1980 : vector<16xf32>
        %slice3A_1982 = vector.extract_strided_slice %get3A_491 {offsets = [8], sizes = [1], strides = [1]} : vector<16xf32> to vector<1xf32>
        %squeeze3A_1983 = vector.extract %slice3A_1982[0] : f32 from vector<1xf32>
        %add3A_1984 = arith.constant 768 : i32
        %add3A_1985 = arith.addi %add3A_1984, %add3A_1917 : i32
        %get3A_1986 = arith.index_cast %add3A_1985 : i32 to index
        %get3A_1987 = arith.constant 0 : index
        %get3A_1988 = tpu.vector_load %arg13[%get3A_1986, %get3A_1987] {strides = array<i32>} : memref<2048x32xf32, #tpu.memory_space<vmem>>, vector<1x16xf32>,
        %get3A_1989 = vector.shape_cast %get3A_1988 : vector<1x16xf32> to vector<16xf32>
        %mul3A_1990 = vector.broadcast %squeeze3A_1983 : f32 to vector<16xf32>
        %mul3A_1991 = arith.mulf %mul3A_1990, %get3A_1989 : vector<16xf32>
        %add3A_1992 = arith.addf %add3A_1972, %mul3A_1991 : vector<16xf32>
        %add3A_1993 = arith.constant 768 : i32
        %add3A_1994 = arith.addi %add3A_1993, %add3A_1917 : i32
        %get3A_1995 = arith.index_cast %add3A_1994 : i32 to index
        %get3A_1996 = arith.constant 12 : index
        %get3A_1997 = tpu.vector_load %arg13[%get3A_1995, %get3A_1996] {strides = array<i32>} : memref<2048x32xf32, #tpu.memory_space<vmem>>, vector<1x16xf32>,
        %get3A_1998 = vector.shape_cast %get3A_1997 : vector<1x16xf32> to vector<16xf32>
        %mul3A_1999 = vector.broadcast %squeeze3A_1983 : f32 to vector<16xf32>
        %mul3A_2000 = arith.mulf %mul3A_1999, %get3A_1998 : vector<16xf32>
        %add3A_2001 = arith.addf %add3A_1981, %mul3A_2000 : vector<16xf32>
        %slice3A_2002 = vector.extract_strided_slice %get3A_496 {offsets = [8], sizes = [1], strides = [1]} : vector<16xf32> to vector<1xf32>
        %squeeze3A_2003 = vector.extract %slice3A_2002[0] : f32 from vector<1xf32>
        %add3A_2004 = arith.constant 1024 : i32
        %add3A_2005 = arith.addi %add3A_2004, %add3A_1917 : i32
        %get3A_2006 = arith.index_cast %add3A_2005 : i32 to index
        %get3A_2007 = arith.constant 0 : index
        %get3A_2008 = tpu.vector_load %arg13[%get3A_2006, %get3A_2007] {strides = array<i32>} : memref<2048x32xf32, #tpu.memory_space<vmem>>, vector<1x16xf32>,
        %get3A_2009 = vector.shape_cast %get3A_2008 : vector<1x16xf32> to vector<16xf32>
        %mul3A_2010 = vector.broadcast %squeeze3A_2003 : f32 to vector<16xf32>
        %mul3A_2011 = arith.mulf %mul3A_2010, %get3A_2009 : vector<16xf32>
        %add3A_2012 = arith.addf %add3A_1992, %mul3A_2011 : vector<16xf32>
        %add3A_2013 = arith.constant 1024 : i32
        %add3A_2014 = arith.addi %add3A_2013, %add3A_1917 : i32
        %get3A_2015 = arith.index_cast %add3A_2014 : i32 to index
        %get3A_2016 = arith.constant 12 : index
        %get3A_2017 = tpu.vector_load %arg13[%get3A_2015, %get3A_2016] {strides = array<i32>} : memref<2048x32xf32, #tpu.memory_space<vmem>>, vector<1x16xf32>,
        %get3A_2018 = vector.shape_cast %get3A_2017 : vector<1x16xf32> to vector<16xf32>
        %mul3A_2019 = vector.broadcast %squeeze3A_2003 : f32 to vector<16xf32>
        %mul3A_2020 = arith.mulf %mul3A_2019, %get3A_2018 : vector<16xf32>
        %add3A_2021 = arith.addf %add3A_2001, %mul3A_2020 : vector<16xf32>
        %slice3A_2022 = vector.extract_strided_slice %get3A_501 {offsets = [8], sizes = [1], strides = [1]} : vector<16xf32> to vector<1xf32>
        %squeeze3A_2023 = vector.extract %slice3A_2022[0] : f32 from vector<1xf32>
        %add3A_2024 = arith.constant 1280 : i32
        %add3A_2025 = arith.addi %add3A_2024, %add3A_1917 : i32
        %get3A_2026 = arith.index_cast %add3A_2025 : i32 to index
        %get3A_2027 = arith.constant 0 : index
        %get3A_2028 = tpu.vector_load %arg13[%get3A_2026, %get3A_2027] {strides = array<i32>} : memref<2048x32xf32, #tpu.memory_space<vmem>>, vector<1x16xf32>,
        %get3A_2029 = vector.shape_cast %get3A_2028 : vector<1x16xf32> to vector<16xf32>
        %mul3A_2030 = vector.broadcast %squeeze3A_2023 : f32 to vector<16xf32>
        %mul3A_2031 = arith.mulf %mul3A_2030, %get3A_2029 : vector<16xf32>
        %add3A_2032 = arith.addf %add3A_2012, %mul3A_2031 : vector<16xf32>
        %add3A_2033 = arith.constant 1280 : i32
        %add3A_2034 = arith.addi %add3A_2033, %add3A_1917 : i32
        %get3A_2035 = arith.index_cast %add3A_2034 : i32 to index
        %get3A_2036 = arith.constant 12 : index
        %get3A_2037 = tpu.vector_load %arg13[%get3A_2035, %get3A_2036] {strides = array<i32>} : memref<2048x32xf32, #tpu.memory_space<vmem>>, vector<1x16xf32>,
        %get3A_2038 = vector.shape_cast %get3A_2037 : vector<1x16xf32> to vector<16xf32>
        %mul3A_2039 = vector.broadcast %squeeze3A_2023 : f32 to vector<16xf32>
        %mul3A_2040 = arith.mulf %mul3A_2039, %get3A_2038 : vector<16xf32>
        %add3A_2041 = arith.addf %add3A_2021, %mul3A_2040 : vector<16xf32>
        %slice3A_2042 = vector.extract_strided_slice %get3A_506 {offsets = [8], sizes = [1], strides = [1]} : vector<16xf32> to vector<1xf32>
        %squeeze3A_2043 = vector.extract %slice3A_2042[0] : f32 from vector<1xf32>
        %add3A_2044 = arith.constant 1536 : i32
        %add3A_2045 = arith.addi %add3A_2044, %add3A_1917 : i32
        %get3A_2046 = arith.index_cast %add3A_2045 : i32 to index
        %get3A_2047 = arith.constant 0 : index
        %get3A_2048 = tpu.vector_load %arg13[%get3A_2046, %get3A_2047] {strides = array<i32>} : memref<2048x32xf32, #tpu.memory_space<vmem>>, vector<1x16xf32>,
        %get3A_2049 = vector.shape_cast %get3A_2048 : vector<1x16xf32> to vector<16xf32>
        %mul3A_2050 = vector.broadcast %squeeze3A_2043 : f32 to vector<16xf32>
        %mul3A_2051 = arith.mulf %mul3A_2050, %get3A_2049 : vector<16xf32>
        %add3A_2052 = arith.addf %add3A_2032, %mul3A_2051 : vector<16xf32>
        %add3A_2053 = arith.constant 1536 : i32
        %add3A_2054 = arith.addi %add3A_2053, %add3A_1917 : i32
        %get3A_2055 = arith.index_cast %add3A_2054 : i32 to index
        %get3A_2056 = arith.constant 12 : index
        %get3A_2057 = tpu.vector_load %arg13[%get3A_2055, %get3A_2056] {strides = array<i32>} : memref<2048x32xf32, #tpu.memory_space<vmem>>, vector<1x16xf32>,
        %get3A_2058 = vector.shape_cast %get3A_2057 : vector<1x16xf32> to vector<16xf32>
        %mul3A_2059 = vector.broadcast %squeeze3A_2043 : f32 to vector<16xf32>
        %mul3A_2060 = arith.mulf %mul3A_2059, %get3A_2058 : vector<16xf32>
        %add3A_2061 = arith.addf %add3A_2041, %mul3A_2060 : vector<16xf32>
        %slice3A_2062 = vector.extract_strided_slice %get3A_511 {offsets = [8], sizes = [1], strides = [1]} : vector<16xf32> to vector<1xf32>
        %squeeze3A_2063 = vector.extract %slice3A_2062[0] : f32 from vector<1xf32>
        %add3A_2064 = arith.constant 1792 : i32
        %add3A_2065 = arith.addi %add3A_2064, %add3A_1917 : i32
        %get3A_2066 = arith.index_cast %add3A_2065 : i32 to index
        %get3A_2067 = arith.constant 0 : index
        %get3A_2068 = tpu.vector_load %arg13[%get3A_2066, %get3A_2067] {strides = array<i32>} : memref<2048x32xf32, #tpu.memory_space<vmem>>, vector<1x16xf32>,
        %get3A_2069 = vector.shape_cast %get3A_2068 : vector<1x16xf32> to vector<16xf32>
        %mul3A_2070 = vector.broadcast %squeeze3A_2063 : f32 to vector<16xf32>
        %mul3A_2071 = arith.mulf %mul3A_2070, %get3A_2069 : vector<16xf32>
        %add3A_2072 = arith.addf %add3A_2052, %mul3A_2071 : vector<16xf32>
        %add3A_2073 = arith.constant 1792 : i32
        %add3A_2074 = arith.addi %add3A_2073, %add3A_1917 : i32
        %get3A_2075 = arith.index_cast %add3A_2074 : i32 to index
        %get3A_2076 = arith.constant 12 : index
        %get3A_2077 = tpu.vector_load %arg13[%get3A_2075, %get3A_2076] {strides = array<i32>} : memref<2048x32xf32, #tpu.memory_space<vmem>>, vector<1x16xf32>,
        %get3A_2078 = vector.shape_cast %get3A_2077 : vector<1x16xf32> to vector<16xf32>
        %mul3A_2079 = vector.broadcast %squeeze3A_2063 : f32 to vector<16xf32>
        %mul3A_2080 = arith.mulf %mul3A_2079, %get3A_2078 : vector<16xf32>
        %add3A_2081 = arith.addf %add3A_2061, %mul3A_2080 : vector<16xf32>
        %swap3A_2082 = arith.index_cast %add3A_1917 : i32 to index
        %swap3A_2083 = arith.constant 0 : index
        %swap3A_2084 = tpu.vector_load %arg15[%swap3A_2082, %swap3A_2083] {strides = array<i32>} : memref<256x28xf32, #tpu.memory_space<vmem>>, vector<1x16xf32>,
        %swap3A_2085 = vector.shape_cast %swap3A_2084 : vector<1x16xf32> to vector<16xf32>
        %swap3A_2086 = vector.shape_cast %add3A_2072 : vector<16xf32> to vector<1x16xf32>
        tpu.vector_store %arg15[%swap3A_2082, %swap3A_2083], %swap3A_2086 {strides = array<i32>} : memref<256x28xf32, #tpu.memory_space<vmem>>, vector<1x16xf32>,
        %swap3A_2087 = arith.index_cast %add3A_1917 : i32 to index
        %swap3A_2088 = arith.constant 12 : index
        %swap3A_2089 = tpu.vector_load %arg15[%swap3A_2087, %swap3A_2088] {strides = array<i32>} : memref<256x28xf32, #tpu.memory_space<vmem>>, vector<1x16xf32>,
        %swap3A_2090 = vector.shape_cast %swap3A_2089 : vector<1x16xf32> to vector<16xf32>
        %swap3A_2091 = vector.shape_cast %add3A_2081 : vector<16xf32> to vector<1x16xf32>
        tpu.vector_store %arg15[%swap3A_2087, %swap3A_2088], %swap3A_2091 {strides = array<i32>} : memref<256x28xf32, #tpu.memory_space<vmem>>, vector<1x16xf32>,
        %add3A_2092 = arith.constant 9 : i32
        %add3A_2093 = arith.addi %mul3A_472, %add3A_2092 : i32
        %broadcast_in_dim3A_2094 = arith.constant 0.000000e+00 : f32
        %broadcast_in_dim3A_2095 = vector.broadcast %broadcast_in_dim3A_2094 : f32 to vector<16xf32>
        %broadcast_in_dim3A_2096 = arith.constant 0.000000e+00 : f32
        %broadcast_in_dim3A_2097 = vector.broadcast %broadcast_in_dim3A_2096 : f32 to vector<16xf32>
        %slice3A_2098 = vector.extract_strided_slice %get3A_476 {offsets = [9], sizes = [1], strides = [1]} : vector<16xf32> to vector<1xf32>
        %squeeze3A_2099 = vector.extract %slice3A_2098[0] : f32 from vector<1xf32>
        %add3A_2100 = arith.constant 0 : i32
        %add3A_2101 = arith.addi %add3A_2100, %add3A_2093 : i32
        %get3A_2102 = arith.index_cast %add3A_2101 : i32 to index
        %get3A_2103 = arith.constant 0 : index
        %get3A_2104 = tpu.vector_load %arg13[%get3A_2102, %get3A_2103] {strides = array<i32>} : memref<2048x32xf32, #tpu.memory_space<vmem>>, vector<1x16xf32>,
        %get3A_2105 = vector.shape_cast %get3A_2104 : vector<1x16xf32> to vector<16xf32>
        %mul3A_2106 = vector.broadcast %squeeze3A_2099 : f32 to vector<16xf32>
        %mul3A_2107 = arith.mulf %mul3A_2106, %get3A_2105 : vector<16xf32>
        %add3A_2108 = arith.addf %broadcast_in_dim3A_2095, %mul3A_2107 : vector<16xf32>
        %add3A_2109 = arith.constant 0 : i32
        %add3A_2110 = arith.addi %add3A_2109, %add3A_2093 : i32
        %get3A_2111 = arith.index_cast %add3A_2110 : i32 to index
        %get3A_2112 = arith.constant 12 : index
        %get3A_2113 = tpu.vector_load %arg13[%get3A_2111, %get3A_2112] {strides = array<i32>} : memref<2048x32xf32, #tpu.memory_space<vmem>>, vector<1x16xf32>,
        %get3A_2114 = vector.shape_cast %get3A_2113 : vector<1x16xf32> to vector<16xf32>
        %mul3A_2115 = vector.broadcast %squeeze3A_2099 : f32 to vector<16xf32>
        %mul3A_2116 = arith.mulf %mul3A_2115, %get3A_2114 : vector<16xf32>
        %add3A_2117 = arith.addf %broadcast_in_dim3A_2097, %mul3A_2116 : vector<16xf32>
        %slice3A_2118 = vector.extract_strided_slice %get3A_481 {offsets = [9], sizes = [1], strides = [1]} : vector<16xf32> to vector<1xf32>
        %squeeze3A_2119 = vector.extract %slice3A_2118[0] : f32 from vector<1xf32>
        %add3A_2120 = arith.constant 256 : i32
        %add3A_2121 = arith.addi %add3A_2120, %add3A_2093 : i32
        %get3A_2122 = arith.index_cast %add3A_2121 : i32 to index
        %get3A_2123 = arith.constant 0 : index
        %get3A_2124 = tpu.vector_load %arg13[%get3A_2122, %get3A_2123] {strides = array<i32>} : memref<2048x32xf32, #tpu.memory_space<vmem>>, vector<1x16xf32>,
        %get3A_2125 = vector.shape_cast %get3A_2124 : vector<1x16xf32> to vector<16xf32>
        %mul3A_2126 = vector.broadcast %squeeze3A_2119 : f32 to vector<16xf32>
        %mul3A_2127 = arith.mulf %mul3A_2126, %get3A_2125 : vector<16xf32>
        %add3A_2128 = arith.addf %add3A_2108, %mul3A_2127 : vector<16xf32>
        %add3A_2129 = arith.constant 256 : i32
        %add3A_2130 = arith.addi %add3A_2129, %add3A_2093 : i32
        %get3A_2131 = arith.index_cast %add3A_2130 : i32 to index
        %get3A_2132 = arith.constant 12 : index
        %get3A_2133 = tpu.vector_load %arg13[%get3A_2131, %get3A_2132] {strides = array<i32>} : memref<2048x32xf32, #tpu.memory_space<vmem>>, vector<1x16xf32>,
        %get3A_2134 = vector.shape_cast %get3A_2133 : vector<1x16xf32> to vector<16xf32>
        %mul3A_2135 = vector.broadcast %squeeze3A_2119 : f32 to vector<16xf32>
        %mul3A_2136 = arith.mulf %mul3A_2135, %get3A_2134 : vector<16xf32>
        %add3A_2137 = arith.addf %add3A_2117, %mul3A_2136 : vector<16xf32>
        %slice3A_2138 = vector.extract_strided_slice %get3A_486 {offsets = [9], sizes = [1], strides = [1]} : vector<16xf32> to vector<1xf32>
        %squeeze3A_2139 = vector.extract %slice3A_2138[0] : f32 from vector<1xf32>
        %add3A_2140 = arith.constant 512 : i32
        %add3A_2141 = arith.addi %add3A_2140, %add3A_2093 : i32
        %get3A_2142 = arith.index_cast %add3A_2141 : i32 to index
        %get3A_2143 = arith.constant 0 : index
        %get3A_2144 = tpu.vector_load %arg13[%get3A_2142, %get3A_2143] {strides = array<i32>} : memref<2048x32xf32, #tpu.memory_space<vmem>>, vector<1x16xf32>,
        %get3A_2145 = vector.shape_cast %get3A_2144 : vector<1x16xf32> to vector<16xf32>
        %mul3A_2146 = vector.broadcast %squeeze3A_2139 : f32 to vector<16xf32>
        %mul3A_2147 = arith.mulf %mul3A_2146, %get3A_2145 : vector<16xf32>
        %add3A_2148 = arith.addf %add3A_2128, %mul3A_2147 : vector<16xf32>
        %add3A_2149 = arith.constant 512 : i32
        %add3A_2150 = arith.addi %add3A_2149, %add3A_2093 : i32
        %get3A_2151 = arith.index_cast %add3A_2150 : i32 to index
        %get3A_2152 = arith.constant 12 : index
        %get3A_2153 = tpu.vector_load %arg13[%get3A_2151, %get3A_2152] {strides = array<i32>} : memref<2048x32xf32, #tpu.memory_space<vmem>>, vector<1x16xf32>,
        %get3A_2154 = vector.shape_cast %get3A_2153 : vector<1x16xf32> to vector<16xf32>
        %mul3A_2155 = vector.broadcast %squeeze3A_2139 : f32 to vector<16xf32>
        %mul3A_2156 = arith.mulf %mul3A_2155, %get3A_2154 : vector<16xf32>
        %add3A_2157 = arith.addf %add3A_2137, %mul3A_2156 : vector<16xf32>
        %slice3A_2158 = vector.extract_strided_slice %get3A_491 {offsets = [9], sizes = [1], strides = [1]} : vector<16xf32> to vector<1xf32>
        %squeeze3A_2159 = vector.extract %slice3A_2158[0] : f32 from vector<1xf32>
        %add3A_2160 = arith.constant 768 : i32
        %add3A_2161 = arith.addi %add3A_2160, %add3A_2093 : i32
        %get3A_2162 = arith.index_cast %add3A_2161 : i32 to index
        %get3A_2163 = arith.constant 0 : index
        %get3A_2164 = tpu.vector_load %arg13[%get3A_2162, %get3A_2163] {strides = array<i32>} : memref<2048x32xf32, #tpu.memory_space<vmem>>, vector<1x16xf32>,
        %get3A_2165 = vector.shape_cast %get3A_2164 : vector<1x16xf32> to vector<16xf32>
        %mul3A_2166 = vector.broadcast %squeeze3A_2159 : f32 to vector<16xf32>
        %mul3A_2167 = arith.mulf %mul3A_2166, %get3A_2165 : vector<16xf32>
        %add3A_2168 = arith.addf %add3A_2148, %mul3A_2167 : vector<16xf32>
        %add3A_2169 = arith.constant 768 : i32
        %add3A_2170 = arith.addi %add3A_2169, %add3A_2093 : i32
        %get3A_2171 = arith.index_cast %add3A_2170 : i32 to index
        %get3A_2172 = arith.constant 12 : index
        %get3A_2173 = tpu.vector_load %arg13[%get3A_2171, %get3A_2172] {strides = array<i32>} : memref<2048x32xf32, #tpu.memory_space<vmem>>, vector<1x16xf32>,
        %get3A_2174 = vector.shape_cast %get3A_2173 : vector<1x16xf32> to vector<16xf32>
        %mul3A_2175 = vector.broadcast %squeeze3A_2159 : f32 to vector<16xf32>
        %mul3A_2176 = arith.mulf %mul3A_2175, %get3A_2174 : vector<16xf32>
        %add3A_2177 = arith.addf %add3A_2157, %mul3A_2176 : vector<16xf32>
        %slice3A_2178 = vector.extract_strided_slice %get3A_496 {offsets = [9], sizes = [1], strides = [1]} : vector<16xf32> to vector<1xf32>
        %squeeze3A_2179 = vector.extract %slice3A_2178[0] : f32 from vector<1xf32>
        %add3A_2180 = arith.constant 1024 : i32
        %add3A_2181 = arith.addi %add3A_2180, %add3A_2093 : i32
        %get3A_2182 = arith.index_cast %add3A_2181 : i32 to index
        %get3A_2183 = arith.constant 0 : index
        %get3A_2184 = tpu.vector_load %arg13[%get3A_2182, %get3A_2183] {strides = array<i32>} : memref<2048x32xf32, #tpu.memory_space<vmem>>, vector<1x16xf32>,
        %get3A_2185 = vector.shape_cast %get3A_2184 : vector<1x16xf32> to vector<16xf32>
        %mul3A_2186 = vector.broadcast %squeeze3A_2179 : f32 to vector<16xf32>
        %mul3A_2187 = arith.mulf %mul3A_2186, %get3A_2185 : vector<16xf32>
        %add3A_2188 = arith.addf %add3A_2168, %mul3A_2187 : vector<16xf32>
        %add3A_2189 = arith.constant 1024 : i32
        %add3A_2190 = arith.addi %add3A_2189, %add3A_2093 : i32
        %get3A_2191 = arith.index_cast %add3A_2190 : i32 to index
        %get3A_2192 = arith.constant 12 : index
        %get3A_2193 = tpu.vector_load %arg13[%get3A_2191, %get3A_2192] {strides = array<i32>} : memref<2048x32xf32, #tpu.memory_space<vmem>>, vector<1x16xf32>,
        %get3A_2194 = vector.shape_cast %get3A_2193 : vector<1x16xf32> to vector<16xf32>
        %mul3A_2195 = vector.broadcast %squeeze3A_2179 : f32 to vector<16xf32>
        %mul3A_2196 = arith.mulf %mul3A_2195, %get3A_2194 : vector<16xf32>
        %add3A_2197 = arith.addf %add3A_2177, %mul3A_2196 : vector<16xf32>
        %slice3A_2198 = vector.extract_strided_slice %get3A_501 {offsets = [9], sizes = [1], strides = [1]} : vector<16xf32> to vector<1xf32>
        %squeeze3A_2199 = vector.extract %slice3A_2198[0] : f32 from vector<1xf32>
        %add3A_2200 = arith.constant 1280 : i32
        %add3A_2201 = arith.addi %add3A_2200, %add3A_2093 : i32
        %get3A_2202 = arith.index_cast %add3A_2201 : i32 to index
        %get3A_2203 = arith.constant 0 : index
        %get3A_2204 = tpu.vector_load %arg13[%get3A_2202, %get3A_2203] {strides = array<i32>} : memref<2048x32xf32, #tpu.memory_space<vmem>>, vector<1x16xf32>,
        %get3A_2205 = vector.shape_cast %get3A_2204 : vector<1x16xf32> to vector<16xf32>
        %mul3A_2206 = vector.broadcast %squeeze3A_2199 : f32 to vector<16xf32>
        %mul3A_2207 = arith.mulf %mul3A_2206, %get3A_2205 : vector<16xf32>
        %add3A_2208 = arith.addf %add3A_2188, %mul3A_2207 : vector<16xf32>
        %add3A_2209 = arith.constant 1280 : i32
        %add3A_2210 = arith.addi %add3A_2209, %add3A_2093 : i32
        %get3A_2211 = arith.index_cast %add3A_2210 : i32 to index
        %get3A_2212 = arith.constant 12 : index
        %get3A_2213 = tpu.vector_load %arg13[%get3A_2211, %get3A_2212] {strides = array<i32>} : memref<2048x32xf32, #tpu.memory_space<vmem>>, vector<1x16xf32>,
        %get3A_2214 = vector.shape_cast %get3A_2213 : vector<1x16xf32> to vector<16xf32>
        %mul3A_2215 = vector.broadcast %squeeze3A_2199 : f32 to vector<16xf32>
        %mul3A_2216 = arith.mulf %mul3A_2215, %get3A_2214 : vector<16xf32>
        %add3A_2217 = arith.addf %add3A_2197, %mul3A_2216 : vector<16xf32>
        %slice3A_2218 = vector.extract_strided_slice %get3A_506 {offsets = [9], sizes = [1], strides = [1]} : vector<16xf32> to vector<1xf32>
        %squeeze3A_2219 = vector.extract %slice3A_2218[0] : f32 from vector<1xf32>
        %add3A_2220 = arith.constant 1536 : i32
        %add3A_2221 = arith.addi %add3A_2220, %add3A_2093 : i32
        %get3A_2222 = arith.index_cast %add3A_2221 : i32 to index
        %get3A_2223 = arith.constant 0 : index
        %get3A_2224 = tpu.vector_load %arg13[%get3A_2222, %get3A_2223] {strides = array<i32>} : memref<2048x32xf32, #tpu.memory_space<vmem>>, vector<1x16xf32>,
        %get3A_2225 = vector.shape_cast %get3A_2224 : vector<1x16xf32> to vector<16xf32>
        %mul3A_2226 = vector.broadcast %squeeze3A_2219 : f32 to vector<16xf32>
        %mul3A_2227 = arith.mulf %mul3A_2226, %get3A_2225 : vector<16xf32>
        %add3A_2228 = arith.addf %add3A_2208, %mul3A_2227 : vector<16xf32>
        %add3A_2229 = arith.constant 1536 : i32
        %add3A_2230 = arith.addi %add3A_2229, %add3A_2093 : i32
        %get3A_2231 = arith.index_cast %add3A_2230 : i32 to index
        %get3A_2232 = arith.constant 12 : index
        %get3A_2233 = tpu.vector_load %arg13[%get3A_2231, %get3A_2232] {strides = array<i32>} : memref<2048x32xf32, #tpu.memory_space<vmem>>, vector<1x16xf32>,
        %get3A_2234 = vector.shape_cast %get3A_2233 : vector<1x16xf32> to vector<16xf32>
        %mul3A_2235 = vector.broadcast %squeeze3A_2219 : f32 to vector<16xf32>
        %mul3A_2236 = arith.mulf %mul3A_2235, %get3A_2234 : vector<16xf32>
        %add3A_2237 = arith.addf %add3A_2217, %mul3A_2236 : vector<16xf32>
        %slice3A_2238 = vector.extract_strided_slice %get3A_511 {offsets = [9], sizes = [1], strides = [1]} : vector<16xf32> to vector<1xf32>
        %squeeze3A_2239 = vector.extract %slice3A_2238[0] : f32 from vector<1xf32>
        %add3A_2240 = arith.constant 1792 : i32
        %add3A_2241 = arith.addi %add3A_2240, %add3A_2093 : i32
        %get3A_2242 = arith.index_cast %add3A_2241 : i32 to index
        %get3A_2243 = arith.constant 0 : index
        %get3A_2244 = tpu.vector_load %arg13[%get3A_2242, %get3A_2243] {strides = array<i32>} : memref<2048x32xf32, #tpu.memory_space<vmem>>, vector<1x16xf32>,
        %get3A_2245 = vector.shape_cast %get3A_2244 : vector<1x16xf32> to vector<16xf32>
        %mul3A_2246 = vector.broadcast %squeeze3A_2239 : f32 to vector<16xf32>
        %mul3A_2247 = arith.mulf %mul3A_2246, %get3A_2245 : vector<16xf32>
        %add3A_2248 = arith.addf %add3A_2228, %mul3A_2247 : vector<16xf32>
        %add3A_2249 = arith.constant 1792 : i32
        %add3A_2250 = arith.addi %add3A_2249, %add3A_2093 : i32
        %get3A_2251 = arith.index_cast %add3A_2250 : i32 to index
        %get3A_2252 = arith.constant 12 : index
        %get3A_2253 = tpu.vector_load %arg13[%get3A_2251, %get3A_2252] {strides = array<i32>} : memref<2048x32xf32, #tpu.memory_space<vmem>>, vector<1x16xf32>,
        %get3A_2254 = vector.shape_cast %get3A_2253 : vector<1x16xf32> to vector<16xf32>
        %mul3A_2255 = vector.broadcast %squeeze3A_2239 : f32 to vector<16xf32>
        %mul3A_2256 = arith.mulf %mul3A_2255, %get3A_2254 : vector<16xf32>
        %add3A_2257 = arith.addf %add3A_2237, %mul3A_2256 : vector<16xf32>
        %swap3A_2258 = arith.index_cast %add3A_2093 : i32 to index
        %swap3A_2259 = arith.constant 0 : index
        %swap3A_2260 = tpu.vector_load %arg15[%swap3A_2258, %swap3A_2259] {strides = array<i32>} : memref<256x28xf32, #tpu.memory_space<vmem>>, vector<1x16xf32>,
        %swap3A_2261 = vector.shape_cast %swap3A_2260 : vector<1x16xf32> to vector<16xf32>
        %swap3A_2262 = vector.shape_cast %add3A_2248 : vector<16xf32> to vector<1x16xf32>
        tpu.vector_store %arg15[%swap3A_2258, %swap3A_2259], %swap3A_2262 {strides = array<i32>} : memref<256x28xf32, #tpu.memory_space<vmem>>, vector<1x16xf32>,
        %swap3A_2263 = arith.index_cast %add3A_2093 : i32 to index
        %swap3A_2264 = arith.constant 12 : index
        %swap3A_2265 = tpu.vector_load %arg15[%swap3A_2263, %swap3A_2264] {strides = array<i32>} : memref<256x28xf32, #tpu.memory_space<vmem>>, vector<1x16xf32>,
        %swap3A_2266 = vector.shape_cast %swap3A_2265 : vector<1x16xf32> to vector<16xf32>
        %swap3A_2267 = vector.shape_cast %add3A_2257 : vector<16xf32> to vector<1x16xf32>
        tpu.vector_store %arg15[%swap3A_2263, %swap3A_2264], %swap3A_2267 {strides = array<i32>} : memref<256x28xf32, #tpu.memory_space<vmem>>, vector<1x16xf32>,
        %add3A_2268 = arith.constant 10 : i32
        %add3A_2269 = arith.addi %mul3A_472, %add3A_2268 : i32
        %broadcast_in_dim3A_2270 = arith.constant 0.000000e+00 : f32
        %broadcast_in_dim3A_2271 = vector.broadcast %broadcast_in_dim3A_2270 : f32 to vector<16xf32>
        %broadcast_in_dim3A_2272 = arith.constant 0.000000e+00 : f32
        %broadcast_in_dim3A_2273 = vector.broadcast %broadcast_in_dim3A_2272 : f32 to vector<16xf32>
        %slice3A_2274 = vector.extract_strided_slice %get3A_476 {offsets = [10], sizes = [1], strides = [1]} : vector<16xf32> to vector<1xf32>
        %squeeze3A_2275 = vector.extract %slice3A_2274[0] : f32 from vector<1xf32>
        %add3A_2276 = arith.constant 0 : i32
        %add3A_2277 = arith.addi %add3A_2276, %add3A_2269 : i32
        %get3A_2278 = arith.index_cast %add3A_2277 : i32 to index
        %get3A_2279 = arith.constant 0 : index
        %get3A_2280 = tpu.vector_load %arg13[%get3A_2278, %get3A_2279] {strides = array<i32>} : memref<2048x32xf32, #tpu.memory_space<vmem>>, vector<1x16xf32>,
        %get3A_2281 = vector.shape_cast %get3A_2280 : vector<1x16xf32> to vector<16xf32>
        %mul3A_2282 = vector.broadcast %squeeze3A_2275 : f32 to vector<16xf32>
        %mul3A_2283 = arith.mulf %mul3A_2282, %get3A_2281 : vector<16xf32>
        %add3A_2284 = arith.addf %broadcast_in_dim3A_2271, %mul3A_2283 : vector<16xf32>
        %add3A_2285 = arith.constant 0 : i32
        %add3A_2286 = arith.addi %add3A_2285, %add3A_2269 : i32
        %get3A_2287 = arith.index_cast %add3A_2286 : i32 to index
        %get3A_2288 = arith.constant 12 : index
        %get3A_2289 = tpu.vector_load %arg13[%get3A_2287, %get3A_2288] {strides = array<i32>} : memref<2048x32xf32, #tpu.memory_space<vmem>>, vector<1x16xf32>,
        %get3A_2290 = vector.shape_cast %get3A_2289 : vector<1x16xf32> to vector<16xf32>
        %mul3A_2291 = vector.broadcast %squeeze3A_2275 : f32 to vector<16xf32>
        %mul3A_2292 = arith.mulf %mul3A_2291, %get3A_2290 : vector<16xf32>
        %add3A_2293 = arith.addf %broadcast_in_dim3A_2273, %mul3A_2292 : vector<16xf32>
        %slice3A_2294 = vector.extract_strided_slice %get3A_481 {offsets = [10], sizes = [1], strides = [1]} : vector<16xf32> to vector<1xf32>
        %squeeze3A_2295 = vector.extract %slice3A_2294[0] : f32 from vector<1xf32>
        %add3A_2296 = arith.constant 256 : i32
        %add3A_2297 = arith.addi %add3A_2296, %add3A_2269 : i32
        %get3A_2298 = arith.index_cast %add3A_2297 : i32 to index
        %get3A_2299 = arith.constant 0 : index
        %get3A_2300 = tpu.vector_load %arg13[%get3A_2298, %get3A_2299] {strides = array<i32>} : memref<2048x32xf32, #tpu.memory_space<vmem>>, vector<1x16xf32>,
        %get3A_2301 = vector.shape_cast %get3A_2300 : vector<1x16xf32> to vector<16xf32>
        %mul3A_2302 = vector.broadcast %squeeze3A_2295 : f32 to vector<16xf32>
        %mul3A_2303 = arith.mulf %mul3A_2302, %get3A_2301 : vector<16xf32>
        %add3A_2304 = arith.addf %add3A_2284, %mul3A_2303 : vector<16xf32>
        %add3A_2305 = arith.constant 256 : i32
        %add3A_2306 = arith.addi %add3A_2305, %add3A_2269 : i32
        %get3A_2307 = arith.index_cast %add3A_2306 : i32 to index
        %get3A_2308 = arith.constant 12 : index
        %get3A_2309 = tpu.vector_load %arg13[%get3A_2307, %get3A_2308] {strides = array<i32>} : memref<2048x32xf32, #tpu.memory_space<vmem>>, vector<1x16xf32>,
        %get3A_2310 = vector.shape_cast %get3A_2309 : vector<1x16xf32> to vector<16xf32>
        %mul3A_2311 = vector.broadcast %squeeze3A_2295 : f32 to vector<16xf32>
        %mul3A_2312 = arith.mulf %mul3A_2311, %get3A_2310 : vector<16xf32>
        %add3A_2313 = arith.addf %add3A_2293, %mul3A_2312 : vector<16xf32>
        %slice3A_2314 = vector.extract_strided_slice %get3A_486 {offsets = [10], sizes = [1], strides = [1]} : vector<16xf32> to vector<1xf32>
        %squeeze3A_2315 = vector.extract %slice3A_2314[0] : f32 from vector<1xf32>
        %add3A_2316 = arith.constant 512 : i32
        %add3A_2317 = arith.addi %add3A_2316, %add3A_2269 : i32
        %get3A_2318 = arith.index_cast %add3A_2317 : i32 to index
        %get3A_2319 = arith.constant 0 : index
        %get3A_2320 = tpu.vector_load %arg13[%get3A_2318, %get3A_2319] {strides = array<i32>} : memref<2048x32xf32, #tpu.memory_space<vmem>>, vector<1x16xf32>,
        %get3A_2321 = vector.shape_cast %get3A_2320 : vector<1x16xf32> to vector<16xf32>
        %mul3A_2322 = vector.broadcast %squeeze3A_2315 : f32 to vector<16xf32>
        %mul3A_2323 = arith.mulf %mul3A_2322, %get3A_2321 : vector<16xf32>
        %add3A_2324 = arith.addf %add3A_2304, %mul3A_2323 : vector<16xf32>
        %add3A_2325 = arith.constant 512 : i32
        %add3A_2326 = arith.addi %add3A_2325, %add3A_2269 : i32
        %get3A_2327 = arith.index_cast %add3A_2326 : i32 to index
        %get3A_2328 = arith.constant 12 : index
        %get3A_2329 = tpu.vector_load %arg13[%get3A_2327, %get3A_2328] {strides = array<i32>} : memref<2048x32xf32, #tpu.memory_space<vmem>>, vector<1x16xf32>,
        %get3A_2330 = vector.shape_cast %get3A_2329 : vector<1x16xf32> to vector<16xf32>
        %mul3A_2331 = vector.broadcast %squeeze3A_2315 : f32 to vector<16xf32>
        %mul3A_2332 = arith.mulf %mul3A_2331, %get3A_2330 : vector<16xf32>
        %add3A_2333 = arith.addf %add3A_2313, %mul3A_2332 : vector<16xf32>
        %slice3A_2334 = vector.extract_strided_slice %get3A_491 {offsets = [10], sizes = [1], strides = [1]} : vector<16xf32> to vector<1xf32>
        %squeeze3A_2335 = vector.extract %slice3A_2334[0] : f32 from vector<1xf32>
        %add3A_2336 = arith.constant 768 : i32
        %add3A_2337 = arith.addi %add3A_2336, %add3A_2269 : i32
        %get3A_2338 = arith.index_cast %add3A_2337 : i32 to index
        %get3A_2339 = arith.constant 0 : index
        %get3A_2340 = tpu.vector_load %arg13[%get3A_2338, %get3A_2339] {strides = array<i32>} : memref<2048x32xf32, #tpu.memory_space<vmem>>, vector<1x16xf32>,
        %get3A_2341 = vector.shape_cast %get3A_2340 : vector<1x16xf32> to vector<16xf32>
        %mul3A_2342 = vector.broadcast %squeeze3A_2335 : f32 to vector<16xf32>
        %mul3A_2343 = arith.mulf %mul3A_2342, %get3A_2341 : vector<16xf32>
        %add3A_2344 = arith.addf %add3A_2324, %mul3A_2343 : vector<16xf32>
        %add3A_2345 = arith.constant 768 : i32
        %add3A_2346 = arith.addi %add3A_2345, %add3A_2269 : i32
        %get3A_2347 = arith.index_cast %add3A_2346 : i32 to index
        %get3A_2348 = arith.constant 12 : index
        %get3A_2349 = tpu.vector_load %arg13[%get3A_2347, %get3A_2348] {strides = array<i32>} : memref<2048x32xf32, #tpu.memory_space<vmem>>, vector<1x16xf32>,
        %get3A_2350 = vector.shape_cast %get3A_2349 : vector<1x16xf32> to vector<16xf32>
        %mul3A_2351 = vector.broadcast %squeeze3A_2335 : f32 to vector<16xf32>
        %mul3A_2352 = arith.mulf %mul3A_2351, %get3A_2350 : vector<16xf32>
        %add3A_2353 = arith.addf %add3A_2333, %mul3A_2352 : vector<16xf32>
        %slice3A_2354 = vector.extract_strided_slice %get3A_496 {offsets = [10], sizes = [1], strides = [1]} : vector<16xf32> to vector<1xf32>
        %squeeze3A_2355 = vector.extract %slice3A_2354[0] : f32 from vector<1xf32>
        %add3A_2356 = arith.constant 1024 : i32
        %add3A_2357 = arith.addi %add3A_2356, %add3A_2269 : i32
        %get3A_2358 = arith.index_cast %add3A_2357 : i32 to index
        %get3A_2359 = arith.constant 0 : index
        %get3A_2360 = tpu.vector_load %arg13[%get3A_2358, %get3A_2359] {strides = array<i32>} : memref<2048x32xf32, #tpu.memory_space<vmem>>, vector<1x16xf32>,
        %get3A_2361 = vector.shape_cast %get3A_2360 : vector<1x16xf32> to vector<16xf32>
        %mul3A_2362 = vector.broadcast %squeeze3A_2355 : f32 to vector<16xf32>
        %mul3A_2363 = arith.mulf %mul3A_2362, %get3A_2361 : vector<16xf32>
        %add3A_2364 = arith.addf %add3A_2344, %mul3A_2363 : vector<16xf32>
        %add3A_2365 = arith.constant 1024 : i32
        %add3A_2366 = arith.addi %add3A_2365, %add3A_2269 : i32
        %get3A_2367 = arith.index_cast %add3A_2366 : i32 to index
        %get3A_2368 = arith.constant 12 : index
        %get3A_2369 = tpu.vector_load %arg13[%get3A_2367, %get3A_2368] {strides = array<i32>} : memref<2048x32xf32, #tpu.memory_space<vmem>>, vector<1x16xf32>,
        %get3A_2370 = vector.shape_cast %get3A_2369 : vector<1x16xf32> to vector<16xf32>
        %mul3A_2371 = vector.broadcast %squeeze3A_2355 : f32 to vector<16xf32>
        %mul3A_2372 = arith.mulf %mul3A_2371, %get3A_2370 : vector<16xf32>
        %add3A_2373 = arith.addf %add3A_2353, %mul3A_2372 : vector<16xf32>
        %slice3A_2374 = vector.extract_strided_slice %get3A_501 {offsets = [10], sizes = [1], strides = [1]} : vector<16xf32> to vector<1xf32>
        %squeeze3A_2375 = vector.extract %slice3A_2374[0] : f32 from vector<1xf32>
        %add3A_2376 = arith.constant 1280 : i32
        %add3A_2377 = arith.addi %add3A_2376, %add3A_2269 : i32
        %get3A_2378 = arith.index_cast %add3A_2377 : i32 to index
        %get3A_2379 = arith.constant 0 : index
        %get3A_2380 = tpu.vector_load %arg13[%get3A_2378, %get3A_2379] {strides = array<i32>} : memref<2048x32xf32, #tpu.memory_space<vmem>>, vector<1x16xf32>,
        %get3A_2381 = vector.shape_cast %get3A_2380 : vector<1x16xf32> to vector<16xf32>
        %mul3A_2382 = vector.broadcast %squeeze3A_2375 : f32 to vector<16xf32>
        %mul3A_2383 = arith.mulf %mul3A_2382, %get3A_2381 : vector<16xf32>
        %add3A_2384 = arith.addf %add3A_2364, %mul3A_2383 : vector<16xf32>
        %add3A_2385 = arith.constant 1280 : i32
        %add3A_2386 = arith.addi %add3A_2385, %add3A_2269 : i32
        %get3A_2387 = arith.index_cast %add3A_2386 : i32 to index
        %get3A_2388 = arith.constant 12 : index
        %get3A_2389 = tpu.vector_load %arg13[%get3A_2387, %get3A_2388] {strides = array<i32>} : memref<2048x32xf32, #tpu.memory_space<vmem>>, vector<1x16xf32>,
        %get3A_2390 = vector.shape_cast %get3A_2389 : vector<1x16xf32> to vector<16xf32>
        %mul3A_2391 = vector.broadcast %squeeze3A_2375 : f32 to vector<16xf32>
        %mul3A_2392 = arith.mulf %mul3A_2391, %get3A_2390 : vector<16xf32>
        %add3A_2393 = arith.addf %add3A_2373, %mul3A_2392 : vector<16xf32>
        %slice3A_2394 = vector.extract_strided_slice %get3A_506 {offsets = [10], sizes = [1], strides = [1]} : vector<16xf32> to vector<1xf32>
        %squeeze3A_2395 = vector.extract %slice3A_2394[0] : f32 from vector<1xf32>
        %add3A_2396 = arith.constant 1536 : i32
        %add3A_2397 = arith.addi %add3A_2396, %add3A_2269 : i32
        %get3A_2398 = arith.index_cast %add3A_2397 : i32 to index
        %get3A_2399 = arith.constant 0 : index
        %get3A_2400 = tpu.vector_load %arg13[%get3A_2398, %get3A_2399] {strides = array<i32>} : memref<2048x32xf32, #tpu.memory_space<vmem>>, vector<1x16xf32>,
        %get3A_2401 = vector.shape_cast %get3A_2400 : vector<1x16xf32> to vector<16xf32>
        %mul3A_2402 = vector.broadcast %squeeze3A_2395 : f32 to vector<16xf32>
        %mul3A_2403 = arith.mulf %mul3A_2402, %get3A_2401 : vector<16xf32>
        %add3A_2404 = arith.addf %add3A_2384, %mul3A_2403 : vector<16xf32>
        %add3A_2405 = arith.constant 1536 : i32
        %add3A_2406 = arith.addi %add3A_2405, %add3A_2269 : i32
        %get3A_2407 = arith.index_cast %add3A_2406 : i32 to index
        %get3A_2408 = arith.constant 12 : index
        %get3A_2409 = tpu.vector_load %arg13[%get3A_2407, %get3A_2408] {strides = array<i32>} : memref<2048x32xf32, #tpu.memory_space<vmem>>, vector<1x16xf32>,
        %get3A_2410 = vector.shape_cast %get3A_2409 : vector<1x16xf32> to vector<16xf32>
        %mul3A_2411 = vector.broadcast %squeeze3A_2395 : f32 to vector<16xf32>
        %mul3A_2412 = arith.mulf %mul3A_2411, %get3A_2410 : vector<16xf32>
        %add3A_2413 = arith.addf %add3A_2393, %mul3A_2412 : vector<16xf32>
        %slice3A_2414 = vector.extract_strided_slice %get3A_511 {offsets = [10], sizes = [1], strides = [1]} : vector<16xf32> to vector<1xf32>
        %squeeze3A_2415 = vector.extract %slice3A_2414[0] : f32 from vector<1xf32>
        %add3A_2416 = arith.constant 1792 : i32
        %add3A_2417 = arith.addi %add3A_2416, %add3A_2269 : i32
        %get3A_2418 = arith.index_cast %add3A_2417 : i32 to index
        %get3A_2419 = arith.constant 0 : index
        %get3A_2420 = tpu.vector_load %arg13[%get3A_2418, %get3A_2419] {strides = array<i32>} : memref<2048x32xf32, #tpu.memory_space<vmem>>, vector<1x16xf32>,
        %get3A_2421 = vector.shape_cast %get3A_2420 : vector<1x16xf32> to vector<16xf32>
        %mul3A_2422 = vector.broadcast %squeeze3A_2415 : f32 to vector<16xf32>
        %mul3A_2423 = arith.mulf %mul3A_2422, %get3A_2421 : vector<16xf32>
        %add3A_2424 = arith.addf %add3A_2404, %mul3A_2423 : vector<16xf32>
        %add3A_2425 = arith.constant 1792 : i32
        %add3A_2426 = arith.addi %add3A_2425, %add3A_2269 : i32
        %get3A_2427 = arith.index_cast %add3A_2426 : i32 to index
        %get3A_2428 = arith.constant 12 : index
        %get3A_2429 = tpu.vector_load %arg13[%get3A_2427, %get3A_2428] {strides = array<i32>} : memref<2048x32xf32, #tpu.memory_space<vmem>>, vector<1x16xf32>,
        %get3A_2430 = vector.shape_cast %get3A_2429 : vector<1x16xf32> to vector<16xf32>
        %mul3A_2431 = vector.broadcast %squeeze3A_2415 : f32 to vector<16xf32>
        %mul3A_2432 = arith.mulf %mul3A_2431, %get3A_2430 : vector<16xf32>
        %add3A_2433 = arith.addf %add3A_2413, %mul3A_2432 : vector<16xf32>
        %swap3A_2434 = arith.index_cast %add3A_2269 : i32 to index
        %swap3A_2435 = arith.constant 0 : index
        %swap3A_2436 = tpu.vector_load %arg15[%swap3A_2434, %swap3A_2435] {strides = array<i32>} : memref<256x28xf32, #tpu.memory_space<vmem>>, vector<1x16xf32>,
        %swap3A_2437 = vector.shape_cast %swap3A_2436 : vector<1x16xf32> to vector<16xf32>
        %swap3A_2438 = vector.shape_cast %add3A_2424 : vector<16xf32> to vector<1x16xf32>
        tpu.vector_store %arg15[%swap3A_2434, %swap3A_2435], %swap3A_2438 {strides = array<i32>} : memref<256x28xf32, #tpu.memory_space<vmem>>, vector<1x16xf32>,
        %swap3A_2439 = arith.index_cast %add3A_2269 : i32 to index
        %swap3A_2440 = arith.constant 12 : index
        %swap3A_2441 = tpu.vector_load %arg15[%swap3A_2439, %swap3A_2440] {strides = array<i32>} : memref<256x28xf32, #tpu.memory_space<vmem>>, vector<1x16xf32>,
        %swap3A_2442 = vector.shape_cast %swap3A_2441 : vector<1x16xf32> to vector<16xf32>
        %swap3A_2443 = vector.shape_cast %add3A_2433 : vector<16xf32> to vector<1x16xf32>
        tpu.vector_store %arg15[%swap3A_2439, %swap3A_2440], %swap3A_2443 {strides = array<i32>} : memref<256x28xf32, #tpu.memory_space<vmem>>, vector<1x16xf32>,
        %add3A_2444 = arith.constant 11 : i32
        %add3A_2445 = arith.addi %mul3A_472, %add3A_2444 : i32
        %broadcast_in_dim3A_2446 = arith.constant 0.000000e+00 : f32
        %broadcast_in_dim3A_2447 = vector.broadcast %broadcast_in_dim3A_2446 : f32 to vector<16xf32>
        %broadcast_in_dim3A_2448 = arith.constant 0.000000e+00 : f32
        %broadcast_in_dim3A_2449 = vector.broadcast %broadcast_in_dim3A_2448 : f32 to vector<16xf32>
        %slice3A_2450 = vector.extract_strided_slice %get3A_476 {offsets = [11], sizes = [1], strides = [1]} : vector<16xf32> to vector<1xf32>
        %squeeze3A_2451 = vector.extract %slice3A_2450[0] : f32 from vector<1xf32>
        %add3A_2452 = arith.constant 0 : i32
        %add3A_2453 = arith.addi %add3A_2452, %add3A_2445 : i32
        %get3A_2454 = arith.index_cast %add3A_2453 : i32 to index
        %get3A_2455 = arith.constant 0 : index
        %get3A_2456 = tpu.vector_load %arg13[%get3A_2454, %get3A_2455] {strides = array<i32>} : memref<2048x32xf32, #tpu.memory_space<vmem>>, vector<1x16xf32>,
        %get3A_2457 = vector.shape_cast %get3A_2456 : vector<1x16xf32> to vector<16xf32>
        %mul3A_2458 = vector.broadcast %squeeze3A_2451 : f32 to vector<16xf32>
        %mul3A_2459 = arith.mulf %mul3A_2458, %get3A_2457 : vector<16xf32>
        %add3A_2460 = arith.addf %broadcast_in_dim3A_2447, %mul3A_2459 : vector<16xf32>
        %add3A_2461 = arith.constant 0 : i32
        %add3A_2462 = arith.addi %add3A_2461, %add3A_2445 : i32
        %get3A_2463 = arith.index_cast %add3A_2462 : i32 to index
        %get3A_2464 = arith.constant 12 : index
        %get3A_2465 = tpu.vector_load %arg13[%get3A_2463, %get3A_2464] {strides = array<i32>} : memref<2048x32xf32, #tpu.memory_space<vmem>>, vector<1x16xf32>,
        %get3A_2466 = vector.shape_cast %get3A_2465 : vector<1x16xf32> to vector<16xf32>
        %mul3A_2467 = vector.broadcast %squeeze3A_2451 : f32 to vector<16xf32>
        %mul3A_2468 = arith.mulf %mul3A_2467, %get3A_2466 : vector<16xf32>
        %add3A_2469 = arith.addf %broadcast_in_dim3A_2449, %mul3A_2468 : vector<16xf32>
        %slice3A_2470 = vector.extract_strided_slice %get3A_481 {offsets = [11], sizes = [1], strides = [1]} : vector<16xf32> to vector<1xf32>
        %squeeze3A_2471 = vector.extract %slice3A_2470[0] : f32 from vector<1xf32>
        %add3A_2472 = arith.constant 256 : i32
        %add3A_2473 = arith.addi %add3A_2472, %add3A_2445 : i32
        %get3A_2474 = arith.index_cast %add3A_2473 : i32 to index
        %get3A_2475 = arith.constant 0 : index
        %get3A_2476 = tpu.vector_load %arg13[%get3A_2474, %get3A_2475] {strides = array<i32>} : memref<2048x32xf32, #tpu.memory_space<vmem>>, vector<1x16xf32>,
        %get3A_2477 = vector.shape_cast %get3A_2476 : vector<1x16xf32> to vector<16xf32>
        %mul3A_2478 = vector.broadcast %squeeze3A_2471 : f32 to vector<16xf32>
        %mul3A_2479 = arith.mulf %mul3A_2478, %get3A_2477 : vector<16xf32>
        %add3A_2480 = arith.addf %add3A_2460, %mul3A_2479 : vector<16xf32>
        %add3A_2481 = arith.constant 256 : i32
        %add3A_2482 = arith.addi %add3A_2481, %add3A_2445 : i32
        %get3A_2483 = arith.index_cast %add3A_2482 : i32 to index
        %get3A_2484 = arith.constant 12 : index
        %get3A_2485 = tpu.vector_load %arg13[%get3A_2483, %get3A_2484] {strides = array<i32>} : memref<2048x32xf32, #tpu.memory_space<vmem>>, vector<1x16xf32>,
        %get3A_2486 = vector.shape_cast %get3A_2485 : vector<1x16xf32> to vector<16xf32>
        %mul3A_2487 = vector.broadcast %squeeze3A_2471 : f32 to vector<16xf32>
        %mul3A_2488 = arith.mulf %mul3A_2487, %get3A_2486 : vector<16xf32>
        %add3A_2489 = arith.addf %add3A_2469, %mul3A_2488 : vector<16xf32>
        %slice3A_2490 = vector.extract_strided_slice %get3A_486 {offsets = [11], sizes = [1], strides = [1]} : vector<16xf32> to vector<1xf32>
        %squeeze3A_2491 = vector.extract %slice3A_2490[0] : f32 from vector<1xf32>
        %add3A_2492 = arith.constant 512 : i32
        %add3A_2493 = arith.addi %add3A_2492, %add3A_2445 : i32
        %get3A_2494 = arith.index_cast %add3A_2493 : i32 to index
        %get3A_2495 = arith.constant 0 : index
        %get3A_2496 = tpu.vector_load %arg13[%get3A_2494, %get3A_2495] {strides = array<i32>} : memref<2048x32xf32, #tpu.memory_space<vmem>>, vector<1x16xf32>,
        %get3A_2497 = vector.shape_cast %get3A_2496 : vector<1x16xf32> to vector<16xf32>
        %mul3A_2498 = vector.broadcast %squeeze3A_2491 : f32 to vector<16xf32>
        %mul3A_2499 = arith.mulf %mul3A_2498, %get3A_2497 : vector<16xf32>
        %add3A_2500 = arith.addf %add3A_2480, %mul3A_2499 : vector<16xf32>
        %add3A_2501 = arith.constant 512 : i32
        %add3A_2502 = arith.addi %add3A_2501, %add3A_2445 : i32
        %get3A_2503 = arith.index_cast %add3A_2502 : i32 to index
        %get3A_2504 = arith.constant 12 : index
        %get3A_2505 = tpu.vector_load %arg13[%get3A_2503, %get3A_2504] {strides = array<i32>} : memref<2048x32xf32, #tpu.memory_space<vmem>>, vector<1x16xf32>,
        %get3A_2506 = vector.shape_cast %get3A_2505 : vector<1x16xf32> to vector<16xf32>
        %mul3A_2507 = vector.broadcast %squeeze3A_2491 : f32 to vector<16xf32>
        %mul3A_2508 = arith.mulf %mul3A_2507, %get3A_2506 : vector<16xf32>
        %add3A_2509 = arith.addf %add3A_2489, %mul3A_2508 : vector<16xf32>
        %slice3A_2510 = vector.extract_strided_slice %get3A_491 {offsets = [11], sizes = [1], strides = [1]} : vector<16xf32> to vector<1xf32>
        %squeeze3A_2511 = vector.extract %slice3A_2510[0] : f32 from vector<1xf32>
        %add3A_2512 = arith.constant 768 : i32
        %add3A_2513 = arith.addi %add3A_2512, %add3A_2445 : i32
        %get3A_2514 = arith.index_cast %add3A_2513 : i32 to index
        %get3A_2515 = arith.constant 0 : index
        %get3A_2516 = tpu.vector_load %arg13[%get3A_2514, %get3A_2515] {strides = array<i32>} : memref<2048x32xf32, #tpu.memory_space<vmem>>, vector<1x16xf32>,
        %get3A_2517 = vector.shape_cast %get3A_2516 : vector<1x16xf32> to vector<16xf32>
        %mul3A_2518 = vector.broadcast %squeeze3A_2511 : f32 to vector<16xf32>
        %mul3A_2519 = arith.mulf %mul3A_2518, %get3A_2517 : vector<16xf32>
        %add3A_2520 = arith.addf %add3A_2500, %mul3A_2519 : vector<16xf32>
        %add3A_2521 = arith.constant 768 : i32
        %add3A_2522 = arith.addi %add3A_2521, %add3A_2445 : i32
        %get3A_2523 = arith.index_cast %add3A_2522 : i32 to index
        %get3A_2524 = arith.constant 12 : index
        %get3A_2525 = tpu.vector_load %arg13[%get3A_2523, %get3A_2524] {strides = array<i32>} : memref<2048x32xf32, #tpu.memory_space<vmem>>, vector<1x16xf32>,
        %get3A_2526 = vector.shape_cast %get3A_2525 : vector<1x16xf32> to vector<16xf32>
        %mul3A_2527 = vector.broadcast %squeeze3A_2511 : f32 to vector<16xf32>
        %mul3A_2528 = arith.mulf %mul3A_2527, %get3A_2526 : vector<16xf32>
        %add3A_2529 = arith.addf %add3A_2509, %mul3A_2528 : vector<16xf32>
        %slice3A_2530 = vector.extract_strided_slice %get3A_496 {offsets = [11], sizes = [1], strides = [1]} : vector<16xf32> to vector<1xf32>
        %squeeze3A_2531 = vector.extract %slice3A_2530[0] : f32 from vector<1xf32>
        %add3A_2532 = arith.constant 1024 : i32
        %add3A_2533 = arith.addi %add3A_2532, %add3A_2445 : i32
        %get3A_2534 = arith.index_cast %add3A_2533 : i32 to index
        %get3A_2535 = arith.constant 0 : index
        %get3A_2536 = tpu.vector_load %arg13[%get3A_2534, %get3A_2535] {strides = array<i32>} : memref<2048x32xf32, #tpu.memory_space<vmem>>, vector<1x16xf32>,
        %get3A_2537 = vector.shape_cast %get3A_2536 : vector<1x16xf32> to vector<16xf32>
        %mul3A_2538 = vector.broadcast %squeeze3A_2531 : f32 to vector<16xf32>
        %mul3A_2539 = arith.mulf %mul3A_2538, %get3A_2537 : vector<16xf32>
        %add3A_2540 = arith.addf %add3A_2520, %mul3A_2539 : vector<16xf32>
        %add3A_2541 = arith.constant 1024 : i32
        %add3A_2542 = arith.addi %add3A_2541, %add3A_2445 : i32
        %get3A_2543 = arith.index_cast %add3A_2542 : i32 to index
        %get3A_2544 = arith.constant 12 : index
        %get3A_2545 = tpu.vector_load %arg13[%get3A_2543, %get3A_2544] {strides = array<i32>} : memref<2048x32xf32, #tpu.memory_space<vmem>>, vector<1x16xf32>,
        %get3A_2546 = vector.shape_cast %get3A_2545 : vector<1x16xf32> to vector<16xf32>
        %mul3A_2547 = vector.broadcast %squeeze3A_2531 : f32 to vector<16xf32>
        %mul3A_2548 = arith.mulf %mul3A_2547, %get3A_2546 : vector<16xf32>
        %add3A_2549 = arith.addf %add3A_2529, %mul3A_2548 : vector<16xf32>
        %slice3A_2550 = vector.extract_strided_slice %get3A_501 {offsets = [11], sizes = [1], strides = [1]} : vector<16xf32> to vector<1xf32>
        %squeeze3A_2551 = vector.extract %slice3A_2550[0] : f32 from vector<1xf32>
        %add3A_2552 = arith.constant 1280 : i32
        %add3A_2553 = arith.addi %add3A_2552, %add3A_2445 : i32
        %get3A_2554 = arith.index_cast %add3A_2553 : i32 to index
        %get3A_2555 = arith.constant 0 : index
        %get3A_2556 = tpu.vector_load %arg13[%get3A_2554, %get3A_2555] {strides = array<i32>} : memref<2048x32xf32, #tpu.memory_space<vmem>>, vector<1x16xf32>,
        %get3A_2557 = vector.shape_cast %get3A_2556 : vector<1x16xf32> to vector<16xf32>
        %mul3A_2558 = vector.broadcast %squeeze3A_2551 : f32 to vector<16xf32>
        %mul3A_2559 = arith.mulf %mul3A_2558, %get3A_2557 : vector<16xf32>
        %add3A_2560 = arith.addf %add3A_2540, %mul3A_2559 : vector<16xf32>
        %add3A_2561 = arith.constant 1280 : i32
        %add3A_2562 = arith.addi %add3A_2561, %add3A_2445 : i32
        %get3A_2563 = arith.index_cast %add3A_2562 : i32 to index
        %get3A_2564 = arith.constant 12 : index
        %get3A_2565 = tpu.vector_load %arg13[%get3A_2563, %get3A_2564] {strides = array<i32>} : memref<2048x32xf32, #tpu.memory_space<vmem>>, vector<1x16xf32>,
        %get3A_2566 = vector.shape_cast %get3A_2565 : vector<1x16xf32> to vector<16xf32>
        %mul3A_2567 = vector.broadcast %squeeze3A_2551 : f32 to vector<16xf32>
        %mul3A_2568 = arith.mulf %mul3A_2567, %get3A_2566 : vector<16xf32>
        %add3A_2569 = arith.addf %add3A_2549, %mul3A_2568 : vector<16xf32>
        %slice3A_2570 = vector.extract_strided_slice %get3A_506 {offsets = [11], sizes = [1], strides = [1]} : vector<16xf32> to vector<1xf32>
        %squeeze3A_2571 = vector.extract %slice3A_2570[0] : f32 from vector<1xf32>
        %add3A_2572 = arith.constant 1536 : i32
        %add3A_2573 = arith.addi %add3A_2572, %add3A_2445 : i32
        %get3A_2574 = arith.index_cast %add3A_2573 : i32 to index
        %get3A_2575 = arith.constant 0 : index
        %get3A_2576 = tpu.vector_load %arg13[%get3A_2574, %get3A_2575] {strides = array<i32>} : memref<2048x32xf32, #tpu.memory_space<vmem>>, vector<1x16xf32>,
        %get3A_2577 = vector.shape_cast %get3A_2576 : vector<1x16xf32> to vector<16xf32>
        %mul3A_2578 = vector.broadcast %squeeze3A_2571 : f32 to vector<16xf32>
        %mul3A_2579 = arith.mulf %mul3A_2578, %get3A_2577 : vector<16xf32>
        %add3A_2580 = arith.addf %add3A_2560, %mul3A_2579 : vector<16xf32>
        %add3A_2581 = arith.constant 1536 : i32
        %add3A_2582 = arith.addi %add3A_2581, %add3A_2445 : i32
        %get3A_2583 = arith.index_cast %add3A_2582 : i32 to index
        %get3A_2584 = arith.constant 12 : index
        %get3A_2585 = tpu.vector_load %arg13[%get3A_2583, %get3A_2584] {strides = array<i32>} : memref<2048x32xf32, #tpu.memory_space<vmem>>, vector<1x16xf32>,
        %get3A_2586 = vector.shape_cast %get3A_2585 : vector<1x16xf32> to vector<16xf32>
        %mul3A_2587 = vector.broadcast %squeeze3A_2571 : f32 to vector<16xf32>
        %mul3A_2588 = arith.mulf %mul3A_2587, %get3A_2586 : vector<16xf32>
        %add3A_2589 = arith.addf %add3A_2569, %mul3A_2588 : vector<16xf32>
        %slice3A_2590 = vector.extract_strided_slice %get3A_511 {offsets = [11], sizes = [1], strides = [1]} : vector<16xf32> to vector<1xf32>
        %squeeze3A_2591 = vector.extract %slice3A_2590[0] : f32 from vector<1xf32>
        %add3A_2592 = arith.constant 1792 : i32
        %add3A_2593 = arith.addi %add3A_2592, %add3A_2445 : i32
        %get3A_2594 = arith.index_cast %add3A_2593 : i32 to index
        %get3A_2595 = arith.constant 0 : index
        %get3A_2596 = tpu.vector_load %arg13[%get3A_2594, %get3A_2595] {strides = array<i32>} : memref<2048x32xf32, #tpu.memory_space<vmem>>, vector<1x16xf32>,
        %get3A_2597 = vector.shape_cast %get3A_2596 : vector<1x16xf32> to vector<16xf32>
        %mul3A_2598 = vector.broadcast %squeeze3A_2591 : f32 to vector<16xf32>
        %mul3A_2599 = arith.mulf %mul3A_2598, %get3A_2597 : vector<16xf32>
        %add3A_2600 = arith.addf %add3A_2580, %mul3A_2599 : vector<16xf32>
        %add3A_2601 = arith.constant 1792 : i32
        %add3A_2602 = arith.addi %add3A_2601, %add3A_2445 : i32
        %get3A_2603 = arith.index_cast %add3A_2602 : i32 to index
        %get3A_2604 = arith.constant 12 : index
        %get3A_2605 = tpu.vector_load %arg13[%get3A_2603, %get3A_2604] {strides = array<i32>} : memref<2048x32xf32, #tpu.memory_space<vmem>>, vector<1x16xf32>,
        %get3A_2606 = vector.shape_cast %get3A_2605 : vector<1x16xf32> to vector<16xf32>
        %mul3A_2607 = vector.broadcast %squeeze3A_2591 : f32 to vector<16xf32>
        %mul3A_2608 = arith.mulf %mul3A_2607, %get3A_2606 : vector<16xf32>
        %add3A_2609 = arith.addf %add3A_2589, %mul3A_2608 : vector<16xf32>
        %swap3A_2610 = arith.index_cast %add3A_2445 : i32 to index
        %swap3A_2611 = arith.constant 0 : index
        %swap3A_2612 = tpu.vector_load %arg15[%swap3A_2610, %swap3A_2611] {strides = array<i32>} : memref<256x28xf32, #tpu.memory_space<vmem>>, vector<1x16xf32>,
        %swap3A_2613 = vector.shape_cast %swap3A_2612 : vector<1x16xf32> to vector<16xf32>
        %swap3A_2614 = vector.shape_cast %add3A_2600 : vector<16xf32> to vector<1x16xf32>
        tpu.vector_store %arg15[%swap3A_2610, %swap3A_2611], %swap3A_2614 {strides = array<i32>} : memref<256x28xf32, #tpu.memory_space<vmem>>, vector<1x16xf32>,
        %swap3A_2615 = arith.index_cast %add3A_2445 : i32 to index
        %swap3A_2616 = arith.constant 12 : index
        %swap3A_2617 = tpu.vector_load %arg15[%swap3A_2615, %swap3A_2616] {strides = array<i32>} : memref<256x28xf32, #tpu.memory_space<vmem>>, vector<1x16xf32>,
        %swap3A_2618 = vector.shape_cast %swap3A_2617 : vector<1x16xf32> to vector<16xf32>
        %swap3A_2619 = vector.shape_cast %add3A_2609 : vector<16xf32> to vector<1x16xf32>
        tpu.vector_store %arg15[%swap3A_2615, %swap3A_2616], %swap3A_2619 {strides = array<i32>} : memref<256x28xf32, #tpu.memory_space<vmem>>, vector<1x16xf32>,
        %add3A_2620 = arith.constant 12 : i32
        %add3A_2621 = arith.addi %mul3A_472, %add3A_2620 : i32
        %broadcast_in_dim3A_2622 = arith.constant 0.000000e+00 : f32
        %broadcast_in_dim3A_2623 = vector.broadcast %broadcast_in_dim3A_2622 : f32 to vector<16xf32>
        %broadcast_in_dim3A_2624 = arith.constant 0.000000e+00 : f32
        %broadcast_in_dim3A_2625 = vector.broadcast %broadcast_in_dim3A_2624 : f32 to vector<16xf32>
        %slice3A_2626 = vector.extract_strided_slice %get3A_476 {offsets = [12], sizes = [1], strides = [1]} : vector<16xf32> to vector<1xf32>
        %squeeze3A_2627 = vector.extract %slice3A_2626[0] : f32 from vector<1xf32>
        %add3A_2628 = arith.constant 0 : i32
        %add3A_2629 = arith.addi %add3A_2628, %add3A_2621 : i32
        %get3A_2630 = arith.index_cast %add3A_2629 : i32 to index
        %get3A_2631 = arith.constant 0 : index
        %get3A_2632 = tpu.vector_load %arg13[%get3A_2630, %get3A_2631] {strides = array<i32>} : memref<2048x32xf32, #tpu.memory_space<vmem>>, vector<1x16xf32>,
        %get3A_2633 = vector.shape_cast %get3A_2632 : vector<1x16xf32> to vector<16xf32>
        %mul3A_2634 = vector.broadcast %squeeze3A_2627 : f32 to vector<16xf32>
        %mul3A_2635 = arith.mulf %mul3A_2634, %get3A_2633 : vector<16xf32>
        %add3A_2636 = arith.addf %broadcast_in_dim3A_2623, %mul3A_2635 : vector<16xf32>
        %add3A_2637 = arith.constant 0 : i32
        %add3A_2638 = arith.addi %add3A_2637, %add3A_2621 : i32
        %get3A_2639 = arith.index_cast %add3A_2638 : i32 to index
        %get3A_2640 = arith.constant 12 : index
        %get3A_2641 = tpu.vector_load %arg13[%get3A_2639, %get3A_2640] {strides = array<i32>} : memref<2048x32xf32, #tpu.memory_space<vmem>>, vector<1x16xf32>,
        %get3A_2642 = vector.shape_cast %get3A_2641 : vector<1x16xf32> to vector<16xf32>
        %mul3A_2643 = vector.broadcast %squeeze3A_2627 : f32 to vector<16xf32>
        %mul3A_2644 = arith.mulf %mul3A_2643, %get3A_2642 : vector<16xf32>
        %add3A_2645 = arith.addf %broadcast_in_dim3A_2625, %mul3A_2644 : vector<16xf32>
        %slice3A_2646 = vector.extract_strided_slice %get3A_481 {offsets = [12], sizes = [1], strides = [1]} : vector<16xf32> to vector<1xf32>
        %squeeze3A_2647 = vector.extract %slice3A_2646[0] : f32 from vector<1xf32>
        %add3A_2648 = arith.constant 256 : i32
        %add3A_2649 = arith.addi %add3A_2648, %add3A_2621 : i32
        %get3A_2650 = arith.index_cast %add3A_2649 : i32 to index
        %get3A_2651 = arith.constant 0 : index
        %get3A_2652 = tpu.vector_load %arg13[%get3A_2650, %get3A_2651] {strides = array<i32>} : memref<2048x32xf32, #tpu.memory_space<vmem>>, vector<1x16xf32>,
        %get3A_2653 = vector.shape_cast %get3A_2652 : vector<1x16xf32> to vector<16xf32>
        %mul3A_2654 = vector.broadcast %squeeze3A_2647 : f32 to vector<16xf32>
        %mul3A_2655 = arith.mulf %mul3A_2654, %get3A_2653 : vector<16xf32>
        %add3A_2656 = arith.addf %add3A_2636, %mul3A_2655 : vector<16xf32>
        %add3A_2657 = arith.constant 256 : i32
        %add3A_2658 = arith.addi %add3A_2657, %add3A_2621 : i32
        %get3A_2659 = arith.index_cast %add3A_2658 : i32 to index
        %get3A_2660 = arith.constant 12 : index
        %get3A_2661 = tpu.vector_load %arg13[%get3A_2659, %get3A_2660] {strides = array<i32>} : memref<2048x32xf32, #tpu.memory_space<vmem>>, vector<1x16xf32>,
        %get3A_2662 = vector.shape_cast %get3A_2661 : vector<1x16xf32> to vector<16xf32>
        %mul3A_2663 = vector.broadcast %squeeze3A_2647 : f32 to vector<16xf32>
        %mul3A_2664 = arith.mulf %mul3A_2663, %get3A_2662 : vector<16xf32>
        %add3A_2665 = arith.addf %add3A_2645, %mul3A_2664 : vector<16xf32>
        %slice3A_2666 = vector.extract_strided_slice %get3A_486 {offsets = [12], sizes = [1], strides = [1]} : vector<16xf32> to vector<1xf32>
        %squeeze3A_2667 = vector.extract %slice3A_2666[0] : f32 from vector<1xf32>
        %add3A_2668 = arith.constant 512 : i32
        %add3A_2669 = arith.addi %add3A_2668, %add3A_2621 : i32
        %get3A_2670 = arith.index_cast %add3A_2669 : i32 to index
        %get3A_2671 = arith.constant 0 : index
        %get3A_2672 = tpu.vector_load %arg13[%get3A_2670, %get3A_2671] {strides = array<i32>} : memref<2048x32xf32, #tpu.memory_space<vmem>>, vector<1x16xf32>,
        %get3A_2673 = vector.shape_cast %get3A_2672 : vector<1x16xf32> to vector<16xf32>
        %mul3A_2674 = vector.broadcast %squeeze3A_2667 : f32 to vector<16xf32>
        %mul3A_2675 = arith.mulf %mul3A_2674, %get3A_2673 : vector<16xf32>
        %add3A_2676 = arith.addf %add3A_2656, %mul3A_2675 : vector<16xf32>
        %add3A_2677 = arith.constant 512 : i32
        %add3A_2678 = arith.addi %add3A_2677, %add3A_2621 : i32
        %get3A_2679 = arith.index_cast %add3A_2678 : i32 to index
        %get3A_2680 = arith.constant 12 : index
        %get3A_2681 = tpu.vector_load %arg13[%get3A_2679, %get3A_2680] {strides = array<i32>} : memref<2048x32xf32, #tpu.memory_space<vmem>>, vector<1x16xf32>,
        %get3A_2682 = vector.shape_cast %get3A_2681 : vector<1x16xf32> to vector<16xf32>
        %mul3A_2683 = vector.broadcast %squeeze3A_2667 : f32 to vector<16xf32>
        %mul3A_2684 = arith.mulf %mul3A_2683, %get3A_2682 : vector<16xf32>
        %add3A_2685 = arith.addf %add3A_2665, %mul3A_2684 : vector<16xf32>
        %slice3A_2686 = vector.extract_strided_slice %get3A_491 {offsets = [12], sizes = [1], strides = [1]} : vector<16xf32> to vector<1xf32>
        %squeeze3A_2687 = vector.extract %slice3A_2686[0] : f32 from vector<1xf32>
        %add3A_2688 = arith.constant 768 : i32
        %add3A_2689 = arith.addi %add3A_2688, %add3A_2621 : i32
        %get3A_2690 = arith.index_cast %add3A_2689 : i32 to index
        %get3A_2691 = arith.constant 0 : index
        %get3A_2692 = tpu.vector_load %arg13[%get3A_2690, %get3A_2691] {strides = array<i32>} : memref<2048x32xf32, #tpu.memory_space<vmem>>, vector<1x16xf32>,
        %get3A_2693 = vector.shape_cast %get3A_2692 : vector<1x16xf32> to vector<16xf32>
        %mul3A_2694 = vector.broadcast %squeeze3A_2687 : f32 to vector<16xf32>
        %mul3A_2695 = arith.mulf %mul3A_2694, %get3A_2693 : vector<16xf32>
        %add3A_2696 = arith.addf %add3A_2676, %mul3A_2695 : vector<16xf32>
        %add3A_2697 = arith.constant 768 : i32
        %add3A_2698 = arith.addi %add3A_2697, %add3A_2621 : i32
        %get3A_2699 = arith.index_cast %add3A_2698 : i32 to index
        %get3A_2700 = arith.constant 12 : index
        %get3A_2701 = tpu.vector_load %arg13[%get3A_2699, %get3A_2700] {strides = array<i32>} : memref<2048x32xf32, #tpu.memory_space<vmem>>, vector<1x16xf32>,
        %get3A_2702 = vector.shape_cast %get3A_2701 : vector<1x16xf32> to vector<16xf32>
        %mul3A_2703 = vector.broadcast %squeeze3A_2687 : f32 to vector<16xf32>
        %mul3A_2704 = arith.mulf %mul3A_2703, %get3A_2702 : vector<16xf32>
        %add3A_2705 = arith.addf %add3A_2685, %mul3A_2704 : vector<16xf32>
        %slice3A_2706 = vector.extract_strided_slice %get3A_496 {offsets = [12], sizes = [1], strides = [1]} : vector<16xf32> to vector<1xf32>
        %squeeze3A_2707 = vector.extract %slice3A_2706[0] : f32 from vector<1xf32>
        %add3A_2708 = arith.constant 1024 : i32
        %add3A_2709 = arith.addi %add3A_2708, %add3A_2621 : i32
        %get3A_2710 = arith.index_cast %add3A_2709 : i32 to index
        %get3A_2711 = arith.constant 0 : index
        %get3A_2712 = tpu.vector_load %arg13[%get3A_2710, %get3A_2711] {strides = array<i32>} : memref<2048x32xf32, #tpu.memory_space<vmem>>, vector<1x16xf32>,
        %get3A_2713 = vector.shape_cast %get3A_2712 : vector<1x16xf32> to vector<16xf32>
        %mul3A_2714 = vector.broadcast %squeeze3A_2707 : f32 to vector<16xf32>
        %mul3A_2715 = arith.mulf %mul3A_2714, %get3A_2713 : vector<16xf32>
        %add3A_2716 = arith.addf %add3A_2696, %mul3A_2715 : vector<16xf32>
        %add3A_2717 = arith.constant 1024 : i32
        %add3A_2718 = arith.addi %add3A_2717, %add3A_2621 : i32
        %get3A_2719 = arith.index_cast %add3A_2718 : i32 to index
        %get3A_2720 = arith.constant 12 : index
        %get3A_2721 = tpu.vector_load %arg13[%get3A_2719, %get3A_2720] {strides = array<i32>} : memref<2048x32xf32, #tpu.memory_space<vmem>>, vector<1x16xf32>,
        %get3A_2722 = vector.shape_cast %get3A_2721 : vector<1x16xf32> to vector<16xf32>
        %mul3A_2723 = vector.broadcast %squeeze3A_2707 : f32 to vector<16xf32>
        %mul3A_2724 = arith.mulf %mul3A_2723, %get3A_2722 : vector<16xf32>
        %add3A_2725 = arith.addf %add3A_2705, %mul3A_2724 : vector<16xf32>
        %slice3A_2726 = vector.extract_strided_slice %get3A_501 {offsets = [12], sizes = [1], strides = [1]} : vector<16xf32> to vector<1xf32>
        %squeeze3A_2727 = vector.extract %slice3A_2726[0] : f32 from vector<1xf32>
        %add3A_2728 = arith.constant 1280 : i32
        %add3A_2729 = arith.addi %add3A_2728, %add3A_2621 : i32
        %get3A_2730 = arith.index_cast %add3A_2729 : i32 to index
        %get3A_2731 = arith.constant 0 : index
        %get3A_2732 = tpu.vector_load %arg13[%get3A_2730, %get3A_2731] {strides = array<i32>} : memref<2048x32xf32, #tpu.memory_space<vmem>>, vector<1x16xf32>,
        %get3A_2733 = vector.shape_cast %get3A_2732 : vector<1x16xf32> to vector<16xf32>
        %mul3A_2734 = vector.broadcast %squeeze3A_2727 : f32 to vector<16xf32>
        %mul3A_2735 = arith.mulf %mul3A_2734, %get3A_2733 : vector<16xf32>
        %add3A_2736 = arith.addf %add3A_2716, %mul3A_2735 : vector<16xf32>
        %add3A_2737 = arith.constant 1280 : i32
        %add3A_2738 = arith.addi %add3A_2737, %add3A_2621 : i32
        %get3A_2739 = arith.index_cast %add3A_2738 : i32 to index
        %get3A_2740 = arith.constant 12 : index
        %get3A_2741 = tpu.vector_load %arg13[%get3A_2739, %get3A_2740] {strides = array<i32>} : memref<2048x32xf32, #tpu.memory_space<vmem>>, vector<1x16xf32>,
        %get3A_2742 = vector.shape_cast %get3A_2741 : vector<1x16xf32> to vector<16xf32>
        %mul3A_2743 = vector.broadcast %squeeze3A_2727 : f32 to vector<16xf32>
        %mul3A_2744 = arith.mulf %mul3A_2743, %get3A_2742 : vector<16xf32>
        %add3A_2745 = arith.addf %add3A_2725, %mul3A_2744 : vector<16xf32>
        %slice3A_2746 = vector.extract_strided_slice %get3A_506 {offsets = [12], sizes = [1], strides = [1]} : vector<16xf32> to vector<1xf32>
        %squeeze3A_2747 = vector.extract %slice3A_2746[0] : f32 from vector<1xf32>
        %add3A_2748 = arith.constant 1536 : i32
        %add3A_2749 = arith.addi %add3A_2748, %add3A_2621 : i32
        %get3A_2750 = arith.index_cast %add3A_2749 : i32 to index
        %get3A_2751 = arith.constant 0 : index
        %get3A_2752 = tpu.vector_load %arg13[%get3A_2750, %get3A_2751] {strides = array<i32>} : memref<2048x32xf32, #tpu.memory_space<vmem>>, vector<1x16xf32>,
        %get3A_2753 = vector.shape_cast %get3A_2752 : vector<1x16xf32> to vector<16xf32>
        %mul3A_2754 = vector.broadcast %squeeze3A_2747 : f32 to vector<16xf32>
        %mul3A_2755 = arith.mulf %mul3A_2754, %get3A_2753 : vector<16xf32>
        %add3A_2756 = arith.addf %add3A_2736, %mul3A_2755 : vector<16xf32>
        %add3A_2757 = arith.constant 1536 : i32
        %add3A_2758 = arith.addi %add3A_2757, %add3A_2621 : i32
        %get3A_2759 = arith.index_cast %add3A_2758 : i32 to index
        %get3A_2760 = arith.constant 12 : index
        %get3A_2761 = tpu.vector_load %arg13[%get3A_2759, %get3A_2760] {strides = array<i32>} : memref<2048x32xf32, #tpu.memory_space<vmem>>, vector<1x16xf32>,
        %get3A_2762 = vector.shape_cast %get3A_2761 : vector<1x16xf32> to vector<16xf32>
        %mul3A_2763 = vector.broadcast %squeeze3A_2747 : f32 to vector<16xf32>
        %mul3A_2764 = arith.mulf %mul3A_2763, %get3A_2762 : vector<16xf32>
        %add3A_2765 = arith.addf %add3A_2745, %mul3A_2764 : vector<16xf32>
        %slice3A_2766 = vector.extract_strided_slice %get3A_511 {offsets = [12], sizes = [1], strides = [1]} : vector<16xf32> to vector<1xf32>
        %squeeze3A_2767 = vector.extract %slice3A_2766[0] : f32 from vector<1xf32>
        %add3A_2768 = arith.constant 1792 : i32
        %add3A_2769 = arith.addi %add3A_2768, %add3A_2621 : i32
        %get3A_2770 = arith.index_cast %add3A_2769 : i32 to index
        %get3A_2771 = arith.constant 0 : index
        %get3A_2772 = tpu.vector_load %arg13[%get3A_2770, %get3A_2771] {strides = array<i32>} : memref<2048x32xf32, #tpu.memory_space<vmem>>, vector<1x16xf32>,
        %get3A_2773 = vector.shape_cast %get3A_2772 : vector<1x16xf32> to vector<16xf32>
        %mul3A_2774 = vector.broadcast %squeeze3A_2767 : f32 to vector<16xf32>
        %mul3A_2775 = arith.mulf %mul3A_2774, %get3A_2773 : vector<16xf32>
        %add3A_2776 = arith.addf %add3A_2756, %mul3A_2775 : vector<16xf32>
        %add3A_2777 = arith.constant 1792 : i32
        %add3A_2778 = arith.addi %add3A_2777, %add3A_2621 : i32
        %get3A_2779 = arith.index_cast %add3A_2778 : i32 to index
        %get3A_2780 = arith.constant 12 : index
        %get3A_2781 = tpu.vector_load %arg13[%get3A_2779, %get3A_2780] {strides = array<i32>} : memref<2048x32xf32, #tpu.memory_space<vmem>>, vector<1x16xf32>,
        %get3A_2782 = vector.shape_cast %get3A_2781 : vector<1x16xf32> to vector<16xf32>
        %mul3A_2783 = vector.broadcast %squeeze3A_2767 : f32 to vector<16xf32>
        %mul3A_2784 = arith.mulf %mul3A_2783, %get3A_2782 : vector<16xf32>
        %add3A_2785 = arith.addf %add3A_2765, %mul3A_2784 : vector<16xf32>
        %swap3A_2786 = arith.index_cast %add3A_2621 : i32 to index
        %swap3A_2787 = arith.constant 0 : index
        %swap3A_2788 = tpu.vector_load %arg15[%swap3A_2786, %swap3A_2787] {strides = array<i32>} : memref<256x28xf32, #tpu.memory_space<vmem>>, vector<1x16xf32>,
        %swap3A_2789 = vector.shape_cast %swap3A_2788 : vector<1x16xf32> to vector<16xf32>
        %swap3A_2790 = vector.shape_cast %add3A_2776 : vector<16xf32> to vector<1x16xf32>
        tpu.vector_store %arg15[%swap3A_2786, %swap3A_2787], %swap3A_2790 {strides = array<i32>} : memref<256x28xf32, #tpu.memory_space<vmem>>, vector<1x16xf32>,
        %swap3A_2791 = arith.index_cast %add3A_2621 : i32 to index
        %swap3A_2792 = arith.constant 12 : index
        %swap3A_2793 = tpu.vector_load %arg15[%swap3A_2791, %swap3A_2792] {strides = array<i32>} : memref<256x28xf32, #tpu.memory_space<vmem>>, vector<1x16xf32>,
        %swap3A_2794 = vector.shape_cast %swap3A_2793 : vector<1x16xf32> to vector<16xf32>
        %swap3A_2795 = vector.shape_cast %add3A_2785 : vector<16xf32> to vector<1x16xf32>
        tpu.vector_store %arg15[%swap3A_2791, %swap3A_2792], %swap3A_2795 {strides = array<i32>} : memref<256x28xf32, #tpu.memory_space<vmem>>, vector<1x16xf32>,
        %add3A_2796 = arith.constant 13 : i32
        %add3A_2797 = arith.addi %mul3A_472, %add3A_2796 : i32
        %broadcast_in_dim3A_2798 = arith.constant 0.000000e+00 : f32
        %broadcast_in_dim3A_2799 = vector.broadcast %broadcast_in_dim3A_2798 : f32 to vector<16xf32>
        %broadcast_in_dim3A_2800 = arith.constant 0.000000e+00 : f32
        %broadcast_in_dim3A_2801 = vector.broadcast %broadcast_in_dim3A_2800 : f32 to vector<16xf32>
        %slice3A_2802 = vector.extract_strided_slice %get3A_476 {offsets = [13], sizes = [1], strides = [1]} : vector<16xf32> to vector<1xf32>
        %squeeze3A_2803 = vector.extract %slice3A_2802[0] : f32 from vector<1xf32>
        %add3A_2804 = arith.constant 0 : i32
        %add3A_2805 = arith.addi %add3A_2804, %add3A_2797 : i32
        %get3A_2806 = arith.index_cast %add3A_2805 : i32 to index
        %get3A_2807 = arith.constant 0 : index
        %get3A_2808 = tpu.vector_load %arg13[%get3A_2806, %get3A_2807] {strides = array<i32>} : memref<2048x32xf32, #tpu.memory_space<vmem>>, vector<1x16xf32>,
        %get3A_2809 = vector.shape_cast %get3A_2808 : vector<1x16xf32> to vector<16xf32>
        %mul3A_2810 = vector.broadcast %squeeze3A_2803 : f32 to vector<16xf32>
        %mul3A_2811 = arith.mulf %mul3A_2810, %get3A_2809 : vector<16xf32>
        %add3A_2812 = arith.addf %broadcast_in_dim3A_2799, %mul3A_2811 : vector<16xf32>
        %add3A_2813 = arith.constant 0 : i32
        %add3A_2814 = arith.addi %add3A_2813, %add3A_2797 : i32
        %get3A_2815 = arith.index_cast %add3A_2814 : i32 to index
        %get3A_2816 = arith.constant 12 : index
        %get3A_2817 = tpu.vector_load %arg13[%get3A_2815, %get3A_2816] {strides = array<i32>} : memref<2048x32xf32, #tpu.memory_space<vmem>>, vector<1x16xf32>,
        %get3A_2818 = vector.shape_cast %get3A_2817 : vector<1x16xf32> to vector<16xf32>
        %mul3A_2819 = vector.broadcast %squeeze3A_2803 : f32 to vector<16xf32>
        %mul3A_2820 = arith.mulf %mul3A_2819, %get3A_2818 : vector<16xf32>
        %add3A_2821 = arith.addf %broadcast_in_dim3A_2801, %mul3A_2820 : vector<16xf32>
        %slice3A_2822 = vector.extract_strided_slice %get3A_481 {offsets = [13], sizes = [1], strides = [1]} : vector<16xf32> to vector<1xf32>
        %squeeze3A_2823 = vector.extract %slice3A_2822[0] : f32 from vector<1xf32>
        %add3A_2824 = arith.constant 256 : i32
        %add3A_2825 = arith.addi %add3A_2824, %add3A_2797 : i32
        %get3A_2826 = arith.index_cast %add3A_2825 : i32 to index
        %get3A_2827 = arith.constant 0 : index
        %get3A_2828 = tpu.vector_load %arg13[%get3A_2826, %get3A_2827] {strides = array<i32>} : memref<2048x32xf32, #tpu.memory_space<vmem>>, vector<1x16xf32>,
        %get3A_2829 = vector.shape_cast %get3A_2828 : vector<1x16xf32> to vector<16xf32>
        %mul3A_2830 = vector.broadcast %squeeze3A_2823 : f32 to vector<16xf32>
        %mul3A_2831 = arith.mulf %mul3A_2830, %get3A_2829 : vector<16xf32>
        %add3A_2832 = arith.addf %add3A_2812, %mul3A_2831 : vector<16xf32>
        %add3A_2833 = arith.constant 256 : i32
        %add3A_2834 = arith.addi %add3A_2833, %add3A_2797 : i32
        %get3A_2835 = arith.index_cast %add3A_2834 : i32 to index
        %get3A_2836 = arith.constant 12 : index
        %get3A_2837 = tpu.vector_load %arg13[%get3A_2835, %get3A_2836] {strides = array<i32>} : memref<2048x32xf32, #tpu.memory_space<vmem>>, vector<1x16xf32>,
        %get3A_2838 = vector.shape_cast %get3A_2837 : vector<1x16xf32> to vector<16xf32>
        %mul3A_2839 = vector.broadcast %squeeze3A_2823 : f32 to vector<16xf32>
        %mul3A_2840 = arith.mulf %mul3A_2839, %get3A_2838 : vector<16xf32>
        %add3A_2841 = arith.addf %add3A_2821, %mul3A_2840 : vector<16xf32>
        %slice3A_2842 = vector.extract_strided_slice %get3A_486 {offsets = [13], sizes = [1], strides = [1]} : vector<16xf32> to vector<1xf32>
        %squeeze3A_2843 = vector.extract %slice3A_2842[0] : f32 from vector<1xf32>
        %add3A_2844 = arith.constant 512 : i32
        %add3A_2845 = arith.addi %add3A_2844, %add3A_2797 : i32
        %get3A_2846 = arith.index_cast %add3A_2845 : i32 to index
        %get3A_2847 = arith.constant 0 : index
        %get3A_2848 = tpu.vector_load %arg13[%get3A_2846, %get3A_2847] {strides = array<i32>} : memref<2048x32xf32, #tpu.memory_space<vmem>>, vector<1x16xf32>,
        %get3A_2849 = vector.shape_cast %get3A_2848 : vector<1x16xf32> to vector<16xf32>
        %mul3A_2850 = vector.broadcast %squeeze3A_2843 : f32 to vector<16xf32>
        %mul3A_2851 = arith.mulf %mul3A_2850, %get3A_2849 : vector<16xf32>
        %add3A_2852 = arith.addf %add3A_2832, %mul3A_2851 : vector<16xf32>
        %add3A_2853 = arith.constant 512 : i32
        %add3A_2854 = arith.addi %add3A_2853, %add3A_2797 : i32
        %get3A_2855 = arith.index_cast %add3A_2854 : i32 to index
        %get3A_2856 = arith.constant 12 : index
        %get3A_2857 = tpu.vector_load %arg13[%get3A_2855, %get3A_2856] {strides = array<i32>} : memref<2048x32xf32, #tpu.memory_space<vmem>>, vector<1x16xf32>,
        %get3A_2858 = vector.shape_cast %get3A_2857 : vector<1x16xf32> to vector<16xf32>
        %mul3A_2859 = vector.broadcast %squeeze3A_2843 : f32 to vector<16xf32>
        %mul3A_2860 = arith.mulf %mul3A_2859, %get3A_2858 : vector<16xf32>
        %add3A_2861 = arith.addf %add3A_2841, %mul3A_2860 : vector<16xf32>
        %slice3A_2862 = vector.extract_strided_slice %get3A_491 {offsets = [13], sizes = [1], strides = [1]} : vector<16xf32> to vector<1xf32>
        %squeeze3A_2863 = vector.extract %slice3A_2862[0] : f32 from vector<1xf32>
        %add3A_2864 = arith.constant 768 : i32
        %add3A_2865 = arith.addi %add3A_2864, %add3A_2797 : i32
        %get3A_2866 = arith.index_cast %add3A_2865 : i32 to index
        %get3A_2867 = arith.constant 0 : index
        %get3A_2868 = tpu.vector_load %arg13[%get3A_2866, %get3A_2867] {strides = array<i32>} : memref<2048x32xf32, #tpu.memory_space<vmem>>, vector<1x16xf32>,
        %get3A_2869 = vector.shape_cast %get3A_2868 : vector<1x16xf32> to vector<16xf32>
        %mul3A_2870 = vector.broadcast %squeeze3A_2863 : f32 to vector<16xf32>
        %mul3A_2871 = arith.mulf %mul3A_2870, %get3A_2869 : vector<16xf32>
        %add3A_2872 = arith.addf %add3A_2852, %mul3A_2871 : vector<16xf32>
        %add3A_2873 = arith.constant 768 : i32
        %add3A_2874 = arith.addi %add3A_2873, %add3A_2797 : i32
        %get3A_2875 = arith.index_cast %add3A_2874 : i32 to index
        %get3A_2876 = arith.constant 12 : index
        %get3A_2877 = tpu.vector_load %arg13[%get3A_2875, %get3A_2876] {strides = array<i32>} : memref<2048x32xf32, #tpu.memory_space<vmem>>, vector<1x16xf32>,
        %get3A_2878 = vector.shape_cast %get3A_2877 : vector<1x16xf32> to vector<16xf32>
        %mul3A_2879 = vector.broadcast %squeeze3A_2863 : f32 to vector<16xf32>
        %mul3A_2880 = arith.mulf %mul3A_2879, %get3A_2878 : vector<16xf32>
        %add3A_2881 = arith.addf %add3A_2861, %mul3A_2880 : vector<16xf32>
        %slice3A_2882 = vector.extract_strided_slice %get3A_496 {offsets = [13], sizes = [1], strides = [1]} : vector<16xf32> to vector<1xf32>
        %squeeze3A_2883 = vector.extract %slice3A_2882[0] : f32 from vector<1xf32>
        %add3A_2884 = arith.constant 1024 : i32
        %add3A_2885 = arith.addi %add3A_2884, %add3A_2797 : i32
        %get3A_2886 = arith.index_cast %add3A_2885 : i32 to index
        %get3A_2887 = arith.constant 0 : index
        %get3A_2888 = tpu.vector_load %arg13[%get3A_2886, %get3A_2887] {strides = array<i32>} : memref<2048x32xf32, #tpu.memory_space<vmem>>, vector<1x16xf32>,
        %get3A_2889 = vector.shape_cast %get3A_2888 : vector<1x16xf32> to vector<16xf32>
        %mul3A_2890 = vector.broadcast %squeeze3A_2883 : f32 to vector<16xf32>
        %mul3A_2891 = arith.mulf %mul3A_2890, %get3A_2889 : vector<16xf32>
        %add3A_2892 = arith.addf %add3A_2872, %mul3A_2891 : vector<16xf32>
        %add3A_2893 = arith.constant 1024 : i32
        %add3A_2894 = arith.addi %add3A_2893, %add3A_2797 : i32
        %get3A_2895 = arith.index_cast %add3A_2894 : i32 to index
        %get3A_2896 = arith.constant 12 : index
        %get3A_2897 = tpu.vector_load %arg13[%get3A_2895, %get3A_2896] {strides = array<i32>} : memref<2048x32xf32, #tpu.memory_space<vmem>>, vector<1x16xf32>,
        %get3A_2898 = vector.shape_cast %get3A_2897 : vector<1x16xf32> to vector<16xf32>
        %mul3A_2899 = vector.broadcast %squeeze3A_2883 : f32 to vector<16xf32>
        %mul3A_2900 = arith.mulf %mul3A_2899, %get3A_2898 : vector<16xf32>
        %add3A_2901 = arith.addf %add3A_2881, %mul3A_2900 : vector<16xf32>
        %slice3A_2902 = vector.extract_strided_slice %get3A_501 {offsets = [13], sizes = [1], strides = [1]} : vector<16xf32> to vector<1xf32>
        %squeeze3A_2903 = vector.extract %slice3A_2902[0] : f32 from vector<1xf32>
        %add3A_2904 = arith.constant 1280 : i32
        %add3A_2905 = arith.addi %add3A_2904, %add3A_2797 : i32
        %get3A_2906 = arith.index_cast %add3A_2905 : i32 to index
        %get3A_2907 = arith.constant 0 : index
        %get3A_2908 = tpu.vector_load %arg13[%get3A_2906, %get3A_2907] {strides = array<i32>} : memref<2048x32xf32, #tpu.memory_space<vmem>>, vector<1x16xf32>,
        %get3A_2909 = vector.shape_cast %get3A_2908 : vector<1x16xf32> to vector<16xf32>
        %mul3A_2910 = vector.broadcast %squeeze3A_2903 : f32 to vector<16xf32>
        %mul3A_2911 = arith.mulf %mul3A_2910, %get3A_2909 : vector<16xf32>
        %add3A_2912 = arith.addf %add3A_2892, %mul3A_2911 : vector<16xf32>
        %add3A_2913 = arith.constant 1280 : i32
        %add3A_2914 = arith.addi %add3A_2913, %add3A_2797 : i32
        %get3A_2915 = arith.index_cast %add3A_2914 : i32 to index
        %get3A_2916 = arith.constant 12 : index
        %get3A_2917 = tpu.vector_load %arg13[%get3A_2915, %get3A_2916] {strides = array<i32>} : memref<2048x32xf32, #tpu.memory_space<vmem>>, vector<1x16xf32>,
        %get3A_2918 = vector.shape_cast %get3A_2917 : vector<1x16xf32> to vector<16xf32>
        %mul3A_2919 = vector.broadcast %squeeze3A_2903 : f32 to vector<16xf32>
        %mul3A_2920 = arith.mulf %mul3A_2919, %get3A_2918 : vector<16xf32>
        %add3A_2921 = arith.addf %add3A_2901, %mul3A_2920 : vector<16xf32>
        %slice3A_2922 = vector.extract_strided_slice %get3A_506 {offsets = [13], sizes = [1], strides = [1]} : vector<16xf32> to vector<1xf32>
        %squeeze3A_2923 = vector.extract %slice3A_2922[0] : f32 from vector<1xf32>
        %add3A_2924 = arith.constant 1536 : i32
        %add3A_2925 = arith.addi %add3A_2924, %add3A_2797 : i32
        %get3A_2926 = arith.index_cast %add3A_2925 : i32 to index
        %get3A_2927 = arith.constant 0 : index
        %get3A_2928 = tpu.vector_load %arg13[%get3A_2926, %get3A_2927] {strides = array<i32>} : memref<2048x32xf32, #tpu.memory_space<vmem>>, vector<1x16xf32>,
        %get3A_2929 = vector.shape_cast %get3A_2928 : vector<1x16xf32> to vector<16xf32>
        %mul3A_2930 = vector.broadcast %squeeze3A_2923 : f32 to vector<16xf32>
        %mul3A_2931 = arith.mulf %mul3A_2930, %get3A_2929 : vector<16xf32>
        %add3A_2932 = arith.addf %add3A_2912, %mul3A_2931 : vector<16xf32>
        %add3A_2933 = arith.constant 1536 : i32
        %add3A_2934 = arith.addi %add3A_2933, %add3A_2797 : i32
        %get3A_2935 = arith.index_cast %add3A_2934 : i32 to index
        %get3A_2936 = arith.constant 12 : index
        %get3A_2937 = tpu.vector_load %arg13[%get3A_2935, %get3A_2936] {strides = array<i32>} : memref<2048x32xf32, #tpu.memory_space<vmem>>, vector<1x16xf32>,
        %get3A_2938 = vector.shape_cast %get3A_2937 : vector<1x16xf32> to vector<16xf32>
        %mul3A_2939 = vector.broadcast %squeeze3A_2923 : f32 to vector<16xf32>
        %mul3A_2940 = arith.mulf %mul3A_2939, %get3A_2938 : vector<16xf32>
        %add3A_2941 = arith.addf %add3A_2921, %mul3A_2940 : vector<16xf32>
        %slice3A_2942 = vector.extract_strided_slice %get3A_511 {offsets = [13], sizes = [1], strides = [1]} : vector<16xf32> to vector<1xf32>
        %squeeze3A_2943 = vector.extract %slice3A_2942[0] : f32 from vector<1xf32>
        %add3A_2944 = arith.constant 1792 : i32
        %add3A_2945 = arith.addi %add3A_2944, %add3A_2797 : i32
        %get3A_2946 = arith.index_cast %add3A_2945 : i32 to index
        %get3A_2947 = arith.constant 0 : index
        %get3A_2948 = tpu.vector_load %arg13[%get3A_2946, %get3A_2947] {strides = array<i32>} : memref<2048x32xf32, #tpu.memory_space<vmem>>, vector<1x16xf32>,
        %get3A_2949 = vector.shape_cast %get3A_2948 : vector<1x16xf32> to vector<16xf32>
        %mul3A_2950 = vector.broadcast %squeeze3A_2943 : f32 to vector<16xf32>
        %mul3A_2951 = arith.mulf %mul3A_2950, %get3A_2949 : vector<16xf32>
        %add3A_2952 = arith.addf %add3A_2932, %mul3A_2951 : vector<16xf32>
        %add3A_2953 = arith.constant 1792 : i32
        %add3A_2954 = arith.addi %add3A_2953, %add3A_2797 : i32
        %get3A_2955 = arith.index_cast %add3A_2954 : i32 to index
        %get3A_2956 = arith.constant 12 : index
        %get3A_2957 = tpu.vector_load %arg13[%get3A_2955, %get3A_2956] {strides = array<i32>} : memref<2048x32xf32, #tpu.memory_space<vmem>>, vector<1x16xf32>,
        %get3A_2958 = vector.shape_cast %get3A_2957 : vector<1x16xf32> to vector<16xf32>
        %mul3A_2959 = vector.broadcast %squeeze3A_2943 : f32 to vector<16xf32>
        %mul3A_2960 = arith.mulf %mul3A_2959, %get3A_2958 : vector<16xf32>
        %add3A_2961 = arith.addf %add3A_2941, %mul3A_2960 : vector<16xf32>
        %swap3A_2962 = arith.index_cast %add3A_2797 : i32 to index
        %swap3A_2963 = arith.constant 0 : index
        %swap3A_2964 = tpu.vector_load %arg15[%swap3A_2962, %swap3A_2963] {strides = array<i32>} : memref<256x28xf32, #tpu.memory_space<vmem>>, vector<1x16xf32>,
        %swap3A_2965 = vector.shape_cast %swap3A_2964 : vector<1x16xf32> to vector<16xf32>
        %swap3A_2966 = vector.shape_cast %add3A_2952 : vector<16xf32> to vector<1x16xf32>
        tpu.vector_store %arg15[%swap3A_2962, %swap3A_2963], %swap3A_2966 {strides = array<i32>} : memref<256x28xf32, #tpu.memory_space<vmem>>, vector<1x16xf32>,
        %swap3A_2967 = arith.index_cast %add3A_2797 : i32 to index
        %swap3A_2968 = arith.constant 12 : index
        %swap3A_2969 = tpu.vector_load %arg15[%swap3A_2967, %swap3A_2968] {strides = array<i32>} : memref<256x28xf32, #tpu.memory_space<vmem>>, vector<1x16xf32>,
        %swap3A_2970 = vector.shape_cast %swap3A_2969 : vector<1x16xf32> to vector<16xf32>
        %swap3A_2971 = vector.shape_cast %add3A_2961 : vector<16xf32> to vector<1x16xf32>
        tpu.vector_store %arg15[%swap3A_2967, %swap3A_2968], %swap3A_2971 {strides = array<i32>} : memref<256x28xf32, #tpu.memory_space<vmem>>, vector<1x16xf32>,
        %add3A_2972 = arith.constant 14 : i32
        %add3A_2973 = arith.addi %mul3A_472, %add3A_2972 : i32
        %broadcast_in_dim3A_2974 = arith.constant 0.000000e+00 : f32
        %broadcast_in_dim3A_2975 = vector.broadcast %broadcast_in_dim3A_2974 : f32 to vector<16xf32>
        %broadcast_in_dim3A_2976 = arith.constant 0.000000e+00 : f32
        %broadcast_in_dim3A_2977 = vector.broadcast %broadcast_in_dim3A_2976 : f32 to vector<16xf32>
        %slice3A_2978 = vector.extract_strided_slice %get3A_476 {offsets = [14], sizes = [1], strides = [1]} : vector<16xf32> to vector<1xf32>
        %squeeze3A_2979 = vector.extract %slice3A_2978[0] : f32 from vector<1xf32>
        %add3A_2980 = arith.constant 0 : i32
        %add3A_2981 = arith.addi %add3A_2980, %add3A_2973 : i32
        %get3A_2982 = arith.index_cast %add3A_2981 : i32 to index
        %get3A_2983 = arith.constant 0 : index
        %get3A_2984 = tpu.vector_load %arg13[%get3A_2982, %get3A_2983] {strides = array<i32>} : memref<2048x32xf32, #tpu.memory_space<vmem>>, vector<1x16xf32>,
        %get3A_2985 = vector.shape_cast %get3A_2984 : vector<1x16xf32> to vector<16xf32>
        %mul3A_2986 = vector.broadcast %squeeze3A_2979 : f32 to vector<16xf32>
        %mul3A_2987 = arith.mulf %mul3A_2986, %get3A_2985 : vector<16xf32>
        %add3A_2988 = arith.addf %broadcast_in_dim3A_2975, %mul3A_2987 : vector<16xf32>
        %add3A_2989 = arith.constant 0 : i32
        %add3A_2990 = arith.addi %add3A_2989, %add3A_2973 : i32
        %get3A_2991 = arith.index_cast %add3A_2990 : i32 to index
        %get3A_2992 = arith.constant 12 : index
        %get3A_2993 = tpu.vector_load %arg13[%get3A_2991, %get3A_2992] {strides = array<i32>} : memref<2048x32xf32, #tpu.memory_space<vmem>>, vector<1x16xf32>,
        %get3A_2994 = vector.shape_cast %get3A_2993 : vector<1x16xf32> to vector<16xf32>
        %mul3A_2995 = vector.broadcast %squeeze3A_2979 : f32 to vector<16xf32>
        %mul3A_2996 = arith.mulf %mul3A_2995, %get3A_2994 : vector<16xf32>
        %add3A_2997 = arith.addf %broadcast_in_dim3A_2977, %mul3A_2996 : vector<16xf32>
        %slice3A_2998 = vector.extract_strided_slice %get3A_481 {offsets = [14], sizes = [1], strides = [1]} : vector<16xf32> to vector<1xf32>
        %squeeze3A_2999 = vector.extract %slice3A_2998[0] : f32 from vector<1xf32>
        %add3A_3000 = arith.constant 256 : i32
        %add3A_3001 = arith.addi %add3A_3000, %add3A_2973 : i32
        %get3A_3002 = arith.index_cast %add3A_3001 : i32 to index
        %get3A_3003 = arith.constant 0 : index
        %get3A_3004 = tpu.vector_load %arg13[%get3A_3002, %get3A_3003] {strides = array<i32>} : memref<2048x32xf32, #tpu.memory_space<vmem>>, vector<1x16xf32>,
        %get3A_3005 = vector.shape_cast %get3A_3004 : vector<1x16xf32> to vector<16xf32>
        %mul3A_3006 = vector.broadcast %squeeze3A_2999 : f32 to vector<16xf32>
        %mul3A_3007 = arith.mulf %mul3A_3006, %get3A_3005 : vector<16xf32>
        %add3A_3008 = arith.addf %add3A_2988, %mul3A_3007 : vector<16xf32>
        %add3A_3009 = arith.constant 256 : i32
        %add3A_3010 = arith.addi %add3A_3009, %add3A_2973 : i32
        %get3A_3011 = arith.index_cast %add3A_3010 : i32 to index
        %get3A_3012 = arith.constant 12 : index
        %get3A_3013 = tpu.vector_load %arg13[%get3A_3011, %get3A_3012] {strides = array<i32>} : memref<2048x32xf32, #tpu.memory_space<vmem>>, vector<1x16xf32>,
        %get3A_3014 = vector.shape_cast %get3A_3013 : vector<1x16xf32> to vector<16xf32>
        %mul3A_3015 = vector.broadcast %squeeze3A_2999 : f32 to vector<16xf32>
        %mul3A_3016 = arith.mulf %mul3A_3015, %get3A_3014 : vector<16xf32>
        %add3A_3017 = arith.addf %add3A_2997, %mul3A_3016 : vector<16xf32>
        %slice3A_3018 = vector.extract_strided_slice %get3A_486 {offsets = [14], sizes = [1], strides = [1]} : vector<16xf32> to vector<1xf32>
        %squeeze3A_3019 = vector.extract %slice3A_3018[0] : f32 from vector<1xf32>
        %add3A_3020 = arith.constant 512 : i32
        %add3A_3021 = arith.addi %add3A_3020, %add3A_2973 : i32
        %get3A_3022 = arith.index_cast %add3A_3021 : i32 to index
        %get3A_3023 = arith.constant 0 : index
        %get3A_3024 = tpu.vector_load %arg13[%get3A_3022, %get3A_3023] {strides = array<i32>} : memref<2048x32xf32, #tpu.memory_space<vmem>>, vector<1x16xf32>,
        %get3A_3025 = vector.shape_cast %get3A_3024 : vector<1x16xf32> to vector<16xf32>
        %mul3A_3026 = vector.broadcast %squeeze3A_3019 : f32 to vector<16xf32>
        %mul3A_3027 = arith.mulf %mul3A_3026, %get3A_3025 : vector<16xf32>
        %add3A_3028 = arith.addf %add3A_3008, %mul3A_3027 : vector<16xf32>
        %add3A_3029 = arith.constant 512 : i32
        %add3A_3030 = arith.addi %add3A_3029, %add3A_2973 : i32
        %get3A_3031 = arith.index_cast %add3A_3030 : i32 to index
        %get3A_3032 = arith.constant 12 : index
        %get3A_3033 = tpu.vector_load %arg13[%get3A_3031, %get3A_3032] {strides = array<i32>} : memref<2048x32xf32, #tpu.memory_space<vmem>>, vector<1x16xf32>,
        %get3A_3034 = vector.shape_cast %get3A_3033 : vector<1x16xf32> to vector<16xf32>
        %mul3A_3035 = vector.broadcast %squeeze3A_3019 : f32 to vector<16xf32>
        %mul3A_3036 = arith.mulf %mul3A_3035, %get3A_3034 : vector<16xf32>
        %add3A_3037 = arith.addf %add3A_3017, %mul3A_3036 : vector<16xf32>
        %slice3A_3038 = vector.extract_strided_slice %get3A_491 {offsets = [14], sizes = [1], strides = [1]} : vector<16xf32> to vector<1xf32>
        %squeeze3A_3039 = vector.extract %slice3A_3038[0] : f32 from vector<1xf32>
        %add3A_3040 = arith.constant 768 : i32
        %add3A_3041 = arith.addi %add3A_3040, %add3A_2973 : i32
        %get3A_3042 = arith.index_cast %add3A_3041 : i32 to index
        %get3A_3043 = arith.constant 0 : index
        %get3A_3044 = tpu.vector_load %arg13[%get3A_3042, %get3A_3043] {strides = array<i32>} : memref<2048x32xf32, #tpu.memory_space<vmem>>, vector<1x16xf32>,
        %get3A_3045 = vector.shape_cast %get3A_3044 : vector<1x16xf32> to vector<16xf32>
        %mul3A_3046 = vector.broadcast %squeeze3A_3039 : f32 to vector<16xf32>
        %mul3A_3047 = arith.mulf %mul3A_3046, %get3A_3045 : vector<16xf32>
        %add3A_3048 = arith.addf %add3A_3028, %mul3A_3047 : vector<16xf32>
        %add3A_3049 = arith.constant 768 : i32
        %add3A_3050 = arith.addi %add3A_3049, %add3A_2973 : i32
        %get3A_3051 = arith.index_cast %add3A_3050 : i32 to index
        %get3A_3052 = arith.constant 12 : index
        %get3A_3053 = tpu.vector_load %arg13[%get3A_3051, %get3A_3052] {strides = array<i32>} : memref<2048x32xf32, #tpu.memory_space<vmem>>, vector<1x16xf32>,
        %get3A_3054 = vector.shape_cast %get3A_3053 : vector<1x16xf32> to vector<16xf32>
        %mul3A_3055 = vector.broadcast %squeeze3A_3039 : f32 to vector<16xf32>
        %mul3A_3056 = arith.mulf %mul3A_3055, %get3A_3054 : vector<16xf32>
        %add3A_3057 = arith.addf %add3A_3037, %mul3A_3056 : vector<16xf32>
        %slice3A_3058 = vector.extract_strided_slice %get3A_496 {offsets = [14], sizes = [1], strides = [1]} : vector<16xf32> to vector<1xf32>
        %squeeze3A_3059 = vector.extract %slice3A_3058[0] : f32 from vector<1xf32>
        %add3A_3060 = arith.constant 1024 : i32
        %add3A_3061 = arith.addi %add3A_3060, %add3A_2973 : i32
        %get3A_3062 = arith.index_cast %add3A_3061 : i32 to index
        %get3A_3063 = arith.constant 0 : index
        %get3A_3064 = tpu.vector_load %arg13[%get3A_3062, %get3A_3063] {strides = array<i32>} : memref<2048x32xf32, #tpu.memory_space<vmem>>, vector<1x16xf32>,
        %get3A_3065 = vector.shape_cast %get3A_3064 : vector<1x16xf32> to vector<16xf32>
        %mul3A_3066 = vector.broadcast %squeeze3A_3059 : f32 to vector<16xf32>
        %mul3A_3067 = arith.mulf %mul3A_3066, %get3A_3065 : vector<16xf32>
        %add3A_3068 = arith.addf %add3A_3048, %mul3A_3067 : vector<16xf32>
        %add3A_3069 = arith.constant 1024 : i32
        %add3A_3070 = arith.addi %add3A_3069, %add3A_2973 : i32
        %get3A_3071 = arith.index_cast %add3A_3070 : i32 to index
        %get3A_3072 = arith.constant 12 : index
        %get3A_3073 = tpu.vector_load %arg13[%get3A_3071, %get3A_3072] {strides = array<i32>} : memref<2048x32xf32, #tpu.memory_space<vmem>>, vector<1x16xf32>,
        %get3A_3074 = vector.shape_cast %get3A_3073 : vector<1x16xf32> to vector<16xf32>
        %mul3A_3075 = vector.broadcast %squeeze3A_3059 : f32 to vector<16xf32>
        %mul3A_3076 = arith.mulf %mul3A_3075, %get3A_3074 : vector<16xf32>
        %add3A_3077 = arith.addf %add3A_3057, %mul3A_3076 : vector<16xf32>
        %slice3A_3078 = vector.extract_strided_slice %get3A_501 {offsets = [14], sizes = [1], strides = [1]} : vector<16xf32> to vector<1xf32>
        %squeeze3A_3079 = vector.extract %slice3A_3078[0] : f32 from vector<1xf32>
        %add3A_3080 = arith.constant 1280 : i32
        %add3A_3081 = arith.addi %add3A_3080, %add3A_2973 : i32
        %get3A_3082 = arith.index_cast %add3A_3081 : i32 to index
        %get3A_3083 = arith.constant 0 : index
        %get3A_3084 = tpu.vector_load %arg13[%get3A_3082, %get3A_3083] {strides = array<i32>} : memref<2048x32xf32, #tpu.memory_space<vmem>>, vector<1x16xf32>,
        %get3A_3085 = vector.shape_cast %get3A_3084 : vector<1x16xf32> to vector<16xf32>
        %mul3A_3086 = vector.broadcast %squeeze3A_3079 : f32 to vector<16xf32>
        %mul3A_3087 = arith.mulf %mul3A_3086, %get3A_3085 : vector<16xf32>
        %add3A_3088 = arith.addf %add3A_3068, %mul3A_3087 : vector<16xf32>
        %add3A_3089 = arith.constant 1280 : i32
        %add3A_3090 = arith.addi %add3A_3089, %add3A_2973 : i32
        %get3A_3091 = arith.index_cast %add3A_3090 : i32 to index
        %get3A_3092 = arith.constant 12 : index
        %get3A_3093 = tpu.vector_load %arg13[%get3A_3091, %get3A_3092] {strides = array<i32>} : memref<2048x32xf32, #tpu.memory_space<vmem>>, vector<1x16xf32>,
        %get3A_3094 = vector.shape_cast %get3A_3093 : vector<1x16xf32> to vector<16xf32>
        %mul3A_3095 = vector.broadcast %squeeze3A_3079 : f32 to vector<16xf32>
        %mul3A_3096 = arith.mulf %mul3A_3095, %get3A_3094 : vector<16xf32>
        %add3A_3097 = arith.addf %add3A_3077, %mul3A_3096 : vector<16xf32>
        %slice3A_3098 = vector.extract_strided_slice %get3A_506 {offsets = [14], sizes = [1], strides = [1]} : vector<16xf32> to vector<1xf32>
        %squeeze3A_3099 = vector.extract %slice3A_3098[0] : f32 from vector<1xf32>
        %add3A_3100 = arith.constant 1536 : i32
        %add3A_3101 = arith.addi %add3A_3100, %add3A_2973 : i32
        %get3A_3102 = arith.index_cast %add3A_3101 : i32 to index
        %get3A_3103 = arith.constant 0 : index
        %get3A_3104 = tpu.vector_load %arg13[%get3A_3102, %get3A_3103] {strides = array<i32>} : memref<2048x32xf32, #tpu.memory_space<vmem>>, vector<1x16xf32>,
        %get3A_3105 = vector.shape_cast %get3A_3104 : vector<1x16xf32> to vector<16xf32>
        %mul3A_3106 = vector.broadcast %squeeze3A_3099 : f32 to vector<16xf32>
        %mul3A_3107 = arith.mulf %mul3A_3106, %get3A_3105 : vector<16xf32>
        %add3A_3108 = arith.addf %add3A_3088, %mul3A_3107 : vector<16xf32>
        %add3A_3109 = arith.constant 1536 : i32
        %add3A_3110 = arith.addi %add3A_3109, %add3A_2973 : i32
        %get3A_3111 = arith.index_cast %add3A_3110 : i32 to index
        %get3A_3112 = arith.constant 12 : index
        %get3A_3113 = tpu.vector_load %arg13[%get3A_3111, %get3A_3112] {strides = array<i32>} : memref<2048x32xf32, #tpu.memory_space<vmem>>, vector<1x16xf32>,
        %get3A_3114 = vector.shape_cast %get3A_3113 : vector<1x16xf32> to vector<16xf32>
        %mul3A_3115 = vector.broadcast %squeeze3A_3099 : f32 to vector<16xf32>
        %mul3A_3116 = arith.mulf %mul3A_3115, %get3A_3114 : vector<16xf32>
        %add3A_3117 = arith.addf %add3A_3097, %mul3A_3116 : vector<16xf32>
        %slice3A_3118 = vector.extract_strided_slice %get3A_511 {offsets = [14], sizes = [1], strides = [1]} : vector<16xf32> to vector<1xf32>
        %squeeze3A_3119 = vector.extract %slice3A_3118[0] : f32 from vector<1xf32>
        %add3A_3120 = arith.constant 1792 : i32
        %add3A_3121 = arith.addi %add3A_3120, %add3A_2973 : i32
        %get3A_3122 = arith.index_cast %add3A_3121 : i32 to index
        %get3A_3123 = arith.constant 0 : index
        %get3A_3124 = tpu.vector_load %arg13[%get3A_3122, %get3A_3123] {strides = array<i32>} : memref<2048x32xf32, #tpu.memory_space<vmem>>, vector<1x16xf32>,
        %get3A_3125 = vector.shape_cast %get3A_3124 : vector<1x16xf32> to vector<16xf32>
        %mul3A_3126 = vector.broadcast %squeeze3A_3119 : f32 to vector<16xf32>
        %mul3A_3127 = arith.mulf %mul3A_3126, %get3A_3125 : vector<16xf32>
        %add3A_3128 = arith.addf %add3A_3108, %mul3A_3127 : vector<16xf32>
        %add3A_3129 = arith.constant 1792 : i32
        %add3A_3130 = arith.addi %add3A_3129, %add3A_2973 : i32
        %get3A_3131 = arith.index_cast %add3A_3130 : i32 to index
        %get3A_3132 = arith.constant 12 : index
        %get3A_3133 = tpu.vector_load %arg13[%get3A_3131, %get3A_3132] {strides = array<i32>} : memref<2048x32xf32, #tpu.memory_space<vmem>>, vector<1x16xf32>,
        %get3A_3134 = vector.shape_cast %get3A_3133 : vector<1x16xf32> to vector<16xf32>
        %mul3A_3135 = vector.broadcast %squeeze3A_3119 : f32 to vector<16xf32>
        %mul3A_3136 = arith.mulf %mul3A_3135, %get3A_3134 : vector<16xf32>
        %add3A_3137 = arith.addf %add3A_3117, %mul3A_3136 : vector<16xf32>
        %swap3A_3138 = arith.index_cast %add3A_2973 : i32 to index
        %swap3A_3139 = arith.constant 0 : index
        %swap3A_3140 = tpu.vector_load %arg15[%swap3A_3138, %swap3A_3139] {strides = array<i32>} : memref<256x28xf32, #tpu.memory_space<vmem>>, vector<1x16xf32>,
        %swap3A_3141 = vector.shape_cast %swap3A_3140 : vector<1x16xf32> to vector<16xf32>
        %swap3A_3142 = vector.shape_cast %add3A_3128 : vector<16xf32> to vector<1x16xf32>
        tpu.vector_store %arg15[%swap3A_3138, %swap3A_3139], %swap3A_3142 {strides = array<i32>} : memref<256x28xf32, #tpu.memory_space<vmem>>, vector<1x16xf32>,
        %swap3A_3143 = arith.index_cast %add3A_2973 : i32 to index
        %swap3A_3144 = arith.constant 12 : index
        %swap3A_3145 = tpu.vector_load %arg15[%swap3A_3143, %swap3A_3144] {strides = array<i32>} : memref<256x28xf32, #tpu.memory_space<vmem>>, vector<1x16xf32>,
        %swap3A_3146 = vector.shape_cast %swap3A_3145 : vector<1x16xf32> to vector<16xf32>
        %swap3A_3147 = vector.shape_cast %add3A_3137 : vector<16xf32> to vector<1x16xf32>
        tpu.vector_store %arg15[%swap3A_3143, %swap3A_3144], %swap3A_3147 {strides = array<i32>} : memref<256x28xf32, #tpu.memory_space<vmem>>, vector<1x16xf32>,
        %add3A_3148 = arith.constant 15 : i32
        %add3A_3149 = arith.addi %mul3A_472, %add3A_3148 : i32
        %broadcast_in_dim3A_3150 = arith.constant 0.000000e+00 : f32
        %broadcast_in_dim3A_3151 = vector.broadcast %broadcast_in_dim3A_3150 : f32 to vector<16xf32>
        %broadcast_in_dim3A_3152 = arith.constant 0.000000e+00 : f32
        %broadcast_in_dim3A_3153 = vector.broadcast %broadcast_in_dim3A_3152 : f32 to vector<16xf32>
        %slice3A_3154 = vector.extract_strided_slice %get3A_476 {offsets = [15], sizes = [1], strides = [1]} : vector<16xf32> to vector<1xf32>
        %squeeze3A_3155 = vector.extract %slice3A_3154[0] : f32 from vector<1xf32>
        %add3A_3156 = arith.constant 0 : i32
        %add3A_3157 = arith.addi %add3A_3156, %add3A_3149 : i32
        %get3A_3158 = arith.index_cast %add3A_3157 : i32 to index
        %get3A_3159 = arith.constant 0 : index
        %get3A_3160 = tpu.vector_load %arg13[%get3A_3158, %get3A_3159] {strides = array<i32>} : memref<2048x32xf32, #tpu.memory_space<vmem>>, vector<1x16xf32>,
        %get3A_3161 = vector.shape_cast %get3A_3160 : vector<1x16xf32> to vector<16xf32>
        %mul3A_3162 = vector.broadcast %squeeze3A_3155 : f32 to vector<16xf32>
        %mul3A_3163 = arith.mulf %mul3A_3162, %get3A_3161 : vector<16xf32>
        %add3A_3164 = arith.addf %broadcast_in_dim3A_3151, %mul3A_3163 : vector<16xf32>
        %add3A_3165 = arith.constant 0 : i32
        %add3A_3166 = arith.addi %add3A_3165, %add3A_3149 : i32
        %get3A_3167 = arith.index_cast %add3A_3166 : i32 to index
        %get3A_3168 = arith.constant 12 : index
        %get3A_3169 = tpu.vector_load %arg13[%get3A_3167, %get3A_3168] {strides = array<i32>} : memref<2048x32xf32, #tpu.memory_space<vmem>>, vector<1x16xf32>,
        %get3A_3170 = vector.shape_cast %get3A_3169 : vector<1x16xf32> to vector<16xf32>
        %mul3A_3171 = vector.broadcast %squeeze3A_3155 : f32 to vector<16xf32>
        %mul3A_3172 = arith.mulf %mul3A_3171, %get3A_3170 : vector<16xf32>
        %add3A_3173 = arith.addf %broadcast_in_dim3A_3153, %mul3A_3172 : vector<16xf32>
        %slice3A_3174 = vector.extract_strided_slice %get3A_481 {offsets = [15], sizes = [1], strides = [1]} : vector<16xf32> to vector<1xf32>
        %squeeze3A_3175 = vector.extract %slice3A_3174[0] : f32 from vector<1xf32>
        %add3A_3176 = arith.constant 256 : i32
        %add3A_3177 = arith.addi %add3A_3176, %add3A_3149 : i32
        %get3A_3178 = arith.index_cast %add3A_3177 : i32 to index
        %get3A_3179 = arith.constant 0 : index
        %get3A_3180 = tpu.vector_load %arg13[%get3A_3178, %get3A_3179] {strides = array<i32>} : memref<2048x32xf32, #tpu.memory_space<vmem>>, vector<1x16xf32>,
        %get3A_3181 = vector.shape_cast %get3A_3180 : vector<1x16xf32> to vector<16xf32>
        %mul3A_3182 = vector.broadcast %squeeze3A_3175 : f32 to vector<16xf32>
        %mul3A_3183 = arith.mulf %mul3A_3182, %get3A_3181 : vector<16xf32>
        %add3A_3184 = arith.addf %add3A_3164, %mul3A_3183 : vector<16xf32>
        %add3A_3185 = arith.constant 256 : i32
        %add3A_3186 = arith.addi %add3A_3185, %add3A_3149 : i32
        %get3A_3187 = arith.index_cast %add3A_3186 : i32 to index
        %get3A_3188 = arith.constant 12 : index
        %get3A_3189 = tpu.vector_load %arg13[%get3A_3187, %get3A_3188] {strides = array<i32>} : memref<2048x32xf32, #tpu.memory_space<vmem>>, vector<1x16xf32>,
        %get3A_3190 = vector.shape_cast %get3A_3189 : vector<1x16xf32> to vector<16xf32>
        %mul3A_3191 = vector.broadcast %squeeze3A_3175 : f32 to vector<16xf32>
        %mul3A_3192 = arith.mulf %mul3A_3191, %get3A_3190 : vector<16xf32>
        %add3A_3193 = arith.addf %add3A_3173, %mul3A_3192 : vector<16xf32>
        %slice3A_3194 = vector.extract_strided_slice %get3A_486 {offsets = [15], sizes = [1], strides = [1]} : vector<16xf32> to vector<1xf32>
        %squeeze3A_3195 = vector.extract %slice3A_3194[0] : f32 from vector<1xf32>
        %add3A_3196 = arith.constant 512 : i32
        %add3A_3197 = arith.addi %add3A_3196, %add3A_3149 : i32
        %get3A_3198 = arith.index_cast %add3A_3197 : i32 to index
        %get3A_3199 = arith.constant 0 : index
        %get3A_3200 = tpu.vector_load %arg13[%get3A_3198, %get3A_3199] {strides = array<i32>} : memref<2048x32xf32, #tpu.memory_space<vmem>>, vector<1x16xf32>,
        %get3A_3201 = vector.shape_cast %get3A_3200 : vector<1x16xf32> to vector<16xf32>
        %mul3A_3202 = vector.broadcast %squeeze3A_3195 : f32 to vector<16xf32>
        %mul3A_3203 = arith.mulf %mul3A_3202, %get3A_3201 : vector<16xf32>
        %add3A_3204 = arith.addf %add3A_3184, %mul3A_3203 : vector<16xf32>
        %add3A_3205 = arith.constant 512 : i32
        %add3A_3206 = arith.addi %add3A_3205, %add3A_3149 : i32
        %get3A_3207 = arith.index_cast %add3A_3206 : i32 to index
        %get3A_3208 = arith.constant 12 : index
        %get3A_3209 = tpu.vector_load %arg13[%get3A_3207, %get3A_3208] {strides = array<i32>} : memref<2048x32xf32, #tpu.memory_space<vmem>>, vector<1x16xf32>,
        %get3A_3210 = vector.shape_cast %get3A_3209 : vector<1x16xf32> to vector<16xf32>
        %mul3A_3211 = vector.broadcast %squeeze3A_3195 : f32 to vector<16xf32>
        %mul3A_3212 = arith.mulf %mul3A_3211, %get3A_3210 : vector<16xf32>
        %add3A_3213 = arith.addf %add3A_3193, %mul3A_3212 : vector<16xf32>
        %slice3A_3214 = vector.extract_strided_slice %get3A_491 {offsets = [15], sizes = [1], strides = [1]} : vector<16xf32> to vector<1xf32>
        %squeeze3A_3215 = vector.extract %slice3A_3214[0] : f32 from vector<1xf32>
        %add3A_3216 = arith.constant 768 : i32
        %add3A_3217 = arith.addi %add3A_3216, %add3A_3149 : i32
        %get3A_3218 = arith.index_cast %add3A_3217 : i32 to index
        %get3A_3219 = arith.constant 0 : index
        %get3A_3220 = tpu.vector_load %arg13[%get3A_3218, %get3A_3219] {strides = array<i32>} : memref<2048x32xf32, #tpu.memory_space<vmem>>, vector<1x16xf32>,
        %get3A_3221 = vector.shape_cast %get3A_3220 : vector<1x16xf32> to vector<16xf32>
        %mul3A_3222 = vector.broadcast %squeeze3A_3215 : f32 to vector<16xf32>
        %mul3A_3223 = arith.mulf %mul3A_3222, %get3A_3221 : vector<16xf32>
        %add3A_3224 = arith.addf %add3A_3204, %mul3A_3223 : vector<16xf32>
        %add3A_3225 = arith.constant 768 : i32
        %add3A_3226 = arith.addi %add3A_3225, %add3A_3149 : i32
        %get3A_3227 = arith.index_cast %add3A_3226 : i32 to index
        %get3A_3228 = arith.constant 12 : index
        %get3A_3229 = tpu.vector_load %arg13[%get3A_3227, %get3A_3228] {strides = array<i32>} : memref<2048x32xf32, #tpu.memory_space<vmem>>, vector<1x16xf32>,
        %get3A_3230 = vector.shape_cast %get3A_3229 : vector<1x16xf32> to vector<16xf32>
        %mul3A_3231 = vector.broadcast %squeeze3A_3215 : f32 to vector<16xf32>
        %mul3A_3232 = arith.mulf %mul3A_3231, %get3A_3230 : vector<16xf32>
        %add3A_3233 = arith.addf %add3A_3213, %mul3A_3232 : vector<16xf32>
        %slice3A_3234 = vector.extract_strided_slice %get3A_496 {offsets = [15], sizes = [1], strides = [1]} : vector<16xf32> to vector<1xf32>
        %squeeze3A_3235 = vector.extract %slice3A_3234[0] : f32 from vector<1xf32>
        %add3A_3236 = arith.constant 1024 : i32
        %add3A_3237 = arith.addi %add3A_3236, %add3A_3149 : i32
        %get3A_3238 = arith.index_cast %add3A_3237 : i32 to index
        %get3A_3239 = arith.constant 0 : index
        %get3A_3240 = tpu.vector_load %arg13[%get3A_3238, %get3A_3239] {strides = array<i32>} : memref<2048x32xf32, #tpu.memory_space<vmem>>, vector<1x16xf32>,
        %get3A_3241 = vector.shape_cast %get3A_3240 : vector<1x16xf32> to vector<16xf32>
        %mul3A_3242 = vector.broadcast %squeeze3A_3235 : f32 to vector<16xf32>
        %mul3A_3243 = arith.mulf %mul3A_3242, %get3A_3241 : vector<16xf32>
        %add3A_3244 = arith.addf %add3A_3224, %mul3A_3243 : vector<16xf32>
        %add3A_3245 = arith.constant 1024 : i32
        %add3A_3246 = arith.addi %add3A_3245, %add3A_3149 : i32
        %get3A_3247 = arith.index_cast %add3A_3246 : i32 to index
        %get3A_3248 = arith.constant 12 : index
        %get3A_3249 = tpu.vector_load %arg13[%get3A_3247, %get3A_3248] {strides = array<i32>} : memref<2048x32xf32, #tpu.memory_space<vmem>>, vector<1x16xf32>,
        %get3A_3250 = vector.shape_cast %get3A_3249 : vector<1x16xf32> to vector<16xf32>
        %mul3A_3251 = vector.broadcast %squeeze3A_3235 : f32 to vector<16xf32>
        %mul3A_3252 = arith.mulf %mul3A_3251, %get3A_3250 : vector<16xf32>
        %add3A_3253 = arith.addf %add3A_3233, %mul3A_3252 : vector<16xf32>
        %slice3A_3254 = vector.extract_strided_slice %get3A_501 {offsets = [15], sizes = [1], strides = [1]} : vector<16xf32> to vector<1xf32>
        %squeeze3A_3255 = vector.extract %slice3A_3254[0] : f32 from vector<1xf32>
        %add3A_3256 = arith.constant 1280 : i32
        %add3A_3257 = arith.addi %add3A_3256, %add3A_3149 : i32
        %get3A_3258 = arith.index_cast %add3A_3257 : i32 to index
        %get3A_3259 = arith.constant 0 : index
        %get3A_3260 = tpu.vector_load %arg13[%get3A_3258, %get3A_3259] {strides = array<i32>} : memref<2048x32xf32, #tpu.memory_space<vmem>>, vector<1x16xf32>,
        %get3A_3261 = vector.shape_cast %get3A_3260 : vector<1x16xf32> to vector<16xf32>
        %mul3A_3262 = vector.broadcast %squeeze3A_3255 : f32 to vector<16xf32>
        %mul3A_3263 = arith.mulf %mul3A_3262, %get3A_3261 : vector<16xf32>
        %add3A_3264 = arith.addf %add3A_3244, %mul3A_3263 : vector<16xf32>
        %add3A_3265 = arith.constant 1280 : i32
        %add3A_3266 = arith.addi %add3A_3265, %add3A_3149 : i32
        %get3A_3267 = arith.index_cast %add3A_3266 : i32 to index
        %get3A_3268 = arith.constant 12 : index
        %get3A_3269 = tpu.vector_load %arg13[%get3A_3267, %get3A_3268] {strides = array<i32>} : memref<2048x32xf32, #tpu.memory_space<vmem>>, vector<1x16xf32>,
        %get3A_3270 = vector.shape_cast %get3A_3269 : vector<1x16xf32> to vector<16xf32>
        %mul3A_3271 = vector.broadcast %squeeze3A_3255 : f32 to vector<16xf32>
        %mul3A_3272 = arith.mulf %mul3A_3271, %get3A_3270 : vector<16xf32>
        %add3A_3273 = arith.addf %add3A_3253, %mul3A_3272 : vector<16xf32>
        %slice3A_3274 = vector.extract_strided_slice %get3A_506 {offsets = [15], sizes = [1], strides = [1]} : vector<16xf32> to vector<1xf32>
        %squeeze3A_3275 = vector.extract %slice3A_3274[0] : f32 from vector<1xf32>
        %add3A_3276 = arith.constant 1536 : i32
        %add3A_3277 = arith.addi %add3A_3276, %add3A_3149 : i32
        %get3A_3278 = arith.index_cast %add3A_3277 : i32 to index
        %get3A_3279 = arith.constant 0 : index
        %get3A_3280 = tpu.vector_load %arg13[%get3A_3278, %get3A_3279] {strides = array<i32>} : memref<2048x32xf32, #tpu.memory_space<vmem>>, vector<1x16xf32>,
        %get3A_3281 = vector.shape_cast %get3A_3280 : vector<1x16xf32> to vector<16xf32>
        %mul3A_3282 = vector.broadcast %squeeze3A_3275 : f32 to vector<16xf32>
        %mul3A_3283 = arith.mulf %mul3A_3282, %get3A_3281 : vector<16xf32>
        %add3A_3284 = arith.addf %add3A_3264, %mul3A_3283 : vector<16xf32>
        %add3A_3285 = arith.constant 1536 : i32
        %add3A_3286 = arith.addi %add3A_3285, %add3A_3149 : i32
        %get3A_3287 = arith.index_cast %add3A_3286 : i32 to index
        %get3A_3288 = arith.constant 12 : index
        %get3A_3289 = tpu.vector_load %arg13[%get3A_3287, %get3A_3288] {strides = array<i32>} : memref<2048x32xf32, #tpu.memory_space<vmem>>, vector<1x16xf32>,
        %get3A_3290 = vector.shape_cast %get3A_3289 : vector<1x16xf32> to vector<16xf32>
        %mul3A_3291 = vector.broadcast %squeeze3A_3275 : f32 to vector<16xf32>
        %mul3A_3292 = arith.mulf %mul3A_3291, %get3A_3290 : vector<16xf32>
        %add3A_3293 = arith.addf %add3A_3273, %mul3A_3292 : vector<16xf32>
        %slice3A_3294 = vector.extract_strided_slice %get3A_511 {offsets = [15], sizes = [1], strides = [1]} : vector<16xf32> to vector<1xf32>
        %squeeze3A_3295 = vector.extract %slice3A_3294[0] : f32 from vector<1xf32>
        %add3A_3296 = arith.constant 1792 : i32
        %add3A_3297 = arith.addi %add3A_3296, %add3A_3149 : i32
        %get3A_3298 = arith.index_cast %add3A_3297 : i32 to index
        %get3A_3299 = arith.constant 0 : index
        %get3A_3300 = tpu.vector_load %arg13[%get3A_3298, %get3A_3299] {strides = array<i32>} : memref<2048x32xf32, #tpu.memory_space<vmem>>, vector<1x16xf32>,
        %get3A_3301 = vector.shape_cast %get3A_3300 : vector<1x16xf32> to vector<16xf32>
        %mul3A_3302 = vector.broadcast %squeeze3A_3295 : f32 to vector<16xf32>
        %mul3A_3303 = arith.mulf %mul3A_3302, %get3A_3301 : vector<16xf32>
        %add3A_3304 = arith.addf %add3A_3284, %mul3A_3303 : vector<16xf32>
        %add3A_3305 = arith.constant 1792 : i32
        %add3A_3306 = arith.addi %add3A_3305, %add3A_3149 : i32
        %get3A_3307 = arith.index_cast %add3A_3306 : i32 to index
        %get3A_3308 = arith.constant 12 : index
        %get3A_3309 = tpu.vector_load %arg13[%get3A_3307, %get3A_3308] {strides = array<i32>} : memref<2048x32xf32, #tpu.memory_space<vmem>>, vector<1x16xf32>,
        %get3A_3310 = vector.shape_cast %get3A_3309 : vector<1x16xf32> to vector<16xf32>
        %mul3A_3311 = vector.broadcast %squeeze3A_3295 : f32 to vector<16xf32>
        %mul3A_3312 = arith.mulf %mul3A_3311, %get3A_3310 : vector<16xf32>
        %add3A_3313 = arith.addf %add3A_3293, %mul3A_3312 : vector<16xf32>
        %swap3A_3314 = arith.index_cast %add3A_3149 : i32 to index
        %swap3A_3315 = arith.constant 0 : index
        %swap3A_3316 = tpu.vector_load %arg15[%swap3A_3314, %swap3A_3315] {strides = array<i32>} : memref<256x28xf32, #tpu.memory_space<vmem>>, vector<1x16xf32>,
        %swap3A_3317 = vector.shape_cast %swap3A_3316 : vector<1x16xf32> to vector<16xf32>
        %swap3A_3318 = vector.shape_cast %add3A_3304 : vector<16xf32> to vector<1x16xf32>
        tpu.vector_store %arg15[%swap3A_3314, %swap3A_3315], %swap3A_3318 {strides = array<i32>} : memref<256x28xf32, #tpu.memory_space<vmem>>, vector<1x16xf32>,
        %swap3A_3319 = arith.index_cast %add3A_3149 : i32 to index
        %swap3A_3320 = arith.constant 12 : index
        %swap3A_3321 = tpu.vector_load %arg15[%swap3A_3319, %swap3A_3320] {strides = array<i32>} : memref<256x28xf32, #tpu.memory_space<vmem>>, vector<1x16xf32>,
        %swap3A_3322 = vector.shape_cast %swap3A_3321 : vector<1x16xf32> to vector<16xf32>
        %swap3A_3323 = vector.shape_cast %add3A_3313 : vector<16xf32> to vector<1x16xf32>
        tpu.vector_store %arg15[%swap3A_3319, %swap3A_3320], %swap3A_3323 {strides = array<i32>} : memref<256x28xf32, #tpu.memory_space<vmem>>, vector<1x16xf32>,
      }
      %scan3A_469 = arith.constant 16 : i32
      "tpu.region"() ({
        %run_scoped3A = tpu.sem_alloc : memref<!tpu.dma_semaphore, #tpu.memory_space<semaphore_mem>>
        %dma_start3A_470 = arith.constant 0 : i32
        %dma_start3A_471 = tpu.memref_slice %arg7[%add3A_11, %dma_start3A_470] : memref<1048576x28xf32, #tpu.memory_space<hbm>> -> memref<256x28xf32, #tpu.memory_space<hbm>>
        %dma_start3A_472 = arith.constant 0 : i32
        %dma_start3A_473 = tpu.memref_slice %arg7[%add3A_11, %dma_start3A_472] : memref<1048576x28xf32, #tpu.memory_space<hbm>> -> memref<256x28xf32, #tpu.memory_space<hbm>>
        tpu.enqueue_dma source(%arg15 : memref<256x28xf32, #tpu.memory_space<vmem>>) target(%dma_start3A_473 : memref<256x28xf32, #tpu.memory_space<hbm>>) target_semaphore(%run_scoped3A : memref<!tpu.dma_semaphore, #tpu.memory_space<semaphore_mem>>)
        %dma_wait3A_474 = arith.constant 0 : i32
        %dma_wait3A_475 = tpu.memref_slice %arg7[%add3A_11, %dma_wait3A_474] : memref<1048576x28xf32, #tpu.memory_space<hbm>> -> memref<256x28xf32, #tpu.memory_space<hbm>>
        %dma_wait3A_476 = arith.constant 0 : i32
        %dma_wait3A_477 = tpu.memref_slice %arg7[%add3A_11, %dma_wait3A_476] : memref<1048576x28xf32, #tpu.memory_space<hbm>> -> memref<256x28xf32, #tpu.memory_space<hbm>>
        tpu.wait_dma2 semaphore(%run_scoped3A : memref<!tpu.dma_semaphore, #tpu.memory_space<semaphore_mem>>) src(%arg15 : memref<256x28xf32, #tpu.memory_space<vmem>>) dst(%dma_wait3A_477 : memref<256x28xf32, #tpu.memory_space<hbm>>)
        tpu.yield
      }) : () -> ()
    }
    %scan3A_5 = arith.constant 128 : i32
    return
  }
}

</mosaic_0001>

<sc_bundles>
// kernel: kernel.3.cloned.1.call-start
scs
__scs_entry_jumppad:
0x0: {  	(pc) =	sbr.rel $0x88, $3  }
0x1: {  	(tag) =	ssettag $0x0;
	lr =	simm.s32 $0x1  }
0x2: {  	[smem:$0x3F9D] =	sst lr;
	_ =	strace $0xD0000000  }
0x3: {  	_ = 	snop  }
0x4: {  	_ = 	snop  }
0x5: {  	_ = 	snop  }
0x6: {  	_ = 	snop  }
0x7: {  	_ = 	snop  }
__scs_overlays_trampoline_lowered:
0x8: {  	[smem:$0x3FAC] =	sst s0  }
0x9: {  	[smem:$0x3FAD] =	sst s1  }
0xa: {  	[smem:$0x3FAE] =	sst s2  }
0xb: {  	[smem:$0x3FAF] =	sst s3  }
0xc: {  	[smem:$0x3FB0] =	sst s4  }
0xd: {  	[smem:$0x3FB1] =	sst s5  }
0xe: {  	[smem:$0x3FB2] =	sst s6  }
0xf: {  	[smem:$0x3FB3] =	sst s7  }
0x10: {  	[smem:$0x3FB4] =	sst s8  }
0x11: {  	[smem:$0x3FB5] =	sst s9;
	s0 =	simm.s32 @!p0 $0x0  }
0x12: {  	s1 =	sld [smem:$0x3F9B];
	s0 =	simm.s32 @p0 $0x1  }
0x13: {  	[smem:$0x3FB6] =	sst s0;
	s0 =	simm.s32 @!p1 $0x0  }
0x14: {  	s2 =	sld [smem:$0x3F9A];
	s0 =	simm.s32 @p1 $0x1  }
0x15: {  	[smem:$0x3FB7] =	sst s0;
	s0 =	simm.s32 @!p2 $0x0  }
0x16: {  	s3 =	sld [smem:$0x3FDB];
	s0 =	simm.s32 @p2 $0x1  }
0x17: {  	s4 =	simm.s32 $0x1BF5;
	[smem:$0x3FB9] =	sst s0  }
0x18: {  	s0 =	sld [smem:$0x3F9C];
	_ =	swait.ge [sflag:s4], $0x0  }
0x19: {  	s7 =	sld [smem:$0x3F9D]  }
0x1a: {  	s8 =	sadd.s32 $0xFFFFE003, lr  }
0x1b: {  	s9 =	sadd.s32 $0xFFFFFEF7, lr;
	s5 =	simm.s32 $0xFFFFFFFF;
	p2 =	slt.u32 s8, $0xFFFFF086  }
0x1c: {  	p1 =	slt.u32 s9, $0xF7A;
	s5 =	simm.s32 @!p2 $0x0  }
0x1d: {  	s5 =	simm.s32 @p1 $0x1;
	p0 =	seq.s32 s7, s2  }
0x1e: {  	s7 =	smul.u32 @!p0 $0xF7A, s2;
	p2 =	seq.s32 @!p0 s5, $0x0  }
0x1f: {  	s9 =	smul.u32 $0xF7A, s1;
	s8 =	simm.s32 @!p0 $0x1BF5;
	p2 =	por !p2, p0  }
0x20: {  	[sflag:s8] =	ssyncset.s32 @!p0 $0xFFFFF086;
	s6 =	sadd.s32 @!p0 s3, s7;
	s7 =	simm.s32 @!p0 $0x108  }
0x21: {  	s3 =	sadd.s32 s3, s9;
	s6 =	sadd.s32 @!p0 $0x88, s6;
	s7 =	simm.s32 @p2 $0x1082  }
0x22: {  	[simem:s7], [sflag:s8] =	dma.local @!p0 [hbm:s6], $0xF7A  }
0x23: {  	s9 =	sor.u32 $0xD0000000, s2;
	s6 =	simm.s32 $0x108;
	_ =	swait.ge @!p0 [sflag:s8], $0x0  }
0x24: {  	s3 =	sadd.s32 $0x88, s3;
	s6 =	simm.s32 @!p1 $0x1082;
	[sflag:s4] =	ssyncset.s32 $0xFFFFF086  }
0x25: {  	[simem:s6], [sflag:s4] =	dma.local [hbm:s3], $0xF7A  }
0x26: {  	[smem:$0x3F9D] =	sst s1;
	(tag) =	ssettag s2;
	_ =	strace s9  }
0x27: {  	s1 =	sld [smem:$0x3FAD]  }
0x28: {  	s2 =	sld [smem:$0x3FAE]  }
0x29: {  	s4 =	sld [smem:$0x3FB0]  }
0x2a: {  	p0 =	seq.s32 s5, $0x0;
	s5 =	sld [smem:$0x3FB1]  }
0x2b: {  	s6 =	sld [smem:$0x3FB2]  }
0x2c: {  	s7 =	sld [smem:$0x3FB3]  }
0x2d: {  	s3 =	simm.s32 $0x108;
	s8 =	sld [smem:$0x3FB4]  }
0x2e: {  	s3 =	simm.s32 @!p0 $0x1082;
	s9 =	sld [smem:$0x3FB5]  }
0x2f: {  	lr =	sadd.s32 s0, s3;
	s0 =	sld [smem:$0x3FAC]  }
0x30: {  	s3 =	sld [smem:$0x3FAF]  }
0x31: {  	[smem:$0x3FB8] =	sst s10  }
0x32: {  	s10 =	sld [smem:$0x3FB6];
	_ =	sdelay $0x3  }
0x33: {  	p0 =	seq.s32 s10, $0x1;
	s10 =	sld [smem:$0x3FB8];
	_ =	sdelay $0x3  }
0x34: {  	[smem:$0x3FB8] =	sst s10  }
0x35: {  	s10 =	sld [smem:$0x3FB7];
	_ =	sdelay $0x3  }
0x36: {  	p1 =	seq.s32 s10, $0x1;
	s10 =	sld [smem:$0x3FB8];
	_ =	sdelay $0x3  }
0x37: {  	[smem:$0x3FB8] =	sst s10  }
0x38: {  	s10 =	sld [smem:$0x3FB9]  }
0x39: {  	_ = 	snop;
	(pc) =	sbr.ind lr, $3  }
0x3a: {  	_ = 	snop  }
0x3b: {  	_ = 	snop  }
0x3c: {  	p2 =	seq.s32 s10, $0x1;
	s10 =	sld [smem:$0x3FB8]  }
0x3d: {  	_ =	shalt  }
0x3e: {  	_ =	shalt  }
0x3f: {  	_ =	shalt  }
0x40: {  	_ =	shalt  }
0x41: {  	_ =	shalt  }
0x42: {  	_ =	shalt  }
0x43: {  	_ =	shalt  }
0x44: {  	_ =	shalt  }
0x45: {  	_ =	shalt  }
0x46: {  	_ =	shalt  }
0x47: {  	_ =	shalt  }
0x48: {  	_ =	shalt  }
0x49: {  	_ =	shalt  }
0x4a: {  	_ =	shalt  }
0x4b: {  	_ =	shalt  }
0x4c: {  	_ =	shalt  }
0x4d: {  	_ =	shalt  }
0x4e: {  	_ =	shalt  }
0x4f: {  	_ =	shalt  }
0x50: {  	_ =	shalt  }
0x51: {  	_ =	shalt  }
0x52: {  	_ =	shalt  }
0x53: {  	_ =	shalt  }
0x54: {  	_ =	shalt  }
0x55: {  	_ =	shalt  }
0x56: {  	_ =	shalt  }
0x57: {  	_ =	shalt  }
0x58: {  	_ =	shalt  }
0x59: {  	_ =	shalt  }
0x5a: {  	_ =	shalt  }
0x5b: {  	_ =	shalt  }
0x5c: {  	_ =	shalt  }
0x5d: {  	_ =	shalt  }
0x5e: {  	_ =	shalt  }
0x5f: {  	_ =	shalt  }
0x60: {  	_ =	shalt  }
0x61: {  	_ =	shalt  }
0x62: {  	_ =	shalt  }
0x63: {  	_ =	shalt  }
0x64: {  	_ =	shalt  }
0x65: {  	_ =	shalt  }
0x66: {  	_ =	shalt  }
0x67: {  	_ =	shalt  }
0x68: {  	_ =	shalt  }
0x69: {  	_ =	shalt  }
0x6a: {  	_ =	shalt  }
0x6b: {  	_ =	shalt  }
0x6c: {  	_ =	shalt  }
0x6d: {  	_ =	shalt  }
0x6e: {  	_ =	shalt  }
0x6f: {  	_ =	shalt  }
0x70: {  	_ =	shalt  }
0x71: {  	_ =	shalt  }
0x72: {  	_ =	shalt  }
0x73: {  	_ =	shalt  }
0x74: {  	_ =	shalt  }
0x75: {  	_ =	shalt  }
0x76: {  	_ =	shalt  }
0x77: {  	_ =	shalt  }
0x78: {  	_ =	shalt  }
0x79: {  	_ =	shalt  }
0x7a: {  	_ =	shalt  }
0x7b: {  	_ =	shalt  }
0x7c: {  	_ =	shalt  }
0x7d: {  	_ =	shalt  }
0x7e: {  	_ =	shalt  }
0x7f: {  	_ =	shalt  }
0x80: {  	_ =	shalt  }
0x81: {  	_ =	shalt  }
0x82: {  	_ =	shalt  }
0x83: {  	_ =	shalt  }
0x84: {  	_ =	shalt  }
0x85: {  	_ =	shalt  }
0x86: {  	_ =	shalt  }
0x87: {  	_ =	shalt  }
.Lfunc_end0:
.L_simem_size_0:
called_computation.3_lowered:
.L_overlay_start_0:
0x88: {  	s2 =	sld [smem:$0x3FD9]  }
0x89: {  	s3 =	sld [smem:$0x3FFE];
	_ =	sdelay $0x1  }
0x8a: {  	s1 =	srdreg.scid  }
0x8b: {  	s0 =	sand.u32 $0x1, s1  }
0x8c: {  	s17 =	sshll.u32 s0, $0xA;
	s2 =	sadd.s32 s3, s2  }
0x8d: {  	s2 =	sadd.s32 s2, s17  }
0x8e: {  	[smem:$0x3FC4] =	sst s2  }
0x8f: {  	_ = 	snop  }
0x90: {  	s2 =	sld [smem:$0x3FD0];
	(tm) =	ssettm $0x1  }
0x91: {  	s18 =	sld [smem:$0x3FFB];
	_ =	sdelay $0x3  }
0x92: {  	_ =	strace s18  }
0x93: {  	s3 =	sld [smem:$0x3FFC];
	_ =	sdelay $0x3  }
0x94: {  	_ =	strace s3  }
0x95: {  	s3 =	sld [smem:$0x3FFD];
	_ =	sdelay $0x3  }
0x96: {  	_ =	strace s3  }
0x97: {  	_ =	strace $0x8FFFFFFF  }
0x98: {  	s19 =	sld [smem:$0x3FDB];
	_ =	sdelay $0x1  }
0x99: {  	s4 =	simm.s32 $_scs_section_size  }
0x9a: {  	s5 =	simm.s32 $_size__tile_overlayer_lowered;
	s6 =	simm.s32 $_tile_overlayer_lowered  }
0x9b: {  	s22 =	simm.s32 $0x1BFF;
	s21 =	sshll.u32 s6, $0x1;
	s3 =	sadd.s32 s4, s19  }
0x9c: {  	s7 =	simm.s32 $0x0;
	s20 =	sshll.u32 s5, $0x1;
	s5 =	sadd.s32 s21, s3  }
0x9d: {  	[timem:s7], [sflag:s22] =	dma.local [hbm:s5], s20  }
0x9e: {  	_ =	swait.ge [sflag:s22], s20  }
0x9f: {  	s4 =	ssub.s32 $0x0, s20;
	[sflag:s22] =	ssyncset.done $0x0  }
0xa0: {  	[sflag:s22] =	ssyncadd.s32 s4;
	_ =	sdelay $0x1  }
0xa1: {  	s23 =	simm.s32 $0x1B8B  }
0xa2: {  	_ =	swait.ge [sflag:s23], $0x1  }
0xa3: {  	[sflag:s23] =	ssyncset.done $0x0  }
0xa4: {  	s25 =	simm.s32 $0x1B8E;
	s24 =	sld [smem:$0x3FFE];
	[sflag:s23] =	ssyncadd.s32 $0xFFFFFFFF  }
0xa5: {  	s26 =	simm.s32 $execute0_lowered;
	[smem:$0x3FD2] =	sst s25  }
0xa6: {  	s5 =	sshll.u32 s26, $0x1;
	_ =	strace $0x8000004C;
	[dreg:$0x1] =	wrdreg $0xFFFFFFFF  }
0xa7: {  	s28 =	simm.s32 $_size_execute0_lowered;
	s3 =	sadd.s32 s3, s5;
	[dreg:$0x0] =	wrdreg $0x0  }
0xa8: {  	s5 =	sshll.u32 s28, $0x1;
	[dreg:$0x2] =	wrdreg s3  }
0xa9: {  	[dreg:$0x3] =	wrdreg s5  }
0xaa: {  	[dreg:$0x4] =	wrdreg $0xC0  }
0xab: {  	_ =	task [dreg:s7], $0x5FFFF  }
0xac: {  	[dreg:$0x1] =	wrdreg $0xFFFFFFFF  }
0xad: {  	[dreg:$0x0] =	wrdreg $0x60  }
0xae: {  	[dreg:$0x2] =	wrdreg s24  }
0xaf: {  	[dreg:$0x3] =	wrdreg s2  }
0xb0: {  	[dreg:$0x4] =	wrdreg $0x9  }
0xb1: {  	_ =	task.clear_ibuf [dreg:s7], $0x5FFFF;
	_ =	strace $0x9000004C  }
0xb2: {  	s29 =	simm.s32 $0x9;
	_ =	strace $0x8000004E  }
0xb3: {  	_ =	swait.ge [sflag:s29], $0x1  }
0xb4: {  	[sflag:s29] =	ssyncadd.s32 $0xFFFFFFFF  }
0xb5: {  	_ =	strace $0x9000004E  }
0xb6: {  	_ =	sfence  }
0xb7: {  	s30 =	sld [smem:$0x0];
	_ =	sdelay $0x2  }
0xb8: {  	s31 =	sshll.u32 s1, $0xD;
	s1 =	sshrl.u32 s1, $0x2  }
0xb9: {  	s3 =	sand.u32 $0x4000, s31;
	s1 =	sadd.s32 s1, s30  }
0xba: {  	s0 =	sor.u32 s3, s0;
	s1 =	sshll.u32 s1, $0x11  }
0xbb: {  	s0 =	sor.u32 s1, s0  }
0xbc: {  	s0 =	sadd.s32 $0x8F2B, s0  }
0xbd: {  	[sflag:s0] =	ssyncadd.remote.s32 $0x1  }
0xbe: {  	_ =	sfence.sel $0xFFFF  }
0xbf: {  	[dreg:$0x0] =	wrdreg $0xFFFFFFFF;
	(pc) =	sbr.abs _section_cstart, $3  }
0xc0: {  	[dreg:$0x1] =	wrdreg $0xFFFFFFFF  }
0xc1: {  	_ =	task.clear_ibuf [dreg:s7], $0x2FFFF;
	_ =	strace $0x9FFFFFFF  }
0xc2: {  	(tm) =	ssettm $0x7FFFFFFF  }
0xc3: {  	_ =	shalt  }
tec
execute0_lowered:
.L_overlay_start_1:
0x0: {  	(tag) =	ssettag $0x1  }
0x1: {  	s0 =	rddreg [dreg:$0x0]  }
0x2: {  	s1 =	simm.s32 $0x0;
	s25 =	srdreg.scid;
	s5 =	stileid.u32  }
0x3: {  	s11 =	simm.s32 $0x2;
	s14 =	simm.s32 $0x80;
	s16 =	simm.s32 $0xB00  }
0x4: {  	s18 =	simm.s32 $0xB80;
	s20 =	simm.s32 $0xC00;
	s22 =	simm.s32 $0xC80  }
0x5: {  	s24 =	simm.s32 $0xD00;
	s29 =	simm.s32 $0xE00;
	s31 =	simm.s32 $0xE80  }
0x6: {  	s12 =	simm.s32 $0x1000;
	s15 =	simm.s32 $0x1080;
	s19 =	simm.s32 $0x1100  }
0x7: {  	s23 =	simm.s32 $0x1180;
	s28 =	simm.s32 $0x1200;
	s10 =	simm.s32 $0x1  }
0x8: {  	s13 =	simm.s32 $0x0;
	[smem:$0x7FF] =	sst s1;
	s3 =	sadd.s32 $0x1183800, s0  }
0x9: {  	s4 =	sadd.s32 $0x1163800, s0;
	s1 =	sand.u32 $0x1, s25;
	s6 =	sadd.s32 $0x1143800, s0  }
0xa: {  	s7 =	sadd.s32 $0xF43800, s0;
	s8 =	sadd.s32 $0x11A3800, s0;
	s2 =	ssub.s32 $0x2, s1  }
0xb: {  	s30 =	sshll.u32 s5, $0x10;
	s5 =	simm.s32 $0xF00;
	s26 =	sshrl.u32 s2, $0x1  }
0xc: {  	_ =	strace $0x8000004D;
	s1 =	sshll.u32 s1, $0xF;
	s0 =	ssub.s32 s2, s26  }
0xd: {  	s9 =	sor.u32 s1, s30;
	s1 =	simm.s32 $0xF80;
	s0 =	smax.u32 s0, $0x1  }
0xe: {  	s26 =	simm.s32 $0xD80;
	[dreg:$0x3] =	wrdreg s0;
	s0 =	simm.s32 $0x1280  }
.LBB2_1:
0xf: {  	[dreg:$0x4] =	wrdreg s13;
	s30 =	simm.s32 $0x0  }
.LBB2_2:
0x10: {  	s2 =	sshll.u32 s30, $0x8  }
0x11: {  	s2 =	sadd.s32 s9, s2  }
0x12: {  	s13 =	sshrl.u32 s2, $0x3  }
0x13: {  	s21 =	simm.s32 $0x0;
	s17 =	sadd.s32 s3, s13  }
0x14: {  	[tilespmem:s21], [sflag:$0x2] =	stream.linear.gather [hbm4b:s17+s21], $0x100, $0x38;
	[tilespmem:$0x13B00] =	vst v63  }
0x15: {  	_ =	swait.ge [sflag:s11], $0x100  }
0x16: {  	[sflag:s11] =	ssyncset.done $0x0  }
0x17: {  	s25 =	simm.s32 $0x100;
	s17 =	sadd.s32 s4, s13;
	[sflag:s11] =	ssyncadd.s32 $0xFFFFFF00  }
0x18: {  	[tilespmem:s25], [sflag:$0x2] =	stream.linear.gather [hbm4b:s17+s21], $0x100, $0x38;
	[tilespmem:$0x13B00] =	vst v63  }
0x19: {  	_ =	swait.ge [sflag:s11], $0x100  }
0x1a: {  	[sflag:s11] =	ssyncset.done $0x0  }
0x1b: {  	s13 =	sadd.s32 s6, s13;
	s25 =	simm.s32 $0x200;
	[sflag:s11] =	ssyncadd.s32 $0xFFFFFF00  }
0x1c: {  	[tilespmem:s25], [sflag:$0x2] =	stream.linear.gather [hbm4b:s13+s21], $0x100, $0x38;
	[tilespmem:$0x13B00] =	vst v63  }
0x1d: {  	_ =	swait.ge [sflag:s11], $0x100  }
0x1e: {  	[sflag:s11] =	ssyncset.done $0x0  }
0x1f: {  	s17 =	simm.s32 $0x0;
	[sflag:s11] =	ssyncadd.s32 $0xFFFFFF00  }
0x20: {  	v0 =	vld [tilespmem:s17+$0x100]  }
0x21: {  	v1 =	vld [tilespmem:s17+$0x0];
	_ =	sdelay $0x1  }
0x22: {  	v2 =	vld [tilespmem:s17+$0x200];
	_ =	sdelay $0x1  }
0x23: {  	v0 =	vmul.f32 $2.550000000e+02, v0  }
0x24: {  	v1 =	vmul.f32 $2.550000000e+02, v1  }
0x25: {  	v0 =	vmax.f32 v0, $0.0e+00  }
0x26: {  	v2 =	vmul.f32 $2.550000000e+02, v2;
	v1 =	vmax.f32 v1, $0.0e+00;
	v0 =	vmin.f32 v0, $2.550000000e+02  }
0x27: {  	v1 =	vmin.f32 v1, $2.550000000e+02;
	v3 =	vtrunc.f32 v0  }
0x28: {  	v2 =	vmax.f32 v2, $0.0e+00;
	v4 =	vtrunc.f32 v1;
	v3 =	vcvt.f32.s32 v3  }
0x29: {  	v2 =	vmin.f32 v2, $2.550000000e+02;
	v4 =	vcvt.f32.s32 v4  }
0x2a: {  	v5 =	vtrunc.f32 v2;
	vm0 =	vlt.s32 v3, $0xFE  }
0x2b: {  	v5 =	vcvt.f32.s32 v5;
	vm11 =	vlt.s32 v4, $0xFE;
	v3 =	vnsel vm0, $0xFE, v3  }
0x2c: {  	v4 =	vnsel vm11, $0xFE, v4;
	v6 =	vcvt.s32.f32 v3  }
0x2d: {  	s13 =	simm.s32 $0x10;
	vm12 =	vlt.s32 v5, $0xFE;
	v7 =	vcvt.s32.f32 v4  }
0x2e: {  	v6 =	vsub.f32 v0, v6;
	v0 =	vshll.u32 v3, $0x8;
	v3 =	vnsel vm12, $0xFE, v5;
	v5 =	vld [tilespmem:s13+$0x100]  }
0x2f: {  	v4 =	vshll.u32 v4, $0x10;
	v1 =	vsub.f32 v1, v7;
	v7 =	vcvt.s32.f32 v3  }
0x30: {  	v0 =	vadd.s32 v4, v0;
	v4 =	vld [tilespmem:s13+$0x0];
	v8 =	vsub.f32 $1.000000000e+00, v6  }
0x31: {  	v2 =	vsub.f32 v2, v7;
	v7 =	vsub.f32 $1.000000000e+00, v1  }
0x32: {  	v0 =	vadd.s32 v3, v0;
	v3 =	vmul.f32 v6, v1;
	v9 =	vmul.f32 v8, v1  }
0x33: {  	v1 =	vld [tilespmem:s13+$0x200];
	v10 =	vsub.f32 $1.000000000e+00, v2;
	v8 =	vmul.f32 v8, v7;
	v5 =	vmul.f32 $2.550000000e+02, v5  }
0x34: {  	v12 =	vadd.s32 $0x1, v0;
	[tilespmem:s17+$0x300] =	vst v0;
	v6 =	vmul.f32 v6, v7;
	v11 =	vmul.f32 v9, v2  }
0x35: {  	v13 =	vadd.s32 $0x100, v0;
	[tilespmem:s17+$0x400] =	vst v12;
	v4 =	vmul.f32 $2.550000000e+02, v4;
	v7 =	vmul.f32 v10, v8  }
0x36: {  	v8 =	vmul.f32 v8, v2;
	v5 =	vmax.f32 v5, $0.0e+00;
	[tilespmem:s17+$0x11800] =	vst v11;
	v11 =	vmul.f32 v10, v6  }
0x37: {  	v5 =	vmin.f32 v5, $2.550000000e+02;
	v6 =	vmul.f32 v2, v6;
	[tilespmem:s17+$0x11300] =	vst v7;
	v7 =	vmul.f32 v10, v9  }
0x38: {  	[tilespmem:s17+$0x500] =	vst v13;
	v9 =	vmul.f32 $2.550000000e+02, v1;
	v1 =	vmax.f32 v4, $0.0e+00;
	v4 =	vtrunc.f32 v5  }
0x39: {  	[tilespmem:s17+$0x11400] =	vst v8;
	v8 =	vmul.f32 v10, v3;
	v1 =	vmin.f32 v1, $2.550000000e+02;
	v4 =	vcvt.f32.s32 v4  }
0x3a: {  	v3 =	vmul.f32 v2, v3;
	[tilespmem:s17+$0x11500] =	vst v11;
	v9 =	vmax.f32 v9, $0.0e+00;
	v10 =	vtrunc.f32 v1  }
0x3b: {  	[tilespmem:s17+$0x11600] =	vst v6;
	v2 =	vmin.f32 v9, $2.550000000e+02;
	v6 =	vcvt.f32.s32 v10;
	vm13 =	vlt.s32 v4, $0xFE  }
0x3c: {  	v11 =	vadd.s32 $0x10000, v0;
	[tilespmem:s17+$0x11700] =	vst v7;
	v4 =	vnsel vm13, $0xFE, v4;
	v7 =	vtrunc.f32 v2  }
0x3d: {  	[tilespmem:s17+$0x11900] =	vst v8;
	vm14 =	vlt.s32 v6, $0xFE;
	v8 =	vcvt.f32.s32 v7;
	v10 =	vcvt.s32.f32 v4  }
0x3e: {  	[tilespmem:s17+$0x11A00] =	vst v3;
	v9 =	vadd.s32 $0x101, v0;
	v4 =	vshll.u32 v4, $0x8;
	v6 =	vnsel vm14, $0xFE, v6  }
0x3f: {  	[tilespmem:s17+$0x700] =	vst v11;
	vm15 =	vlt.s32 v8, $0xFE;
	v7 =	vcvt.s32.f32 v6;
	v3 =	vsub.f32 v5, v10  }
0x40: {  	s21 =	simm.s32 $0x20;
	s25 =	simm.s32 $0xC0;
	[tilespmem:s17+$0x600] =	vst v9;
	v6 =	vshll.u32 v6, $0x10;
	v5 =	vnsel vm15, $0xFE, v8;
	v8 =	vadd.s32 $0x10001, v0  }
.LBB2_3:
0x41: {  	p0 =	sne.s32 s25, $0x3C0;
	v9 =	vld [tilespmem:s21+$0x100];
	v1 =	vsub.f32 v1, v7;
	v7 =	vcvt.s32.f32 v5;
	v10 =	vsub.f32 $1.000000000e+00, v3;
	[tilespmem:s17+$0x800] =	vst v8  }
0x42: {  	v4 =	vadd.s32 v6, v4;
	v6 =	vadd.s32 $0x10100, v0;
	v8 =	vadd.s32 $0x10101, v0  }
0x43: {  	v11 =	vld [tilespmem:s21+$0x0];
	v2 =	vsub.f32 v2, v7;
	v7 =	vsub.f32 $1.000000000e+00, v1;
	v12 =	vmul.f32 v10, v1;
	[tilespmem:s17+$0x900] =	vst v6  }
0x44: {  	v0 =	vadd.s32 v5, v4;
	v4 =	vmul.f32 v3, v1;
	[tilespmem:s17+$0xA00] =	vst v8;
	s17 =	smov.u32 s13;
	s13 =	smov.u32 s21  }
0x45: {  	v1 =	vld [tilespmem:s13+$0x200];
	v5 =	vsub.f32 $1.000000000e+00, v2;
	[tilespmem:s17+$0x300] =	vst v0;
	v6 =	vmul.f32 v10, v7;
	v8 =	vmul.f32 v12, v2  }
0x46: {  	v10 =	vadd.s32 $0x1, v0;
	v3 =	vmul.f32 v3, v7;
	v9 =	vmul.f32 $2.550000000e+02, v9  }
0x47: {  	v13 =	vadd.s32 $0x100, v0;
	v7 =	vmul.f32 v5, v6;
	v6 =	vmul.f32 v6, v2;
	[tilespmem:s17+$0x11800] =	vst v8  }
0x48: {  	v8 =	vmul.f32 $2.550000000e+02, v11;
	v9 =	vmax.f32 v9, $0.0e+00;
	[tilespmem:s17+$0x400] =	vst v10;
	v10 =	vmul.f32 v5, v3  }
0x49: {  	v3 =	vmul.f32 v2, v3;
	v9 =	vmin.f32 v9, $2.550000000e+02;
	[tilespmem:s17+$0x11300] =	vst v7;
	v7 =	vmul.f32 v5, v12  }
0x4a: {  	v11 =	vmul.f32 $2.550000000e+02, v1;
	v1 =	vmax.f32 v8, $0.0e+00;
	v8 =	vtrunc.f32 v9;
	[tilespmem:s17+$0x11400] =	vst v6  }
0x4b: {  	v5 =	vmul.f32 v5, v4;
	v1 =	vmin.f32 v1, $2.550000000e+02;
	v6 =	vcvt.f32.s32 v8;
	[tilespmem:s17+$0x11500] =	vst v10  }
0x4c: {  	v8 =	vmax.f32 v11, $0.0e+00;
	v10 =	vtrunc.f32 v1;
	[tilespmem:s17+$0x11600] =	vst v3;
	v3 =	vmul.f32 v2, v4  }
0x4d: {  	v2 =	vmin.f32 v8, $2.550000000e+02;
	v4 =	vcvt.f32.s32 v10;
	vm0 =	vlt.s32 v6, $0xFE;
	[tilespmem:s17+$0x11700] =	vst v7  }
.Ltmp0:
0x4e: {  	v8 =	vadd.s32 $0x101, v0;
	v6 =	vnsel vm0, $0xFE, v6;
	v7 =	vtrunc.f32 v2;
	[tilespmem:s17+$0x11900] =	vst v5;
	(pc) =	sbr.rel @p0 .LBB2_3-.Ltmp0, $4  }
0x4f: {  	vm0 =	vlt.s32 v4, $0xFE;
	v5 =	vcvt.f32.s32 v7;
	v10 =	vcvt.s32.f32 v6;
	[tilespmem:s17+$0x11A00] =	vst v3  }
0x50: {  	v12 =	vadd.s32 $0x10000, v0;
	v11 =	vnsel vm0, $0xFE, v4;
	v4 =	vshll.u32 v6, $0x8;
	[tilespmem:s17+$0x500] =	vst v13  }
0x51: {  	vm0 =	vlt.s32 v5, $0xFE;
	v7 =	vcvt.s32.f32 v11;
	v3 =	vsub.f32 v9, v10;
	[tilespmem:s17+$0x600] =	vst v8  }
0x52: {  	s21 =	sshra.s32 s25, $0x2;
	s25 =	sadd.s32 $0x40, s25;
	v6 =	vshll.u32 v11, $0x10;
	v8 =	vadd.s32 $0x10001, v0;
	v5 =	vnsel vm0, $0xFE, v5;
	[tilespmem:s17+$0x700] =	vst v12  }
0x53: {  	v1 =	vsub.f32 v1, v7;
	v20 =	vcvt.s32.f32 v5  }
0x54: {  	v9 =	vld [tilespmem:s21+$0x100];
	v10 =	vsub.f32 $1.000000000e+00, v3;
	[tilespmem:s17+$0x800] =	vst v8;
	v21 =	vadd.s32 $0x10100, v0;
	v24 =	vadd.s32 v6, v4  }
0x55: {  	v22 =	vadd.s32 $0x10101, v0;
	v11 =	vld [tilespmem:s21+$0x0];
	[tilespmem:s17+$0x900] =	vst v21;
	v0 =	vadd.s32 v5, v24  }
0x56: {  	[tilespmem:s17+$0xA00] =	vst v22;
	v2 =	vsub.f32 v2, v20;
	v23 =	vsub.f32 $1.000000000e+00, v1;
	v12 =	vmul.f32 v10, v1  }
0x57: {  	v1 =	vmul.f32 v3, v1;
	v25 =	vld [tilespmem:s21+$0x200];
	v31 =	vadd.s32 $0x1, v0;
	[tilespmem:s13+$0x300] =	vst v0;
	v13 =	vadd.s32 $0x100, v0  }
0x58: {  	v41 =	vadd.s32 $0x101, v0;
	[tilespmem:s13+$0x400] =	vst v31;
	v26 =	vsub.f32 $1.000000000e+00, v2;
	v27 =	vmul.f32 v10, v23  }
0x59: {  	v44 =	vadd.s32 $0x10000, v0;
	[tilespmem:s13+$0x500] =	vst v13;
	v28 =	vmul.f32 v12, v2;
	v30 =	vmul.f32 v3, v23  }
0x5a: {  	v46 =	vadd.s32 $0x10001, v0;
	[tilespmem:s13+$0x600] =	vst v41;
	v29 =	vmul.f32 $2.550000000e+02, v9;
	v32 =	vmul.f32 v26, v27  }
0x5b: {  	v47 =	vadd.s32 $0x10100, v0;
	[tilespmem:s13+$0x700] =	vst v44;
	v8 =	vmul.f32 v27, v2;
	v11 =	vmul.f32 $2.550000000e+02, v11  }
0x5c: {  	v0 =	vadd.s32 $0x10101, v0;
	[tilespmem:s13+$0x800] =	vst v46;
	v33 =	vmul.f32 v26, v30;
	v3 =	vmul.f32 v2, v30  }
0x5d: {  	[tilespmem:s13+$0x900] =	vst v47;
	v5 =	vmax.f32 v29, $0.0e+00;
	v4 =	vmul.f32 $2.550000000e+02, v25;
	v34 =	vmax.f32 v11, $0.0e+00  }
0x5e: {  	[tilespmem:s13+$0xA00] =	vst v0;
	v36 =	vmul.f32 v26, v12;
	v5 =	vmin.f32 v5, $2.550000000e+02;
	v7 =	vmin.f32 v34, $2.550000000e+02  }
0x5f: {  	[tilespmem:s13+$0x11800] =	vst v28;
	v35 =	vtrunc.f32 v5;
	v4 =	vmax.f32 v4, $0.0e+00;
	v37 =	vtrunc.f32 v7  }
0x60: {  	[tilespmem:s13+$0x11400] =	vst v8;
	v11 =	vcvt.f32.s32 v35;
	v4 =	vmin.f32 v4, $2.550000000e+02;
	v8 =	vcvt.f32.s32 v37  }
0x61: {  	v6 =	vmul.f32 v26, v1;
	[tilespmem:s13+$0x11300] =	vst v32;
	v39 =	vtrunc.f32 v4  }
0x62: {  	[tilespmem:s13+$0x11600] =	vst v3;
	vm0 =	vlt.s32 v11, $0xFE;
	v3 =	vcvt.f32.s32 v39;
	vm14 =	vlt.s32 v8, $0xFE  }
0x63: {  	v1 =	vmul.f32 v2, v1;
	[tilespmem:s13+$0x11500] =	vst v33;
	v38 =	vnsel vm0, $0xFE, v11;
	v42 =	vnsel vm14, $0xFE, v8  }
0x64: {  	[tilespmem:s13+$0x11900] =	vst v6;
	v2 =	vshll.u32 v38, $0x8;
	vm15 =	vlt.s32 v3, $0xFE;
	v6 =	vshll.u32 v42, $0x10  }
0x65: {  	[tilespmem:s13+$0x11700] =	vst v36;
	v40 =	vcvt.s32.f32 v38;
	v3 =	vnsel vm15, $0xFE, v3;
	v2 =	vadd.s32 v6, v2  }
0x66: {  	[tilespmem:s13+$0x11A00] =	vst v1;
	v2 =	vadd.s32 v3, v2  }
0x67: {  	v43 =	vcvt.s32.f32 v42;
	v5 =	vsub.f32 v5, v40;
	[tilespmem:s21+$0x300] =	vst v2;
	v53 =	vadd.s32 $0x1, v2  }
0x68: {  	v45 =	vcvt.s32.f32 v3;
	v58 =	vadd.s32 $0x100, v2;
	[tilespmem:s21+$0x400] =	vst v53  }
0x69: {  	v1 =	vsub.f32 v7, v43;
	v9 =	vsub.f32 $1.000000000e+00, v5;
	v59 =	vadd.s32 $0x101, v2;
	[tilespmem:s21+$0x500] =	vst v58  }
0x6a: {  	v4 =	vsub.f32 v4, v45;
	v60 =	vadd.s32 $0x10000, v2;
	[tilespmem:s21+$0x600] =	vst v59  }
0x6b: {  	v61 =	vadd.s32 $0x10001, v2;
	[tilespmem:s21+$0x700] =	vst v60;
	v49 =	vmul.f32 v9, v1  }
0x6c: {  	v62 =	vadd.s32 $0x10100, v2;
	v63 =	vadd.s32 $0x10101, v2;
	[tilespmem:s21+$0x800] =	vst v61;
	v50 =	vsub.f32 $1.000000000e+00, v4  }
0x6d: {  	v48 =	vsub.f32 $1.000000000e+00, v1;
	[tilespmem:s21+$0x900] =	vst v62;
	v1 =	vmul.f32 v5, v1;
	v52 =	vmul.f32 v49, v4  }
0x6e: {  	[tilespmem:s21+$0xA00] =	vst v63;
	v57 =	vmul.f32 v50, v49  }
0x6f: {  	v51 =	vmul.f32 v9, v48;
	v0 =	vmul.f32 v50, v1;
	[tilespmem:s21+$0x11800] =	vst v52  }
0x70: {  	v1 =	vmul.f32 v4, v1;
	[tilespmem:s21+$0x11700] =	vst v57  }
0x71: {  	v7 =	vmul.f32 v5, v48;
	v54 =	vmul.f32 v50, v51;
	[tilespmem:s21+$0x11900] =	vst v0  }
0x72: {  	v3 =	vmul.f32 v51, v4;
	[tilespmem:s21+$0x11A00] =	vst v1  }
0x73: {  	v55 =	vmul.f32 v50, v7;
	[tilespmem:s21+$0x11300] =	vst v54  }
0x74: {  	v56 =	vmul.f32 v4, v7;
	[tilespmem:s21+$0x11400] =	vst v3  }
0x75: {  	[tilespmem:s21+$0x11500] =	vst v55  }
0x76: {  	[tilespmem:s21+$0x11600] =	vst v56;
	s21 =	simm.s32 $0x300  }
0x77: {  	[tilespmem:s16], [sflag:$0x1] =	stream.indirect.gather [hbm4b:s7+s14], $0x1, s21, s14, $0xb8;
	[tilespmem:$0x13B00] =	vst v63  }
0x78: {  	s25 =	simm.s32 $0x380  }
0x79: {  	[tilespmem:s18], [sflag:$0x1] =	stream.indirect.gather [hbm4b:s7+s14], $0x1, s25, s14, $0xb8;
	[tilespmem:$0x13B00] =	vst v63  }
0x7a: {  	s17 =	simm.s32 $0x400  }
0x7b: {  	[tilespmem:s20], [sflag:$0x1] =	stream.indirect.gather [hbm4b:s7+s14], $0x1, s17, s14, $0xb8;
	[tilespmem:$0x13B00] =	vst v63  }
0x7c: {  	s21 =	simm.s32 $0x480  }
0x7d: {  	[tilespmem:s22], [sflag:$0x1] =	stream.indirect.gather [hbm4b:s7+s14], $0x1, s21, s14, $0xb8;
	[tilespmem:$0x13B00] =	vst v63  }
0x7e: {  	s25 =	simm.s32 $0x500  }
0x7f: {  	[tilespmem:s24], [sflag:$0x1] =	stream.indirect.gather [hbm4b:s7+s14], $0x1, s25, s14, $0xb8;
	[tilespmem:$0x13B00] =	vst v63  }
0x80: {  	s17 =	simm.s32 $0x580  }
0x81: {  	[tilespmem:s26], [sflag:$0x1] =	stream.indirect.gather [hbm4b:s7+s14], $0x1, s17, s14, $0xb8;
	[tilespmem:$0x13B00] =	vst v63  }
0x82: {  	s21 =	simm.s32 $0x600  }
0x83: {  	[tilespmem:s29], [sflag:$0x1] =	stream.indirect.gather [hbm4b:s7+s14], $0x1, s21, s14, $0xb8;
	[tilespmem:$0x13B00] =	vst v63  }
0x84: {  	s25 =	simm.s32 $0x680  }
0x85: {  	[tilespmem:s31], [sflag:$0x1] =	stream.indirect.gather [hbm4b:s7+s14], $0x1, s25, s14, $0xb8;
	[tilespmem:$0x13B00] =	vst v63  }
0x86: {  	s17 =	simm.s32 $0x700  }
0x87: {  	[tilespmem:s5], [sflag:$0x1] =	stream.indirect.gather [hbm4b:s7+s14], $0x1, s17, s14, $0xb8;
	[tilespmem:$0x13B00] =	vst v63  }
0x88: {  	s21 =	simm.s32 $0x780  }
0x89: {  	[tilespmem:s1], [sflag:$0x1] =	stream.indirect.gather [hbm4b:s7+s14], $0x1, s21, s14, $0xb8;
	[tilespmem:$0x13B00] =	vst v63  }
0x8a: {  	s25 =	simm.s32 $0x800  }
0x8b: {  	[tilespmem:s12], [sflag:$0x1] =	stream.indirect.gather [hbm4b:s7+s14], $0x1, s25, s14, $0xb8;
	[tilespmem:$0x13B00] =	vst v63  }
0x8c: {  	s17 =	simm.s32 $0x880  }
0x8d: {  	[tilespmem:s15], [sflag:$0x1] =	stream.indirect.gather [hbm4b:s7+s14], $0x1, s17, s14, $0xb8;
	[tilespmem:$0x13B00] =	vst v63  }
0x8e: {  	s21 =	simm.s32 $0x900  }
0x8f: {  	[tilespmem:s19], [sflag:$0x1] =	stream.indirect.gather [hbm4b:s7+s14], $0x1, s21, s14, $0xb8;
	[tilespmem:$0x13B00] =	vst v63  }
0x90: {  	s25 =	simm.s32 $0x980  }
0x91: {  	[tilespmem:s23], [sflag:$0x1] =	stream.indirect.gather [hbm4b:s7+s14], $0x1, s25, s14, $0xb8;
	[tilespmem:$0x13B00] =	vst v63  }
0x92: {  	s17 =	simm.s32 $0xA00  }
0x93: {  	[tilespmem:s28], [sflag:$0x1] =	stream.indirect.gather [hbm4b:s7+s14], $0x1, s17, s14, $0xb8;
	[tilespmem:$0x13B00] =	vst v63  }
0x94: {  	s21 =	simm.s32 $0xA80  }
0x95: {  	[tilespmem:s0], [sflag:$0x1] =	stream.indirect.gather [hbm4b:s7+s14], $0x1, s21, s14, $0xb8;
	[tilespmem:$0x13B00] =	vst v63  }
0x96: {  	_ =	swait.ge [sflag:s10], $0x80  }
0x97: {  	[sflag:s10] =	ssyncset.done $0x0  }
0x98: {  	[sflag:s10] =	ssyncadd.s32 $0xFFFFFF80  }
0x99: {  	_ =	swait.ge [sflag:s10], $0x80  }
0x9a: {  	[sflag:s10] =	ssyncset.done $0x0  }
0x9b: {  	[sflag:s10] =	ssyncadd.s32 $0xFFFFFF80  }
0x9c: {  	_ =	swait.ge [sflag:s10], $0x80  }
0x9d: {  	[sflag:s10] =	ssyncset.done $0x0  }
0x9e: {  	[sflag:s10] =	ssyncadd.s32 $0xFFFFFF80  }
0x9f: {  	_ =	swait.ge [sflag:s10], $0x80  }
0xa0: {  	[sflag:s10] =	ssyncset.done $0x0  }
0xa1: {  	[sflag:s10] =	ssyncadd.s32 $0xFFFFFF80  }
0xa2: {  	_ =	swait.ge [sflag:s10], $0x80  }
0xa3: {  	[sflag:s10] =	ssyncset.done $0x0  }
0xa4: {  	[sflag:s10] =	ssyncadd.s32 $0xFFFFFF80  }
0xa5: {  	_ =	swait.ge [sflag:s10], $0x80  }
0xa6: {  	[sflag:s10] =	ssyncset.done $0x0  }
0xa7: {  	[sflag:s10] =	ssyncadd.s32 $0xFFFFFF80  }
0xa8: {  	_ =	swait.ge [sflag:s10], $0x80  }
0xa9: {  	[sflag:s10] =	ssyncset.done $0x0  }
0xaa: {  	[sflag:s10] =	ssyncadd.s32 $0xFFFFFF80  }
0xab: {  	_ =	swait.ge [sflag:s10], $0x80  }
0xac: {  	[sflag:s10] =	ssyncset.done $0x0  }
0xad: {  	[sflag:s10] =	ssyncadd.s32 $0xFFFFFF80  }
0xae: {  	_ =	swait.ge [sflag:s10], $0x80  }
0xaf: {  	[sflag:s10] =	ssyncset.done $0x0  }
0xb0: {  	[sflag:s10] =	ssyncadd.s32 $0xFFFFFF80  }
0xb1: {  	_ =	swait.ge [sflag:s10], $0x80  }
0xb2: {  	[sflag:s10] =	ssyncset.done $0x0  }
0xb3: {  	[sflag:s10] =	ssyncadd.s32 $0xFFFFFF80  }
0xb4: {  	_ =	swait.ge [sflag:s10], $0x80  }
0xb5: {  	[sflag:s10] =	ssyncset.done $0x0  }
0xb6: {  	[sflag:s10] =	ssyncadd.s32 $0xFFFFFF80  }
0xb7: {  	_ =	swait.ge [sflag:s10], $0x80  }
0xb8: {  	[sflag:s10] =	ssyncset.done $0x0  }
0xb9: {  	[sflag:s10] =	ssyncadd.s32 $0xFFFFFF80  }
0xba: {  	_ =	swait.ge [sflag:s10], $0x80  }
0xbb: {  	[sflag:s10] =	ssyncset.done $0x0  }
0xbc: {  	[sflag:s10] =	ssyncadd.s32 $0xFFFFFF80  }
0xbd: {  	_ =	swait.ge [sflag:s10], $0x80  }
0xbe: {  	[sflag:s10] =	ssyncset.done $0x0  }
0xbf: {  	[sflag:s10] =	ssyncadd.s32 $0xFFFFFF80  }
0xc0: {  	_ =	swait.ge [sflag:s10], $0x80  }
0xc1: {  	[sflag:s10] =	ssyncset.done $0x0  }
0xc2: {  	[sflag:s10] =	ssyncadd.s32 $0xFFFFFF80  }
0xc3: {  	_ =	swait.ge [sflag:s10], $0x80  }
0xc4: {  	[sflag:s10] =	ssyncset.done $0x0  }
0xc5: {  	s25 =	simm.s32 $0x1300;
	[sflag:s10] =	ssyncadd.s32 $0xFFFFFF80  }
0xc6: {  	[tilespmem:s25], [sflag:$0x1] =	stream.indirect.gather [hbm4b:s8+s14], $0x20, s16, s14, $0xb8;
	[tilespmem:$0x13B00] =	vst v63  }
0xc7: {  	s17 =	simm.s32 $0x2300  }
0xc8: {  	[tilespmem:s17], [sflag:$0x1] =	stream.indirect.gather [hbm4b:s8+s14], $0x20, s18, s14, $0xb8;
	[tilespmem:$0x13B00] =	vst v63  }
0xc9: {  	s21 =	simm.s32 $0x3300  }
0xca: {  	[tilespmem:s21], [sflag:$0x1] =	stream.indirect.gather [hbm4b:s8+s14], $0x20, s20, s14, $0xb8;
	[tilespmem:$0x13B00] =	vst v63  }
0xcb: {  	s25 =	simm.s32 $0x4300  }
0xcc: {  	[tilespmem:s25], [sflag:$0x1] =	stream.indirect.gather [hbm4b:s8+s14], $0x20, s22, s14, $0xb8;
	[tilespmem:$0x13B00] =	vst v63  }
0xcd: {  	s17 =	simm.s32 $0x5300  }
0xce: {  	[tilespmem:s17], [sflag:$0x1] =	stream.indirect.gather [hbm4b:s8+s14], $0x20, s24, s14, $0xb8;
	[tilespmem:$0x13B00] =	vst v63  }
0xcf: {  	s21 =	simm.s32 $0x6300  }
0xd0: {  	[tilespmem:s21], [sflag:$0x1] =	stream.indirect.gather [hbm4b:s8+s14], $0x20, s26, s14, $0xb8;
	[tilespmem:$0x13B00] =	vst v63  }
0xd1: {  	s25 =	simm.s32 $0x7300  }
0xd2: {  	[tilespmem:s25], [sflag:$0x1] =	stream.indirect.gather [hbm4b:s8+s14], $0x20, s29, s14, $0xb8;
	[tilespmem:$0x13B00] =	vst v63  }
0xd3: {  	s17 =	simm.s32 $0x8300  }
0xd4: {  	[tilespmem:s17], [sflag:$0x1] =	stream.indirect.gather [hbm4b:s8+s14], $0x20, s31, s14, $0xb8;
	[tilespmem:$0x13B00] =	vst v63  }
0xd5: {  	s21 =	simm.s32 $0x9300  }
0xd6: {  	[tilespmem:s21], [sflag:$0x1] =	stream.indirect.gather [hbm4b:s8+s14], $0x20, s5, s14, $0xb8;
	[tilespmem:$0x13B00] =	vst v63  }
0xd7: {  	s25 =	simm.s32 $0xA300  }
0xd8: {  	[tilespmem:s25], [sflag:$0x1] =	stream.indirect.gather [hbm4b:s8+s14], $0x20, s1, s14, $0xb8;
	[tilespmem:$0x13B00] =	vst v63  }
0xd9: {  	s17 =	simm.s32 $0xB300  }
0xda: {  	[tilespmem:s17], [sflag:$0x1] =	stream.indirect.gather [hbm4b:s8+s14], $0x20, s12, s14, $0xb8;
	[tilespmem:$0x13B00] =	vst v63  }
0xdb: {  	s21 =	simm.s32 $0xC300  }
0xdc: {  	[tilespmem:s21], [sflag:$0x1] =	stream.indirect.gather [hbm4b:s8+s14], $0x20, s15, s14, $0xb8;
	[tilespmem:$0x13B00] =	vst v63  }
0xdd: {  	s25 =	simm.s32 $0xD300  }
0xde: {  	[tilespmem:s25], [sflag:$0x1] =	stream.indirect.gather [hbm4b:s8+s14], $0x20, s19, s14, $0xb8;
	[tilespmem:$0x13B00] =	vst v63  }
0xdf: {  	s17 =	simm.s32 $0xE300  }
0xe0: {  	[tilespmem:s17], [sflag:$0x1] =	stream.indirect.gather [hbm4b:s8+s14], $0x20, s23, s14, $0xb8;
	[tilespmem:$0x13B00] =	vst v63  }
0xe1: {  	s21 =	simm.s32 $0xF300  }
0xe2: {  	[tilespmem:s21], [sflag:$0x1] =	stream.indirect.gather [hbm4b:s8+s14], $0x20, s28, s14, $0xb8;
	[tilespmem:$0x13B00] =	vst v63  }
0xe3: {  	s25 =	simm.s32 $0x10300  }
0xe4: {  	[tilespmem:s25], [sflag:$0x1] =	stream.indirect.gather [hbm4b:s8+s14], $0x20, s0, s14, $0xb8;
	[tilespmem:$0x13B00] =	vst v63  }
0xe5: {  	_ =	swait.ge [sflag:s10], $0x1000  }
0xe6: {  	[sflag:s10] =	ssyncset.done $0x0  }
0xe7: {  	[sflag:s10] =	ssyncadd.s32 $0xFFFFF000  }
0xe8: {  	_ =	swait.ge [sflag:s10], $0x1000  }
0xe9: {  	[sflag:s10] =	ssyncset.done $0x0  }
0xea: {  	[sflag:s10] =	ssyncadd.s32 $0xFFFFF000  }
0xeb: {  	_ =	swait.ge [sflag:s10], $0x1000  }
0xec: {  	[sflag:s10] =	ssyncset.done $0x0  }
0xed: {  	[sflag:s10] =	ssyncadd.s32 $0xFFFFF000  }
0xee: {  	_ =	swait.ge [sflag:s10], $0x1000  }
0xef: {  	[sflag:s10] =	ssyncset.done $0x0  }
0xf0: {  	[sflag:s10] =	ssyncadd.s32 $0xFFFFF000  }
0xf1: {  	_ =	swait.ge [sflag:s10], $0x1000  }
0xf2: {  	[sflag:s10] =	ssyncset.done $0x0  }
0xf3: {  	[sflag:s10] =	ssyncadd.s32 $0xFFFFF000  }
0xf4: {  	_ =	swait.ge [sflag:s10], $0x1000  }
0xf5: {  	[sflag:s10] =	ssyncset.done $0x0  }
0xf6: {  	[sflag:s10] =	ssyncadd.s32 $0xFFFFF000  }
0xf7: {  	_ =	swait.ge [sflag:s10], $0x1000  }
0xf8: {  	[sflag:s10] =	ssyncset.done $0x0  }
0xf9: {  	[sflag:s10] =	ssyncadd.s32 $0xFFFFF000  }
0xfa: {  	_ =	swait.ge [sflag:s10], $0x1000  }
0xfb: {  	[sflag:s10] =	ssyncset.done $0x0  }
0xfc: {  	[sflag:s10] =	ssyncadd.s32 $0xFFFFF000  }
0xfd: {  	_ =	swait.ge [sflag:s10], $0x1000  }
0xfe: {  	[sflag:s10] =	ssyncset.done $0x0  }
0xff: {  	[sflag:s10] =	ssyncadd.s32 $0xFFFFF000  }
0x100: {  	_ =	swait.ge [sflag:s10], $0x1000  }
0x101: {  	[sflag:s10] =	ssyncset.done $0x0  }
0x102: {  	[sflag:s10] =	ssyncadd.s32 $0xFFFFF000  }
0x103: {  	_ =	swait.ge [sflag:s10], $0x1000  }
0x104: {  	[sflag:s10] =	ssyncset.done $0x0  }
0x105: {  	[sflag:s10] =	ssyncadd.s32 $0xFFFFF000  }
0x106: {  	_ =	swait.ge [sflag:s10], $0x1000  }
0x107: {  	[sflag:s10] =	ssyncset.done $0x0  }
0x108: {  	[sflag:s10] =	ssyncadd.s32 $0xFFFFF000  }
0x109: {  	_ =	swait.ge [sflag:s10], $0x1000  }
0x10a: {  	[sflag:s10] =	ssyncset.done $0x0  }
0x10b: {  	[sflag:s10] =	ssyncadd.s32 $0xFFFFF000  }
0x10c: {  	_ =	swait.ge [sflag:s10], $0x1000  }
0x10d: {  	[sflag:s10] =	ssyncset.done $0x0  }
0x10e: {  	[sflag:s10] =	ssyncadd.s32 $0xFFFFF000  }
0x10f: {  	_ =	swait.ge [sflag:s10], $0x1000  }
0x110: {  	[sflag:s10] =	ssyncset.done $0x0  }
0x111: {  	[sflag:s10] =	ssyncadd.s32 $0xFFFFF000  }
0x112: {  	_ =	swait.ge [sflag:s10], $0x1000  }
0x113: {  	[sflag:s10] =	ssyncset.done $0x0  }
0x114: {  	s13 =	simm.s32 $0x0;
	[sflag:s10] =	ssyncadd.s32 $0xFFFFF000  }
.LBB2_5:
0x115: {  	s21 =	sshll.u32 s13, $0x4  }
0x116: {  	v7 =	vld [tilespmem:s21+$0x11300]  }
0x117: {  	v6 =	vld [tilespmem:s21+$0x11400]  }
0x118: {  	v5 =	vld [tilespmem:s21+$0x11500]  }
0x119: {  	v4 =	vld [tilespmem:s21+$0x11600]  }
0x11a: {  	v3 =	vld [tilespmem:s21+$0x11700]  }
0x11b: {  	v2 =	vld [tilespmem:s21+$0x11800]  }
0x11c: {  	v1 =	vld [tilespmem:s21+$0x11900]  }
0x11d: {  	s17 =	sshll.u32 s13, $0x9;
	v0 =	vld [tilespmem:s21+$0x11A00]  }
0x11e: {  	v12 =	vld [tilespmem:s17+$0x1300]  }
0x11f: {  	v13 =	vld [tilespmem:s17+$0x130C]  }
0x120: {  	v39 =	vld [tilespmem:s17+$0x1320]  }
0x121: {  	v41 =	vld [tilespmem:s17+$0x132C]  }
0x122: {  	v43 =	vld [tilespmem:s17+$0x3320]  }
0x123: {  	v44 =	vld [tilespmem:s17+$0x332C]  }
0x124: {  	v45 =	vld [tilespmem:s17+$0x5320]  }
0x125: {  	v46 =	vld [tilespmem:s17+$0x532C]  }
0x126: {  	v47 =	vld [tilespmem:s17+$0x7320]  }
0x127: {  	v48 =	vld [tilespmem:s17+$0x732C]  }
0x128: {  	v49 =	vld [tilespmem:s17+$0x9320]  }
0x129: {  	v50 =	vld [tilespmem:s17+$0x932C]  }
0x12a: {  	v52 =	vld [tilespmem:s17+$0xB320]  }
0x12b: {  	v53 =	vld [tilespmem:s17+$0xB32C]  }
0x12c: {  	v54 =	vld [tilespmem:s17+$0xD320]  }
0x12d: {  	v55 =	vld [tilespmem:s17+$0xD32C]  }
0x12e: {  	v10 =	vld [tilespmem:s17+$0xF320]  }
0x12f: {  	v11 =	vld [tilespmem:s17+$0xF32C]  }
0x130: {  	v56 =	vld [tilespmem:s17+$0x1340]  }
0x131: {  	v57 =	vld [tilespmem:s17+$0x134C]  }
0x132: {  	v58 =	vld [tilespmem:s17+$0x3340]  }
0x133: {  	v59 =	vld [tilespmem:s17+$0x334C]  }
0x134: {  	v60 =	vld [tilespmem:s17+$0x5340]  }
0x135: {  	v61 =	vld [tilespmem:s17+$0x534C]  }
0x136: {  	v16 =	vld [tilespmem:s17+$0x7340]  }
0x137: {  	v17 =	vld [tilespmem:s17+$0x734C]  }
0x138: {  	v51 =	vld [tilespmem:s17+$0x9340]  }
0x139: {  	v38 =	vld [tilespmem:s17+$0x934C]  }
0x13a: {  	v36 =	vld [tilespmem:s17+$0xB340]  }
0x13b: {  	v34 =	vld [tilespmem:s17+$0xB34C]  }
0x13c: {  	v19 =	vld [tilespmem:s17+$0xD340]  }
0x13d: {  	v20 =	vld [tilespmem:s17+$0xD34C]  }
0x13e: {  	v35 =	vld [tilespmem:s17+$0x1360]  }
0x13f: {  	v31 =	vld [tilespmem:s17+$0x136C]  }
0x140: {  	s25 =	sor.u32 $0x2000, s17;
	v33 =	vld [tilespmem:s17+$0x3360]  }
0x141: {  	v32 =	vld [tilespmem:s17+$0x5360];
	s21 =	sand.u32 $0x3FFFFE00, s25  }
0x142: {  	s25 =	sor.u32 $0x4000, s17;
	v8 =	vld [tilespmem:s21+$0x1300]  }
0x143: {  	v9 =	vld [tilespmem:s21+$0x130C];
	s21 =	sand.u32 $0x3FFFFE00, s25  }
0x144: {  	s25 =	sor.u32 $0x6000, s17;
	v14 =	vld [tilespmem:s21+$0x1300]  }
0x145: {  	v15 =	vld [tilespmem:s21+$0x130C];
	s21 =	sand.u32 $0x3FFFFE00, s25  }
0x146: {  	s25 =	sor.u32 $0x8000, s17;
	v18 =	vld [tilespmem:s21+$0x1300]  }
0x147: {  	v21 =	vld [tilespmem:s21+$0x130C];
	s21 =	sand.u32 $0x3FFFFE00, s25;
	v26 =	vbroadcast v7, $0x0  }
0x148: {  	s25 =	sor.u32 $0xA000, s17;
	v22 =	vld [tilespmem:s21+$0x1300]  }
0x149: {  	v23 =	vld [tilespmem:s21+$0x130C];
	s25 =	sand.u32 $0x3FFFFE00, s25;
	v29 =	vbroadcast v6, $0x0;
	v27 =	vmul.f32 v12, v26  }
0x14a: {  	v24 =	vld [tilespmem:s25+$0x1300];
	v26 =	vmul.f32 v13, v26  }
0x14b: {  	v30 =	vbroadcast v5, $0x0;
	v25 =	vld [tilespmem:s25+$0x130C];
	v8 =	vmul.f32 v8, v29;
	v27 =	vadd.f32 $0.0e+00, v27  }
0x14c: {  	v12 =	vld [tilespmem:s17+$0xF340];
	v9 =	vmul.f32 v9, v29;
	v26 =	vadd.f32 $0.0e+00, v26  }
0x14d: {  	v63 =	vbroadcast v4, $0x0;
	s25 =	sor.u32 $0xC000, s17;
	v13 =	vld [tilespmem:s17+$0xF34C];
	v14 =	vmul.f32 v14, v30;
	v8 =	vadd.f32 v8, v27  }
0x14e: {  	s21 =	sand.u32 $0x3FFFFE00, s25;
	v29 =	vld [tilespmem:s17+$0x336C];
	v15 =	vmul.f32 v15, v30;
	v9 =	vadd.f32 v9, v26  }
0x14f: {  	v28 =	vld [tilespmem:s21+$0x1300];
	v62 =	vmul.f32 v18, v63;
	v18 =	vbroadcast v3, $0x0;
	v8 =	vadd.f32 v14, v8  }
0x150: {  	s25 =	sor.u32 $0xE000, s17;
	v37 =	vld [tilespmem:s21+$0x130C];
	v63 =	vmul.f32 v21, v63;
	v9 =	vadd.f32 v15, v9  }
0x151: {  	s21 =	sand.u32 $0x3FFFFE00, s25;
	v30 =	vld [tilespmem:s17+$0x7360];
	v21 =	vbroadcast v2, $0x0;
	v8 =	vadd.f32 v62, v8;
	v62 =	vmul.f32 v22, v18  }
0x152: {  	v40 =	vld [tilespmem:s21+$0x1300];
	v9 =	vadd.f32 v63, v9;
	v63 =	vmul.f32 v23, v18  }
0x153: {  	v42 =	vld [tilespmem:s21+$0x130C];
	v18 =	vbroadcast v1, $0x0;
	v8 =	vadd.f32 v62, v8;
	v62 =	vmul.f32 v24, v21  }
0x154: {  	v26 =	vld [tilespmem:s17+$0x536C];
	v9 =	vadd.f32 v63, v9;
	v63 =	vmul.f32 v25, v21;
	v21 =	vbroadcast v7, $0x1  }
0x155: {  	v27 =	vld [tilespmem:s17+$0x9360];
	v8 =	vadd.f32 v62, v8;
	v62 =	vmul.f32 v28, v18  }
0x156: {  	v22 =	vld [tilespmem:s17+$0x736C];
	v9 =	vadd.f32 v63, v9;
	v63 =	vmul.f32 v39, v21;
	v28 =	vbroadcast v6, $0x1  }
0x157: {  	v23 =	vld [tilespmem:s17+$0x936C];
	v8 =	vadd.f32 v62, v8;
	v62 =	vmul.f32 v41, v21  }
0x158: {  	v24 =	vld [tilespmem:s17+$0xB360];
	v15 =	vadd.f32 $0.0e+00, v63;
	v63 =	vmul.f32 v43, v28;
	v41 =	vbroadcast v5, $0x1  }
0x159: {  	v25 =	vld [tilespmem:s17+$0xB36C];
	v14 =	vmul.f32 v37, v18;
	v28 =	vmul.f32 v44, v28;
	v37 =	vadd.f32 $0.0e+00, v62  }
0x15a: {  	v18 =	vld [tilespmem:s17+$0xD36C];
	v44 =	vbroadcast v4, $0x1;
	v39 =	vadd.f32 v63, v15;
	v43 =	vmul.f32 v45, v41  }
0x15b: {  	v21 =	vld [tilespmem:s17+$0xD360];
	v9 =	vadd.f32 v14, v9;
	v28 =	vadd.f32 v28, v37;
	v37 =	vmul.f32 v46, v41  }
0x15c: {  	v14 =	vld [tilespmem:s17+$0xF360];
	v41 =	vadd.f32 v43, v39;
	v43 =	vmul.f32 v47, v44;
	v47 =	vbroadcast v3, $0x1  }
0x15d: {  	v15 =	vld [tilespmem:s17+$0xF36C];
	v62 =	vbroadcast v0, $0x0;
	v48 =	vmul.f32 v48, v44;
	v28 =	vadd.f32 v37, v28  }
0x15e: {  	v45 =	vld [tilespmem:s17+$0x1380];
	v44 =	vbroadcast v2, $0x1;
	v41 =	vadd.f32 v43, v41;
	v49 =	vmul.f32 v49, v47  }
0x15f: {  	v39 =	vld [tilespmem:s17+$0x138C];
	v63 =	vmul.f32 v40, v62;
	v37 =	vmul.f32 v50, v47;
	v28 =	vadd.f32 v48, v28  }
0x160: {  	v46 =	vld [tilespmem:s17+$0x3380];
	v43 =	vadd.f32 v49, v41;
	v49 =	vmul.f32 v52, v44;
	v52 =	vbroadcast v1, $0x1  }
0x161: {  	v40 =	vld [tilespmem:s17+$0x338C];
	v8 =	vadd.f32 v63, v8;
	v63 =	vmul.f32 v42, v62;
	v44 =	vmul.f32 v53, v44  }
0x162: {  	v47 =	vld [tilespmem:s17+$0x5380];
	v28 =	vadd.f32 v37, v28;
	v37 =	vbroadcast v7, $0x2;
	v62 =	vmul.f32 v54, v52  }
0x163: {  	v42 =	vld [tilespmem:s17+$0x738C];
	v43 =	vadd.f32 v49, v43;
	v54 =	vbroadcast v6, $0x2;
	v52 =	vmul.f32 v55, v52  }
0x164: {  	v50 =	vld [tilespmem:s17+$0xB380];
	v9 =	vadd.f32 v63, v9;
	v63 =	vmul.f32 v56, v37;
	v37 =	vmul.f32 v57, v37  }
0x165: {  	v41 =	vld [tilespmem:s17+$0x538C];
	v53 =	vadd.f32 v62, v43;
	v62 =	vmul.f32 v58, v54;
	v58 =	vbroadcast v5, $0x2  }
0x166: {  	v48 =	vld [tilespmem:s17+$0x7380];
	v56 =	vadd.f32 v44, v28;
	v54 =	vmul.f32 v59, v54;
	v59 =	vbroadcast v4, $0x2  }
0x167: {  	v49 =	vld [tilespmem:s17+$0x9380];
	v63 =	vadd.f32 $0.0e+00, v63;
	v57 =	vmul.f32 v60, v58;
	v60 =	vbroadcast v0, $0x1  }
0x168: {  	v43 =	vld [tilespmem:s17+$0x938C];
	v28 =	vadd.f32 $0.0e+00, v37;
	v58 =	vmul.f32 v61, v58;
	v61 =	vbroadcast v3, $0x2  }
0x169: {  	v44 =	vld [tilespmem:s17+$0xD380];
	v55 =	vadd.f32 v62, v63;
	v10 =	vmul.f32 v10, v60;
	v63 =	vmul.f32 v17, v59  }
0x16a: {  	v37 =	vld [tilespmem:s17+$0xB38C];
	v52 =	vadd.f32 v52, v56;
	v51 =	vmul.f32 v51, v61;
	v62 =	vbroadcast v2, $0x2  }
0x16b: {  	v56 =	vld [tilespmem:s17+$0x13AC];
	v54 =	vadd.f32 v54, v28;
	v38 =	vmul.f32 v38, v61;
	v11 =	vmul.f32 v11, v60  }
0x16c: {  	v28 =	vld [tilespmem:s17+$0xD38C];
	v60 =	vbroadcast v7, $0x3;
	v61 =	vbroadcast v6, $0x3;
	v55 =	vadd.f32 v57, v55  }
0x16d: {  	v17 =	vld [tilespmem:s17+$0xF38C];
	v57 =	vmul.f32 v16, v59;
	v54 =	vadd.f32 v58, v54;
	v10 =	vadd.f32 v10, v53  }
0x16e: {  	v16 =	vld [tilespmem:s17+$0xF380];
	v36 =	vmul.f32 v36, v62;
	v34 =	vmul.f32 v34, v62;
	v11 =	vadd.f32 v11, v52  }
0x16f: {  	v59 =	vld [tilespmem:s17+$0x13A0];
	v35 =	vmul.f32 v35, v60;
	v62 =	vmul.f32 v31, v60;
	v55 =	vadd.f32 v57, v55  }
0x170: {  	v53 =	vld [tilespmem:s17+$0x33A0];
	v33 =	vmul.f32 v33, v61;
	v58 =	vbroadcast v0, $0x2;
	v54 =	vadd.f32 v63, v54  }
0x171: {  	v31 =	vld [tilespmem:s17+$0x73AC];
	v29 =	vmul.f32 v29, v61;
	v63 =	vbroadcast v1, $0x2;
	v51 =	vadd.f32 v51, v55  }
0x172: {  	v52 =	vld [tilespmem:s17+$0x93AC];
	v61 =	vbroadcast v3, $0x3;
	v35 =	vadd.f32 $0.0e+00, v35;
	v38 =	vadd.f32 v38, v54  }
0x173: {  	v60 =	vld [tilespmem:s17+$0xB3A0];
	v12 =	vmul.f32 v12, v58;
	v19 =	vmul.f32 v19, v63;
	v36 =	vadd.f32 v36, v51  }
0x174: {  	v57 =	vld [tilespmem:s17+$0x53A0];
	v27 =	vmul.f32 v27, v61;
	v20 =	vmul.f32 v20, v63;
	v34 =	vadd.f32 v34, v38  }
0x175: {  	v13 =	vmul.f32 v13, v58;
	v23 =	vmul.f32 v23, v61;
	v55 =	vld [tilespmem:s17+$0x33AC];
	v19 =	vadd.f32 v19, v36  }
0x176: {  	v54 =	vld [tilespmem:s17+$0x73A0];
	v34 =	vadd.f32 v20, v34;
	v36 =	vbroadcast v5, $0x3;
	v20 =	vadd.f32 $0.0e+00, v62  }
0x177: {  	v61 =	vbroadcast v1, $0x3;
	v33 =	vadd.f32 v33, v35;
	v35 =	vbroadcast v4, $0x3;
	v38 =	vld [tilespmem:s17+$0x53AC]  }
0x178: {  	v51 =	vld [tilespmem:s17+$0x93A0];
	v32 =	vmul.f32 v32, v36;
	v20 =	vadd.f32 v29, v20;
	v63 =	vmul.f32 v26, v36  }
0x179: {  	v30 =	vmul.f32 v30, v35;
	v22 =	vmul.f32 v22, v35;
	v35 =	vld [tilespmem:s17+$0x33CC]  }
0x17a: {  	v36 =	vld [tilespmem:s17+$0xB3AC];
	v32 =	vadd.f32 v32, v33;
	v62 =	vadd.f32 v63, v20;
	v63 =	vbroadcast v2, $0x3  }
0x17b: {  	v58 =	vbroadcast v6, $0x4;
	v21 =	vmul.f32 v21, v61;
	v26 =	vld [tilespmem:s17+$0xD3A0]  }
0x17c: {  	v12 =	vadd.f32 v12, v19;
	v29 =	vld [tilespmem:s17+$0xD3AC];
	v30 =	vadd.f32 v30, v32;
	v24 =	vmul.f32 v24, v63  }
0x17d: {  	v19 =	vld [tilespmem:s17+$0xF3AC];
	v22 =	vadd.f32 v22, v62;
	v62 =	vmul.f32 v25, v63;
	v63 =	vbroadcast v7, $0x4  }
0x17e: {  	v18 =	vmul.f32 v18, v61;
	v13 =	vadd.f32 v13, v34;
	v34 =	vld [tilespmem:s17+$0x73C0];
	v27 =	vadd.f32 v27, v30  }
0x17f: {  	v20 =	vld [tilespmem:s17+$0xF3A0];
	v22 =	vadd.f32 v23, v22;
	v45 =	vmul.f32 v45, v63;
	v61 =	vmul.f32 v39, v63  }
0x180: {  	v33 =	vld [tilespmem:s17+$0x13C0];
	v39 =	vbroadcast v5, $0x4;
	v30 =	vbroadcast v1, $0x4;
	v24 =	vadd.f32 v24, v27  }
0x181: {  	v32 =	vld [tilespmem:s17+$0x13CC];
	v22 =	vadd.f32 v62, v22;
	v23 =	vadd.f32 $0.0e+00, v45;
	v62 =	vmul.f32 v46, v58  }
0x182: {  	v25 =	vld [tilespmem:s17+$0x53C0];
	v63 =	vadd.f32 $0.0e+00, v61;
	v58 =	vmul.f32 v40, v58;
	v61 =	vmul.f32 v47, v39  }
0x183: {  	v27 =	vld [tilespmem:s17+$0x33C0];
	v47 =	vbroadcast v0, $0x3;
	v28 =	vmul.f32 v28, v30  }
0x184: {  	v45 =	vld [tilespmem:s17+$0x53CC];
	v21 =	vadd.f32 v21, v24;
	v23 =	vadd.f32 v62, v23;
	v62 =	vbroadcast v4, $0x4  }
0x185: {  	v46 =	vld [tilespmem:s17+$0x73CC];
	v18 =	vadd.f32 v18, v22;
	v22 =	vadd.f32 v58, v63;
	v63 =	vmul.f32 v41, v39  }
0x186: {  	v40 =	vld [tilespmem:s17+$0xB3C0];
	v41 =	vbroadcast v3, $0x4;
	v23 =	vadd.f32 v61, v23;
	v58 =	vmul.f32 v48, v62  }
0x187: {  	v39 =	vld [tilespmem:s17+$0x93C0];
	v14 =	vmul.f32 v14, v47;
	v22 =	vadd.f32 v63, v22;
	v61 =	vmul.f32 v42, v62  }
0x188: {  	v48 =	vld [tilespmem:s17+$0x93CC];
	v62 =	vmul.f32 v49, v41;
	v63 =	vbroadcast v2, $0x4;
	v23 =	vadd.f32 v58, v23  }
0x189: {  	v15 =	vmul.f32 v15, v47;
	v49 =	vld [tilespmem:s17+$0xB3CC];
	v58 =	vadd.f32 v61, v22;
	v61 =	vmul.f32 v43, v41  }
0x18a: {  	v14 =	vadd.f32 v14, v21;
	v21 =	vld [tilespmem:s17+$0xF3CC];
	v23 =	vadd.f32 v62, v23;
	v62 =	vmul.f32 v50, v63  }
0x18b: {  	v42 =	vld [tilespmem:s17+$0x33EC];
	v47 =	vadd.f32 v61, v58;
	v50 =	vbroadcast v7, $0x5;
	v63 =	vmul.f32 v37, v63  }
0x18c: {  	v15 =	vadd.f32 v15, v18;
	v41 =	vld [tilespmem:s17+$0xD3C0];
	v58 =	vmul.f32 v44, v30;
	v23 =	vadd.f32 v62, v23  }
0x18d: {  	v43 =	vld [tilespmem:s17+$0xD3CC];
	v61 =	vmul.f32 v59, v50;
	v62 =	vbroadcast v6, $0x5;
	v24 =	vadd.f32 v63, v47  }
0x18e: {  	v22 =	vld [tilespmem:s17+$0xF3C0];
	v63 =	vmul.f32 v56, v50;
	v59 =	vbroadcast v3, $0x5;
	v23 =	vadd.f32 v58, v23  }
0x18f: {  	v44 =	vld [tilespmem:s17+$0x13E0];
	v18 =	vadd.f32 $0.0e+00, v61;
	v61 =	vmul.f32 v53, v62;
	v53 =	vbroadcast v5, $0x5  }
0x190: {  	v37 =	vld [tilespmem:s17+$0x73EC];
	v30 =	vadd.f32 $0.0e+00, v63;
	v62 =	vmul.f32 v55, v62;
	v58 =	vbroadcast v0, $0x4  }
0x191: {  	v47 =	vld [tilespmem:s17+$0x13EC];
	v18 =	vadd.f32 v61, v18;
	v63 =	vmul.f32 v57, v53;
	v61 =	vbroadcast v4, $0x5  }
0x192: {  	v56 =	vld [tilespmem:s17+$0x33E0];
	v24 =	vadd.f32 v28, v24;
	v30 =	vadd.f32 v62, v30;
	v62 =	vmul.f32 v38, v53  }
0x193: {  	v50 =	vld [tilespmem:s17+$0xB3E0];
	v16 =	vmul.f32 v16, v58;
	v18 =	vadd.f32 v63, v18;
	v63 =	vmul.f32 v54, v61  }
0x194: {  	v55 =	vld [tilespmem:s17+$0x93E0];
	v17 =	vmul.f32 v17, v58;
	v30 =	vadd.f32 v62, v30;
	v31 =	vmul.f32 v31, v61  }
0x195: {  	v57 =	vld [tilespmem:s17+$0x53E0];
	v53 =	vbroadcast v0, $0x5;
	v61 =	vmul.f32 v51, v59;
	v18 =	vadd.f32 v63, v18  }
0x196: {  	v38 =	vld [tilespmem:s17+$0x53EC];
	v62 =	vbroadcast v2, $0x5;
	v59 =	vmul.f32 v52, v59;
	v63 =	vadd.f32 v31, v30  }
0x197: {  	v58 =	vld [tilespmem:s17+$0x3400];
	v20 =	vmul.f32 v20, v53;
	v19 =	vmul.f32 v19, v53;
	v18 =	vadd.f32 v61, v18  }
0x198: {  	v54 =	vld [tilespmem:s17+$0x73E0];
	v61 =	vmul.f32 v60, v62;
	v28 =	vadd.f32 v59, v63;
	v63 =	vbroadcast v1, $0x5  }
0x199: {  	v16 =	vadd.f32 v16, v23;
	v51 =	vld [tilespmem:s17+$0xB3EC];
	v62 =	vmul.f32 v36, v62;
	v59 =	vbroadcast v7, $0x6  }
0x19a: {  	v52 =	vld [tilespmem:s17+$0xD3E0];
	v17 =	vadd.f32 v17, v24;
	v60 =	vbroadcast v6, $0x6;
	v26 =	vmul.f32 v26, v63  }
0x19b: {  	v24 =	vld [tilespmem:s17+$0xF3E0];
	v18 =	vadd.f32 v61, v18;
	v29 =	vmul.f32 v29, v63;
	v33 =	vmul.f32 v33, v59  }
0x19c: {  	v23 =	vld [tilespmem:s17+$0xF3EC];
	v28 =	vadd.f32 v62, v28;
	v61 =	vmul.f32 v32, v59;
	v27 =	vmul.f32 v27, v60  }
0x19d: {  	v31 =	vld [tilespmem:s17+$0x93EC];
	v63 =	vbroadcast v5, $0x6;
	v18 =	vadd.f32 v26, v18;
	v62 =	vadd.f32 $0.0e+00, v33  }
0x19e: {  	v30 =	vld [tilespmem:s17+$0xD3EC];
	v35 =	vmul.f32 v35, v60;
	v26 =	vadd.f32 v29, v28;
	v28 =	vadd.f32 $0.0e+00, v61  }
0x19f: {  	v36 =	vld [tilespmem:s17+$0x140C];
	v60 =	vbroadcast v4, $0x6;
	v25 =	vmul.f32 v25, v63;
	v27 =	vadd.f32 v27, v62  }
0x1a0: {  	v53 =	vbroadcast v1, $0x6;
	v33 =	vld [tilespmem:s17+$0x1400];
	v32 =	vmul.f32 v45, v63;
	v28 =	vadd.f32 v35, v28  }
0x1a1: {  	v61 =	vmul.f32 v34, v60;
	v45 =	vld [tilespmem:s17+$0x5400];
	v62 =	vbroadcast v3, $0x6;
	v25 =	vadd.f32 v25, v27  }
0x1a2: {  	v59 =	vmul.f32 v46, v60;
	v29 =	vld [tilespmem:s17+$0x540C];
	v18 =	vadd.f32 v20, v18;
	v63 =	vadd.f32 v32, v28  }
0x1a3: {  	v34 =	vld [tilespmem:s17+$0x740C];
	v60 =	vmul.f32 v39, v62;
	v25 =	vadd.f32 v61, v25;
	v61 =	vbroadcast v2, $0x6  }
0x1a4: {  	v46 =	vld [tilespmem:s17+$0x9400];
	v19 =	vadd.f32 v19, v26;
	v62 =	vmul.f32 v48, v62;
	v20 =	vadd.f32 v59, v63  }
0x1a5: {  	v35 =	vld [tilespmem:s17+$0x340C];
	v25 =	vadd.f32 v60, v25;
	v63 =	vmul.f32 v40, v61;
	v60 =	vbroadcast v7, $0x7  }
0x1a6: {  	v39 =	vld [tilespmem:s17+$0x7400];
	v20 =	vadd.f32 v62, v20;
	v59 =	vmul.f32 v49, v61;
	v61 =	vmul.f32 v41, v53  }
0x1a7: {  	v48 =	vld [tilespmem:s17+$0x940C];
	v53 =	vmul.f32 v43, v53;
	v25 =	vadd.f32 v63, v25;
	v62 =	vmul.f32 v44, v60  }
0x1a8: {  	v27 =	vld [tilespmem:s17+$0xB400];
	v20 =	vadd.f32 v59, v20;
	v63 =	vbroadcast v6, $0x7;
	v32 =	vmul.f32 v47, v60  }
0x1a9: {  	v40 =	vld [tilespmem:s17+$0xD400];
	v47 =	vbroadcast v5, $0x7;
	v25 =	vadd.f32 v61, v25;
	v28 =	vadd.f32 $0.0e+00, v62  }
0x1aa: {  	v49 =	vld [tilespmem:s17+$0xD40C];
	v59 =	vmul.f32 v56, v63;
	v26 =	vadd.f32 v53, v20;
	v61 =	vmul.f32 v42, v63  }
0x1ab: {  	v41 =	vld [tilespmem:s17+$0xF400];
	v60 =	vadd.f32 $0.0e+00, v32;
	v62 =	vmul.f32 v57, v47;
	v63 =	vbroadcast v4, $0x7  }
0x1ac: {  	v43 =	vld [tilespmem:s17+$0x3420];
	v56 =	vbroadcast v0, $0x6;
	v28 =	vadd.f32 v59, v28;
	v59 =	vmul.f32 v38, v47  }
0x1ad: {  	v44 =	vld [tilespmem:s17+$0xB40C];
	v20 =	vadd.f32 v61, v60;
	v60 =	vmul.f32 v54, v63;
	v61 =	vbroadcast v3, $0x7  }
0x1ae: {  	v53 =	vld [tilespmem:s17+$0xF40C];
	v22 =	vmul.f32 v22, v56;
	v37 =	vmul.f32 v37, v63;
	v28 =	vadd.f32 v62, v28  }
0x1af: {  	v57 =	vld [tilespmem:s17+$0x342C];
	v63 =	vbroadcast v2, $0x7;
	v21 =	vmul.f32 v21, v56;
	v32 =	vadd.f32 v59, v20  }
0x1b0: {  	v42 =	vld [tilespmem:s17+$0x542C];
	v62 =	vmul.f32 v55, v61;
	v20 =	vadd.f32 v22, v25;
	v28 =	vadd.f32 v60, v28  }
0x1b1: {  	v38 =	vld [tilespmem:s17+$0x1420];
	v59 =	vadd.f32 v37, v32;
	v60 =	vmul.f32 v31, v61;
	v37 =	vbroadcast v1, $0x7  }
0x1b2: {  	v54 =	vld [tilespmem:s17+$0x142C];
	v21 =	vadd.f32 v21, v26;
	v61 =	vmul.f32 v50, v63;
	v63 =	vmul.f32 v51, v63  }
0x1b3: {  	v47 =	vld [tilespmem:s17+$0x7420];
	v28 =	vadd.f32 v62, v28;
	v62 =	vbroadcast v7, $0x8;
	v56 =	vmul.f32 v52, v37  }
0x1b4: {  	v55 =	vld [tilespmem:s17+$0xB420];
	v22 =	vadd.f32 v60, v59;
	v60 =	vbroadcast v6, $0x8;
	v30 =	vmul.f32 v30, v37  }
0x1b5: {  	v31 =	vld [tilespmem:s17+$0x5420];
	v28 =	vadd.f32 v61, v28;
	v59 =	vmul.f32 v33, v62;
	v25 =	vmul.f32 v36, v62  }
0x1b6: {  	v51 =	vld [tilespmem:s17+$0x742C];
	v22 =	vadd.f32 v63, v22;
	v61 =	vmul.f32 v58, v60;
	v62 =	vbroadcast v5, $0x8  }
0x1b7: {  	v32 =	vld [tilespmem:s17+$0x942C];
	v33 =	vmul.f32 v35, v60;
	v60 =	vbroadcast v4, $0x8;
	v28 =	vadd.f32 v56, v28  }
0x1b8: {  	v50 =	vld [tilespmem:s17+$0xF420];
	v26 =	vadd.f32 $0.0e+00, v59;
	v63 =	vmul.f32 v45, v62;
	v56 =	vbroadcast v0, $0x7  }
0x1b9: {  	v52 =	vld [tilespmem:s17+$0x9420];
	v25 =	vadd.f32 $0.0e+00, v25;
	v29 =	vmul.f32 v29, v62;
	v62 =	vbroadcast v3, $0x8  }
0x1ba: {  	v37 =	vld [tilespmem:s17+$0x5440];
	v59 =	vbroadcast v2, $0x8;
	v30 =	vadd.f32 v30, v22;
	v26 =	vadd.f32 v61, v26  }
0x1bb: {  	v35 =	vld [tilespmem:s17+$0xB42C];
	v25 =	vadd.f32 v33, v25;
	v61 =	vmul.f32 v39, v60;
	v24 =	vmul.f32 v24, v56  }
0x1bc: {  	v36 =	vld [tilespmem:s17+$0x344C];
	v58 =	vmul.f32 v46, v62;
	v23 =	vmul.f32 v23, v56;
	v26 =	vadd.f32 v63, v26  }
0x1bd: {  	v45 =	vld [tilespmem:s17+$0xD420];
	v25 =	vadd.f32 v29, v25;
	v63 =	vmul.f32 v34, v60;
	v60 =	vmul.f32 v48, v62  }
0x1be: {  	v33 =	vld [tilespmem:s17+$0xD42C];
	v22 =	vadd.f32 v24, v28;
	v62 =	vmul.f32 v27, v59;
	v26 =	vadd.f32 v61, v26  }
0x1bf: {  	v46 =	vld [tilespmem:s17+$0x1440];
	v25 =	vadd.f32 v63, v25;
	v63 =	vmul.f32 v44, v59;
	v44 =	vbroadcast v1, $0x8  }
0x1c0: {  	v39 =	vld [tilespmem:s17+$0x144C];
	v48 =	vbroadcast v7, $0x9;
	v23 =	vadd.f32 v23, v30;
	v59 =	vbroadcast v6, $0x9  }
0x1c1: {  	v34 =	vld [tilespmem:s17+$0xF42C];
	v61 =	vadd.f32 v58, v26;
	v56 =	vmul.f32 v40, v44;
	v29 =	vmul.f32 v49, v44  }
0x1c2: {  	v27 =	vld [tilespmem:s17+$0x3440];
	v25 =	vadd.f32 v60, v25;
	v58 =	vmul.f32 v38, v48;
	v26 =	vmul.f32 v54, v48  }
0x1c3: {  	v28 =	vld [tilespmem:s17+$0x744C];
	v49 =	vbroadcast v0, $0x8;
	v38 =	vmul.f32 v57, v59;
	v24 =	vadd.f32 v62, v61  }
0x1c4: {  	v40 =	vld [tilespmem:s17+$0x544C];
	v25 =	vadd.f32 v63, v25;
	v60 =	vadd.f32 $0.0e+00, v58;
	v61 =	vmul.f32 v43, v59  }
0x1c5: {  	v44 =	vld [tilespmem:s17+$0x7440];
	v62 =	vbroadcast v5, $0x9;
	v26 =	vadd.f32 $0.0e+00, v26;
	v41 =	vmul.f32 v41, v49  }
0x1c6: {  	v48 =	vld [tilespmem:s17+$0x9440];
	v58 =	vbroadcast v2, $0x9;
	v49 =	vmul.f32 v53, v49;
	v25 =	vadd.f32 v29, v25  }
0x1c7: {  	v54 =	vld [tilespmem:s17+$0x944C];
	v29 =	vadd.f32 v61, v60;
	v63 =	vmul.f32 v31, v62;
	v60 =	vbroadcast v4, $0x9  }
0x1c8: {  	v43 =	vld [tilespmem:s17+$0x546C];
	v24 =	vadd.f32 v56, v24;
	v26 =	vadd.f32 v38, v26;
	v61 =	vmul.f32 v42, v62  }
0x1c9: {  	v56 =	vld [tilespmem:s17+$0xB440];
	v29 =	vadd.f32 v63, v29;
	v62 =	vmul.f32 v47, v60;
	v63 =	vbroadcast v3, $0x9  }
0x1ca: {  	v42 =	vld [tilespmem:s17+$0xB44C];
	v26 =	vadd.f32 v61, v26;
	v31 =	vmul.f32 v51, v60;
	v60 =	vmul.f32 v55, v58  }
0x1cb: {  	v38 =	vld [tilespmem:s17+$0xD44C];
	v61 =	vbroadcast v1, $0x9;
	v29 =	vadd.f32 v62, v29;
	v57 =	vmul.f32 v52, v63  }
0x1cc: {  	v47 =	vld [tilespmem:s17+$0xD440];
	v26 =	vadd.f32 v31, v26;
	v59 =	vmul.f32 v32, v63;
	v62 =	vmul.f32 v35, v58  }
0x1cd: {  	v24 =	vadd.f32 v41, v24;
	v51 =	vld [tilespmem:s17+$0xF440];
	v63 =	vbroadcast v7, $0xA;
	v53 =	vmul.f32 v45, v61  }
0x1ce: {  	v41 =	vld [tilespmem:s17+$0x146C];
	v58 =	vmul.f32 v33, v61;
	v29 =	vadd.f32 v57, v29;
	v26 =	vadd.f32 v59, v26  }
0x1cf: {  	v25 =	vadd.f32 v49, v25;
	v49 =	vld [tilespmem:s17+$0x346C];
	v55 =	vmul.f32 v46, v63;
	v57 =	vbroadcast v6, $0xA  }
0x1d0: {  	v32 =	vld [tilespmem:s17+$0xF44C];
	v59 =	vmul.f32 v39, v63;
	v29 =	vadd.f32 v60, v29;
	v26 =	vadd.f32 v62, v26  }
0x1d1: {  	v52 =	vld [tilespmem:s17+$0x1460];
	v31 =	vadd.f32 $0.0e+00, v55;
	v27 =	vmul.f32 v27, v57;
	v60 =	vbroadcast v5, $0xA  }
0x1d2: {  	v45 =	vld [tilespmem:s17+$0x3460];
	v61 =	vadd.f32 $0.0e+00, v59;
	v62 =	vmul.f32 v36, v57;
	v57 =	vbroadcast v4, $0xA  }
0x1d3: {  	v35 =	vld [tilespmem:s17+$0x5460];
	v30 =	vadd.f32 v58, v26;
	v63 =	vmul.f32 v37, v60;
	v58 =	vbroadcast v0, $0x9  }
0x1d4: {  	v46 =	vld [tilespmem:s17+$0x746C];
	v27 =	vadd.f32 v27, v31;
	v59 =	vmul.f32 v40, v60;
	v60 =	vmul.f32 v44, v57  }
0x1d5: {  	v39 =	vld [tilespmem:s17+$0x9460];
	v26 =	vadd.f32 v62, v61;
	v61 =	vbroadcast v3, $0xA;
	v28 =	vmul.f32 v28, v57  }
0x1d6: {  	v36 =	vld [tilespmem:s17+$0x7460];
	v57 =	vbroadcast v1, $0xA;
	v50 =	vmul.f32 v50, v58  }
0x1d7: {  	v55 =	vld [tilespmem:s17+$0xB46C];
	v27 =	vadd.f32 v63, v27;
	v62 =	vmul.f32 v48, v61;
	v63 =	vbroadcast v2, $0xA  }
0x1d8: {  	v29 =	vadd.f32 v53, v29;
	v44 =	vld [tilespmem:s17+$0x946C];
	v54 =	vmul.f32 v54, v61;
	v34 =	vmul.f32 v34, v58  }
0x1d9: {  	v37 =	vld [tilespmem:s17+$0xB460];
	v33 =	vadd.f32 v59, v26;
	v58 =	vbroadcast v7, $0xB;
	v47 =	vmul.f32 v47, v57  }
0x1da: {  	v53 =	vld [tilespmem:s17+$0xF460];
	v38 =	vmul.f32 v38, v57;
	v27 =	vadd.f32 v60, v27;
	v56 =	vmul.f32 v56, v63  }
0x1db: {  	v40 =	vld [tilespmem:s17+$0x348C];
	v28 =	vadd.f32 v28, v33;
	v42 =	vmul.f32 v42, v63;
	v59 =	vmul.f32 v52, v58  }
0x1dc: {  	v48 =	vld [tilespmem:s17+$0xF46C];
	v26 =	vadd.f32 v50, v29;
	v60 =	vbroadcast v6, $0xB;
	v29 =	vmul.f32 v41, v58  }
0x1dd: {  	v33 =	vld [tilespmem:s17+$0xD460];
	v63 =	vbroadcast v4, $0xB;
	v27 =	vadd.f32 v62, v27;
	v28 =	vadd.f32 v54, v28  }
0x1de: {  	v50 =	vld [tilespmem:s17+$0xD46C];
	v61 =	vmul.f32 v45, v60;
	v62 =	vbroadcast v5, $0xB;
	v29 =	vadd.f32 $0.0e+00, v29  }
0x1df: {  	v52 =	vld [tilespmem:s17+$0x1480];
	v54 =	vbroadcast v0, $0xA;
	v58 =	vmul.f32 v36, v63;
	v31 =	vadd.f32 v56, v27  }
0x1e0: {  	v41 =	vld [tilespmem:s17+$0x148C];
	v27 =	vadd.f32 v34, v30;
	v34 =	vmul.f32 v49, v60;
	v35 =	vmul.f32 v35, v62  }
0x1e1: {  	v45 =	vld [tilespmem:s17+$0x7480];
	v30 =	vadd.f32 $0.0e+00, v59;
	v57 =	vmul.f32 v43, v62;
	v59 =	vbroadcast v3, $0xB  }
0x1e2: {  	v36 =	vld [tilespmem:s17+$0x948C];
	v28 =	vadd.f32 v42, v28;
	v51 =	vmul.f32 v51, v54;
	v60 =	vmul.f32 v46, v63  }
0x1e3: {  	v49 =	vld [tilespmem:s17+$0x5480];
	v62 =	vbroadcast v2, $0xB;
	v32 =	vmul.f32 v32, v54;
	v31 =	vadd.f32 v47, v31  }
0x1e4: {  	v43 =	vld [tilespmem:s17+$0x548C];
	v56 =	vbroadcast v7, $0xC;
	v30 =	vadd.f32 v61, v30;
	v29 =	vadd.f32 v34, v29  }
0x1e5: {  	v42 =	vld [tilespmem:s17+$0x748C];
	v61 =	vmul.f32 v39, v59;
	v38 =	vadd.f32 v38, v28;
	v63 =	vmul.f32 v44, v59  }
0x1e6: {  	v47 =	vld [tilespmem:s17+$0x3480];
	v44 =	vmul.f32 v37, v62;
	v30 =	vadd.f32 v35, v30;
	v29 =	vadd.f32 v57, v29  }
0x1e7: {  	v46 =	vld [tilespmem:s17+$0x9480];
	v28 =	vadd.f32 v51, v31;
	v51 =	vmul.f32 v55, v62;
	v55 =	vbroadcast v1, $0xB  }
0x1e8: {  	v54 =	vld [tilespmem:s17+$0x34A0];
	v57 =	vmul.f32 v52, v56;
	v31 =	vmul.f32 v41, v56;
	v30 =	vadd.f32 v58, v30  }
0x1e9: {  	v39 =	vld [tilespmem:s17+$0xB48C];
	v29 =	vadd.f32 v60, v29;
	v33 =	vmul.f32 v33, v55;
	v58 =	vbroadcast v6, $0xC  }
0x1ea: {  	v35 =	vld [tilespmem:s17+$0xB480];
	v37 =	vmul.f32 v50, v55;
	v60 =	vbroadcast v5, $0xC;
	v30 =	vadd.f32 v61, v30  }
0x1eb: {  	v41 =	vld [tilespmem:s17+$0x34AC];
	v29 =	vadd.f32 v63, v29;
	v59 =	vmul.f32 v47, v58;
	v61 =	vbroadcast v0, $0xB  }
0x1ec: {  	v52 =	vld [tilespmem:s17+$0x94AC];
	v31 =	vadd.f32 $0.0e+00, v31;
	v62 =	vmul.f32 v49, v60;
	v63 =	vbroadcast v4, $0xC  }
0x1ed: {  	v50 =	vld [tilespmem:s17+$0xD48C];
	v55 =	vmul.f32 v43, v60;
	v60 =	vbroadcast v2, $0xC;
	v34 =	vadd.f32 v51, v29  }
0x1ee: {  	v47 =	vld [tilespmem:s17+$0x14A0];
	v29 =	vadd.f32 v32, v38;
	v38 =	vmul.f32 v40, v58;
	v53 =	vmul.f32 v53, v61  }
0x1ef: {  	v49 =	vld [tilespmem:s17+$0x74A0];
	v32 =	vadd.f32 $0.0e+00, v57;
	v56 =	vmul.f32 v45, v63;
	v57 =	vbroadcast v3, $0xC  }
0x1f0: {  	v43 =	vld [tilespmem:s17+$0x94A0];
	v30 =	vadd.f32 v44, v30;
	v58 =	vmul.f32 v42, v63;
	v48 =	vmul.f32 v48, v61  }
0x1f1: {  	v44 =	vld [tilespmem:s17+$0xD480];
	v35 =	vmul.f32 v35, v60;
	v61 =	vbroadcast v1, $0xC;
	v32 =	vadd.f32 v59, v32  }
0x1f2: {  	v40 =	vld [tilespmem:s17+$0x14AC];
	v39 =	vmul.f32 v39, v60;
	v30 =	vadd.f32 v33, v30;
	v31 =	vadd.f32 v38, v31  }
0x1f3: {  	v51 =	vld [tilespmem:s17+$0xF480];
	v33 =	vadd.f32 v37, v34;
	v59 =	vmul.f32 v46, v57;
	v32 =	vadd.f32 v62, v32  }
0x1f4: {  	v45 =	vld [tilespmem:s17+$0x54A0];
	v36 =	vmul.f32 v36, v57;
	v30 =	vadd.f32 v53, v30;
	v31 =	vadd.f32 v55, v31  }
0x1f5: {  	v42 =	vld [tilespmem:s17+$0x54AC];
	v62 =	vbroadcast v7, $0xD;
	v53 =	vbroadcast v6, $0xD;
	v32 =	vadd.f32 v56, v32  }
0x1f6: {  	v34 =	vld [tilespmem:s17+$0xF48C];
	v55 =	vmul.f32 v50, v61;
	v63 =	vmul.f32 v44, v61;
	v31 =	vadd.f32 v58, v31  }
0x1f7: {  	v38 =	vld [tilespmem:s17+$0x74AC];
	v56 =	vmul.f32 v40, v62;
	v57 =	vmul.f32 v54, v53;
	v32 =	vadd.f32 v59, v32  }
0x1f8: {  	v46 =	vld [tilespmem:s17+$0xF4AC];
	v58 =	vbroadcast v5, $0xD;
	v36 =	vadd.f32 v36, v31;
	v31 =	vadd.f32 v48, v33  }
0x1f9: {  	v37 =	vld [tilespmem:s17+$0x94C0];
	v48 =	vmul.f32 v47, v62;
	v59 =	vadd.f32 $0.0e+00, v56;
	v62 =	vbroadcast v4, $0xD  }
0x1fa: {  	v50 =	vld [tilespmem:s17+$0xD4AC];
	v60 =	vmul.f32 v41, v53;
	v32 =	vadd.f32 v35, v32;
	v36 =	vadd.f32 v39, v36  }
0x1fb: {  	v44 =	vld [tilespmem:s17+$0x74C0];
	v61 =	vmul.f32 v45, v58;
	v39 =	vadd.f32 $0.0e+00, v48;
	v56 =	vmul.f32 v49, v62  }
0x1fc: {  	v47 =	vld [tilespmem:s17+$0xB4AC];
	v32 =	vadd.f32 v63, v32;
	v33 =	vadd.f32 v55, v36;
	v63 =	vbroadcast v0, $0xC  }
0x1fd: {  	v40 =	vld [tilespmem:s17+$0xD4A0];
	v39 =	vadd.f32 v57, v39;
	v55 =	vmul.f32 v42, v58;
	v57 =	vbroadcast v3, $0xD  }
0x1fe: {  	v41 =	vld [tilespmem:s17+$0xF4A0];
	v36 =	vadd.f32 v60, v59;
	v58 =	vmul.f32 v38, v62;
	v59 =	vbroadcast v2, $0xD  }
0x1ff: {  	v35 =	vld [tilespmem:s17+$0xB4A0];
	v51 =	vmul.f32 v51, v63;
	v43 =	vmul.f32 v43, v57  }
0x200: {  	v49 =	vld [tilespmem:s17+$0x14CC];
	v39 =	vadd.f32 v61, v39;
	v60 =	vmul.f32 v52, v57;
	v61 =	vbroadcast v1, $0xD  }
0x201: {  	v42 =	vld [tilespmem:s17+$0x14C0];
	v34 =	vmul.f32 v34, v63;
	v62 =	vmul.f32 v47, v59  }
0x202: {  	v45 =	vld [tilespmem:s17+$0x34CC];
	v52 =	vbroadcast v7, $0xE;
	v57 =	vbroadcast v6, $0xE  }
0x203: {  	v38 =	vld [tilespmem:s17+$0x34C0];
	v36 =	vadd.f32 v55, v36;
	v7 =	vbroadcast v7, $0xF;
	v6 =	vbroadcast v6, $0xF  }
0x204: {  	v48 =	vld [tilespmem:s17+$0x54C0];
	v35 =	vmul.f32 v35, v59;
	v39 =	vadd.f32 v56, v39;
	v63 =	vmul.f32 v40, v61  }
0x205: {  	v47 =	vld [tilespmem:s17+$0x74CC];
	v36 =	vadd.f32 v58, v36;
	v54 =	vmul.f32 v50, v61;
	v58 =	vbroadcast v0, $0xD  }
0x206: {  	v32 =	vadd.f32 v51, v32;
	v51 =	vld [tilespmem:s17+$0x54CC];
	v59 =	vmul.f32 v49, v52;
	v56 =	vmul.f32 v42, v52  }
0x207: {  	[tilespmem:s17+$0x11B00] =	vst v8;
	v40 =	vld [tilespmem:s17+$0xB4C0];
	v49 =	vbroadcast v4, $0xE;
	v39 =	vadd.f32 v43, v39;
	v36 =	vadd.f32 v60, v36  }
0x208: {  	[tilespmem:s17+$0x11B0C] =	vst v9;
	v4 =	vbroadcast v4, $0xF;
	v42 =	vld [tilespmem:s17+$0x94CC];
	v61 =	vmul.f32 v38, v57;
	v60 =	vadd.f32 $0.0e+00, v56  }
0x209: {  	[tilespmem:s17+$0x11B20] =	vst v10;
	v38 =	vld [tilespmem:s17+$0xF4CC];
	v52 =	vmul.f32 v44, v49;
	v35 =	vadd.f32 v35, v39;
	v53 =	vadd.f32 v62, v36  }
0x20a: {  	[tilespmem:s17+$0x11B2C] =	vst v11;
	v43 =	vld [tilespmem:s17+$0xB4CC];
	v62 =	vbroadcast v5, $0xE;
	v36 =	vadd.f32 $0.0e+00, v59;
	v39 =	vmul.f32 v45, v57  }
0x20b: {  	[tilespmem:s17+$0x11B40] =	vst v12;
	v56 =	vld [tilespmem:s17+$0x14E0];
	v5 =	vbroadcast v5, $0xF;
	v55 =	vadd.f32 v63, v35;
	v63 =	vmul.f32 v41, v58  }
0x20c: {  	[tilespmem:s17+$0x11B4C] =	vst v13;
	v45 =	vld [tilespmem:s17+$0xD4CC];
	v10 =	vadd.f32 v61, v60;
	v48 =	vmul.f32 v48, v62;
	v51 =	vmul.f32 v51, v62  }
0x20d: {  	[tilespmem:s17+$0x11B60] =	vst v14;
	v59 =	vld [tilespmem:s17+$0x14EC];
	v9 =	vadd.f32 v54, v53;
	v53 =	vbroadcast v3, $0xE;
	v54 =	vmul.f32 v46, v58  }
0x20e: {  	[tilespmem:s17+$0x11B80] =	vst v16;
	v61 =	vld [tilespmem:s17+$0x34E0];
	v50 =	vadd.f32 v39, v36;
	v58 =	vbroadcast v2, $0xE;
	v39 =	vbroadcast v1, $0xE  }
0x20f: {  	[tilespmem:s17+$0x11BA0] =	vst v18;
	v41 =	vld [tilespmem:s17+$0xD4C0];
	v3 =	vbroadcast v3, $0xF;
	v2 =	vbroadcast v2, $0xF  }
0x210: {  	[tilespmem:s17+$0x11B6C] =	vst v15;
	v36 =	vld [tilespmem:s17+$0xF4C0];
	v1 =	vbroadcast v1, $0xF;
	v8 =	vadd.f32 v63, v55;
	v55 =	vmul.f32 v47, v49  }
0x211: {  	[tilespmem:s17+$0x11B8C] =	vst v17;
	v33 =	vadd.f32 v34, v33;
	v57 =	vmul.f32 v37, v53;
	v60 =	vmul.f32 v42, v53;
	v63 =	vld [tilespmem:s17+$0x34EC]  }
0x212: {  	[tilespmem:s17+$0x11BAC] =	vst v19;
	v10 =	vadd.f32 v48, v10;
	v62 =	vmul.f32 v40, v58;
	v37 =	vmul.f32 v43, v58;
	v40 =	vld [tilespmem:s17+$0x54E0]  }
0x213: {  	[tilespmem:s17+$0x11BC0] =	vst v20;
	v11 =	vadd.f32 v51, v50;
	v42 =	vmul.f32 v56, v7;
	v43 =	vld [tilespmem:s17+$0x54EC];
	v56 =	vbroadcast v0, $0xE  }
0x214: {  	[tilespmem:s17+$0x11BCC] =	vst v21;
	v46 =	vld [tilespmem:s17+$0x74E0];
	v9 =	vadd.f32 v54, v9;
	v0 =	vbroadcast v0, $0xF;
	v7 =	vmul.f32 v59, v7  }
0x215: {  	[tilespmem:s17+$0x11BE0] =	vst v22;
	v47 =	vld [tilespmem:s17+$0x74EC];
	v16 =	vmul.f32 v45, v39;
	v12 =	vadd.f32 $0.0e+00, v42;
	v14 =	vmul.f32 v61, v6  }
0x216: {  	[tilespmem:s17+$0x11BEC] =	vst v23;
	v48 =	vld [tilespmem:s17+$0x94E0];
	v10 =	vadd.f32 v52, v10;
	v7 =	vadd.f32 $0.0e+00, v7;
	v6 =	vmul.f32 v63, v6  }
0x217: {  	[tilespmem:s17+$0x11C00] =	vst v24;
	v50 =	vld [tilespmem:s17+$0x94EC];
	v11 =	vadd.f32 v55, v11;
	v12 =	vadd.f32 v14, v12;
	v49 =	vmul.f32 v40, v5  }
0x218: {  	[tilespmem:s17+$0x11C0C] =	vst v25;
	v51 =	vld [tilespmem:s17+$0xB4E0];
	v44 =	vmul.f32 v41, v39;
	v5 =	vmul.f32 v43, v5;
	v6 =	vadd.f32 v6, v7  }
0x219: {  	[tilespmem:s17+$0x11C20] =	vst v26;
	v53 =	vld [tilespmem:s17+$0xB4EC];
	v52 =	vmul.f32 v46, v4;
	v59 =	vmul.f32 v36, v56;
	v12 =	vadd.f32 v49, v12  }
0x21a: {  	[tilespmem:s17+$0x11C2C] =	vst v27;
	v54 =	vld [tilespmem:s17+$0xD4E0];
	v10 =	vadd.f32 v57, v10;
	v4 =	vmul.f32 v47, v4;
	v5 =	vadd.f32 v5, v6  }
0x21b: {  	[tilespmem:s17+$0x11C40] =	vst v28;
	v55 =	vld [tilespmem:s17+$0xD4EC];
	v11 =	vadd.f32 v60, v11;
	v13 =	vmul.f32 v48, v3;
	v12 =	vadd.f32 v52, v12  }
0x21c: {  	[tilespmem:s17+$0x11C4C] =	vst v29;
	v57 =	vld [tilespmem:s17+$0xF4E0];
	v3 =	vmul.f32 v50, v3;
	v10 =	vadd.f32 v62, v10;
	v4 =	vadd.f32 v4, v5  }
0x21d: {  	[tilespmem:s17+$0x11C60] =	vst v30;
	v58 =	vld [tilespmem:s17+$0xF4EC];
	v11 =	vadd.f32 v37, v11;
	v7 =	vmul.f32 v51, v2;
	v12 =	vadd.f32 v13, v12  }
0x21e: {  	[tilespmem:s17+$0x11C6C] =	vst v31;
	v2 =	vmul.f32 v53, v2;
	v10 =	vadd.f32 v44, v10;
	v3 =	vadd.f32 v3, v4  }
0x21f: {  	[tilespmem:s17+$0x11C80] =	vst v32;
	v11 =	vadd.f32 v16, v11;
	v6 =	vmul.f32 v54, v1;
	v7 =	vadd.f32 v7, v12  }
0x220: {  	[tilespmem:s17+$0x11C8C] =	vst v33;
	v1 =	vmul.f32 v55, v1;
	v5 =	vmul.f32 v38, v56;
	v2 =	vadd.f32 v2, v3  }
0x221: {  	p0 =	sne.s32 s13, $0xF;
	[tilespmem:s17+$0x11CA0] =	vst v8;
	v62 =	vmul.f32 v57, v0;
	v60 =	vadd.f32 v59, v10;
	v61 =	vadd.f32 v6, v7  }
.Ltmp1:
0x222: {  	[tilespmem:s17+$0x11CAC] =	vst v9;
	v0 =	vmul.f32 v58, v0;
	v5 =	vadd.f32 v5, v11;
	v1 =	vadd.f32 v1, v2;
	(pc) =	sbr.rel @p0 .LBB2_5-.Ltmp1, $4  }
0x223: {  	[tilespmem:s17+$0x11CC0] =	vst v60;
	v63 =	vadd.f32 v62, v61  }
0x224: {  	[tilespmem:s17+$0x11CCC] =	vst v5;
	v0 =	vadd.f32 v0, v1  }
0x225: {  	[tilespmem:s17+$0x11CE0] =	vst v63  }
0x226: {  	s13 =	sadd.s32 $0x1, s13;
	[tilespmem:s17+$0x11CEC] =	vst v0  }
0x227: {  	s2 =	sshll.u32 s2, $0x2;
	s30 =	sadd.s32 $0x1, s30  }
0x228: {  	s13 =	rddreg [dreg:$0x1];
	s25 =	simm.s32 $0x0;
	p0 =	sne.s32 s30, $0x80  }
.Ltmp2:
0x229: {  	s17 =	simm.s32 $0x11B00;
	s2 =	sadd.s32 s13, s2;
	(pc) =	sbr.rel @p0 .LBB2_2-.Ltmp2, $4  }
0x22a: {  	[hbm4b:s2+s25] =	stream.linear.scatter [tilespmem:s17], [sflag:$0x2], $0x2000, $0x38;
	[tilespmem:$0x13B00] =	vst v63  }
0x22b: {  	_ =	swait.ge [sflag:s11], $0x2000  }
0x22c: {  	[sflag:s11] =	ssyncset.done $0x0  }
0x22d: {  	[sflag:s11] =	ssyncadd.s32 $0xFFFFE000  }
0x22e: {  	s13 =	rddreg [dreg:$0x4]  }
0x22f: {  	s2 =	rddreg [dreg:$0x3];
	s13 =	sadd.s32 $0x1, s13  }
0x230: {  	p0 =	sne.s32 s13, s2  }
.Ltmp3:
0x231: {  	_ = 	snop;
	(pc) =	sbr.rel @p0 .LBB2_1-.Ltmp3, $1  }
0x232: {  	_ =	sdelay $0x3  }
0x233: {  	_ =	sfence.sel $0x180000  }
0x234: {  	[bflag:$0x0] =	sbarrier.arrive $0xFFFF  }
0x235: {  	_ =	strace $0x9000004D  }
0x236: {  	s0 =	stileid.u32;
	[bflag:$0x2] =	sbarrier.arrive $0xFFFF  }
0x237: {  	p0 =	sne.s32 s0, $0x0;
	s0 =	rddreg [dreg:$0x2]  }
0x238: {  	s0 =	sadd.s32 @!p0 $0x100000, s0  }
0x239: {  	[sflag:s0] =	ssyncadd.tile.s32 @!p0 $0x1;
	_ =	shalt  }
.Lfunc_end2:
_tile_overlayer_lowered:
.L_overlay_start_2:
0x23a: {  	(tag) =	ssettag $0x2  }
0x23b: {  	s0 =	rddreg [dreg:$0x0];
	s2 =	stileid.u32  }
0x23c: {  	s1 =	rddreg [dreg:$0x1];
	p0 =	sne.s32 s2, $0x0  }
0x23d: {  	s3 =	rddreg [dreg:$0x2];
	[bflag:$0x3] =	sbarrier.arrive $0xFFFF;
	s2 =	simm.s32 @!p0 $0x1C02  }
0x23e: {  	[timem:s3], [sflag:s2] =	dma.local @!p0 [hbm:s0], s1  }
0x23f: {  	s0 =	simm.s32 @!p0 $0x2  }
0x240: {  	_ =	swait.ge @!p0 [sflag:s0], s1  }
0x241: {  	s1 =	ssub.s32 @!p0 $0x0, s1;
	[sflag:s0] =	ssyncset.done @!p0 $0x0  }
0x242: {  	[sflag:s0] =	ssyncadd.s32 @!p0 s1  }
0x243: {  	[bflag:$0x3] =	sbarrier.arrive $0xFFFF  }
0x244: {  	_ =	shalt  }

// kernel: sparse-core-data-format-call.1.cloned.1.call-start
scs
called_computation.1_lowered:
.L_overlay_start_0:
0x0: {  	s2 =	sld [smem:$0x3FD9]  }
0x1: {  	s3 =	sld [smem:$0x3FFE];
	_ =	sdelay $0x1  }
0x2: {  	s1 =	srdreg.scid  }
0x3: {  	s0 =	sand.u32 $0x1, s1  }
0x4: {  	s18 =	sshll.u32 s0, $0xA;
	s2 =	sadd.s32 s3, s2  }
0x5: {  	s2 =	sadd.s32 s2, s18  }
0x6: {  	[smem:$0x3FC4] =	sst s2  }
0x7: {  	_ = 	snop  }
0x8: {  	s2 =	sld [smem:$0x3FD0];
	(tm) =	ssettm $0x1  }
0x9: {  	s19 =	sld [smem:$0x3FFB];
	_ =	sdelay $0x3  }
0xa: {  	_ =	strace s19  }
0xb: {  	s3 =	sld [smem:$0x3FFC];
	_ =	sdelay $0x3  }
0xc: {  	_ =	strace s3  }
0xd: {  	s3 =	sld [smem:$0x3FFD];
	_ =	sdelay $0x3  }
0xe: {  	_ =	strace s3  }
0xf: {  	_ =	strace $0x8FFFFFFF  }
0x10: {  	s20 =	sld [smem:$0x3FDB];
	_ =	sdelay $0x1  }
0x11: {  	s4 =	simm.s32 $_scs_section_size  }
0x12: {  	s5 =	simm.s32 $_size__tile_overlayer_lowered;
	s6 =	simm.s32 $_tile_overlayer_lowered  }
0x13: {  	s23 =	simm.s32 $0x1BFF;
	s22 =	sshll.u32 s6, $0x1;
	s3 =	sadd.s32 s4, s20  }
0x14: {  	s7 =	simm.s32 $0x0;
	s21 =	sshll.u32 s5, $0x1;
	s5 =	sadd.s32 s22, s3  }
0x15: {  	[timem:s7], [sflag:s23] =	dma.local [hbm:s5], s21  }
0x16: {  	_ =	swait.ge [sflag:s23], s21  }
0x17: {  	s4 =	ssub.s32 $0x0, s21;
	[sflag:s23] =	ssyncset.done $0x0  }
0x18: {  	[sflag:s23] =	ssyncadd.s32 s4;
	_ =	sdelay $0x1  }
0x19: {  	s24 =	simm.s32 $0x1B8B  }
0x1a: {  	_ =	swait.ge [sflag:s24], $0x1  }
0x1b: {  	[sflag:s24] =	ssyncset.done $0x0  }
0x1c: {  	s26 =	simm.s32 $0x1B8E;
	s25 =	sld [smem:$0x3FFE];
	[sflag:s24] =	ssyncadd.s32 $0xFFFFFFFF  }
0x1d: {  	s27 =	simm.s32 $execute0_lowered;
	[smem:$0x3FD2] =	sst s26  }
0x1e: {  	s5 =	sshll.u32 s27, $0x1;
	_ =	strace $0x80000046;
	[dreg:$0x1] =	wrdreg $0xFFFFFFFF  }
0x1f: {  	s28 =	simm.s32 $_size_execute0_lowered;
	s3 =	sadd.s32 s3, s5;
	[dreg:$0x0] =	wrdreg $0x0  }
0x20: {  	s5 =	sshll.u32 s28, $0x1;
	[dreg:$0x2] =	wrdreg s3  }
0x21: {  	[dreg:$0x3] =	wrdreg s5  }
0x22: {  	[dreg:$0x4] =	wrdreg $0xC0  }
0x23: {  	_ =	task [dreg:s7], $0x5FFFF  }
0x24: {  	[dreg:$0x1] =	wrdreg $0xFFFFFFFF  }
0x25: {  	[dreg:$0x0] =	wrdreg $0x60  }
0x26: {  	[dreg:$0x2] =	wrdreg s2  }
0x27: {  	[dreg:$0x3] =	wrdreg s25  }
0x28: {  	[dreg:$0x4] =	wrdreg $0x9  }
0x29: {  	_ =	task.clear_ibuf [dreg:s7], $0x5FFFF;
	_ =	strace $0x90000046  }
0x2a: {  	s29 =	simm.s32 $0x9;
	_ =	strace $0x80000048  }
0x2b: {  	_ =	swait.ge [sflag:s29], $0x1  }
0x2c: {  	[sflag:s29] =	ssyncadd.s32 $0xFFFFFFFF  }
0x2d: {  	_ =	strace $0x90000048  }
0x2e: {  	_ =	sfence  }
0x2f: {  	s30 =	sld [smem:$0x0];
	_ =	sdelay $0x2  }
0x30: {  	s31 =	sshll.u32 s1, $0xD;
	s1 =	sshrl.u32 s1, $0x2  }
0x31: {  	s3 =	sand.u32 $0x4000, s31;
	s1 =	sadd.s32 s1, s30  }
0x32: {  	s0 =	sor.u32 s3, s0;
	s1 =	sshll.u32 s1, $0x11  }
0x33: {  	s0 =	sor.u32 s1, s0  }
0x34: {  	s0 =	sadd.s32 $0x8F2B, s0  }
0x35: {  	[sflag:s0] =	ssyncadd.remote.s32 $0x1  }
0x36: {  	_ =	sfence.sel $0xFFFF  }
0x37: {  	[dreg:$0x0] =	wrdreg $0xFFFFFFFF;
	(pc) =	sbr.abs _section_cstart, $3  }
0x38: {  	[dreg:$0x1] =	wrdreg $0xFFFFFFFF  }
0x39: {  	_ =	task.clear_ibuf [dreg:s7], $0x2FFFF;
	_ =	strace $0x9FFFFFFF  }
0x3a: {  	(tm) =	ssettm $0x7FFFFFFF  }
0x3b: {  	_ =	shalt  }
tec
execute0_lowered:
.L_overlay_start_1:
0x0: {  	(tag) =	ssettag $0x1  }
0x1: {  	s0 =	srdreg.scid;
	s2 =	rddreg [dreg:$0x0]  }
0x2: {  	s5 =	rddreg [dreg:$0x1];
	s1 =	stileid.u32  }
0x3: {  	s4 =	simm.s32 $0x1;
	s6 =	simm.s32 $0x2;
	s15 =	simm.s32 $0x0  }
0x4: {  	p0 =	por $0x0, $0x0;
	s8 =	simm.s32 $0x80;
	s0 =	sshll.u32 s0, $0x4  }
0x5: {  	s14 =	simm.s32 $0x0;
	s9 =	simm.s32 $0x0;
	s3 =	sand.u32 $0x10, s0  }
.Ltmp0:
0x6: {  	s10 =	simm.s32 $0x0;
	s3 =	sor.u32 s1, s3;
	(pc) =	sbr.rel .LBB1_1-.Ltmp0, $4  }
0x7: {  	s0 =	rddreg [dreg:$0x2];
	_ =	strace $0x80000047;
	s3 =	sshll.u32 s3, $0x7  }
0x8: {  	s12 =	simm.s32 $0x0;
	[sflag:s4] =	ssyncpa.u1 $0x0;
	s7 =	ssub.s32 $0xF4200, s3  }
0x9: {  	s13 =	simm.s32 $0x0;
	[sflag:s6] =	ssyncpa.u1 $0x0;
	s6 =	sshrl.u32 s7, $0xC  }
0xa: {  	s5 =	sadd.s32 $0x1400, s5;
	s11 =	smov.u32 s3;
	s7 =	sadd.s32 $0x2, s6  }
.LBB1_5:
0xb: {  	p1 =	slt.u32 s13, $0x2  }
0xc: {  	s17 =	smov.u32 s15;
	p2 =	sgt.s32 @!p1 s15, $0xF41C0;
	s16 =	sshra.s32 @!p1 s15, $0x1F  }
0xd: {  	p3 =	sgt.s32 @!p1 s14, $0x60;
	s18 =	sshra.s32 @!p1 s14, $0x1F;
	p2 =	por !p2, p1  }
0xe: {  	s15 =	sand.u32 @!p1 s16, s15;
	p3 =	por !p3, p1;
	s16 =	smov.u32 s14  }
0xf: {  	s14 =	sand.u32 @!p1 s18, s14;
	s17 =	simm.s32 @p2 $0xF41C0;
	s16 =	simm.s32 @p3 $0x60  }
0x10: {  	s15 =	ssub.s32 @!p1 s17, s15;
	s14 =	ssub.s32 @!p1 s16, s14  }
0x11: {  	s18 =	smov.u32 s12;
	s16 =	sadd.s32 @!p1 $0xFFF0BE40, s15;
	s17 =	sadd.s32 @!p1 $0xFFFFFFA0, s14  }
0x12: {  	s15 =	ssub.s32 @!p1 $0xF4240, s15;
	p2 =	sgt.s32 @!p1 s16, $0x7F;
	p3 =	sgt.s32 @!p1 s17, $0x1F  }
0x13: {  	s14 =	ssub.s32 @!p1 $0x80, s14;
	p2 =	por !p2, p1;
	p3 =	por !p3, p1  }
0x14: {  	s16 =	sadd.s32 $0x1000, s11;
	s15 =	simm.s32 @!p2 $0x0;
	s14 =	simm.s32 @!p3 $0x0  }
0x15: {  	p2 =	sgt.s32 s16, $0xF423F;
	s14 =	smul.u32 @!p1 s14, s15;
	s15 =	sadd.s32 $0x20, s12  }
0x16: {  	s18 =	smov.u32 @p2 s15  }
0x17: {  	s16 =	smov.u32 @p2 s3;
	p2 =	sgt.s32 s18, $0x1F  }
0x18: {  	s18 =	simm.s32 @p2 $0x0;
	p2 =	sne.s32 s13, s7  }
.Ltmp1:
0x19: {  	p0 =	por !p0, !p0;
	s17 =	simm.s32 @!p1 $0x2;
	(pc) =	sbr.rel @!p2 .LBB1_6-.Ltmp1, $4  }
0x1a: {  	s15 =	smov.u32 s9;
	s9 =	smov.u32 s11;
	s14 =	sand.u32 @!p1 $0x3FFFFFFF, s14  }
0x1b: {  	s11 =	smov.u32 s16;
	_ =	swait.ge @!p1 [sflag:s17], s14;
	s19 =	ssub.s32 @!p1 $0x0, s14  }
0x1c: {  	s14 =	smov.u32 s10;
	s13 =	sadd.s32 $0x1, s13;
	[sflag:s17] =	ssyncset.done @!p1 $0x0  }
0x1d: {  	s10 =	smov.u32 s12;
	s12 =	smov.u32 s18;
	[sflag:s17] =	ssyncadd.s32 @!p1 s19  }
.LBB1_1:
0x1e: {  	p1 =	sgt.u32 s13, s6  }
0x1f: {  	s16 =	sshrl.u32 @!p1 s12, $0x3  }
0x20: {  	s17 =	sshll.u32 @!p1 s11, $0x3;
	s16 =	smul.u32 @!p1 $0x7A1400, s16  }
0x21: {  	s18 =	sshll.u32 @!p1 s12, $0x7;
	s17 =	sand.u32 @!p1 $0xFFFFFC00, s17  }
0x22: {  	s16 =	sadd.s32 @!p1 s16, s17;
	s17 =	sand.u32 @!p1 $0x380, s18  }
0x23: {  	s18 =	sand.u32 @!p1 $0x7F, s11;
	s16 =	sor.u32 @!p1 s17, s16  }
0x24: {  	s17 =	sor.u32 @!p1 s18, s16  }
0x25: {  	s18 =	smulhi.u32 @!p1 $0x218D6287, s17;
	_ =	sdelay $0x1  }
0x26: {  	s16 =	smulhi.u32 @!p1 $0x218D6287, s16;
	s18 =	sshrl.u32 @!p1 s18, $0x11  }
0x27: {  	s18 =	smul.u32 @!p1 $0xF4280, s18  }
0x28: {  	s19 =	sxor.u32 @!p1 $0xFFFFFFFF, s13;
	s16 =	sshrl.u32 @!p1 s16, $0x11  }
0x29: {  	s19 =	sshll.u32 @!p1 s19, $0xC;
	s16 =	sand.u32 @!p1 $0x1F, s16;
	s17 =	ssub.s32 @!p1 s17, s18  }
0x2a: {  	s16 =	smul.u32 @!p1 $0x1E850, s16;
	s18 =	sshrl.u32 @!p1 s17, $0x3;
	s17 =	sand.u32 @!p1 $0x7, s17  }
0x2b: {  	s19 =	sand.u32 @!p1 $0x1000, s19;
	s18 =	sadd.s32 @!p1 s2, s18;
	s17 =	sshll.u32 @!p1 s17, $0x12  }
0x2c: {  	s16 =	sadd.s32 @!p1 s16, s18;
	s17 =	sor.u32 @!p1 $0x400, s17;
	s18 =	simm.s32 @!p1 $0x7A1400  }
0x2d: {  	[tilespmem:s19], [sflag:$0x1] =	stream.strided.gather @!p1 [hbm4b:s16+s17], $0x1000, s18, s17, $0x38;
	[tilespmem:$0x4100] =	vst v63  }
0x2e: {  	p1 =	seq.s32 s13, $0x0  }
0x2f: {  	p2 =	sge.u32 @!p1 s13, s7  }
0x30: {  	p1 =	por p1, p2  }
.Ltmp2:
0x31: {  	_ = 	snop;
	(pc) =	sbr.rel @p1 .LBB1_5-.Ltmp2, $1  }
0x32: {  	_ =	sdelay $0x3  }
0x33: {  	s16 =	simm.s32 $0x1  }
0x34: {  	_ =	swait.ge [sflag:s4], $0x1000;
	s16 =	simm.s32 @!p0 $0x0  }
0x35: {  	[sflag:s4] =	ssyncset.done $0x0;
	s17 =	sshll.u32 s16, $0xC  }
0x36: {  	[sflag:s4] =	ssyncadd.s32 $0xFFFFF000;
	s17 =	sor.u32 $0x40, s17  }
0x37: {  	s16 =	smul.u32 $0x4200, s16;
	v0 =	vld [tilespmem:s17+$0x30]  }
0x38: {  	v1 =	vld [tilespmem:s17+$0xFFFFFFD0]  }
0x39: {  	s16 =	sshrl.u32 s16, $0x2;
	v5 =	vld [tilespmem:s17+$0xFFFFFFE0]  }
0x3a: {  	v6 =	vld [tilespmem:s17+$0xFFFFFFF0];
	s19 =	sor.u32 $0x2000, s16  }
0x3b: {  	s31 =	sand.u32 $0x1, s13;
	v4 =	vld [tilespmem:s17+$0x0];
	s18 =	sadd.s32 $0x0, s19  }
0x3c: {  	v3 =	vld [tilespmem:s17+$0x10];
	s16 =	smul.u32 $0x4200, s31;
	[tilespmem:s18+$0xE70 ss:$0x21] =	vst.msk $0xffff, v0  }
0x3d: {  	v2 =	vld [tilespmem:s17+$0x20];
	[tilespmem:s18+$0x210 ss:$0x21] =	vst.msk $0xffff, v1  }
0x3e: {  	s16 =	sshrl.u32 s16, $0x2;
	v1 =	vld [tilespmem:s17+$0xFFFFFFC0];
	[tilespmem:s18+$0x420 ss:$0x21] =	vst.msk $0xffff, v5;
	s17 =	sadd.s32 $0x80, s17  }
0x3f: {  	s20 =	simm.s32 $0x4;
	s21 =	simm.s32 $0x8;
	s16 =	sor.u32 $0x2000, s16;
	[tilespmem:s18+$0x630 ss:$0x21] =	vst.msk $0xffff, v6;
	v0 =	vld [tilespmem:s17+$0x30]  }
.LBB1_3:
0x40: {  	p1 =	sne.s32 s21, $0x7C;
	v5 =	vld [tilespmem:s17+$0xFFFFFFD0];
	[tilespmem:s18+$0x840 ss:$0x21] =	vst.msk $0xffff, v4  }
0x41: {  	v6 =	vld [tilespmem:s17+$0xFFFFFFE0];
	[tilespmem:s18+$0xA50 ss:$0x21] =	vst.msk $0xffff, v3  }
0x42: {  	s22 =	sshra.s32 s20, $0x2;
	s20 =	smov.u32 s21;
	v7 =	vld [tilespmem:s17+$0xFFFFFFF0];
	[tilespmem:s18+$0xC60 ss:$0x21] =	vst.msk $0xffff, v2  }
.Ltmp3:
0x43: {  	v4 =	vld [tilespmem:s17+$0x0];
	[tilespmem:s18+$0x0 ss:$0x21] =	vst.msk $0xffff, v1;
	s18 =	sadd.s32 s22, s19;
	(pc) =	sbr.rel @p1 .LBB1_3-.Ltmp3, $4  }
0x44: {  	v3 =	vld [tilespmem:s17+$0x10];
	[tilespmem:s18+$0xE70 ss:$0x21] =	vst.msk $0xffff, v0  }
0x45: {  	[tilespmem:s18+$0x210 ss:$0x21] =	vst.msk $0xffff, v5;
	v2 =	vld [tilespmem:s17+$0x20]  }
0x46: {  	v1 =	vld [tilespmem:s17+$0xFFFFFFC0];
	[tilespmem:s18+$0x420 ss:$0x21] =	vst.msk $0xffff, v6;
	s17 =	sadd.s32 $0x80, s17  }
0x47: {  	s21 =	sadd.s32 $0x4, s21;
	v0 =	vld [tilespmem:s17+$0x30];
	[tilespmem:s18+$0x630 ss:$0x21] =	vst.msk $0xffff, v7  }
0x48: {  	s21 =	sshll.u32 s9, $0x7;
	s22 =	sshll.u32 s10, $0x3;
	s20 =	sshra.s32 s20, $0x2  }
0x49: {  	p1 =	sgt.s32 s9, $0xF41C0;
	s30 =	sshra.s32 s9, $0x1F;
	s25 =	sshra.s32 s10, $0x1F  }
0x4a: {  	v5 =	vld [tilespmem:s17+$0xFFFFFFD0];
	s28 =	sshrl.u32 s10, $0x3;
	s23 =	sand.u32 $0xFFFFFC00, s21;
	s22 =	sand.u32 $0xFFFFFC00, s22  }
0x4b: {  	[tilespmem:s18+$0x840 ss:$0x21] =	vst.msk $0xffff, v4;
	v58 =	vld [tilespmem:s17+$0xFFFFFFE0];
	s21 =	sand.u32 $0x380, s21;
	s19 =	sadd.s32 s20, s19;
	s22 =	sadd.s32 s22, s23  }
0x4c: {  	v59 =	vld [tilespmem:s17+$0xFFFFFFF0];
	[tilespmem:s18+$0xA50 ss:$0x21] =	vst.msk $0xffff, v3;
	s29 =	sor.u32 s21, s22;
	s21 =	smov.u32 s9;
	s22 =	sand.u32 s30, s9  }
0x4d: {  	v60 =	vld [tilespmem:s17+$0x0];
	[tilespmem:s18+$0xC60 ss:$0x21] =	vst.msk $0xffff, v2;
	s30 =	sand.u32 $0x7, s10;
	s20 =	sshrl.u32 s29, $0x7;
	s21 =	simm.s32 @!p1 $0xF41C0  }
0x4e: {  	v61 =	vld [tilespmem:s17+$0x10];
	[tilespmem:s18+$0x0 ss:$0x21] =	vst.msk $0xffff, v1;
	p1 =	sgt.s32 s10, $0x60;
	s24 =	ssub.s32 s21, s22;
	s21 =	smov.u32 s10  }
0x4f: {  	v62 =	vld [tilespmem:s17+$0x20];
	[tilespmem:s19+$0xE70 ss:$0x21] =	vst.msk $0xffff, v0;
	s31 =	smulhi.u32 $0x218DEF5, s20;
	s22 =	sand.u32 s25, s10;
	s21 =	simm.s32 @!p1 $0x60  }
0x50: {  	v63 =	vld [tilespmem:s17+$0xFFFFFFC0];
	[tilespmem:s19+$0x210 ss:$0x21] =	vst.msk $0xffff, v5;
	s26 =	sadd.s32 $0xFFF0BE40, s24;
	s17 =	ssub.s32 $0xF4240, s24;
	s21 =	ssub.s32 s21, s22  }
0x51: {  	[tilespmem:s19+$0x420 ss:$0x21] =	vst.msk $0xffff, v58;
	s23 =	sshrl.u32 s31, $0xD;
	p1 =	sgt.s32 s26, $0x7F;
	s27 =	sadd.s32 $0xFFFFFFA0, s21  }
0x52: {  	[tilespmem:s19+$0x630 ss:$0x21] =	vst.msk $0xffff, v59;
	s23 =	smul.u32 $0xF4240, s23;
	s18 =	ssub.s32 $0x80, s21;
	p2 =	sgt.s32 s27, $0x1F  }
.Ltmp4:
0x53: {  	[tilespmem:s19+$0x840 ss:$0x21] =	vst.msk $0xffff, v60;
	s17 =	simm.s32 @p1 $0x0;
	s18 =	simm.s32 @p2 $0x0;
	(pc) =	sbr.rel .LBB1_5-.Ltmp4, $4  }
0x54: {  	s29 =	sand.u32 $0xF, s28;
	[tilespmem:s19+$0xA50 ss:$0x21] =	vst.msk $0xffff, v61;
	s20 =	ssub.s32 s20, s23;
	s17 =	smul.u32 s18, s17  }
0x55: {  	[tilespmem:s19+$0xC60 ss:$0x21] =	vst.msk $0xffff, v62;
	s21 =	sshll.u32 s30, $0x12;
	s20 =	sshll.u32 s20, $0x4;
	s18 =	sadd.s32 s5, s29  }
0x56: {  	[tilespmem:s19+$0x0 ss:$0x21] =	vst.msk $0xffff, v63;
	s31 =	sor.u32 $0x20, s21;
	s18 =	sadd.s32 s20, s18;
	s17 =	sand.u32 $0x3FFFFFFF, s17  }
0x57: {  	[hbm4b:s18+s31] =	stream.strided.scatter [tilespmem:s16], [sflag:$0x2], s17, s8, s31, $0x10;
	[tilespmem:$0x4100] =	vst v63  }
.LBB1_6:
0x58: {  	_ =	sfence.sel $0x180000  }
0x59: {  	s2 =	simm.s32 $0x1;
	[bflag:$0x0] =	sbarrier.arrive $0xFFFF  }
0x5a: {  	s31 =	simm.s32 $0x2;
	[sflag:s2] =	ssyncpa.u1 $0x1  }
0x5b: {  	[sflag:s31] =	ssyncpa.u1 $0x1  }
0x5c: {  	p0 =	sne.s32 s1, $0x0;
	_ =	strace $0x90000047  }
0x5d: {  	s0 =	sadd.s32 @!p0 $0x100000, s0;
	[bflag:$0x2] =	sbarrier.arrive $0xFFFF  }
0x5e: {  	[sflag:s0] =	ssyncadd.tile.s32 @!p0 $0x1;
	_ =	shalt  }
.Lfunc_end1:
_tile_overlayer_lowered:
.L_overlay_start_2:
0x5f: {  	(tag) =	ssettag $0x2  }
0x60: {  	s0 =	rddreg [dreg:$0x0];
	s2 =	stileid.u32  }
0x61: {  	s1 =	rddreg [dreg:$0x1];
	p0 =	sne.s32 s2, $0x0  }
0x62: {  	s3 =	rddreg [dreg:$0x2];
	[bflag:$0x3] =	sbarrier.arrive $0xFFFF;
	s2 =	simm.s32 @!p0 $0x1C01  }
0x63: {  	[timem:s3], [sflag:s2] =	dma.local @!p0 [hbm:s0], s1  }
0x64: {  	s0 =	simm.s32 @!p0 $0x1  }
0x65: {  	_ =	swait.ge @!p0 [sflag:s0], s1  }
0x66: {  	s1 =	ssub.s32 @!p0 $0x0, s1;
	[sflag:s0] =	ssyncset.done @!p0 $0x0  }
0x67: {  	[sflag:s0] =	ssyncadd.s32 @!p0 s1  }
0x68: {  	[bflag:$0x3] =	sbarrier.arrive $0xFFFF  }
0x69: {  	_ =	shalt  }

// kernel: sparse-core-data-format-call.2.cloned.1.call-start
scs
called_computation.2_lowered:
.L_overlay_start_0:
0x0: {  	s2 =	sld [smem:$0x3FD9]  }
0x1: {  	s3 =	sld [smem:$0x3FFE];
	_ =	sdelay $0x1  }
0x2: {  	s1 =	srdreg.scid  }
0x3: {  	s0 =	sand.u32 $0x1, s1  }
0x4: {  	s18 =	sshll.u32 s0, $0xA;
	s2 =	sadd.s32 s3, s2  }
0x5: {  	s2 =	sadd.s32 s2, s18  }
0x6: {  	[smem:$0x3FC4] =	sst s2  }
0x7: {  	_ = 	snop  }
0x8: {  	s19 =	sld [smem:$0x3FC8];
	(tm) =	ssettm $0x1  }
0x9: {  	s20 =	sld [smem:$0x3FFB];
	_ =	sdelay $0x3  }
0xa: {  	_ =	strace s20  }
0xb: {  	s2 =	sld [smem:$0x3FFC];
	_ =	sdelay $0x3  }
0xc: {  	_ =	strace s2  }
0xd: {  	s2 =	sld [smem:$0x3FFD];
	_ =	sdelay $0x3  }
0xe: {  	_ =	strace s2  }
0xf: {  	_ =	strace $0x8FFFFFFF  }
0x10: {  	s21 =	sld [smem:$0x3FDB];
	_ =	sdelay $0x1  }
0x11: {  	s4 =	simm.s32 $_scs_section_size  }
0x12: {  	s5 =	simm.s32 $_size__tile_overlayer_lowered;
	s6 =	simm.s32 $_tile_overlayer_lowered  }
0x13: {  	s7 =	simm.s32 $0x1BFF;
	s22 =	sshll.u32 s6, $0x1;
	s4 =	sadd.s32 s4, s21  }
0x14: {  	s23 =	simm.s32 $0x0;
	s5 =	sshll.u32 s5, $0x1;
	s6 =	sadd.s32 s22, s4  }
0x15: {  	[timem:s23], [sflag:s7] =	dma.local [hbm:s6], s5  }
0x16: {  	_ =	swait.ge [sflag:s7], s5  }
0x17: {  	s5 =	ssub.s32 $0x0, s5;
	[sflag:s7] =	ssyncset.done $0x0  }
0x18: {  	[sflag:s7] =	ssyncadd.s32 s5;
	_ =	sdelay $0x1  }
0x19: {  	s24 =	simm.s32 $0x1B8B  }
0x1a: {  	_ =	swait.ge [sflag:s24], $0x1  }
0x1b: {  	[sflag:s24] =	ssyncset.done $0x0  }
0x1c: {  	[sflag:s24] =	ssyncadd.s32 $0xFFFFFFFF  }
0x1d: {  	s5 =	sld [smem:$0x0]  }
0x1e: {  	s6 =	sand.u32 $0xFFFFFFFE, s1  }
0x1f: {  	p0 =	sne.s32 s1, s6  }
0x20: {  	s6 =	sshll.u32 @p0 s6, $0xE  }
0x21: {  	s6 =	sadd.s32 @p0 $0x11B8D, s6;
	s7 =	sshll.u32 @p0 s5, $0x11  }
0x22: {  	s6 =	sor.u32 @p0 s7, s6  }
0x23: {  	[sflag:s6] =	ssyncadd.remote.s32 @p0 $0x1;
	_ =	sdelay $0x1  }
0x24: {  	s6 =	simm.s32 @p0 $0x1B8D  }
0x25: {  	_ =	swait.eq @p0 [sflag:s6], $0x1  }
0x26: {  	[sflag:s6] =	ssyncadd.s32 @p0 $0xFFFFFFFF  }
0x27: {  	s7 =	sshll.u32 @!p0 s1, $0xE  }
0x28: {  	s7 =	sor.u32 @!p0 $0x4000, s7;
	s6 =	simm.s32 @!p0 $0x1B8D  }
0x29: {  	s5 =	sshll.u32 @!p0 s5, $0x11;
	s7 =	sadd.s32 @!p0 $0x11B8D, s7;
	_ =	swait.eq @!p0 [sflag:s6], $0x1  }
0x2a: {  	s5 =	sor.u32 @!p0 s5, s7;
	[sflag:s6] =	ssyncadd.s32 @!p0 $0xFFFFFFFF  }
0x2b: {  	s26 =	simm.s32 $0x1B8E;
	s25 =	sld [smem:$0x3FFE];
	[sflag:s5] =	ssyncadd.remote.s32 @!p0 $0x1  }
0x2c: {  	s27 =	simm.s32 $execute0_lowered;
	[smem:$0x3FD2] =	sst s26  }
0x2d: {  	s6 =	sshll.u32 s27, $0x1;
	_ =	strace $0x80000049;
	[dreg:$0x1] =	wrdreg $0xFFFFFFFF  }
0x2e: {  	s28 =	simm.s32 $_size_execute0_lowered;
	s4 =	sadd.s32 s4, s6;
	[dreg:$0x0] =	wrdreg $0x0  }
0x2f: {  	s6 =	sshll.u32 s28, $0x1;
	[dreg:$0x2] =	wrdreg s4  }
0x30: {  	[dreg:$0x3] =	wrdreg s6  }
0x31: {  	[dreg:$0x4] =	wrdreg $0xC0  }
0x32: {  	_ =	task [dreg:s23], $0x5FFFF  }
0x33: {  	[dreg:$0x1] =	wrdreg $0xFFFFFFFF  }
0x34: {  	[dreg:$0x0] =	wrdreg $0x60  }
0x35: {  	[dreg:$0x2] =	wrdreg s19  }
0x36: {  	[dreg:$0x3] =	wrdreg s25  }
0x37: {  	[dreg:$0x4] =	wrdreg $0xA  }
0x38: {  	_ =	task.clear_ibuf [dreg:s23], $0x5FFFF;
	_ =	strace $0x90000049  }
0x39: {  	s29 =	simm.s32 $0xA;
	_ =	strace $0x8000004B  }
0x3a: {  	_ =	swait.ge [sflag:s29], $0x1  }
0x3b: {  	[sflag:s29] =	ssyncadd.s32 $0xFFFFFFFF  }
0x3c: {  	_ =	strace $0x9000004B  }
0x3d: {  	_ =	sfence  }
0x3e: {  	s30 =	sld [smem:$0x0];
	_ =	sdelay $0x2  }
0x3f: {  	s31 =	sshll.u32 s1, $0xD;
	s1 =	sshrl.u32 s1, $0x2  }
0x40: {  	s4 =	sand.u32 $0x4000, s31;
	s1 =	sadd.s32 s1, s30  }
0x41: {  	s0 =	sor.u32 s4, s0;
	s1 =	sshll.u32 s1, $0x11  }
0x42: {  	s0 =	sor.u32 s1, s0  }
0x43: {  	s0 =	sadd.s32 $0x8F2B, s0  }
0x44: {  	[sflag:s0] =	ssyncadd.remote.s32 $0x1  }
0x45: {  	_ =	sfence.sel $0xFFFF  }
0x46: {  	[dreg:$0x0] =	wrdreg $0xFFFFFFFF;
	(pc) =	sbr.abs _section_cstart, $3  }
0x47: {  	[dreg:$0x1] =	wrdreg $0xFFFFFFFF  }
0x48: {  	_ =	task.clear_ibuf [dreg:s23], $0x2FFFF;
	_ =	strace $0x9FFFFFFF  }
0x49: {  	(tm) =	ssettm $0x7FFFFFFF  }
tec
execute0_lowered:
.L_overlay_start_1:
0x0: {  	(tag) =	ssettag $0x1  }
0x1: {  	s0 =	srdreg.scid  }
0x2: {  	s1 =	sshll.u32 s0, $0x4  }
0x3: {  	s2 =	rddreg [dreg:$0x0];
	s0 =	stileid.u32;
	s1 =	sand.u32 $0x10, s1  }
0x4: {  	s4 =	rddreg [dreg:$0x1];
	s7 =	simm.s32 $0x1;
	s1 =	sor.u32 s0, s1  }
0x5: {  	s8 =	simm.s32 $0x2;
	s9 =	simm.s32 $0x0;
	s3 =	sshll.u32 s1, $0x3  }
0x6: {  	s12 =	simm.s32 $0x0;
	s11 =	simm.s32 $0x0;
	s6 =	ssub.s32 $0x2000, s3  }
.Ltmp0:
0x7: {  	s4 =	sadd.s32 $0xF43800, s4;
	s5 =	sand.u32 $0xF8, s6;
	(pc) =	sbr.rel .LBB1_1-.Ltmp0, $4  }
0x8: {  	s1 =	rddreg [dreg:$0x2];
	_ =	strace $0x8000004A;
	p0 =	sne.s32 s5, $0x0  }
0x9: {  	s6 =	sshrl.u32 s6, $0x8;
	s5 =	simm.s32 $0x1;
	s7 =	simm.s32 @!p0 $0x0  }
0xa: {  	s10 =	smov.u32 s3;
	[sflag:s5] =	ssyncpa.u1 $0x0;
	s6 =	sadd.s32 s7, s6  }
0xb: {  	[sflag:s8] =	ssyncpa.u1 $0x0;
	s8 =	simm.s32 $0x0;
	s7 =	sadd.s32 $0x1, s6  }
.LBB1_9:
0xc: {  	s14 =	sadd.s32 $0x100, s10  }
0xd: {  	p1 =	sgt.s32 s14, $0x1FFF  }
0xe: {  	s14 =	smov.u32 @p1 s3;
	p1 =	sne.s32 s11, s7  }
.Ltmp1:
0xf: {  	p0 =	slt.u32 s11, $0x2;
	(pc) =	sbr.rel @!p1 .LBB1_10-.Ltmp1, $4  }
0x10: {  	s13 =	simm.s32 @!p0 $0x2  }
0x11: {  	s15 =	sadd.s32 $0x1, s11;
	_ =	swait.ge @!p0 [sflag:s13], $0x4000  }
0x12: {  	s12 =	smov.u32 s10;
	s9 =	sadd.s32 $0x4000, s9;
	[sflag:s13] =	ssyncset.done @!p0 $0x0  }
0x13: {  	s11 =	smov.u32 s15;
	s10 =	smov.u32 s14;
	[sflag:s13] =	ssyncadd.s32 @!p0 $0xFFFFC000  }
.LBB1_1:
0x14: {  	p0 =	sge.u32 s11, s6  }
0x15: {  	s13 =	sxor.u32 @!p0 $0xFFFFFFFF, s11  }
0x16: {  	s31 =	sadd.s32 $0xFFFFFFFF, s11;
	s14 =	sshll.u32 @!p0 s10, $0x8;
	s13 =	sshll.u32 @!p0 s13, $0xE  }
0x17: {  	s15 =	simm.s32 @!p0 $0x0;
	s14 =	sadd.s32 @!p0 s2, s14;
	s13 =	sand.u32 @!p0 $0x4000, s13  }
0x18: {  	[tilespmem:s13], [sflag:$0x1] =	stream.linear.gather @!p0 [hbm4b:s14+s15], $0x4000, $0x38;
	[tilespmem:$0x10000] =	vst v63  }
0x19: {  	p0 =	sge.u32 s31, s6  }
.Ltmp2:
0x1a: {  	_ = 	snop;
	(pc) =	sbr.rel @p0 .LBB1_9-.Ltmp2, $1  }
0x1b: {  	_ =	sdelay $0x3  }
0x1c: {  	s13 =	sshll.u32 s9, $0x2;
	_ =	swait.ge [sflag:s5], $0x4000;
	s14 =	sshll.u32 s11, $0xE  }
0x1d: {  	s16 =	simm.s32 $0x0;
	s17 =	simm.s32 $0x0;
	s15 =	sand.u32 $0x10000, s13  }
0x1e: {  	[sflag:s5] =	ssyncset.done $0x0;
	s31 =	sand.u32 $0x4000, s14;
	s14 =	sshrl.u32 s15, $0x2  }
0x1f: {  	[sflag:s5] =	ssyncadd.s32 $0xFFFFC000;
	s13 =	sor.u32 $0x8000, s31;
	s15 =	sor.u32 $0x8000, s14  }
.LBB1_3:
0x20: {  	s18 =	sshra.s32 s16, $0x2  }
0x21: {  	v0 =	vmov s18;
	_ =	sdelay $0x3  }
0x22: {  	p1 =	por $0x1, $0x1;
	s18 =	simm.s32 $0x0  }
.LBB1_4:
0x23: {  	_ = 	snop  }
0x24: {  	s19 =	sshll.u32 s18, $0xA  }
0x25: {  	s19 =	sand.u32 $0x3FFFFC00, s19  }
0x26: {  	s19 =	sadd.s32 s19, s14  }
0x27: {  	v5 =	vld.idx.msk [tilespmem:v0+s19+$0x70 ss:$0x1], $0xffff  }
0x28: {  	v6 =	vld.idx.msk [tilespmem:v0+s19+$0x10 ss:$0x1], $0xffff  }
0x29: {  	v7 =	vld.idx.msk [tilespmem:v0+s19+$0x20 ss:$0x1], $0xffff  }
0x2a: {  	s31 =	sshll.u32 s18, $0x7;
	v1 =	vld.idx.msk [tilespmem:v0+s19+$0x30 ss:$0x1], $0xffff  }
0x2b: {  	s18 =	sand.u32 $0x3FFFFF80, s31;
	v2 =	vld.idx.msk [tilespmem:v0+s19+$0x40 ss:$0x1], $0xffff  }
0x2c: {  	s18 =	sadd.s32 s18, s15;
	v3 =	vld.idx.msk [tilespmem:v0+s19+$0x50 ss:$0x1], $0xffff  }
0x2d: {  	v4 =	vld.idx.msk [tilespmem:v0+s19+$0x60 ss:$0x1], $0xffff;
	[tilespmem:v0+s18+$0x70 ss:$0x1] =	vst.idx.msk $0xffff, v5  }
0x2e: {  	v5 =	vld.idx.msk [tilespmem:v0+s19+$0x0 ss:$0x1], $0xffff;
	[tilespmem:v0+s18+$0x10 ss:$0x1] =	vst.idx.msk $0xffff, v6;
	s19 =	sadd.s32 $0x80, s19  }
0x2f: {  	p0 =	por p1, p1;
	s20 =	simm.s32 $0x6;
	[tilespmem:v0+s18+$0x20 ss:$0x1] =	vst.idx.msk $0xffff, v7;
	v6 =	vld.idx.msk [tilespmem:v0+s19+$0x70 ss:$0x1], $0xffff  }
.LBB1_5:
0x30: {  	p1 =	sne.s32 s20, $0x1;
	v7 =	vld.idx.msk [tilespmem:v0+s19+$0x10 ss:$0x1], $0xffff;
	[tilespmem:v0+s18+$0x30 ss:$0x1] =	vst.idx.msk $0xffff, v1  }
0x31: {  	v8 =	vld.idx.msk [tilespmem:v0+s19+$0x20 ss:$0x1], $0xffff;
	[tilespmem:v0+s18+$0x40 ss:$0x1] =	vst.idx.msk $0xffff, v2  }
0x32: {  	v1 =	vld.idx.msk [tilespmem:v0+s19+$0x30 ss:$0x1], $0xffff;
	[tilespmem:v0+s18+$0x50 ss:$0x1] =	vst.idx.msk $0xffff, v3  }
.Ltmp3:
0x33: {  	v2 =	vld.idx.msk [tilespmem:v0+s19+$0x40 ss:$0x1], $0xffff;
	[tilespmem:v0+s18+$0x60 ss:$0x1] =	vst.idx.msk $0xffff, v4;
	(pc) =	sbr.rel @p1 .LBB1_5-.Ltmp3, $4  }
0x34: {  	v3 =	vld.idx.msk [tilespmem:v0+s19+$0x50 ss:$0x1], $0xffff;
	[tilespmem:v0+s18+$0x0 ss:$0x1] =	vst.idx.msk $0xffff, v5;
	s18 =	sadd.s32 $0x100, s18  }
0x35: {  	v4 =	vld.idx.msk [tilespmem:v0+s19+$0x60 ss:$0x1], $0xffff;
	[tilespmem:v0+s18+$0x70 ss:$0x1] =	vst.idx.msk $0xffff, v6  }
0x36: {  	v5 =	vld.idx.msk [tilespmem:v0+s19+$0x0 ss:$0x1], $0xffff;
	[tilespmem:v0+s18+$0x10 ss:$0x1] =	vst.idx.msk $0xffff, v7;
	s19 =	sadd.s32 $0x80, s19  }
0x37: {  	s20 =	sadd.s32 $0xFFFFFFFF, s20;
	v6 =	vld.idx.msk [tilespmem:v0+s19+$0x70 ss:$0x1], $0xffff;
	[tilespmem:v0+s18+$0x20 ss:$0x1] =	vst.idx.msk $0xffff, v8  }
0x38: {  	_ =	sdelay $0x3  }
0x39: {  	[tilespmem:v0+s18+$0x30 ss:$0x1] =	vst.idx.msk $0xffff, v1  }
0x3a: {  	v1 =	vld.idx.msk [tilespmem:v0+s19+$0x10 ss:$0x1], $0xffff;
	[tilespmem:v0+s18+$0x40 ss:$0x1] =	vst.idx.msk $0xffff, v2  }
0x3b: {  	v2 =	vld.idx.msk [tilespmem:v0+s19+$0x20 ss:$0x1], $0xffff;
	[tilespmem:v0+s18+$0x50 ss:$0x1] =	vst.idx.msk $0xffff, v3  }
0x3c: {  	v61 =	vld.idx.msk [tilespmem:v0+s19+$0x40 ss:$0x1], $0xffff;
	[tilespmem:v0+s18+$0x60 ss:$0x1] =	vst.idx.msk $0xffff, v4  }
0x3d: {  	s31 =	sadd.s32 $0x100, s18;
	v62 =	vld.idx.msk [tilespmem:v0+s19+$0x50 ss:$0x1], $0xffff;
	[tilespmem:v0+s18+$0x0 ss:$0x1] =	vst.idx.msk $0xffff, v5  }
0x3e: {  	v63 =	vld.idx.msk [tilespmem:v0+s19+$0x60 ss:$0x1], $0xffff;
	[tilespmem:v0+s31+$0x70 ss:$0x1] =	vst.idx.msk $0xffff, v6  }
0x3f: {  	v3 =	vld.idx.msk [tilespmem:v0+s19+$0x30 ss:$0x1], $0xffff;
	[tilespmem:v0+s31+$0x10 ss:$0x1] =	vst.idx.msk $0xffff, v1  }
0x40: {  	v1 =	vld.idx.msk [tilespmem:v0+s19+$0x0 ss:$0x1], $0xffff;
	[tilespmem:v0+s31+$0x20 ss:$0x1] =	vst.idx.msk $0xffff, v2  }
.Ltmp4:
0x41: {  	[tilespmem:v0+s31+$0x40 ss:$0x1] =	vst.idx.msk $0xffff, v61;
	(pc) =	sbr.rel @p0 .LBB1_4-.Ltmp4, $4  }
0x42: {  	[tilespmem:v0+s31+$0x50 ss:$0x1] =	vst.idx.msk $0xffff, v62  }
0x43: {  	[tilespmem:v0+s31+$0x60 ss:$0x1] =	vst.idx.msk $0xffff, v63  }
0x44: {  	[tilespmem:v0+s31+$0x30 ss:$0x1] =	vst.idx.msk $0xffff, v3  }
0x45: {  	p1 =	por $0x0, $0x0;
	s18 =	simm.s32 $0x1;
	[tilespmem:v0+s31+$0x0 ss:$0x1] =	vst.idx.msk $0xffff, v1  }
0x46: {  	s17 =	sadd.s32 $0x1, s17  }
0x47: {  	p0 =	sne.s32 s17, $0x8  }
.Ltmp5:
0x48: {  	_ = 	snop;
	(pc) =	sbr.rel @p0 .LBB1_3-.Ltmp5, $2  }
0x49: {  	_ =	sdelay $0x2  }
0x4a: {  	s16 =	sadd.s32 $0x2000, s16  }
.Ltmp6:
0x4b: {  	(pc) =	sbr.rel .LBB1_9-.Ltmp6, $4  }
0x4c: {  	_ = 	snop  }
0x4d: {  	s12 =	sshll.u32 s12, $0x8  }
0x4e: {  	s12 =	sadd.s32 s4, s12  }
0x4f: {  	[hbm4b:s12+s8] =	stream.linear.scatter [tilespmem:s13], [sflag:$0x2], $0x4000, $0x38;
	[tilespmem:$0x10000] =	vst v63  }
.LBB1_10:
0x50: {  	_ =	sfence.sel $0x180000  }
0x51: {  	s2 =	simm.s32 $0x1;
	[bflag:$0x0] =	sbarrier.arrive $0xFFFF  }
0x52: {  	s31 =	simm.s32 $0x2;
	[sflag:s2] =	ssyncpa.u1 $0x1  }
0x53: {  	[sflag:s31] =	ssyncpa.u1 $0x1  }
0x54: {  	p0 =	sne.s32 s0, $0x0;
	_ =	strace $0x9000004A  }
0x55: {  	s0 =	sadd.s32 @!p0 $0x100000, s1;
	[bflag:$0x2] =	sbarrier.arrive $0xFFFF  }
0x56: {  	[sflag:s0] =	ssyncadd.tile.s32 @!p0 $0x1;
	_ =	shalt  }
.Lfunc_end1:
_tile_overlayer_lowered:
.L_overlay_start_2:
0x57: {  	(tag) =	ssettag $0x2  }
0x58: {  	s0 =	rddreg [dreg:$0x0];
	s2 =	stileid.u32  }
0x59: {  	s1 =	rddreg [dreg:$0x1];
	p0 =	sne.s32 s2, $0x0  }
0x5a: {  	s3 =	rddreg [dreg:$0x2];
	[bflag:$0x3] =	sbarrier.arrive $0xFFFF;
	s2 =	simm.s32 @!p0 $0x1C01  }
0x5b: {  	[timem:s3], [sflag:s2] =	dma.local @!p0 [hbm:s0], s1  }
0x5c: {  	s0 =	simm.s32 @!p0 $0x1  }
0x5d: {  	_ =	swait.ge @!p0 [sflag:s0], s1  }
0x5e: {  	s1 =	ssub.s32 @!p0 $0x0, s1;
	[sflag:s0] =	ssyncset.done @!p0 $0x0  }
0x5f: {  	[sflag:s0] =	ssyncadd.s32 @!p0 s1  }
0x60: {  	[bflag:$0x3] =	sbarrier.arrive $0xFFFF  }
0x61: {  	_ =	shalt  }

// kernel: sparse-core-data-format-call.cloned.1.call-start
scs
called_computation_lowered:
.L_overlay_start_0:
0x0: {  	s2 =	sld [smem:$0x3FD9]  }
0x1: {  	s3 =	sld [smem:$0x3FFE];
	_ =	sdelay $0x1  }
0x2: {  	s1 =	srdreg.scid  }
0x3: {  	s0 =	sand.u32 $0x1, s1  }
0x4: {  	s18 =	sshll.u32 s0, $0xA;
	s2 =	sadd.s32 s3, s2  }
0x5: {  	s2 =	sadd.s32 s2, s18  }
0x6: {  	[smem:$0x3FC4] =	sst s2  }
0x7: {  	_ = 	snop  }
0x8: {  	s2 =	sld [smem:$0x3FD0];
	(tm) =	ssettm $0x1  }
0x9: {  	s19 =	sld [smem:$0x3FFB];
	_ =	sdelay $0x3  }
0xa: {  	_ =	strace s19  }
0xb: {  	s3 =	sld [smem:$0x3FFC];
	_ =	sdelay $0x3  }
0xc: {  	_ =	strace s3  }
0xd: {  	s3 =	sld [smem:$0x3FFD];
	_ =	sdelay $0x3  }
0xe: {  	_ =	strace s3  }
0xf: {  	_ =	strace $0x8FFFFFFF  }
0x10: {  	s20 =	sld [smem:$0x3FDB];
	_ =	sdelay $0x1  }
0x11: {  	s4 =	simm.s32 $_scs_section_size  }
0x12: {  	s5 =	simm.s32 $_size__tile_overlayer_lowered;
	s6 =	simm.s32 $_tile_overlayer_lowered  }
0x13: {  	s23 =	simm.s32 $0x1BFF;
	s22 =	sshll.u32 s6, $0x1;
	s3 =	sadd.s32 s4, s20  }
0x14: {  	s7 =	simm.s32 $0x0;
	s21 =	sshll.u32 s5, $0x1;
	s5 =	sadd.s32 s22, s3  }
0x15: {  	[timem:s7], [sflag:s23] =	dma.local [hbm:s5], s21  }
0x16: {  	_ =	swait.ge [sflag:s23], s21  }
0x17: {  	s4 =	ssub.s32 $0x0, s21;
	[sflag:s23] =	ssyncset.done $0x0  }
0x18: {  	[sflag:s23] =	ssyncadd.s32 s4;
	_ =	sdelay $0x1  }
0x19: {  	s24 =	simm.s32 $0x1B8B  }
0x1a: {  	_ =	swait.ge [sflag:s24], $0x1  }
0x1b: {  	[sflag:s24] =	ssyncset.done $0x0  }
0x1c: {  	s26 =	simm.s32 $0x1B8E;
	s25 =	sld [smem:$0x3FFE];
	[sflag:s24] =	ssyncadd.s32 $0xFFFFFFFF  }
0x1d: {  	s27 =	simm.s32 $execute0_lowered;
	[smem:$0x3FD2] =	sst s26  }
0x1e: {  	s5 =	sshll.u32 s27, $0x1;
	_ =	strace $0x8000004F;
	[dreg:$0x1] =	wrdreg $0xFFFFFFFF  }
0x1f: {  	s28 =	simm.s32 $_size_execute0_lowered;
	s3 =	sadd.s32 s3, s5;
	[dreg:$0x0] =	wrdreg $0x0  }
0x20: {  	s5 =	sshll.u32 s28, $0x1;
	[dreg:$0x2] =	wrdreg s3  }
0x21: {  	[dreg:$0x3] =	wrdreg s5  }
0x22: {  	[dreg:$0x4] =	wrdreg $0xC0  }
0x23: {  	_ =	task [dreg:s7], $0x5FFFF  }
0x24: {  	[dreg:$0x1] =	wrdreg $0xFFFFFFFF  }
0x25: {  	[dreg:$0x0] =	wrdreg $0x60  }
0x26: {  	[dreg:$0x2] =	wrdreg s25  }
0x27: {  	[dreg:$0x3] =	wrdreg s2  }
0x28: {  	[dreg:$0x4] =	wrdreg $0x9  }
0x29: {  	_ =	task.clear_ibuf [dreg:s7], $0x5FFFF;
	_ =	strace $0x9000004F  }
0x2a: {  	s29 =	simm.s32 $0x9;
	_ =	strace $0x80000051  }
0x2b: {  	_ =	swait.ge [sflag:s29], $0x1  }
0x2c: {  	[sflag:s29] =	ssyncadd.s32 $0xFFFFFFFF  }
0x2d: {  	_ =	strace $0x90000051  }
0x2e: {  	_ =	sfence  }
0x2f: {  	s30 =	sld [smem:$0x0];
	_ =	sdelay $0x2  }
0x30: {  	s31 =	sshll.u32 s1, $0xD;
	s1 =	sshrl.u32 s1, $0x2  }
0x31: {  	s3 =	sand.u32 $0x4000, s31;
	s1 =	sadd.s32 s1, s30  }
0x32: {  	s0 =	sor.u32 s3, s0;
	s1 =	sshll.u32 s1, $0x11  }
0x33: {  	s0 =	sor.u32 s1, s0  }
0x34: {  	s0 =	sadd.s32 $0x8F2B, s0  }
0x35: {  	[sflag:s0] =	ssyncadd.remote.s32 $0x1  }
0x36: {  	_ =	sfence.sel $0xFFFF  }
0x37: {  	[dreg:$0x0] =	wrdreg $0xFFFFFFFF;
	(pc) =	sbr.abs _section_cstart, $3  }
0x38: {  	[dreg:$0x1] =	wrdreg $0xFFFFFFFF  }
0x39: {  	_ =	task.clear_ibuf [dreg:s7], $0x2FFFF;
	_ =	strace $0x9FFFFFFF  }
0x3a: {  	(tm) =	ssettm $0x7FFFFFFF  }
0x3b: {  	_ =	shalt  }
tec
execute0_lowered:
.L_overlay_start_1:
0x0: {  	(tag) =	ssettag $0x1  }
0x1: {  	s0 =	srdreg.scid  }
0x2: {  	s1 =	sshll.u32 s0, $0x4  }
0x3: {  	s4 =	rddreg [dreg:$0x0];
	s0 =	stileid.u32;
	s1 =	sand.u32 $0x10, s1  }
0x4: {  	s2 =	rddreg [dreg:$0x1];
	s7 =	simm.s32 $0x1;
	s1 =	sor.u32 s0, s1  }
0x5: {  	s8 =	simm.s32 $0x2;
	s11 =	simm.s32 $0x0;
	s3 =	sshll.u32 s1, $0x7  }
0x6: {  	s10 =	simm.s32 $0x0;
	s4 =	sadd.s32 $0x1400, s4;
	s6 =	ssub.s32 $0x100000, s3  }
.Ltmp0:
0x7: {  	s1 =	rddreg [dreg:$0x2];
	s5 =	sand.u32 $0xF80, s6;
	(pc) =	sbr.rel .LBB1_1-.Ltmp0, $4  }
0x8: {  	_ =	strace $0x80000050;
	s9 =	smov.u32 s3;
	p0 =	sne.s32 s5, $0x0  }
0x9: {  	s6 =	sshrl.u32 s6, $0xC;
	s5 =	simm.s32 $0x1;
	s7 =	simm.s32 @!p0 $0x0  }
0xa: {  	[sflag:s5] =	ssyncpa.u1 $0x0;
	p0 =	por $0x0, $0x0;
	s6 =	sadd.s32 s7, s6  }
0xb: {  	[sflag:s8] =	ssyncpa.u1 $0x0;
	s8 =	simm.s32 $0x800000;
	s7 =	sadd.s32 $0x1, s6  }
.LBB1_4:
0xc: {  	s13 =	sshll.u32 s11, $0x3  }
0xd: {  	s15 =	sand.u32 $0x78, s11;
	s13 =	sand.u32 $0xFFC00, s13  }
0xe: {  	s30 =	sand.u32 $0x3E0000, s11;
	s31 =	sand.u32 $0x7, s11;
	s13 =	sor.u32 s15, s13  }
0xf: {  	s11 =	sshll.u32 s31, $0x12;
	s15 =	sadd.s32 s2, s30;
	s13 =	sshrl.u32 s13, $0x3  }
0x10: {  	[tilespmem:s14+$0x0 ss:$0x81] =	vst.msk $0xffff, v0;
	s11 =	sor.u32 $0x400, s11;
	s13 =	sadd.s32 s13, s15  }
0x11: {  	[hbm4b:s13+s11] =	stream.strided.scatter [tilespmem:s12], [sflag:$0x2], $0x1000, s8, s11, $0x20;
	[tilespmem:$0x4040] =	vst v63  }
.LBB1_5:
0x12: {  	s13 =	sadd.s32 $0x1000, s9  }
0x13: {  	p2 =	sgt.s32 s13, $0xFFFFF  }
0x14: {  	s13 =	smov.u32 @p2 s3;
	p2 =	sne.s32 s10, s7  }
.Ltmp1:
0x15: {  	p1 =	slt.u32 s10, $0x2;
	(pc) =	sbr.rel @!p2 .LBB1_6-.Ltmp1, $4  }
0x16: {  	s12 =	simm.s32 @!p1 $0x2  }
0x17: {  	s14 =	sadd.s32 $0x1, s10;
	_ =	swait.ge @!p1 [sflag:s12], $0x1000  }
0x18: {  	s11 =	smov.u32 s9;
	p0 =	por !p0, !p0;
	[sflag:s12] =	ssyncset.done @!p1 $0x0  }
0x19: {  	s10 =	smov.u32 s14;
	s9 =	smov.u32 s13;
	[sflag:s12] =	ssyncadd.s32 @!p1 $0xFFFFF000  }
.LBB1_1:
0x1a: {  	p1 =	sge.u32 s10, s6  }
0x1b: {  	s31 =	sadd.s32 $0xFFFFFFFF, s10;
	s12 =	sxor.u32 @!p1 $0xFFFFFFFF, s10;
	s13 =	sshll.u32 @!p1 s9, $0x4  }
0x1c: {  	s14 =	simm.s32 @!p1 $0x20;
	s12 =	sshll.u32 @!p1 s12, $0xC;
	s13 =	sand.u32 @!p1 $0xFFFFF0, s13  }
0x1d: {  	s15 =	simm.s32 @!p1 $0x80;
	s12 =	sand.u32 @!p1 $0x1000, s12;
	s13 =	sadd.s32 @!p1 s4, s13  }
0x1e: {  	[tilespmem:s12], [sflag:$0x1] =	stream.strided.gather @!p1 [hbm4b:s13+s14], $0x1000, s15, s14, $0x38;
	[tilespmem:$0x4040] =	vst v63  }
0x1f: {  	p1 =	sge.u32 s31, s6  }
.Ltmp2:
0x20: {  	_ = 	snop;
	(pc) =	sbr.rel @p1 .LBB1_5-.Ltmp2, $1  }
0x21: {  	_ =	sdelay $0x3  }
0x22: {  	s12 =	simm.s32 $0x1  }
0x23: {  	_ =	swait.ge [sflag:s5], $0x1000;
	s12 =	simm.s32 @!p0 $0x0  }
0x24: {  	[sflag:s5] =	ssyncset.done $0x0;
	s13 =	sshll.u32 s12, $0xC  }
0x25: {  	[sflag:s5] =	ssyncadd.s32 $0xFFFFF000;
	s16 =	sor.u32 $0x10, s13  }
0x26: {  	s12 =	smul.u32 $0x4080, s12;
	v1 =	vld [tilespmem:s16+$0x0]  }
0x27: {  	s30 =	sand.u32 $0x1, s10;
	v0 =	vld [tilespmem:s16+$0xFFFFFFF0]  }
0x28: {  	s14 =	smul.u32 $0x4080, s30;
	s12 =	sshrl.u32 s12, $0x2  }
0x29: {  	s13 =	sor.u32 $0x2000, s12  }
0x2a: {  	s31 =	sshrl.u32 s14, $0x2;
	s14 =	sadd.s32 $0x0, s13  }
0x2b: {  	s15 =	simm.s32 $0x4;
	s16 =	sadd.s32 $0x20, s16;
	s12 =	sor.u32 $0x2000, s31;
	[tilespmem:s14+$0x810 ss:$0x81] =	vst.msk $0xffff, v1  }
.LBB1_3:
0x2c: {  	v1 =	vld [tilespmem:s16+$0x0];
	p1 =	sne.s32 s15, $0x1FC;
	[tilespmem:s14+$0x0 ss:$0x81] =	vst.msk $0xffff, v0;
	s14 =	smov.u32 s15;
	s15 =	sadd.s32 $0x4, s15  }
.Ltmp3:
0x2d: {  	v0 =	vld [tilespmem:s16+$0xFFFFFFF0];
	(pc) =	sbr.rel @p1 .LBB1_3-.Ltmp3, $4  }
0x2e: {  	_ = 	snop  }
0x2f: {  	s14 =	sshra.s32 s14, $0x2  }
0x30: {  	s14 =	sadd.s32 s14, s13  }
0x31: {  	s16 =	sadd.s32 $0x20, s16;
	[tilespmem:s14+$0x810 ss:$0x81] =	vst.msk $0xffff, v1  }
.Ltmp4:
0x32: {  	_ = 	snop;
	(pc) =	sbr.rel .LBB1_4-.Ltmp4, $1  }
0x33: {  	_ =	sdelay $0x3  }
.LBB1_6:
0x34: {  	_ =	sfence.sel $0x180000  }
0x35: {  	s2 =	simm.s32 $0x1;
	[bflag:$0x0] =	sbarrier.arrive $0xFFFF  }
0x36: {  	s31 =	simm.s32 $0x2;
	[sflag:s2] =	ssyncpa.u1 $0x1  }
0x37: {  	[sflag:s31] =	ssyncpa.u1 $0x1  }
0x38: {  	p0 =	sne.s32 s0, $0x0;
	_ =	strace $0x90000050  }
0x39: {  	s0 =	sadd.s32 @!p0 $0x100000, s1;
	[bflag:$0x2] =	sbarrier.arrive $0xFFFF  }
0x3a: {  	[sflag:s0] =	ssyncadd.tile.s32 @!p0 $0x1;
	_ =	shalt  }
.Lfunc_end1:
_tile_overlayer_lowered:
.L_overlay_start_2:
0x3b: {  	(tag) =	ssettag $0x2  }
0x3c: {  	s0 =	rddreg [dreg:$0x0];
	s2 =	stileid.u32  }
0x3d: {  	s1 =	rddreg [dreg:$0x1];
	p0 =	sne.s32 s2, $0x0  }
0x3e: {  	s3 =	rddreg [dreg:$0x2];
	[bflag:$0x3] =	sbarrier.arrive $0xFFFF;
	s2 =	simm.s32 @!p0 $0x1C01  }
0x3f: {  	[timem:s3], [sflag:s2] =	dma.local @!p0 [hbm:s0], s1  }
0x40: {  	s0 =	simm.s32 @!p0 $0x1  }
0x41: {  	_ =	swait.ge @!p0 [sflag:s0], s1  }
0x42: {  	s1 =	ssub.s32 @!p0 $0x0, s1;
	[sflag:s0] =	ssyncset.done @!p0 $0x0  }
0x43: {  	[sflag:s0] =	ssyncadd.s32 @!p0 s1  }
0x44: {  	[bflag:$0x3] =	sbarrier.arrive $0xFFFF  }
0x45: {  	_ =	shalt  }

</sc_bundles>
